<compile_context>
chip_gen: v7x
topology: tpu7x:2x2x1
jax: 0.10.2.dev20260603
libtpu: 0.0.44.dev20260713+nightly
codegen_flags: <defaults>
</compile_context>

<pallas_src>
import functools

import jax
import jax.numpy as jnp
from jax import lax
from jax.experimental import pallas as pl
from jax.experimental.pallas import tpu as pltpu
from jax.experimental.pallas import tpu_sc as plsc

N = 10000
E = 320000
ET = E + N
NPAD = 10240
G = 128
NC = 2
NS = 16
NW = NC * NS
CH = 88
EPAD = NW * CH * G
EROWS = EPAD // G
STR = NPAD // NS

D1, W1ROW = 64, 80
D2, W2ROW = 2, 16

_SC_PARAMS = pltpu.CompilerParams(needs_layout_passes=False,
                                  use_tc_tiling_on_sc=False)
_MESH = plsc.VectorSubcoreMesh(core_axis_name="c", subcore_axis_name="s")


def _dense_pack(h, a_src, a_dst, wrow):
    n, d = h.shape
    a_s = jnp.sum(h * a_src, axis=1, keepdims=True)
    a_d = jnp.sum(h * a_dst, axis=1, keepdims=True)
    g = jnp.max(a_s) + jnp.max(a_d)
    g = jnp.where(g >= 0.0, g, 0.2 * g)
    colid = lax.broadcasted_iota(jnp.int32, (n, wrow - d), 1)
    pat = jnp.where(colid == 0, 1.0, 0.0).astype(jnp.float32)
    hp = jnp.concatenate([h, pat], axis=1)
    hp = jnp.concatenate([hp, jnp.zeros((NPAD - n, wrow), jnp.float32)], axis=0)
    asad = jnp.concatenate([a_s, a_d], axis=1)
    asad = jnp.concatenate([asad, jnp.zeros((NPAD - n, 2), jnp.float32)], axis=0)
    return hp, asad, jnp.full((1, 16), g, jnp.float32)


def _dense1_body(x_ref, w_ref, asrc_ref, adst_ref, hpad_ref, asad_ref, g_ref):
    h = jnp.dot(x_ref[:], w_ref[:], preferred_element_type=jnp.float32)
    hp, asad, g = _dense_pack(h, asrc_ref[:], adst_ref[:], W1ROW)
    hpad_ref[:] = hp
    asad_ref[:] = asad
    g_ref[:] = g


def _dense2_body(p_ref, w_ref, asrc_ref, adst_ref, b1_ref,
                 hpad_ref, asad_ref, g_ref):
    p = p_ref[0] + p_ref[1]
    feat = p[0:N, 0:D1]
    den = p[0:N, D1:D1 + 1]
    h1 = feat / (den + 1e-16) + b1_ref[:]
    h1 = jnp.where(h1 > 0.0, h1, jnp.exp(h1) - 1.0)
    h2 = jnp.dot(h1, w_ref[:], preferred_element_type=jnp.float32)
    hp, asad, g = _dense_pack(h2, asrc_ref[:], adst_ref[:], W2ROW)
    hpad_ref[:] = hp
    asad_ref[:] = asad
    g_ref[:] = g


def _final_body(p_ref, b2_ref, out_ref):
    p = p_ref[0] + p_ref[1]
    out_ref[:] = p[0:N, 0:D2] / (p[0:N, D2:D2 + 1] + 1e-16) + b2_ref[:]


def _make_edge_kernel(wrow):

    @functools.partial(
        pl.kernel,
        out_type=jax.ShapeDtypeStruct((NC, NPAD, wrow), jnp.float32),
        mesh=_MESH,
        compiler_params=_SC_PARAMS,
        scratch_types=[
            pltpu.VMEM((NPAD,), jnp.float32),
            pltpu.VMEM((NPAD,), jnp.float32),
            pltpu.VMEM((16,), jnp.float32),
            pltpu.VMEM((CH, G), jnp.int32),
            pltpu.VMEM((CH, G), jnp.int32),
            pltpu.VMEM((G,), jnp.float32),
            [pltpu.VMEM((G, wrow), jnp.float32) for _ in range(2)],
            [pltpu.SemaphoreType.DMA for _ in range(2)],
            pltpu.VMEM_SHARED((NPAD, wrow), jnp.float32),
        ],
    )
    def edge_kernel(hpad_hbm, as_hbm, ad_hbm, g_hbm, src_hbm, dst_hbm,
                    outp_hbm, as_v, ad_v, g_v, src_v, dst_v, ee_v, rows,
                    gsem, accum):
        cid = lax.axis_index("c")
        sid = lax.axis_index("s")
        wid = sid * NC + cid

        def zrow(r, carry):
            for kk in range(wrow // 16):
                rows[0][r, pl.ds(kk * 16, 16)] = jnp.zeros((16,), jnp.float32)
            return carry

        lax.fori_loop(0, G, zrow, 0)
        for i in range(STR // G):
            pltpu.sync_copy(rows[0], accum.at[pl.ds(sid * STR + i * G, G)])

        pltpu.sync_copy(as_hbm, as_v)
        pltpu.sync_copy(ad_hbm, ad_v)
        pltpu.sync_copy(g_hbm, g_v)
        pltpu.sync_copy(src_hbm.at[pl.ds(wid * CH, CH)], src_v)
        pltpu.sync_copy(dst_hbm.at[pl.ds(wid * CH, CH)], dst_v)
        plsc.subcore_barrier()

        gv = g_v[:]

        def gather_issue(c, b):
            pltpu.async_copy(hpad_hbm.at[src_v.at[c]], rows[b], gsem[b])

        def gather_wait(c, b):
            pltpu.make_async_copy(hpad_hbm.at[src_v.at[c]], rows[b],
                                  gsem[b]).wait()

        def process(c, b):
            f = c + 1
            bf = 1 - b

            @pl.when(f < CH)
            def _():
                gather_issue(f, bf)

            for kk in range(G // 16):
                sl = pl.ds(kk * 16, 16)
                e = (plsc.load_gather(as_v, [src_v[c, sl]]) +
                     plsc.load_gather(ad_v, [dst_v[c, sl]]))
                e = jnp.where(e >= 0.0, e, 0.2 * e)
                ee_v[sl] = jnp.exp(e - gv)

            gather_wait(c, b)

            def row_body(i, rcarry):
                for u in range(8):
                    r = i * 8 + u
                    s = plsc.load_gather(ee_v, [jnp.full((16,), r, jnp.int32)])
                    for kk in range(wrow // 16):
                        sl = pl.ds(kk * 16, 16)
                        rows[b][r, sl] = rows[b][r, sl] * s
                return rcarry

            lax.fori_loop(0, G // 8, row_body, 0)
            pltpu.sync_copy(rows[b], accum.at[dst_v.at[c]], add=True)

        gather_issue(0, 0)

        def chunk_body(c2, carry):
            for u in range(2):
                process(c2 * 2 + u, u)
            return carry

        lax.fori_loop(0, CH // 2, chunk_body, 0)
        plsc.subcore_barrier()
        pltpu.sync_copy(accum.at[pl.ds(sid * STR, STR)],
                        outp_hbm.at[cid].at[pl.ds(sid * STR, STR)])

    return edge_kernel


_edge1 = _make_edge_kernel(W1ROW)
_edge2 = _make_edge_kernel(W2ROW)


def kernel(x, edge_index, W1, a_src1, a_dst1, b1, W2, a_src2, a_dst2, b2):
    loops = jnp.arange(N, dtype=edge_index.dtype)
    fill = jnp.full((EPAD - ET,), N, edge_index.dtype)
    srcr = jnp.concatenate([edge_index[0], loops, fill]).reshape(EROWS, G)
    dstr = jnp.concatenate([edge_index[1], loops, fill]).reshape(EROWS, G)

    hpad1, asad1, g1 = pl.pallas_call(
        _dense1_body,
        out_shape=[
            jax.ShapeDtypeStruct((NPAD, W1ROW), jnp.float32),
            jax.ShapeDtypeStruct((NPAD, 2), jnp.float32),
            jax.ShapeDtypeStruct((1, 16), jnp.float32),
        ],
    )(x, W1, a_src1.reshape(1, D1), a_dst1.reshape(1, D1))

    outp1 = _edge1(hpad1, asad1[:, 0], asad1[:, 1], g1.reshape(16),
                   srcr, dstr)

    hpad2, asad2, g2 = pl.pallas_call(
        _dense2_body,
        out_shape=[
            jax.ShapeDtypeStruct((NPAD, W2ROW), jnp.float32),
            jax.ShapeDtypeStruct((NPAD, 2), jnp.float32),
            jax.ShapeDtypeStruct((1, 16), jnp.float32),
        ],
    )(outp1, W2, a_src2.reshape(1, D2), a_dst2.reshape(1, D2),
      b1.reshape(1, D1))

    outp2 = _edge2(hpad2, asad2[:, 0], asad2[:, 1], g2.reshape(16),
                   srcr, dstr)

    out = pl.pallas_call(
        _final_body,
        out_shape=jax.ShapeDtypeStruct((N, D2), jnp.float32),
    )(outp2, b2.reshape(1, D2))
    return out

# --- scband reference (transcript-rebuilt; emitter-appended) ---
"""Pipeline reference for scband-gat-86749749444964 (READ-ONLY COPY).

The authoritative reference and input builder live on the scoring server;
editing this copy changes nothing except your own understanding.
"""

import jax, jax.numpy as jnp
import numpy as np

HEADS = 1

def gat_layer(x, edge_index, W, a_src, a_dst, b, heads):
    N = x.shape[0]
    C = W.shape[1] // heads
    loops = jnp.arange(N, dtype=edge_index.dtype)
    src = jnp.concatenate([edge_index[0], loops])
    dst = jnp.concatenate([edge_index[1], loops])
    h = (x @ W).reshape(N, heads, C)
    alpha_s = jnp.sum(h * a_src, axis=-1)
    alpha_d = jnp.sum(h * a_dst, axis=-1)
    e = alpha_s[src] + alpha_d[dst]
    e = jax.nn.leaky_relu(e, 0.2)
    emax = jax.ops.segment_max(e, dst, num_segments=N)
    emax = jnp.where(jnp.isfinite(emax), emax, 0.0)
    ee = jnp.exp(e - emax[dst])
    denom = jax.ops.segment_sum(ee, dst, num_segments=N)
    alpha = ee / (denom[dst] + 1e-16)
    msg = h[src] * alpha[:, :, None]
    out = jax.ops.segment_sum(msg, dst, num_segments=N)
    return out.reshape(N, heads * C) + b

def setup_inputs(seed: int = 0):
    key = jax.random.key(seed)
    ks = jax.random.split(key, 10)
    N, E = 10000, 320000
    in_c, hid, out_c = 128, 64, 2
    x = jax.random.normal(ks[0], (N, in_c), dtype=jnp.float32)
    edge_index = jax.random.randint(ks[1], (2, E), 0, N, dtype=jnp.int32)
    W1 = jax.random.normal(ks[2], (in_c, hid * HEADS), dtype=jnp.float32) * np.sqrt(2.0 / (in_c + hid))
    a_src1 = jax.random.normal(ks[3], (1, HEADS, hid), dtype=jnp.float32) * 0.1
    a_dst1 = jax.random.normal(ks[4], (1, HEADS, hid), dtype=jnp.float32) * 0.1
    b1 = jnp.zeros((hid * HEADS,), dtype=jnp.float32)
    W2 = jax.random.normal(ks[5], (hid * HEADS, out_c), dtype=jnp.float32) * np.sqrt(2.0 / (hid + out_c))
    a_src2 = jax.random.normal(ks[6], (1, 1, out_c), dtype=jnp.float32) * 0.1
    a_dst2 = jax.random.normal(ks[7], (1, 1, out_c), dtype=jnp.float32) * 0.1
    b2 = jnp.zeros((out_c,), dtype=jnp.float32)
    return {"x": x, "edge_index": edge_index, "W1": W1, "a_src1": a_src1, "a_dst1": a_dst1, "b1": b1, "W2": W2, "a_src2": a_src2, "a_dst2": a_dst2, "b2": b2}

def reference(x, edge_index, W1, a_src1, a_dst1, b1, W2, a_src2, a_dst2, b2):
    h = gat_layer(x, edge_index, W1, a_src1, a_dst1, b1, HEADS)
    h = jax.nn.elu(h)
    out = gat_layer(h, edge_index, W2, a_src2, a_dst2, b2, 1)
    return out

if __name__ == "__main__":
    import jax
    _d = setup_inputs()
    print(jax.jit(kernel)(*tuple(_d.values())))

</pallas_src>

<mosaic_0001>
#map = affine_map<(d0, d1) -> (0, 0)>
#map1 = affine_map<(d0, d1) -> (0)>
#map2 = affine_map<(d0, d1) -> (0, 0, 0)>
module attributes {stable_mosaic.version = 14 : i64} {
  func.func @edge_kernel(%arg0: i32, %arg1: i32, %arg2: memref<10240x80xf32, #tpu.memory_space<hbm>>, %arg3: memref<10240xf32, #tpu.memory_space<hbm>>, %arg4: memref<10240xf32, #tpu.memory_space<hbm>>, %arg5: memref<16xf32, #tpu.memory_space<hbm>>, %arg6: memref<2816x128xi32, #tpu.memory_space<hbm>>, %arg7: memref<2816x128xi32, #tpu.memory_space<hbm>>, %arg8: memref<2x10240x80xf32, #tpu.memory_space<hbm>>, %arg9: memref<10240xf32, #tpu.memory_space<vmem>>, %arg10: memref<10240xf32, #tpu.memory_space<vmem>>, %arg11: memref<16xf32, #tpu.memory_space<vmem>>, %arg12: memref<88x128xi32, #tpu.memory_space<vmem>>, %arg13: memref<88x128xi32, #tpu.memory_space<vmem>>, %arg14: memref<128xf32, #tpu.memory_space<vmem>>, %arg15: memref<128x80xf32, #tpu.memory_space<vmem>>, %arg16: memref<128x80xf32, #tpu.memory_space<vmem>>, %arg17: memref<!tpu.dma_semaphore, #tpu.memory_space<semaphore_mem>>, %arg18: memref<!tpu.dma_semaphore, #tpu.memory_space<semaphore_mem>>, %arg19: memref<10240x80xf32, #tpu.memory_space<vmem_shared>>) attributes {dimension_semantics = [#tpu.dimension_semantics<core_parallel>, #tpu.dimension_semantics<subcore_parallel>], iteration_bounds = array<i64: 2, 16>, scalar_prefetch = 0 : i64, scratch_operands = 11 : i64, tpu.core_type = #tpu.core_type<sc_vector_subcore>, window_params = [{transform_indices = #map}, {transform_indices = #map1}, {transform_indices = #map1}, {transform_indices = #map1}, {transform_indices = #map}, {transform_indices = #map}, {transform_indices = #map2}]} {
    %mul3A = arith.constant 2 : i32
    %mul3A_0 = arith.muli %arg1, %mul3A : i32
    %add3A = arith.addi %mul3A_0, %arg0 : i32
    %scan3A = arith.constant 0 : i32
    %scan3A_1 = arith.constant 0 : i32
    %scan3A_2 = arith.constant 128 : i32
    %scan3A_3 = arith.addi %scan3A_1, %scan3A_2 : i32
    %scan3A_4 = arith.constant 1 : i32
    scf.for %scan3A_48 = %scan3A_1 to %scan3A_3 step %scan3A_4  : i32 {
      %broadcast_in_dim3A = arith.constant 0.000000e+00 : f32
      %broadcast_in_dim3A_49 = vector.broadcast %broadcast_in_dim3A : f32 to vector<16xf32>
      %swap3A = arith.index_cast %scan3A_48 : i32 to index
      %swap3A_50 = arith.constant 0 : index
      %swap3A_51 = tpu.vector_load %arg15[%swap3A, %swap3A_50] {strides = array<i32>} : memref<128x80xf32, #tpu.memory_space<vmem>>, vector<16xf32>,
      tpu.vector_store %arg15[%swap3A, %swap3A_50], %broadcast_in_dim3A_49 {strides = array<i32>} : memref<128x80xf32, #tpu.memory_space<vmem>>, vector<16xf32>,
      %broadcast_in_dim3A_52 = arith.constant 0.000000e+00 : f32
      %broadcast_in_dim3A_53 = vector.broadcast %broadcast_in_dim3A_52 : f32 to vector<16xf32>
      %swap3A_54 = arith.index_cast %scan3A_48 : i32 to index
      %swap3A_55 = arith.constant 16 : index
      %swap3A_56 = tpu.vector_load %arg15[%swap3A_54, %swap3A_55] {strides = array<i32>} : memref<128x80xf32, #tpu.memory_space<vmem>>, vector<16xf32>,
      tpu.vector_store %arg15[%swap3A_54, %swap3A_55], %broadcast_in_dim3A_53 {strides = array<i32>} : memref<128x80xf32, #tpu.memory_space<vmem>>, vector<16xf32>,
      %broadcast_in_dim3A_57 = arith.constant 0.000000e+00 : f32
      %broadcast_in_dim3A_58 = vector.broadcast %broadcast_in_dim3A_57 : f32 to vector<16xf32>
      %swap3A_59 = arith.index_cast %scan3A_48 : i32 to index
      %swap3A_60 = arith.constant 32 : index
      %swap3A_61 = tpu.vector_load %arg15[%swap3A_59, %swap3A_60] {strides = array<i32>} : memref<128x80xf32, #tpu.memory_space<vmem>>, vector<16xf32>,
      tpu.vector_store %arg15[%swap3A_59, %swap3A_60], %broadcast_in_dim3A_58 {strides = array<i32>} : memref<128x80xf32, #tpu.memory_space<vmem>>, vector<16xf32>,
      %broadcast_in_dim3A_62 = arith.constant 0.000000e+00 : f32
      %broadcast_in_dim3A_63 = vector.broadcast %broadcast_in_dim3A_62 : f32 to vector<16xf32>
      %swap3A_64 = arith.index_cast %scan3A_48 : i32 to index
      %swap3A_65 = arith.constant 48 : index
      %swap3A_66 = tpu.vector_load %arg15[%swap3A_64, %swap3A_65] {strides = array<i32>} : memref<128x80xf32, #tpu.memory_space<vmem>>, vector<16xf32>,
      tpu.vector_store %arg15[%swap3A_64, %swap3A_65], %broadcast_in_dim3A_63 {strides = array<i32>} : memref<128x80xf32, #tpu.memory_space<vmem>>, vector<16xf32>,
      %broadcast_in_dim3A_67 = arith.constant 0.000000e+00 : f32
      %broadcast_in_dim3A_68 = vector.broadcast %broadcast_in_dim3A_67 : f32 to vector<16xf32>
      %swap3A_69 = arith.index_cast %scan3A_48 : i32 to index
      %swap3A_70 = arith.constant 64 : index
      %swap3A_71 = tpu.vector_load %arg15[%swap3A_69, %swap3A_70] {strides = array<i32>} : memref<128x80xf32, #tpu.memory_space<vmem>>, vector<16xf32>,
      tpu.vector_store %arg15[%swap3A_69, %swap3A_70], %broadcast_in_dim3A_68 {strides = array<i32>} : memref<128x80xf32, #tpu.memory_space<vmem>>, vector<16xf32>,
    }
    %scan3A_5 = arith.constant 128 : i32
    %mul3A_6 = arith.constant 640 : i32
    %mul3A_7 = arith.muli %arg1, %mul3A_6 : i32
    %add3A_8 = arith.constant 0 : i32
    %add3A_9 = arith.addi %mul3A_7, %add3A_8 : i32
    "tpu.region"() ({
      %run_scoped3A = tpu.sem_alloc : memref<!tpu.dma_semaphore, #tpu.memory_space<semaphore_mem>>
      %dma_start3A_48 = arith.constant 0 : i32
      %dma_start3A_49 = tpu.memref_slice %arg19[%add3A_9, %dma_start3A_48] : memref<10240x80xf32, #tpu.memory_space<vmem_shared>> -> memref<128x80xf32, #tpu.memory_space<vmem_shared>>
      %dma_start3A_50 = arith.constant 0 : i32
      %dma_start3A_51 = tpu.memref_slice %arg19[%add3A_9, %dma_start3A_50] : memref<10240x80xf32, #tpu.memory_space<vmem_shared>> -> memref<128x80xf32, #tpu.memory_space<vmem_shared>>
      tpu.enqueue_dma source(%arg15 : memref<128x80xf32, #tpu.memory_space<vmem>>) target(%dma_start3A_51 : memref<128x80xf32, #tpu.memory_space<vmem_shared>>) target_semaphore(%run_scoped3A : memref<!tpu.dma_semaphore, #tpu.memory_space<semaphore_mem>>)
      %dma_wait3A = arith.constant 0 : i32
      %dma_wait3A_52 = tpu.memref_slice %arg19[%add3A_9, %dma_wait3A] : memref<10240x80xf32, #tpu.memory_space<vmem_shared>> -> memref<128x80xf32, #tpu.memory_space<vmem_shared>>
      %dma_wait3A_53 = arith.constant 0 : i32
      %dma_wait3A_54 = tpu.memref_slice %arg19[%add3A_9, %dma_wait3A_53] : memref<10240x80xf32, #tpu.memory_space<vmem_shared>> -> memref<128x80xf32, #tpu.memory_space<vmem_shared>>
      tpu.wait_dma2 semaphore(%run_scoped3A : memref<!tpu.dma_semaphore, #tpu.memory_space<semaphore_mem>>) src(%arg15 : memref<128x80xf32, #tpu.memory_space<vmem>>) dst(%dma_wait3A_54 : memref<128x80xf32, #tpu.memory_space<vmem_shared>>)
      tpu.yield
    }) : () -> ()
    %mul3A_10 = arith.constant 640 : i32
    %mul3A_11 = arith.muli %arg1, %mul3A_10 : i32
    %add3A_12 = arith.constant 128 : i32
    %add3A_13 = arith.addi %mul3A_11, %add3A_12 : i32
    "tpu.region"() ({
      %run_scoped3A = tpu.sem_alloc : memref<!tpu.dma_semaphore, #tpu.memory_space<semaphore_mem>>
      %dma_start3A_48 = arith.constant 0 : i32
      %dma_start3A_49 = tpu.memref_slice %arg19[%add3A_13, %dma_start3A_48] : memref<10240x80xf32, #tpu.memory_space<vmem_shared>> -> memref<128x80xf32, #tpu.memory_space<vmem_shared>>
      %dma_start3A_50 = arith.constant 0 : i32
      %dma_start3A_51 = tpu.memref_slice %arg19[%add3A_13, %dma_start3A_50] : memref<10240x80xf32, #tpu.memory_space<vmem_shared>> -> memref<128x80xf32, #tpu.memory_space<vmem_shared>>
      tpu.enqueue_dma source(%arg15 : memref<128x80xf32, #tpu.memory_space<vmem>>) target(%dma_start3A_51 : memref<128x80xf32, #tpu.memory_space<vmem_shared>>) target_semaphore(%run_scoped3A : memref<!tpu.dma_semaphore, #tpu.memory_space<semaphore_mem>>)
      %dma_wait3A = arith.constant 0 : i32
      %dma_wait3A_52 = tpu.memref_slice %arg19[%add3A_13, %dma_wait3A] : memref<10240x80xf32, #tpu.memory_space<vmem_shared>> -> memref<128x80xf32, #tpu.memory_space<vmem_shared>>
      %dma_wait3A_53 = arith.constant 0 : i32
      %dma_wait3A_54 = tpu.memref_slice %arg19[%add3A_13, %dma_wait3A_53] : memref<10240x80xf32, #tpu.memory_space<vmem_shared>> -> memref<128x80xf32, #tpu.memory_space<vmem_shared>>
      tpu.wait_dma2 semaphore(%run_scoped3A : memref<!tpu.dma_semaphore, #tpu.memory_space<semaphore_mem>>) src(%arg15 : memref<128x80xf32, #tpu.memory_space<vmem>>) dst(%dma_wait3A_54 : memref<128x80xf32, #tpu.memory_space<vmem_shared>>)
      tpu.yield
    }) : () -> ()
    %mul3A_14 = arith.constant 640 : i32
    %mul3A_15 = arith.muli %arg1, %mul3A_14 : i32
    %add3A_16 = arith.constant 256 : i32
    %add3A_17 = arith.addi %mul3A_15, %add3A_16 : i32
    "tpu.region"() ({
      %run_scoped3A = tpu.sem_alloc : memref<!tpu.dma_semaphore, #tpu.memory_space<semaphore_mem>>
      %dma_start3A_48 = arith.constant 0 : i32
      %dma_start3A_49 = tpu.memref_slice %arg19[%add3A_17, %dma_start3A_48] : memref<10240x80xf32, #tpu.memory_space<vmem_shared>> -> memref<128x80xf32, #tpu.memory_space<vmem_shared>>
      %dma_start3A_50 = arith.constant 0 : i32
      %dma_start3A_51 = tpu.memref_slice %arg19[%add3A_17, %dma_start3A_50] : memref<10240x80xf32, #tpu.memory_space<vmem_shared>> -> memref<128x80xf32, #tpu.memory_space<vmem_shared>>
      tpu.enqueue_dma source(%arg15 : memref<128x80xf32, #tpu.memory_space<vmem>>) target(%dma_start3A_51 : memref<128x80xf32, #tpu.memory_space<vmem_shared>>) target_semaphore(%run_scoped3A : memref<!tpu.dma_semaphore, #tpu.memory_space<semaphore_mem>>)
      %dma_wait3A = arith.constant 0 : i32
      %dma_wait3A_52 = tpu.memref_slice %arg19[%add3A_17, %dma_wait3A] : memref<10240x80xf32, #tpu.memory_space<vmem_shared>> -> memref<128x80xf32, #tpu.memory_space<vmem_shared>>
      %dma_wait3A_53 = arith.constant 0 : i32
      %dma_wait3A_54 = tpu.memref_slice %arg19[%add3A_17, %dma_wait3A_53] : memref<10240x80xf32, #tpu.memory_space<vmem_shared>> -> memref<128x80xf32, #tpu.memory_space<vmem_shared>>
      tpu.wait_dma2 semaphore(%run_scoped3A : memref<!tpu.dma_semaphore, #tpu.memory_space<semaphore_mem>>) src(%arg15 : memref<128x80xf32, #tpu.memory_space<vmem>>) dst(%dma_wait3A_54 : memref<128x80xf32, #tpu.memory_space<vmem_shared>>)
      tpu.yield
    }) : () -> ()
    %mul3A_18 = arith.constant 640 : i32
    %mul3A_19 = arith.muli %arg1, %mul3A_18 : i32
    %add3A_20 = arith.constant 384 : i32
    %add3A_21 = arith.addi %mul3A_19, %add3A_20 : i32
    "tpu.region"() ({
      %run_scoped3A = tpu.sem_alloc : memref<!tpu.dma_semaphore, #tpu.memory_space<semaphore_mem>>
      %dma_start3A_48 = arith.constant 0 : i32
      %dma_start3A_49 = tpu.memref_slice %arg19[%add3A_21, %dma_start3A_48] : memref<10240x80xf32, #tpu.memory_space<vmem_shared>> -> memref<128x80xf32, #tpu.memory_space<vmem_shared>>
      %dma_start3A_50 = arith.constant 0 : i32
      %dma_start3A_51 = tpu.memref_slice %arg19[%add3A_21, %dma_start3A_50] : memref<10240x80xf32, #tpu.memory_space<vmem_shared>> -> memref<128x80xf32, #tpu.memory_space<vmem_shared>>
      tpu.enqueue_dma source(%arg15 : memref<128x80xf32, #tpu.memory_space<vmem>>) target(%dma_start3A_51 : memref<128x80xf32, #tpu.memory_space<vmem_shared>>) target_semaphore(%run_scoped3A : memref<!tpu.dma_semaphore, #tpu.memory_space<semaphore_mem>>)
      %dma_wait3A = arith.constant 0 : i32
      %dma_wait3A_52 = tpu.memref_slice %arg19[%add3A_21, %dma_wait3A] : memref<10240x80xf32, #tpu.memory_space<vmem_shared>> -> memref<128x80xf32, #tpu.memory_space<vmem_shared>>
      %dma_wait3A_53 = arith.constant 0 : i32
      %dma_wait3A_54 = tpu.memref_slice %arg19[%add3A_21, %dma_wait3A_53] : memref<10240x80xf32, #tpu.memory_space<vmem_shared>> -> memref<128x80xf32, #tpu.memory_space<vmem_shared>>
      tpu.wait_dma2 semaphore(%run_scoped3A : memref<!tpu.dma_semaphore, #tpu.memory_space<semaphore_mem>>) src(%arg15 : memref<128x80xf32, #tpu.memory_space<vmem>>) dst(%dma_wait3A_54 : memref<128x80xf32, #tpu.memory_space<vmem_shared>>)
      tpu.yield
    }) : () -> ()
    %mul3A_22 = arith.constant 640 : i32
    %mul3A_23 = arith.muli %arg1, %mul3A_22 : i32
    %add3A_24 = arith.constant 512 : i32
    %add3A_25 = arith.addi %mul3A_23, %add3A_24 : i32
    "tpu.region"() ({
      %run_scoped3A = tpu.sem_alloc : memref<!tpu.dma_semaphore, #tpu.memory_space<semaphore_mem>>
      %dma_start3A_48 = arith.constant 0 : i32
      %dma_start3A_49 = tpu.memref_slice %arg19[%add3A_25, %dma_start3A_48] : memref<10240x80xf32, #tpu.memory_space<vmem_shared>> -> memref<128x80xf32, #tpu.memory_space<vmem_shared>>
      %dma_start3A_50 = arith.constant 0 : i32
      %dma_start3A_51 = tpu.memref_slice %arg19[%add3A_25, %dma_start3A_50] : memref<10240x80xf32, #tpu.memory_space<vmem_shared>> -> memref<128x80xf32, #tpu.memory_space<vmem_shared>>
      tpu.enqueue_dma source(%arg15 : memref<128x80xf32, #tpu.memory_space<vmem>>) target(%dma_start3A_51 : memref<128x80xf32, #tpu.memory_space<vmem_shared>>) target_semaphore(%run_scoped3A : memref<!tpu.dma_semaphore, #tpu.memory_space<semaphore_mem>>)
      %dma_wait3A = arith.constant 0 : i32
      %dma_wait3A_52 = tpu.memref_slice %arg19[%add3A_25, %dma_wait3A] : memref<10240x80xf32, #tpu.memory_space<vmem_shared>> -> memref<128x80xf32, #tpu.memory_space<vmem_shared>>
      %dma_wait3A_53 = arith.constant 0 : i32
      %dma_wait3A_54 = tpu.memref_slice %arg19[%add3A_25, %dma_wait3A_53] : memref<10240x80xf32, #tpu.memory_space<vmem_shared>> -> memref<128x80xf32, #tpu.memory_space<vmem_shared>>
      tpu.wait_dma2 semaphore(%run_scoped3A : memref<!tpu.dma_semaphore, #tpu.memory_space<semaphore_mem>>) src(%arg15 : memref<128x80xf32, #tpu.memory_space<vmem>>) dst(%dma_wait3A_54 : memref<128x80xf32, #tpu.memory_space<vmem_shared>>)
      tpu.yield
    }) : () -> ()
    "tpu.region"() ({
      %run_scoped3A = tpu.sem_alloc : memref<!tpu.dma_semaphore, #tpu.memory_space<semaphore_mem>>
      tpu.enqueue_dma source(%arg3 : memref<10240xf32, #tpu.memory_space<hbm>>) target(%arg9 : memref<10240xf32, #tpu.memory_space<vmem>>) target_semaphore(%run_scoped3A : memref<!tpu.dma_semaphore, #tpu.memory_space<semaphore_mem>>)
      tpu.wait_dma2 semaphore(%run_scoped3A : memref<!tpu.dma_semaphore, #tpu.memory_space<semaphore_mem>>) src(%arg3 : memref<10240xf32, #tpu.memory_space<hbm>>) dst(%arg9 : memref<10240xf32, #tpu.memory_space<vmem>>)
      tpu.yield
    }) : () -> ()
    "tpu.region"() ({
      %run_scoped3A = tpu.sem_alloc : memref<!tpu.dma_semaphore, #tpu.memory_space<semaphore_mem>>
      tpu.enqueue_dma source(%arg4 : memref<10240xf32, #tpu.memory_space<hbm>>) target(%arg10 : memref<10240xf32, #tpu.memory_space<vmem>>) target_semaphore(%run_scoped3A : memref<!tpu.dma_semaphore, #tpu.memory_space<semaphore_mem>>)
      tpu.wait_dma2 semaphore(%run_scoped3A : memref<!tpu.dma_semaphore, #tpu.memory_space<semaphore_mem>>) src(%arg4 : memref<10240xf32, #tpu.memory_space<hbm>>) dst(%arg10 : memref<10240xf32, #tpu.memory_space<vmem>>)
      tpu.yield
    }) : () -> ()
    "tpu.region"() ({
      %run_scoped3A = tpu.sem_alloc : memref<!tpu.dma_semaphore, #tpu.memory_space<semaphore_mem>>
      tpu.enqueue_dma source(%arg5 : memref<16xf32, #tpu.memory_space<hbm>>) target(%arg11 : memref<16xf32, #tpu.memory_space<vmem>>) target_semaphore(%run_scoped3A : memref<!tpu.dma_semaphore, #tpu.memory_space<semaphore_mem>>)
      tpu.wait_dma2 semaphore(%run_scoped3A : memref<!tpu.dma_semaphore, #tpu.memory_space<semaphore_mem>>) src(%arg5 : memref<16xf32, #tpu.memory_space<hbm>>) dst(%arg11 : memref<16xf32, #tpu.memory_space<vmem>>)
      tpu.yield
    }) : () -> ()
    %mul3A_26 = arith.constant 88 : i32
    %mul3A_27 = arith.muli %add3A, %mul3A_26 : i32
    "tpu.region"() ({
      %run_scoped3A = tpu.sem_alloc : memref<!tpu.dma_semaphore, #tpu.memory_space<semaphore_mem>>
      %dma_start3A_48 = arith.constant 0 : i32
      %dma_start3A_49 = tpu.memref_slice %arg6[%mul3A_27, %dma_start3A_48] : memref<2816x128xi32, #tpu.memory_space<hbm>> -> memref<88x128xi32, #tpu.memory_space<hbm>>
      %dma_start3A_50 = arith.constant 0 : i32
      %dma_start3A_51 = tpu.memref_slice %arg6[%mul3A_27, %dma_start3A_50] : memref<2816x128xi32, #tpu.memory_space<hbm>> -> memref<88x128xi32, #tpu.memory_space<hbm>>
      tpu.enqueue_dma source(%dma_start3A_51 : memref<88x128xi32, #tpu.memory_space<hbm>>) target(%arg12 : memref<88x128xi32, #tpu.memory_space<vmem>>) target_semaphore(%run_scoped3A : memref<!tpu.dma_semaphore, #tpu.memory_space<semaphore_mem>>)
      %dma_wait3A = arith.constant 0 : i32
      %dma_wait3A_52 = tpu.memref_slice %arg6[%mul3A_27, %dma_wait3A] : memref<2816x128xi32, #tpu.memory_space<hbm>> -> memref<88x128xi32, #tpu.memory_space<hbm>>
      %dma_wait3A_53 = arith.constant 0 : i32
      %dma_wait3A_54 = tpu.memref_slice %arg6[%mul3A_27, %dma_wait3A_53] : memref<2816x128xi32, #tpu.memory_space<hbm>> -> memref<88x128xi32, #tpu.memory_space<hbm>>
      tpu.wait_dma2 semaphore(%run_scoped3A : memref<!tpu.dma_semaphore, #tpu.memory_space<semaphore_mem>>) src(%dma_wait3A_54 : memref<88x128xi32, #tpu.memory_space<hbm>>) dst(%arg12 : memref<88x128xi32, #tpu.memory_space<vmem>>)
      tpu.yield
    }) : () -> ()
    %mul3A_28 = arith.constant 88 : i32
    %mul3A_29 = arith.muli %add3A, %mul3A_28 : i32
    "tpu.region"() ({
      %run_scoped3A = tpu.sem_alloc : memref<!tpu.dma_semaphore, #tpu.memory_space<semaphore_mem>>
      %dma_start3A_48 = arith.constant 0 : i32
      %dma_start3A_49 = tpu.memref_slice %arg7[%mul3A_29, %dma_start3A_48] : memref<2816x128xi32, #tpu.memory_space<hbm>> -> memref<88x128xi32, #tpu.memory_space<hbm>>
      %dma_start3A_50 = arith.constant 0 : i32
      %dma_start3A_51 = tpu.memref_slice %arg7[%mul3A_29, %dma_start3A_50] : memref<2816x128xi32, #tpu.memory_space<hbm>> -> memref<88x128xi32, #tpu.memory_space<hbm>>
      tpu.enqueue_dma source(%dma_start3A_51 : memref<88x128xi32, #tpu.memory_space<hbm>>) target(%arg13 : memref<88x128xi32, #tpu.memory_space<vmem>>) target_semaphore(%run_scoped3A : memref<!tpu.dma_semaphore, #tpu.memory_space<semaphore_mem>>)
      %dma_wait3A = arith.constant 0 : i32
      %dma_wait3A_52 = tpu.memref_slice %arg7[%mul3A_29, %dma_wait3A] : memref<2816x128xi32, #tpu.memory_space<hbm>> -> memref<88x128xi32, #tpu.memory_space<hbm>>
      %dma_wait3A_53 = arith.constant 0 : i32
      %dma_wait3A_54 = tpu.memref_slice %arg7[%mul3A_29, %dma_wait3A_53] : memref<2816x128xi32, #tpu.memory_space<hbm>> -> memref<88x128xi32, #tpu.memory_space<hbm>>
      tpu.wait_dma2 semaphore(%run_scoped3A : memref<!tpu.dma_semaphore, #tpu.memory_space<semaphore_mem>>) src(%dma_wait3A_54 : memref<88x128xi32, #tpu.memory_space<hbm>>) dst(%arg13 : memref<88x128xi32, #tpu.memory_space<vmem>>)
      tpu.yield
    }) : () -> ()
    %barrier3A = arith.constant 0 : index
    tpu.barrier barrier_id(%barrier3A)
    %get3A = arith.constant 0 : index
    %get3A_30 = tpu.vector_load %arg11[%get3A] {strides = array<i32>} : memref<16xf32, #tpu.memory_space<vmem>>, vector<16xf32>,
    %dma_start3A = arith.constant 0 : i32
    %dma_start3A_31 = arith.constant 0 : i32
    %dma_start3A_32 = tpu.memref_slice %arg12[%dma_start3A, %dma_start3A_31] : memref<88x128xi32, #tpu.memory_space<vmem>> -> memref<1x128xi32, #tpu.memory_space<vmem>>
    %dma_start3A_33 = tpu.memref_squeeze %dma_start3A_32 : memref<1x128xi32, #tpu.memory_space<vmem>> -> memref<128xi32, #tpu.memory_space<vmem>>
    %dma_start3A_34 = arith.constant 0 : i32
    %dma_start3A_35 = arith.constant 0 : i32
    %dma_start3A_36 = tpu.memref_slice %arg2[%dma_start3A_34, %dma_start3A_35] : memref<10240x80xf32, #tpu.memory_space<hbm>> -> memref<10240x80xf32, #tpu.memory_space<hbm>>
    tpu.enqueue_indirect_dma source(%dma_start3A_36 : memref<10240x80xf32, #tpu.memory_space<hbm>>) target(%arg15 : memref<128x80xf32, #tpu.memory_space<vmem>>) offsets(%dma_start3A_33 : memref<128xi32, #tpu.memory_space<vmem>>) semaphore(%arg17 : memref<!tpu.dma_semaphore, #tpu.memory_space<semaphore_mem>>)
    %scan3A_37 = arith.constant 0 : i32
    %scan3A_38 = arith.constant 0 : i32
    %scan3A_39 = arith.constant 44 : i32
    %scan3A_40 = arith.addi %scan3A_38, %scan3A_39 : i32
    %scan3A_41 = arith.constant 1 : i32
    scf.for %scan3A_48 = %scan3A_38 to %scan3A_40 step %scan3A_41  : i32 {
      %mul3A_49 = arith.constant 2 : i32
      %mul3A_50 = arith.muli %scan3A_48, %mul3A_49 : i32
      %add3A_51 = arith.constant 0 : i32
      %add3A_52 = arith.addi %mul3A_50, %add3A_51 : i32
      %add3A_53 = arith.constant 1 : i32
      %add3A_54 = arith.addi %add3A_52, %add3A_53 : i32
      %lt3A = arith.constant 88 : i32
      %lt3A_55 = arith.cmpi slt, %add3A_54, %lt3A : i32
      %convert_element_type3A = arith.extui %lt3A_55 : i1 to i32
      %cond3A = arith.constant 0 : i32
      %cond3A_56 = arith.cmpi ne, %convert_element_type3A, %cond3A : i32
      scf.if %cond3A_56 {
        %dma_start3A_405 = arith.constant 0 : i32
        %dma_start3A_406 = tpu.memref_slice %arg12[%add3A_54, %dma_start3A_405] : memref<88x128xi32, #tpu.memory_space<vmem>> -> memref<1x128xi32, #tpu.memory_space<vmem>>
        %dma_start3A_407 = tpu.memref_squeeze %dma_start3A_406 : memref<1x128xi32, #tpu.memory_space<vmem>> -> memref<128xi32, #tpu.memory_space<vmem>>
        %dma_start3A_408 = arith.constant 0 : i32
        %dma_start3A_409 = arith.constant 0 : i32
        %dma_start3A_410 = tpu.memref_slice %arg2[%dma_start3A_408, %dma_start3A_409] : memref<10240x80xf32, #tpu.memory_space<hbm>> -> memref<10240x80xf32, #tpu.memory_space<hbm>>
        tpu.enqueue_indirect_dma source(%dma_start3A_410 : memref<10240x80xf32, #tpu.memory_space<hbm>>) target(%arg16 : memref<128x80xf32, #tpu.memory_space<vmem>>) offsets(%dma_start3A_407 : memref<128xi32, #tpu.memory_space<vmem>>) semaphore(%arg18 : memref<!tpu.dma_semaphore, #tpu.memory_space<semaphore_mem>>)
      } else {
      }
      %get3A_57 = arith.index_cast %add3A_52 : i32 to index
      %get3A_58 = arith.constant 0 : index
      %get3A_59 = tpu.vector_load %arg12[%get3A_57, %get3A_58] {strides = array<i32>} : memref<88x128xi32, #tpu.memory_space<vmem>>, vector<16xi32>,
      %gather3A = tpu.vector_load_idx %arg9[%get3A_59] : memref<10240xf32, #tpu.memory_space<vmem>>[vector<16xi32>], vector<16xf32>,
      %get3A_60 = arith.index_cast %add3A_52 : i32 to index
      %get3A_61 = arith.constant 0 : index
      %get3A_62 = tpu.vector_load %arg13[%get3A_60, %get3A_61] {strides = array<i32>} : memref<88x128xi32, #tpu.memory_space<vmem>>, vector<16xi32>,
      %gather3A_63 = tpu.vector_load_idx %arg10[%get3A_62] : memref<10240xf32, #tpu.memory_space<vmem>>[vector<16xi32>], vector<16xf32>,
      %add3A_64 = arith.addf %gather3A, %gather3A_63 : vector<16xf32>
      %ge3A = arith.constant 0.000000e+00 : f32
      %ge3A_65 = vector.broadcast %ge3A : f32 to vector<16xf32>
      %ge3A_66 = arith.cmpf oge, %add3A_64, %ge3A_65 : vector<16xf32>
      %mul3A_67 = arith.constant 2.000000e-01 : f32
      %mul3A_68 = vector.broadcast %mul3A_67 : f32 to vector<16xf32>
      %mul3A_69 = arith.mulf %mul3A_68, %add3A_64 : vector<16xf32>
      %select_n3A = arith.select %ge3A_66, %add3A_64, %mul3A_69 : vector<16xi1>, vector<16xf32>
      %sub3A = arith.subf %select_n3A, %get3A_30 : vector<16xf32>
      %exp3A = math.exp %sub3A : vector<16xf32>
      %swap3A = arith.constant 0 : index
      %swap3A_70 = tpu.vector_load %arg14[%swap3A] {strides = array<i32>} : memref<128xf32, #tpu.memory_space<vmem>>, vector<16xf32>,
      tpu.vector_store %arg14[%swap3A], %exp3A {strides = array<i32>} : memref<128xf32, #tpu.memory_space<vmem>>, vector<16xf32>,
      %get3A_71 = arith.index_cast %add3A_52 : i32 to index
      %get3A_72 = arith.constant 16 : index
      %get3A_73 = tpu.vector_load %arg12[%get3A_71, %get3A_72] {strides = array<i32>} : memref<88x128xi32, #tpu.memory_space<vmem>>, vector<16xi32>,
      %gather3A_74 = tpu.vector_load_idx %arg9[%get3A_73] : memref<10240xf32, #tpu.memory_space<vmem>>[vector<16xi32>], vector<16xf32>,
      %get3A_75 = arith.index_cast %add3A_52 : i32 to index
      %get3A_76 = arith.constant 16 : index
      %get3A_77 = tpu.vector_load %arg13[%get3A_75, %get3A_76] {strides = array<i32>} : memref<88x128xi32, #tpu.memory_space<vmem>>, vector<16xi32>,
      %gather3A_78 = tpu.vector_load_idx %arg10[%get3A_77] : memref<10240xf32, #tpu.memory_space<vmem>>[vector<16xi32>], vector<16xf32>,
      %add3A_79 = arith.addf %gather3A_74, %gather3A_78 : vector<16xf32>
      %ge3A_80 = arith.constant 0.000000e+00 : f32
      %ge3A_81 = vector.broadcast %ge3A_80 : f32 to vector<16xf32>
      %ge3A_82 = arith.cmpf oge, %add3A_79, %ge3A_81 : vector<16xf32>
      %mul3A_83 = arith.constant 2.000000e-01 : f32
      %mul3A_84 = vector.broadcast %mul3A_83 : f32 to vector<16xf32>
      %mul3A_85 = arith.mulf %mul3A_84, %add3A_79 : vector<16xf32>
      %select_n3A_86 = arith.select %ge3A_82, %add3A_79, %mul3A_85 : vector<16xi1>, vector<16xf32>
      %sub3A_87 = arith.subf %select_n3A_86, %get3A_30 : vector<16xf32>
      %exp3A_88 = math.exp %sub3A_87 : vector<16xf32>
      %swap3A_89 = arith.constant 16 : index
      %swap3A_90 = tpu.vector_load %arg14[%swap3A_89] {strides = array<i32>} : memref<128xf32, #tpu.memory_space<vmem>>, vector<16xf32>,
      tpu.vector_store %arg14[%swap3A_89], %exp3A_88 {strides = array<i32>} : memref<128xf32, #tpu.memory_space<vmem>>, vector<16xf32>,
      %get3A_91 = arith.index_cast %add3A_52 : i32 to index
      %get3A_92 = arith.constant 32 : index
      %get3A_93 = tpu.vector_load %arg12[%get3A_91, %get3A_92] {strides = array<i32>} : memref<88x128xi32, #tpu.memory_space<vmem>>, vector<16xi32>,
      %gather3A_94 = tpu.vector_load_idx %arg9[%get3A_93] : memref<10240xf32, #tpu.memory_space<vmem>>[vector<16xi32>], vector<16xf32>,
      %get3A_95 = arith.index_cast %add3A_52 : i32 to index
      %get3A_96 = arith.constant 32 : index
      %get3A_97 = tpu.vector_load %arg13[%get3A_95, %get3A_96] {strides = array<i32>} : memref<88x128xi32, #tpu.memory_space<vmem>>, vector<16xi32>,
      %gather3A_98 = tpu.vector_load_idx %arg10[%get3A_97] : memref<10240xf32, #tpu.memory_space<vmem>>[vector<16xi32>], vector<16xf32>,
      %add3A_99 = arith.addf %gather3A_94, %gather3A_98 : vector<16xf32>
      %ge3A_100 = arith.constant 0.000000e+00 : f32
      %ge3A_101 = vector.broadcast %ge3A_100 : f32 to vector<16xf32>
      %ge3A_102 = arith.cmpf oge, %add3A_99, %ge3A_101 : vector<16xf32>
      %mul3A_103 = arith.constant 2.000000e-01 : f32
      %mul3A_104 = vector.broadcast %mul3A_103 : f32 to vector<16xf32>
      %mul3A_105 = arith.mulf %mul3A_104, %add3A_99 : vector<16xf32>
      %select_n3A_106 = arith.select %ge3A_102, %add3A_99, %mul3A_105 : vector<16xi1>, vector<16xf32>
      %sub3A_107 = arith.subf %select_n3A_106, %get3A_30 : vector<16xf32>
      %exp3A_108 = math.exp %sub3A_107 : vector<16xf32>
      %swap3A_109 = arith.constant 32 : index
      %swap3A_110 = tpu.vector_load %arg14[%swap3A_109] {strides = array<i32>} : memref<128xf32, #tpu.memory_space<vmem>>, vector<16xf32>,
      tpu.vector_store %arg14[%swap3A_109], %exp3A_108 {strides = array<i32>} : memref<128xf32, #tpu.memory_space<vmem>>, vector<16xf32>,
      %get3A_111 = arith.index_cast %add3A_52 : i32 to index
      %get3A_112 = arith.constant 48 : index
      %get3A_113 = tpu.vector_load %arg12[%get3A_111, %get3A_112] {strides = array<i32>} : memref<88x128xi32, #tpu.memory_space<vmem>>, vector<16xi32>,
      %gather3A_114 = tpu.vector_load_idx %arg9[%get3A_113] : memref<10240xf32, #tpu.memory_space<vmem>>[vector<16xi32>], vector<16xf32>,
      %get3A_115 = arith.index_cast %add3A_52 : i32 to index
      %get3A_116 = arith.constant 48 : index
      %get3A_117 = tpu.vector_load %arg13[%get3A_115, %get3A_116] {strides = array<i32>} : memref<88x128xi32, #tpu.memory_space<vmem>>, vector<16xi32>,
      %gather3A_118 = tpu.vector_load_idx %arg10[%get3A_117] : memref<10240xf32, #tpu.memory_space<vmem>>[vector<16xi32>], vector<16xf32>,
      %add3A_119 = arith.addf %gather3A_114, %gather3A_118 : vector<16xf32>
      %ge3A_120 = arith.constant 0.000000e+00 : f32
      %ge3A_121 = vector.broadcast %ge3A_120 : f32 to vector<16xf32>
      %ge3A_122 = arith.cmpf oge, %add3A_119, %ge3A_121 : vector<16xf32>
      %mul3A_123 = arith.constant 2.000000e-01 : f32
      %mul3A_124 = vector.broadcast %mul3A_123 : f32 to vector<16xf32>
      %mul3A_125 = arith.mulf %mul3A_124, %add3A_119 : vector<16xf32>
      %select_n3A_126 = arith.select %ge3A_122, %add3A_119, %mul3A_125 : vector<16xi1>, vector<16xf32>
      %sub3A_127 = arith.subf %select_n3A_126, %get3A_30 : vector<16xf32>
      %exp3A_128 = math.exp %sub3A_127 : vector<16xf32>
      %swap3A_129 = arith.constant 48 : index
      %swap3A_130 = tpu.vector_load %arg14[%swap3A_129] {strides = array<i32>} : memref<128xf32, #tpu.memory_space<vmem>>, vector<16xf32>,
      tpu.vector_store %arg14[%swap3A_129], %exp3A_128 {strides = array<i32>} : memref<128xf32, #tpu.memory_space<vmem>>, vector<16xf32>,
      %get3A_131 = arith.index_cast %add3A_52 : i32 to index
      %get3A_132 = arith.constant 64 : index
      %get3A_133 = tpu.vector_load %arg12[%get3A_131, %get3A_132] {strides = array<i32>} : memref<88x128xi32, #tpu.memory_space<vmem>>, vector<16xi32>,
      %gather3A_134 = tpu.vector_load_idx %arg9[%get3A_133] : memref<10240xf32, #tpu.memory_space<vmem>>[vector<16xi32>], vector<16xf32>,
      %get3A_135 = arith.index_cast %add3A_52 : i32 to index
      %get3A_136 = arith.constant 64 : index
      %get3A_137 = tpu.vector_load %arg13[%get3A_135, %get3A_136] {strides = array<i32>} : memref<88x128xi32, #tpu.memory_space<vmem>>, vector<16xi32>,
      %gather3A_138 = tpu.vector_load_idx %arg10[%get3A_137] : memref<10240xf32, #tpu.memory_space<vmem>>[vector<16xi32>], vector<16xf32>,
      %add3A_139 = arith.addf %gather3A_134, %gather3A_138 : vector<16xf32>
      %ge3A_140 = arith.constant 0.000000e+00 : f32
      %ge3A_141 = vector.broadcast %ge3A_140 : f32 to vector<16xf32>
      %ge3A_142 = arith.cmpf oge, %add3A_139, %ge3A_141 : vector<16xf32>
      %mul3A_143 = arith.constant 2.000000e-01 : f32
      %mul3A_144 = vector.broadcast %mul3A_143 : f32 to vector<16xf32>
      %mul3A_145 = arith.mulf %mul3A_144, %add3A_139 : vector<16xf32>
      %select_n3A_146 = arith.select %ge3A_142, %add3A_139, %mul3A_145 : vector<16xi1>, vector<16xf32>
      %sub3A_147 = arith.subf %select_n3A_146, %get3A_30 : vector<16xf32>
      %exp3A_148 = math.exp %sub3A_147 : vector<16xf32>
      %swap3A_149 = arith.constant 64 : index
      %swap3A_150 = tpu.vector_load %arg14[%swap3A_149] {strides = array<i32>} : memref<128xf32, #tpu.memory_space<vmem>>, vector<16xf32>,
      tpu.vector_store %arg14[%swap3A_149], %exp3A_148 {strides = array<i32>} : memref<128xf32, #tpu.memory_space<vmem>>, vector<16xf32>,
      %get3A_151 = arith.index_cast %add3A_52 : i32 to index
      %get3A_152 = arith.constant 80 : index
      %get3A_153 = tpu.vector_load %arg12[%get3A_151, %get3A_152] {strides = array<i32>} : memref<88x128xi32, #tpu.memory_space<vmem>>, vector<16xi32>,
      %gather3A_154 = tpu.vector_load_idx %arg9[%get3A_153] : memref<10240xf32, #tpu.memory_space<vmem>>[vector<16xi32>], vector<16xf32>,
      %get3A_155 = arith.index_cast %add3A_52 : i32 to index
      %get3A_156 = arith.constant 80 : index
      %get3A_157 = tpu.vector_load %arg13[%get3A_155, %get3A_156] {strides = array<i32>} : memref<88x128xi32, #tpu.memory_space<vmem>>, vector<16xi32>,
      %gather3A_158 = tpu.vector_load_idx %arg10[%get3A_157] : memref<10240xf32, #tpu.memory_space<vmem>>[vector<16xi32>], vector<16xf32>,
      %add3A_159 = arith.addf %gather3A_154, %gather3A_158 : vector<16xf32>
      %ge3A_160 = arith.constant 0.000000e+00 : f32
      %ge3A_161 = vector.broadcast %ge3A_160 : f32 to vector<16xf32>
      %ge3A_162 = arith.cmpf oge, %add3A_159, %ge3A_161 : vector<16xf32>
      %mul3A_163 = arith.constant 2.000000e-01 : f32
      %mul3A_164 = vector.broadcast %mul3A_163 : f32 to vector<16xf32>
      %mul3A_165 = arith.mulf %mul3A_164, %add3A_159 : vector<16xf32>
      %select_n3A_166 = arith.select %ge3A_162, %add3A_159, %mul3A_165 : vector<16xi1>, vector<16xf32>
      %sub3A_167 = arith.subf %select_n3A_166, %get3A_30 : vector<16xf32>
      %exp3A_168 = math.exp %sub3A_167 : vector<16xf32>
      %swap3A_169 = arith.constant 80 : index
      %swap3A_170 = tpu.vector_load %arg14[%swap3A_169] {strides = array<i32>} : memref<128xf32, #tpu.memory_space<vmem>>, vector<16xf32>,
      tpu.vector_store %arg14[%swap3A_169], %exp3A_168 {strides = array<i32>} : memref<128xf32, #tpu.memory_space<vmem>>, vector<16xf32>,
      %get3A_171 = arith.index_cast %add3A_52 : i32 to index
      %get3A_172 = arith.constant 96 : index
      %get3A_173 = tpu.vector_load %arg12[%get3A_171, %get3A_172] {strides = array<i32>} : memref<88x128xi32, #tpu.memory_space<vmem>>, vector<16xi32>,
      %gather3A_174 = tpu.vector_load_idx %arg9[%get3A_173] : memref<10240xf32, #tpu.memory_space<vmem>>[vector<16xi32>], vector<16xf32>,
      %get3A_175 = arith.index_cast %add3A_52 : i32 to index
      %get3A_176 = arith.constant 96 : index
      %get3A_177 = tpu.vector_load %arg13[%get3A_175, %get3A_176] {strides = array<i32>} : memref<88x128xi32, #tpu.memory_space<vmem>>, vector<16xi32>,
      %gather3A_178 = tpu.vector_load_idx %arg10[%get3A_177] : memref<10240xf32, #tpu.memory_space<vmem>>[vector<16xi32>], vector<16xf32>,
      %add3A_179 = arith.addf %gather3A_174, %gather3A_178 : vector<16xf32>
      %ge3A_180 = arith.constant 0.000000e+00 : f32
      %ge3A_181 = vector.broadcast %ge3A_180 : f32 to vector<16xf32>
      %ge3A_182 = arith.cmpf oge, %add3A_179, %ge3A_181 : vector<16xf32>
      %mul3A_183 = arith.constant 2.000000e-01 : f32
      %mul3A_184 = vector.broadcast %mul3A_183 : f32 to vector<16xf32>
      %mul3A_185 = arith.mulf %mul3A_184, %add3A_179 : vector<16xf32>
      %select_n3A_186 = arith.select %ge3A_182, %add3A_179, %mul3A_185 : vector<16xi1>, vector<16xf32>
      %sub3A_187 = arith.subf %select_n3A_186, %get3A_30 : vector<16xf32>
      %exp3A_188 = math.exp %sub3A_187 : vector<16xf32>
      %swap3A_189 = arith.constant 96 : index
      %swap3A_190 = tpu.vector_load %arg14[%swap3A_189] {strides = array<i32>} : memref<128xf32, #tpu.memory_space<vmem>>, vector<16xf32>,
      tpu.vector_store %arg14[%swap3A_189], %exp3A_188 {strides = array<i32>} : memref<128xf32, #tpu.memory_space<vmem>>, vector<16xf32>,
      %get3A_191 = arith.index_cast %add3A_52 : i32 to index
      %get3A_192 = arith.constant 112 : index
      %get3A_193 = tpu.vector_load %arg12[%get3A_191, %get3A_192] {strides = array<i32>} : memref<88x128xi32, #tpu.memory_space<vmem>>, vector<16xi32>,
      %gather3A_194 = tpu.vector_load_idx %arg9[%get3A_193] : memref<10240xf32, #tpu.memory_space<vmem>>[vector<16xi32>], vector<16xf32>,
      %get3A_195 = arith.index_cast %add3A_52 : i32 to index
      %get3A_196 = arith.constant 112 : index
      %get3A_197 = tpu.vector_load %arg13[%get3A_195, %get3A_196] {strides = array<i32>} : memref<88x128xi32, #tpu.memory_space<vmem>>, vector<16xi32>,
      %gather3A_198 = tpu.vector_load_idx %arg10[%get3A_197] : memref<10240xf32, #tpu.memory_space<vmem>>[vector<16xi32>], vector<16xf32>,
      %add3A_199 = arith.addf %gather3A_194, %gather3A_198 : vector<16xf32>
      %ge3A_200 = arith.constant 0.000000e+00 : f32
      %ge3A_201 = vector.broadcast %ge3A_200 : f32 to vector<16xf32>
      %ge3A_202 = arith.cmpf oge, %add3A_199, %ge3A_201 : vector<16xf32>
      %mul3A_203 = arith.constant 2.000000e-01 : f32
      %mul3A_204 = vector.broadcast %mul3A_203 : f32 to vector<16xf32>
      %mul3A_205 = arith.mulf %mul3A_204, %add3A_199 : vector<16xf32>
      %select_n3A_206 = arith.select %ge3A_202, %add3A_199, %mul3A_205 : vector<16xi1>, vector<16xf32>
      %sub3A_207 = arith.subf %select_n3A_206, %get3A_30 : vector<16xf32>
      %exp3A_208 = math.exp %sub3A_207 : vector<16xf32>
      %swap3A_209 = arith.constant 112 : index
      %swap3A_210 = tpu.vector_load %arg14[%swap3A_209] {strides = array<i32>} : memref<128xf32, #tpu.memory_space<vmem>>, vector<16xf32>,
      tpu.vector_store %arg14[%swap3A_209], %exp3A_208 {strides = array<i32>} : memref<128xf32, #tpu.memory_space<vmem>>, vector<16xf32>,
      %dma_wait3A = arith.constant 0 : i32
      %dma_wait3A_211 = tpu.memref_slice %arg12[%add3A_52, %dma_wait3A] : memref<88x128xi32, #tpu.memory_space<vmem>> -> memref<1x128xi32, #tpu.memory_space<vmem>>
      %dma_wait3A_212 = tpu.memref_squeeze %dma_wait3A_211 : memref<1x128xi32, #tpu.memory_space<vmem>> -> memref<128xi32, #tpu.memory_space<vmem>>
      %dma_wait3A_213 = arith.constant 0 : i32
      %dma_wait3A_214 = arith.constant 0 : i32
      %dma_wait3A_215 = tpu.memref_slice %arg2[%dma_wait3A_213, %dma_wait3A_214] : memref<10240x80xf32, #tpu.memory_space<hbm>> -> memref<10240x80xf32, #tpu.memory_space<hbm>>
      tpu.wait_indirect_dma semaphore(%arg17 : memref<!tpu.dma_semaphore, #tpu.memory_space<semaphore_mem>>) src(%dma_wait3A_215 : memref<10240x80xf32, #tpu.memory_space<hbm>>) dst(%arg15 : memref<128x80xf32, #tpu.memory_space<vmem>>)
      %scan3A_216 = arith.constant 0 : i32
      %scan3A_217 = arith.constant 0 : i32
      %scan3A_218 = arith.constant 16 : i32
      %scan3A_219 = arith.addi %scan3A_217, %scan3A_218 : i32
      %scan3A_220 = arith.constant 1 : i32
      scf.for %scan3A_405 = %scan3A_217 to %scan3A_219 step %scan3A_220  : i32 {
        %mul3A_406 = arith.constant 8 : i32
        %mul3A_407 = arith.muli %scan3A_405, %mul3A_406 : i32
        %add3A_408 = arith.constant 0 : i32
        %add3A_409 = arith.addi %mul3A_407, %add3A_408 : i32
        %broadcast_in_dim3A = vector.broadcast %add3A_409 : i32 to vector<16xi32>
        %gather3A_410 = tpu.vector_load_idx %arg14[%broadcast_in_dim3A] : memref<128xf32, #tpu.memory_space<vmem>>[vector<16xi32>], vector<16xf32>,
        %get3A_411 = arith.index_cast %add3A_409 : i32 to index
        %get3A_412 = arith.constant 0 : index
        %get3A_413 = tpu.vector_load %arg15[%get3A_411, %get3A_412] {strides = array<i32>} : memref<128x80xf32, #tpu.memory_space<vmem>>, vector<16xf32>,
        %mul3A_414 = arith.mulf %get3A_413, %gather3A_410 : vector<16xf32>
        %swap3A_415 = arith.index_cast %add3A_409 : i32 to index
        %swap3A_416 = arith.constant 0 : index
        %swap3A_417 = tpu.vector_load %arg15[%swap3A_415, %swap3A_416] {strides = array<i32>} : memref<128x80xf32, #tpu.memory_space<vmem>>, vector<16xf32>,
        tpu.vector_store %arg15[%swap3A_415, %swap3A_416], %mul3A_414 {strides = array<i32>} : memref<128x80xf32, #tpu.memory_space<vmem>>, vector<16xf32>,
        %get3A_418 = arith.index_cast %add3A_409 : i32 to index
        %get3A_419 = arith.constant 16 : index
        %get3A_420 = tpu.vector_load %arg15[%get3A_418, %get3A_419] {strides = array<i32>} : memref<128x80xf32, #tpu.memory_space<vmem>>, vector<16xf32>,
        %mul3A_421 = arith.mulf %get3A_420, %gather3A_410 : vector<16xf32>
        %swap3A_422 = arith.index_cast %add3A_409 : i32 to index
        %swap3A_423 = arith.constant 16 : index
        %swap3A_424 = tpu.vector_load %arg15[%swap3A_422, %swap3A_423] {strides = array<i32>} : memref<128x80xf32, #tpu.memory_space<vmem>>, vector<16xf32>,
        tpu.vector_store %arg15[%swap3A_422, %swap3A_423], %mul3A_421 {strides = array<i32>} : memref<128x80xf32, #tpu.memory_space<vmem>>, vector<16xf32>,
        %get3A_425 = arith.index_cast %add3A_409 : i32 to index
        %get3A_426 = arith.constant 32 : index
        %get3A_427 = tpu.vector_load %arg15[%get3A_425, %get3A_426] {strides = array<i32>} : memref<128x80xf32, #tpu.memory_space<vmem>>, vector<16xf32>,
        %mul3A_428 = arith.mulf %get3A_427, %gather3A_410 : vector<16xf32>
        %swap3A_429 = arith.index_cast %add3A_409 : i32 to index
        %swap3A_430 = arith.constant 32 : index
        %swap3A_431 = tpu.vector_load %arg15[%swap3A_429, %swap3A_430] {strides = array<i32>} : memref<128x80xf32, #tpu.memory_space<vmem>>, vector<16xf32>,
        tpu.vector_store %arg15[%swap3A_429, %swap3A_430], %mul3A_428 {strides = array<i32>} : memref<128x80xf32, #tpu.memory_space<vmem>>, vector<16xf32>,
        %get3A_432 = arith.index_cast %add3A_409 : i32 to index
        %get3A_433 = arith.constant 48 : index
        %get3A_434 = tpu.vector_load %arg15[%get3A_432, %get3A_433] {strides = array<i32>} : memref<128x80xf32, #tpu.memory_space<vmem>>, vector<16xf32>,
        %mul3A_435 = arith.mulf %get3A_434, %gather3A_410 : vector<16xf32>
        %swap3A_436 = arith.index_cast %add3A_409 : i32 to index
        %swap3A_437 = arith.constant 48 : index
        %swap3A_438 = tpu.vector_load %arg15[%swap3A_436, %swap3A_437] {strides = array<i32>} : memref<128x80xf32, #tpu.memory_space<vmem>>, vector<16xf32>,
        tpu.vector_store %arg15[%swap3A_436, %swap3A_437], %mul3A_435 {strides = array<i32>} : memref<128x80xf32, #tpu.memory_space<vmem>>, vector<16xf32>,
        %get3A_439 = arith.index_cast %add3A_409 : i32 to index
        %get3A_440 = arith.constant 64 : index
        %get3A_441 = tpu.vector_load %arg15[%get3A_439, %get3A_440] {strides = array<i32>} : memref<128x80xf32, #tpu.memory_space<vmem>>, vector<16xf32>,
        %mul3A_442 = arith.mulf %get3A_441, %gather3A_410 : vector<16xf32>
        %swap3A_443 = arith.index_cast %add3A_409 : i32 to index
        %swap3A_444 = arith.constant 64 : index
        %swap3A_445 = tpu.vector_load %arg15[%swap3A_443, %swap3A_444] {strides = array<i32>} : memref<128x80xf32, #tpu.memory_space<vmem>>, vector<16xf32>,
        tpu.vector_store %arg15[%swap3A_443, %swap3A_444], %mul3A_442 {strides = array<i32>} : memref<128x80xf32, #tpu.memory_space<vmem>>, vector<16xf32>,
        %mul3A_446 = arith.constant 8 : i32
        %mul3A_447 = arith.muli %scan3A_405, %mul3A_446 : i32
        %add3A_448 = arith.constant 1 : i32
        %add3A_449 = arith.addi %mul3A_447, %add3A_448 : i32
        %broadcast_in_dim3A_450 = vector.broadcast %add3A_449 : i32 to vector<16xi32>
        %gather3A_451 = tpu.vector_load_idx %arg14[%broadcast_in_dim3A_450] : memref<128xf32, #tpu.memory_space<vmem>>[vector<16xi32>], vector<16xf32>,
        %get3A_452 = arith.index_cast %add3A_449 : i32 to index
        %get3A_453 = arith.constant 0 : index
        %get3A_454 = tpu.vector_load %arg15[%get3A_452, %get3A_453] {strides = array<i32>} : memref<128x80xf32, #tpu.memory_space<vmem>>, vector<16xf32>,
        %mul3A_455 = arith.mulf %get3A_454, %gather3A_451 : vector<16xf32>
        %swap3A_456 = arith.index_cast %add3A_449 : i32 to index
        %swap3A_457 = arith.constant 0 : index
        %swap3A_458 = tpu.vector_load %arg15[%swap3A_456, %swap3A_457] {strides = array<i32>} : memref<128x80xf32, #tpu.memory_space<vmem>>, vector<16xf32>,
        tpu.vector_store %arg15[%swap3A_456, %swap3A_457], %mul3A_455 {strides = array<i32>} : memref<128x80xf32, #tpu.memory_space<vmem>>, vector<16xf32>,
        %get3A_459 = arith.index_cast %add3A_449 : i32 to index
        %get3A_460 = arith.constant 16 : index
        %get3A_461 = tpu.vector_load %arg15[%get3A_459, %get3A_460] {strides = array<i32>} : memref<128x80xf32, #tpu.memory_space<vmem>>, vector<16xf32>,
        %mul3A_462 = arith.mulf %get3A_461, %gather3A_451 : vector<16xf32>
        %swap3A_463 = arith.index_cast %add3A_449 : i32 to index
        %swap3A_464 = arith.constant 16 : index
        %swap3A_465 = tpu.vector_load %arg15[%swap3A_463, %swap3A_464] {strides = array<i32>} : memref<128x80xf32, #tpu.memory_space<vmem>>, vector<16xf32>,
        tpu.vector_store %arg15[%swap3A_463, %swap3A_464], %mul3A_462 {strides = array<i32>} : memref<128x80xf32, #tpu.memory_space<vmem>>, vector<16xf32>,
        %get3A_466 = arith.index_cast %add3A_449 : i32 to index
        %get3A_467 = arith.constant 32 : index
        %get3A_468 = tpu.vector_load %arg15[%get3A_466, %get3A_467] {strides = array<i32>} : memref<128x80xf32, #tpu.memory_space<vmem>>, vector<16xf32>,
        %mul3A_469 = arith.mulf %get3A_468, %gather3A_451 : vector<16xf32>
        %swap3A_470 = arith.index_cast %add3A_449 : i32 to index
        %swap3A_471 = arith.constant 32 : index
        %swap3A_472 = tpu.vector_load %arg15[%swap3A_470, %swap3A_471] {strides = array<i32>} : memref<128x80xf32, #tpu.memory_space<vmem>>, vector<16xf32>,
        tpu.vector_store %arg15[%swap3A_470, %swap3A_471], %mul3A_469 {strides = array<i32>} : memref<128x80xf32, #tpu.memory_space<vmem>>, vector<16xf32>,
        %get3A_473 = arith.index_cast %add3A_449 : i32 to index
        %get3A_474 = arith.constant 48 : index
        %get3A_475 = tpu.vector_load %arg15[%get3A_473, %get3A_474] {strides = array<i32>} : memref<128x80xf32, #tpu.memory_space<vmem>>, vector<16xf32>,
        %mul3A_476 = arith.mulf %get3A_475, %gather3A_451 : vector<16xf32>
        %swap3A_477 = arith.index_cast %add3A_449 : i32 to index
        %swap3A_478 = arith.constant 48 : index
        %swap3A_479 = tpu.vector_load %arg15[%swap3A_477, %swap3A_478] {strides = array<i32>} : memref<128x80xf32, #tpu.memory_space<vmem>>, vector<16xf32>,
        tpu.vector_store %arg15[%swap3A_477, %swap3A_478], %mul3A_476 {strides = array<i32>} : memref<128x80xf32, #tpu.memory_space<vmem>>, vector<16xf32>,
        %get3A_480 = arith.index_cast %add3A_449 : i32 to index
        %get3A_481 = arith.constant 64 : index
        %get3A_482 = tpu.vector_load %arg15[%get3A_480, %get3A_481] {strides = array<i32>} : memref<128x80xf32, #tpu.memory_space<vmem>>, vector<16xf32>,
        %mul3A_483 = arith.mulf %get3A_482, %gather3A_451 : vector<16xf32>
        %swap3A_484 = arith.index_cast %add3A_449 : i32 to index
        %swap3A_485 = arith.constant 64 : index
        %swap3A_486 = tpu.vector_load %arg15[%swap3A_484, %swap3A_485] {strides = array<i32>} : memref<128x80xf32, #tpu.memory_space<vmem>>, vector<16xf32>,
        tpu.vector_store %arg15[%swap3A_484, %swap3A_485], %mul3A_483 {strides = array<i32>} : memref<128x80xf32, #tpu.memory_space<vmem>>, vector<16xf32>,
        %mul3A_487 = arith.constant 8 : i32
        %mul3A_488 = arith.muli %scan3A_405, %mul3A_487 : i32
        %add3A_489 = arith.constant 2 : i32
        %add3A_490 = arith.addi %mul3A_488, %add3A_489 : i32
        %broadcast_in_dim3A_491 = vector.broadcast %add3A_490 : i32 to vector<16xi32>
        %gather3A_492 = tpu.vector_load_idx %arg14[%broadcast_in_dim3A_491] : memref<128xf32, #tpu.memory_space<vmem>>[vector<16xi32>], vector<16xf32>,
        %get3A_493 = arith.index_cast %add3A_490 : i32 to index
        %get3A_494 = arith.constant 0 : index
        %get3A_495 = tpu.vector_load %arg15[%get3A_493, %get3A_494] {strides = array<i32>} : memref<128x80xf32, #tpu.memory_space<vmem>>, vector<16xf32>,
        %mul3A_496 = arith.mulf %get3A_495, %gather3A_492 : vector<16xf32>
        %swap3A_497 = arith.index_cast %add3A_490 : i32 to index
        %swap3A_498 = arith.constant 0 : index
        %swap3A_499 = tpu.vector_load %arg15[%swap3A_497, %swap3A_498] {strides = array<i32>} : memref<128x80xf32, #tpu.memory_space<vmem>>, vector<16xf32>,
        tpu.vector_store %arg15[%swap3A_497, %swap3A_498], %mul3A_496 {strides = array<i32>} : memref<128x80xf32, #tpu.memory_space<vmem>>, vector<16xf32>,
        %get3A_500 = arith.index_cast %add3A_490 : i32 to index
        %get3A_501 = arith.constant 16 : index
        %get3A_502 = tpu.vector_load %arg15[%get3A_500, %get3A_501] {strides = array<i32>} : memref<128x80xf32, #tpu.memory_space<vmem>>, vector<16xf32>,
        %mul3A_503 = arith.mulf %get3A_502, %gather3A_492 : vector<16xf32>
        %swap3A_504 = arith.index_cast %add3A_490 : i32 to index
        %swap3A_505 = arith.constant 16 : index
        %swap3A_506 = tpu.vector_load %arg15[%swap3A_504, %swap3A_505] {strides = array<i32>} : memref<128x80xf32, #tpu.memory_space<vmem>>, vector<16xf32>,
        tpu.vector_store %arg15[%swap3A_504, %swap3A_505], %mul3A_503 {strides = array<i32>} : memref<128x80xf32, #tpu.memory_space<vmem>>, vector<16xf32>,
        %get3A_507 = arith.index_cast %add3A_490 : i32 to index
        %get3A_508 = arith.constant 32 : index
        %get3A_509 = tpu.vector_load %arg15[%get3A_507, %get3A_508] {strides = array<i32>} : memref<128x80xf32, #tpu.memory_space<vmem>>, vector<16xf32>,
        %mul3A_510 = arith.mulf %get3A_509, %gather3A_492 : vector<16xf32>
        %swap3A_511 = arith.index_cast %add3A_490 : i32 to index
        %swap3A_512 = arith.constant 32 : index
        %swap3A_513 = tpu.vector_load %arg15[%swap3A_511, %swap3A_512] {strides = array<i32>} : memref<128x80xf32, #tpu.memory_space<vmem>>, vector<16xf32>,
        tpu.vector_store %arg15[%swap3A_511, %swap3A_512], %mul3A_510 {strides = array<i32>} : memref<128x80xf32, #tpu.memory_space<vmem>>, vector<16xf32>,
        %get3A_514 = arith.index_cast %add3A_490 : i32 to index
        %get3A_515 = arith.constant 48 : index
        %get3A_516 = tpu.vector_load %arg15[%get3A_514, %get3A_515] {strides = array<i32>} : memref<128x80xf32, #tpu.memory_space<vmem>>, vector<16xf32>,
        %mul3A_517 = arith.mulf %get3A_516, %gather3A_492 : vector<16xf32>
        %swap3A_518 = arith.index_cast %add3A_490 : i32 to index
        %swap3A_519 = arith.constant 48 : index
        %swap3A_520 = tpu.vector_load %arg15[%swap3A_518, %swap3A_519] {strides = array<i32>} : memref<128x80xf32, #tpu.memory_space<vmem>>, vector<16xf32>,
        tpu.vector_store %arg15[%swap3A_518, %swap3A_519], %mul3A_517 {strides = array<i32>} : memref<128x80xf32, #tpu.memory_space<vmem>>, vector<16xf32>,
        %get3A_521 = arith.index_cast %add3A_490 : i32 to index
        %get3A_522 = arith.constant 64 : index
        %get3A_523 = tpu.vector_load %arg15[%get3A_521, %get3A_522] {strides = array<i32>} : memref<128x80xf32, #tpu.memory_space<vmem>>, vector<16xf32>,
        %mul3A_524 = arith.mulf %get3A_523, %gather3A_492 : vector<16xf32>
        %swap3A_525 = arith.index_cast %add3A_490 : i32 to index
        %swap3A_526 = arith.constant 64 : index
        %swap3A_527 = tpu.vector_load %arg15[%swap3A_525, %swap3A_526] {strides = array<i32>} : memref<128x80xf32, #tpu.memory_space<vmem>>, vector<16xf32>,
        tpu.vector_store %arg15[%swap3A_525, %swap3A_526], %mul3A_524 {strides = array<i32>} : memref<128x80xf32, #tpu.memory_space<vmem>>, vector<16xf32>,
        %mul3A_528 = arith.constant 8 : i32
        %mul3A_529 = arith.muli %scan3A_405, %mul3A_528 : i32
        %add3A_530 = arith.constant 3 : i32
        %add3A_531 = arith.addi %mul3A_529, %add3A_530 : i32
        %broadcast_in_dim3A_532 = vector.broadcast %add3A_531 : i32 to vector<16xi32>
        %gather3A_533 = tpu.vector_load_idx %arg14[%broadcast_in_dim3A_532] : memref<128xf32, #tpu.memory_space<vmem>>[vector<16xi32>], vector<16xf32>,
        %get3A_534 = arith.index_cast %add3A_531 : i32 to index
        %get3A_535 = arith.constant 0 : index
        %get3A_536 = tpu.vector_load %arg15[%get3A_534, %get3A_535] {strides = array<i32>} : memref<128x80xf32, #tpu.memory_space<vmem>>, vector<16xf32>,
        %mul3A_537 = arith.mulf %get3A_536, %gather3A_533 : vector<16xf32>
        %swap3A_538 = arith.index_cast %add3A_531 : i32 to index
        %swap3A_539 = arith.constant 0 : index
        %swap3A_540 = tpu.vector_load %arg15[%swap3A_538, %swap3A_539] {strides = array<i32>} : memref<128x80xf32, #tpu.memory_space<vmem>>, vector<16xf32>,
        tpu.vector_store %arg15[%swap3A_538, %swap3A_539], %mul3A_537 {strides = array<i32>} : memref<128x80xf32, #tpu.memory_space<vmem>>, vector<16xf32>,
        %get3A_541 = arith.index_cast %add3A_531 : i32 to index
        %get3A_542 = arith.constant 16 : index
        %get3A_543 = tpu.vector_load %arg15[%get3A_541, %get3A_542] {strides = array<i32>} : memref<128x80xf32, #tpu.memory_space<vmem>>, vector<16xf32>,
        %mul3A_544 = arith.mulf %get3A_543, %gather3A_533 : vector<16xf32>
        %swap3A_545 = arith.index_cast %add3A_531 : i32 to index
        %swap3A_546 = arith.constant 16 : index
        %swap3A_547 = tpu.vector_load %arg15[%swap3A_545, %swap3A_546] {strides = array<i32>} : memref<128x80xf32, #tpu.memory_space<vmem>>, vector<16xf32>,
        tpu.vector_store %arg15[%swap3A_545, %swap3A_546], %mul3A_544 {strides = array<i32>} : memref<128x80xf32, #tpu.memory_space<vmem>>, vector<16xf32>,
        %get3A_548 = arith.index_cast %add3A_531 : i32 to index
        %get3A_549 = arith.constant 32 : index
        %get3A_550 = tpu.vector_load %arg15[%get3A_548, %get3A_549] {strides = array<i32>} : memref<128x80xf32, #tpu.memory_space<vmem>>, vector<16xf32>,
        %mul3A_551 = arith.mulf %get3A_550, %gather3A_533 : vector<16xf32>
        %swap3A_552 = arith.index_cast %add3A_531 : i32 to index
        %swap3A_553 = arith.constant 32 : index
        %swap3A_554 = tpu.vector_load %arg15[%swap3A_552, %swap3A_553] {strides = array<i32>} : memref<128x80xf32, #tpu.memory_space<vmem>>, vector<16xf32>,
        tpu.vector_store %arg15[%swap3A_552, %swap3A_553], %mul3A_551 {strides = array<i32>} : memref<128x80xf32, #tpu.memory_space<vmem>>, vector<16xf32>,
        %get3A_555 = arith.index_cast %add3A_531 : i32 to index
        %get3A_556 = arith.constant 48 : index
        %get3A_557 = tpu.vector_load %arg15[%get3A_555, %get3A_556] {strides = array<i32>} : memref<128x80xf32, #tpu.memory_space<vmem>>, vector<16xf32>,
        %mul3A_558 = arith.mulf %get3A_557, %gather3A_533 : vector<16xf32>
        %swap3A_559 = arith.index_cast %add3A_531 : i32 to index
        %swap3A_560 = arith.constant 48 : index
        %swap3A_561 = tpu.vector_load %arg15[%swap3A_559, %swap3A_560] {strides = array<i32>} : memref<128x80xf32, #tpu.memory_space<vmem>>, vector<16xf32>,
        tpu.vector_store %arg15[%swap3A_559, %swap3A_560], %mul3A_558 {strides = array<i32>} : memref<128x80xf32, #tpu.memory_space<vmem>>, vector<16xf32>,
        %get3A_562 = arith.index_cast %add3A_531 : i32 to index
        %get3A_563 = arith.constant 64 : index
        %get3A_564 = tpu.vector_load %arg15[%get3A_562, %get3A_563] {strides = array<i32>} : memref<128x80xf32, #tpu.memory_space<vmem>>, vector<16xf32>,
        %mul3A_565 = arith.mulf %get3A_564, %gather3A_533 : vector<16xf32>
        %swap3A_566 = arith.index_cast %add3A_531 : i32 to index
        %swap3A_567 = arith.constant 64 : index
        %swap3A_568 = tpu.vector_load %arg15[%swap3A_566, %swap3A_567] {strides = array<i32>} : memref<128x80xf32, #tpu.memory_space<vmem>>, vector<16xf32>,
        tpu.vector_store %arg15[%swap3A_566, %swap3A_567], %mul3A_565 {strides = array<i32>} : memref<128x80xf32, #tpu.memory_space<vmem>>, vector<16xf32>,
        %mul3A_569 = arith.constant 8 : i32
        %mul3A_570 = arith.muli %scan3A_405, %mul3A_569 : i32
        %add3A_571 = arith.constant 4 : i32
        %add3A_572 = arith.addi %mul3A_570, %add3A_571 : i32
        %broadcast_in_dim3A_573 = vector.broadcast %add3A_572 : i32 to vector<16xi32>
        %gather3A_574 = tpu.vector_load_idx %arg14[%broadcast_in_dim3A_573] : memref<128xf32, #tpu.memory_space<vmem>>[vector<16xi32>], vector<16xf32>,
        %get3A_575 = arith.index_cast %add3A_572 : i32 to index
        %get3A_576 = arith.constant 0 : index
        %get3A_577 = tpu.vector_load %arg15[%get3A_575, %get3A_576] {strides = array<i32>} : memref<128x80xf32, #tpu.memory_space<vmem>>, vector<16xf32>,
        %mul3A_578 = arith.mulf %get3A_577, %gather3A_574 : vector<16xf32>
        %swap3A_579 = arith.index_cast %add3A_572 : i32 to index
        %swap3A_580 = arith.constant 0 : index
        %swap3A_581 = tpu.vector_load %arg15[%swap3A_579, %swap3A_580] {strides = array<i32>} : memref<128x80xf32, #tpu.memory_space<vmem>>, vector<16xf32>,
        tpu.vector_store %arg15[%swap3A_579, %swap3A_580], %mul3A_578 {strides = array<i32>} : memref<128x80xf32, #tpu.memory_space<vmem>>, vector<16xf32>,
        %get3A_582 = arith.index_cast %add3A_572 : i32 to index
        %get3A_583 = arith.constant 16 : index
        %get3A_584 = tpu.vector_load %arg15[%get3A_582, %get3A_583] {strides = array<i32>} : memref<128x80xf32, #tpu.memory_space<vmem>>, vector<16xf32>,
        %mul3A_585 = arith.mulf %get3A_584, %gather3A_574 : vector<16xf32>
        %swap3A_586 = arith.index_cast %add3A_572 : i32 to index
        %swap3A_587 = arith.constant 16 : index
        %swap3A_588 = tpu.vector_load %arg15[%swap3A_586, %swap3A_587] {strides = array<i32>} : memref<128x80xf32, #tpu.memory_space<vmem>>, vector<16xf32>,
        tpu.vector_store %arg15[%swap3A_586, %swap3A_587], %mul3A_585 {strides = array<i32>} : memref<128x80xf32, #tpu.memory_space<vmem>>, vector<16xf32>,
        %get3A_589 = arith.index_cast %add3A_572 : i32 to index
        %get3A_590 = arith.constant 32 : index
        %get3A_591 = tpu.vector_load %arg15[%get3A_589, %get3A_590] {strides = array<i32>} : memref<128x80xf32, #tpu.memory_space<vmem>>, vector<16xf32>,
        %mul3A_592 = arith.mulf %get3A_591, %gather3A_574 : vector<16xf32>
        %swap3A_593 = arith.index_cast %add3A_572 : i32 to index
        %swap3A_594 = arith.constant 32 : index
        %swap3A_595 = tpu.vector_load %arg15[%swap3A_593, %swap3A_594] {strides = array<i32>} : memref<128x80xf32, #tpu.memory_space<vmem>>, vector<16xf32>,
        tpu.vector_store %arg15[%swap3A_593, %swap3A_594], %mul3A_592 {strides = array<i32>} : memref<128x80xf32, #tpu.memory_space<vmem>>, vector<16xf32>,
        %get3A_596 = arith.index_cast %add3A_572 : i32 to index
        %get3A_597 = arith.constant 48 : index
        %get3A_598 = tpu.vector_load %arg15[%get3A_596, %get3A_597] {strides = array<i32>} : memref<128x80xf32, #tpu.memory_space<vmem>>, vector<16xf32>,
        %mul3A_599 = arith.mulf %get3A_598, %gather3A_574 : vector<16xf32>
        %swap3A_600 = arith.index_cast %add3A_572 : i32 to index
        %swap3A_601 = arith.constant 48 : index
        %swap3A_602 = tpu.vector_load %arg15[%swap3A_600, %swap3A_601] {strides = array<i32>} : memref<128x80xf32, #tpu.memory_space<vmem>>, vector<16xf32>,
        tpu.vector_store %arg15[%swap3A_600, %swap3A_601], %mul3A_599 {strides = array<i32>} : memref<128x80xf32, #tpu.memory_space<vmem>>, vector<16xf32>,
        %get3A_603 = arith.index_cast %add3A_572 : i32 to index
        %get3A_604 = arith.constant 64 : index
        %get3A_605 = tpu.vector_load %arg15[%get3A_603, %get3A_604] {strides = array<i32>} : memref<128x80xf32, #tpu.memory_space<vmem>>, vector<16xf32>,
        %mul3A_606 = arith.mulf %get3A_605, %gather3A_574 : vector<16xf32>
        %swap3A_607 = arith.index_cast %add3A_572 : i32 to index
        %swap3A_608 = arith.constant 64 : index
        %swap3A_609 = tpu.vector_load %arg15[%swap3A_607, %swap3A_608] {strides = array<i32>} : memref<128x80xf32, #tpu.memory_space<vmem>>, vector<16xf32>,
        tpu.vector_store %arg15[%swap3A_607, %swap3A_608], %mul3A_606 {strides = array<i32>} : memref<128x80xf32, #tpu.memory_space<vmem>>, vector<16xf32>,
        %mul3A_610 = arith.constant 8 : i32
        %mul3A_611 = arith.muli %scan3A_405, %mul3A_610 : i32
        %add3A_612 = arith.constant 5 : i32
        %add3A_613 = arith.addi %mul3A_611, %add3A_612 : i32
        %broadcast_in_dim3A_614 = vector.broadcast %add3A_613 : i32 to vector<16xi32>
        %gather3A_615 = tpu.vector_load_idx %arg14[%broadcast_in_dim3A_614] : memref<128xf32, #tpu.memory_space<vmem>>[vector<16xi32>], vector<16xf32>,
        %get3A_616 = arith.index_cast %add3A_613 : i32 to index
        %get3A_617 = arith.constant 0 : index
        %get3A_618 = tpu.vector_load %arg15[%get3A_616, %get3A_617] {strides = array<i32>} : memref<128x80xf32, #tpu.memory_space<vmem>>, vector<16xf32>,
        %mul3A_619 = arith.mulf %get3A_618, %gather3A_615 : vector<16xf32>
        %swap3A_620 = arith.index_cast %add3A_613 : i32 to index
        %swap3A_621 = arith.constant 0 : index
        %swap3A_622 = tpu.vector_load %arg15[%swap3A_620, %swap3A_621] {strides = array<i32>} : memref<128x80xf32, #tpu.memory_space<vmem>>, vector<16xf32>,
        tpu.vector_store %arg15[%swap3A_620, %swap3A_621], %mul3A_619 {strides = array<i32>} : memref<128x80xf32, #tpu.memory_space<vmem>>, vector<16xf32>,
        %get3A_623 = arith.index_cast %add3A_613 : i32 to index
        %get3A_624 = arith.constant 16 : index
        %get3A_625 = tpu.vector_load %arg15[%get3A_623, %get3A_624] {strides = array<i32>} : memref<128x80xf32, #tpu.memory_space<vmem>>, vector<16xf32>,
        %mul3A_626 = arith.mulf %get3A_625, %gather3A_615 : vector<16xf32>
        %swap3A_627 = arith.index_cast %add3A_613 : i32 to index
        %swap3A_628 = arith.constant 16 : index
        %swap3A_629 = tpu.vector_load %arg15[%swap3A_627, %swap3A_628] {strides = array<i32>} : memref<128x80xf32, #tpu.memory_space<vmem>>, vector<16xf32>,
        tpu.vector_store %arg15[%swap3A_627, %swap3A_628], %mul3A_626 {strides = array<i32>} : memref<128x80xf32, #tpu.memory_space<vmem>>, vector<16xf32>,
        %get3A_630 = arith.index_cast %add3A_613 : i32 to index
        %get3A_631 = arith.constant 32 : index
        %get3A_632 = tpu.vector_load %arg15[%get3A_630, %get3A_631] {strides = array<i32>} : memref<128x80xf32, #tpu.memory_space<vmem>>, vector<16xf32>,
        %mul3A_633 = arith.mulf %get3A_632, %gather3A_615 : vector<16xf32>
        %swap3A_634 = arith.index_cast %add3A_613 : i32 to index
        %swap3A_635 = arith.constant 32 : index
        %swap3A_636 = tpu.vector_load %arg15[%swap3A_634, %swap3A_635] {strides = array<i32>} : memref<128x80xf32, #tpu.memory_space<vmem>>, vector<16xf32>,
        tpu.vector_store %arg15[%swap3A_634, %swap3A_635], %mul3A_633 {strides = array<i32>} : memref<128x80xf32, #tpu.memory_space<vmem>>, vector<16xf32>,
        %get3A_637 = arith.index_cast %add3A_613 : i32 to index
        %get3A_638 = arith.constant 48 : index
        %get3A_639 = tpu.vector_load %arg15[%get3A_637, %get3A_638] {strides = array<i32>} : memref<128x80xf32, #tpu.memory_space<vmem>>, vector<16xf32>,
        %mul3A_640 = arith.mulf %get3A_639, %gather3A_615 : vector<16xf32>
        %swap3A_641 = arith.index_cast %add3A_613 : i32 to index
        %swap3A_642 = arith.constant 48 : index
        %swap3A_643 = tpu.vector_load %arg15[%swap3A_641, %swap3A_642] {strides = array<i32>} : memref<128x80xf32, #tpu.memory_space<vmem>>, vector<16xf32>,
        tpu.vector_store %arg15[%swap3A_641, %swap3A_642], %mul3A_640 {strides = array<i32>} : memref<128x80xf32, #tpu.memory_space<vmem>>, vector<16xf32>,
        %get3A_644 = arith.index_cast %add3A_613 : i32 to index
        %get3A_645 = arith.constant 64 : index
        %get3A_646 = tpu.vector_load %arg15[%get3A_644, %get3A_645] {strides = array<i32>} : memref<128x80xf32, #tpu.memory_space<vmem>>, vector<16xf32>,
        %mul3A_647 = arith.mulf %get3A_646, %gather3A_615 : vector<16xf32>
        %swap3A_648 = arith.index_cast %add3A_613 : i32 to index
        %swap3A_649 = arith.constant 64 : index
        %swap3A_650 = tpu.vector_load %arg15[%swap3A_648, %swap3A_649] {strides = array<i32>} : memref<128x80xf32, #tpu.memory_space<vmem>>, vector<16xf32>,
        tpu.vector_store %arg15[%swap3A_648, %swap3A_649], %mul3A_647 {strides = array<i32>} : memref<128x80xf32, #tpu.memory_space<vmem>>, vector<16xf32>,
        %mul3A_651 = arith.constant 8 : i32
        %mul3A_652 = arith.muli %scan3A_405, %mul3A_651 : i32
        %add3A_653 = arith.constant 6 : i32
        %add3A_654 = arith.addi %mul3A_652, %add3A_653 : i32
        %broadcast_in_dim3A_655 = vector.broadcast %add3A_654 : i32 to vector<16xi32>
        %gather3A_656 = tpu.vector_load_idx %arg14[%broadcast_in_dim3A_655] : memref<128xf32, #tpu.memory_space<vmem>>[vector<16xi32>], vector<16xf32>,
        %get3A_657 = arith.index_cast %add3A_654 : i32 to index
        %get3A_658 = arith.constant 0 : index
        %get3A_659 = tpu.vector_load %arg15[%get3A_657, %get3A_658] {strides = array<i32>} : memref<128x80xf32, #tpu.memory_space<vmem>>, vector<16xf32>,
        %mul3A_660 = arith.mulf %get3A_659, %gather3A_656 : vector<16xf32>
        %swap3A_661 = arith.index_cast %add3A_654 : i32 to index
        %swap3A_662 = arith.constant 0 : index
        %swap3A_663 = tpu.vector_load %arg15[%swap3A_661, %swap3A_662] {strides = array<i32>} : memref<128x80xf32, #tpu.memory_space<vmem>>, vector<16xf32>,
        tpu.vector_store %arg15[%swap3A_661, %swap3A_662], %mul3A_660 {strides = array<i32>} : memref<128x80xf32, #tpu.memory_space<vmem>>, vector<16xf32>,
        %get3A_664 = arith.index_cast %add3A_654 : i32 to index
        %get3A_665 = arith.constant 16 : index
        %get3A_666 = tpu.vector_load %arg15[%get3A_664, %get3A_665] {strides = array<i32>} : memref<128x80xf32, #tpu.memory_space<vmem>>, vector<16xf32>,
        %mul3A_667 = arith.mulf %get3A_666, %gather3A_656 : vector<16xf32>
        %swap3A_668 = arith.index_cast %add3A_654 : i32 to index
        %swap3A_669 = arith.constant 16 : index
        %swap3A_670 = tpu.vector_load %arg15[%swap3A_668, %swap3A_669] {strides = array<i32>} : memref<128x80xf32, #tpu.memory_space<vmem>>, vector<16xf32>,
        tpu.vector_store %arg15[%swap3A_668, %swap3A_669], %mul3A_667 {strides = array<i32>} : memref<128x80xf32, #tpu.memory_space<vmem>>, vector<16xf32>,
        %get3A_671 = arith.index_cast %add3A_654 : i32 to index
        %get3A_672 = arith.constant 32 : index
        %get3A_673 = tpu.vector_load %arg15[%get3A_671, %get3A_672] {strides = array<i32>} : memref<128x80xf32, #tpu.memory_space<vmem>>, vector<16xf32>,
        %mul3A_674 = arith.mulf %get3A_673, %gather3A_656 : vector<16xf32>
        %swap3A_675 = arith.index_cast %add3A_654 : i32 to index
        %swap3A_676 = arith.constant 32 : index
        %swap3A_677 = tpu.vector_load %arg15[%swap3A_675, %swap3A_676] {strides = array<i32>} : memref<128x80xf32, #tpu.memory_space<vmem>>, vector<16xf32>,
        tpu.vector_store %arg15[%swap3A_675, %swap3A_676], %mul3A_674 {strides = array<i32>} : memref<128x80xf32, #tpu.memory_space<vmem>>, vector<16xf32>,
        %get3A_678 = arith.index_cast %add3A_654 : i32 to index
        %get3A_679 = arith.constant 48 : index
        %get3A_680 = tpu.vector_load %arg15[%get3A_678, %get3A_679] {strides = array<i32>} : memref<128x80xf32, #tpu.memory_space<vmem>>, vector<16xf32>,
        %mul3A_681 = arith.mulf %get3A_680, %gather3A_656 : vector<16xf32>
        %swap3A_682 = arith.index_cast %add3A_654 : i32 to index
        %swap3A_683 = arith.constant 48 : index
        %swap3A_684 = tpu.vector_load %arg15[%swap3A_682, %swap3A_683] {strides = array<i32>} : memref<128x80xf32, #tpu.memory_space<vmem>>, vector<16xf32>,
        tpu.vector_store %arg15[%swap3A_682, %swap3A_683], %mul3A_681 {strides = array<i32>} : memref<128x80xf32, #tpu.memory_space<vmem>>, vector<16xf32>,
        %get3A_685 = arith.index_cast %add3A_654 : i32 to index
        %get3A_686 = arith.constant 64 : index
        %get3A_687 = tpu.vector_load %arg15[%get3A_685, %get3A_686] {strides = array<i32>} : memref<128x80xf32, #tpu.memory_space<vmem>>, vector<16xf32>,
        %mul3A_688 = arith.mulf %get3A_687, %gather3A_656 : vector<16xf32>
        %swap3A_689 = arith.index_cast %add3A_654 : i32 to index
        %swap3A_690 = arith.constant 64 : index
        %swap3A_691 = tpu.vector_load %arg15[%swap3A_689, %swap3A_690] {strides = array<i32>} : memref<128x80xf32, #tpu.memory_space<vmem>>, vector<16xf32>,
        tpu.vector_store %arg15[%swap3A_689, %swap3A_690], %mul3A_688 {strides = array<i32>} : memref<128x80xf32, #tpu.memory_space<vmem>>, vector<16xf32>,
        %mul3A_692 = arith.constant 8 : i32
        %mul3A_693 = arith.muli %scan3A_405, %mul3A_692 : i32
        %add3A_694 = arith.constant 7 : i32
        %add3A_695 = arith.addi %mul3A_693, %add3A_694 : i32
        %broadcast_in_dim3A_696 = vector.broadcast %add3A_695 : i32 to vector<16xi32>
        %gather3A_697 = tpu.vector_load_idx %arg14[%broadcast_in_dim3A_696] : memref<128xf32, #tpu.memory_space<vmem>>[vector<16xi32>], vector<16xf32>,
        %get3A_698 = arith.index_cast %add3A_695 : i32 to index
        %get3A_699 = arith.constant 0 : index
        %get3A_700 = tpu.vector_load %arg15[%get3A_698, %get3A_699] {strides = array<i32>} : memref<128x80xf32, #tpu.memory_space<vmem>>, vector<16xf32>,
        %mul3A_701 = arith.mulf %get3A_700, %gather3A_697 : vector<16xf32>
        %swap3A_702 = arith.index_cast %add3A_695 : i32 to index
        %swap3A_703 = arith.constant 0 : index
        %swap3A_704 = tpu.vector_load %arg15[%swap3A_702, %swap3A_703] {strides = array<i32>} : memref<128x80xf32, #tpu.memory_space<vmem>>, vector<16xf32>,
        tpu.vector_store %arg15[%swap3A_702, %swap3A_703], %mul3A_701 {strides = array<i32>} : memref<128x80xf32, #tpu.memory_space<vmem>>, vector<16xf32>,
        %get3A_705 = arith.index_cast %add3A_695 : i32 to index
        %get3A_706 = arith.constant 16 : index
        %get3A_707 = tpu.vector_load %arg15[%get3A_705, %get3A_706] {strides = array<i32>} : memref<128x80xf32, #tpu.memory_space<vmem>>, vector<16xf32>,
        %mul3A_708 = arith.mulf %get3A_707, %gather3A_697 : vector<16xf32>
        %swap3A_709 = arith.index_cast %add3A_695 : i32 to index
        %swap3A_710 = arith.constant 16 : index
        %swap3A_711 = tpu.vector_load %arg15[%swap3A_709, %swap3A_710] {strides = array<i32>} : memref<128x80xf32, #tpu.memory_space<vmem>>, vector<16xf32>,
        tpu.vector_store %arg15[%swap3A_709, %swap3A_710], %mul3A_708 {strides = array<i32>} : memref<128x80xf32, #tpu.memory_space<vmem>>, vector<16xf32>,
        %get3A_712 = arith.index_cast %add3A_695 : i32 to index
        %get3A_713 = arith.constant 32 : index
        %get3A_714 = tpu.vector_load %arg15[%get3A_712, %get3A_713] {strides = array<i32>} : memref<128x80xf32, #tpu.memory_space<vmem>>, vector<16xf32>,
        %mul3A_715 = arith.mulf %get3A_714, %gather3A_697 : vector<16xf32>
        %swap3A_716 = arith.index_cast %add3A_695 : i32 to index
        %swap3A_717 = arith.constant 32 : index
        %swap3A_718 = tpu.vector_load %arg15[%swap3A_716, %swap3A_717] {strides = array<i32>} : memref<128x80xf32, #tpu.memory_space<vmem>>, vector<16xf32>,
        tpu.vector_store %arg15[%swap3A_716, %swap3A_717], %mul3A_715 {strides = array<i32>} : memref<128x80xf32, #tpu.memory_space<vmem>>, vector<16xf32>,
        %get3A_719 = arith.index_cast %add3A_695 : i32 to index
        %get3A_720 = arith.constant 48 : index
        %get3A_721 = tpu.vector_load %arg15[%get3A_719, %get3A_720] {strides = array<i32>} : memref<128x80xf32, #tpu.memory_space<vmem>>, vector<16xf32>,
        %mul3A_722 = arith.mulf %get3A_721, %gather3A_697 : vector<16xf32>
        %swap3A_723 = arith.index_cast %add3A_695 : i32 to index
        %swap3A_724 = arith.constant 48 : index
        %swap3A_725 = tpu.vector_load %arg15[%swap3A_723, %swap3A_724] {strides = array<i32>} : memref<128x80xf32, #tpu.memory_space<vmem>>, vector<16xf32>,
        tpu.vector_store %arg15[%swap3A_723, %swap3A_724], %mul3A_722 {strides = array<i32>} : memref<128x80xf32, #tpu.memory_space<vmem>>, vector<16xf32>,
        %get3A_726 = arith.index_cast %add3A_695 : i32 to index
        %get3A_727 = arith.constant 64 : index
        %get3A_728 = tpu.vector_load %arg15[%get3A_726, %get3A_727] {strides = array<i32>} : memref<128x80xf32, #tpu.memory_space<vmem>>, vector<16xf32>,
        %mul3A_729 = arith.mulf %get3A_728, %gather3A_697 : vector<16xf32>
        %swap3A_730 = arith.index_cast %add3A_695 : i32 to index
        %swap3A_731 = arith.constant 64 : index
        %swap3A_732 = tpu.vector_load %arg15[%swap3A_730, %swap3A_731] {strides = array<i32>} : memref<128x80xf32, #tpu.memory_space<vmem>>, vector<16xf32>,
        tpu.vector_store %arg15[%swap3A_730, %swap3A_731], %mul3A_729 {strides = array<i32>} : memref<128x80xf32, #tpu.memory_space<vmem>>, vector<16xf32>,
      }
      %scan3A_221 = arith.constant 16 : i32
      "tpu.region"() ({
        %run_scoped3A = tpu.sem_alloc : memref<!tpu.dma_semaphore, #tpu.memory_space<semaphore_mem>>
        %dma_start3A_405 = arith.constant 0 : i32
        %dma_start3A_406 = tpu.memref_slice %arg13[%add3A_52, %dma_start3A_405] : memref<88x128xi32, #tpu.memory_space<vmem>> -> memref<1x128xi32, #tpu.memory_space<vmem>>
        %dma_start3A_407 = tpu.memref_squeeze %dma_start3A_406 : memref<1x128xi32, #tpu.memory_space<vmem>> -> memref<128xi32, #tpu.memory_space<vmem>>
        %dma_start3A_408 = arith.constant 0 : i32
        %dma_start3A_409 = arith.constant 0 : i32
        %dma_start3A_410 = tpu.memref_slice %arg19[%dma_start3A_408, %dma_start3A_409] : memref<10240x80xf32, #tpu.memory_space<vmem_shared>> -> memref<10240x80xf32, #tpu.memory_space<vmem_shared>>
        tpu.enqueue_indirect_dma source(%arg15 : memref<128x80xf32, #tpu.memory_space<vmem>>) target(%dma_start3A_410 : memref<10240x80xf32, #tpu.memory_space<vmem_shared>>) offsets(%dma_start3A_407 : memref<128xi32, #tpu.memory_space<vmem>>) semaphore(%run_scoped3A : memref<!tpu.dma_semaphore, #tpu.memory_space<semaphore_mem>>) {add = true}
        %dma_wait3A_411 = arith.constant 0 : i32
        %dma_wait3A_412 = tpu.memref_slice %arg13[%add3A_52, %dma_wait3A_411] : memref<88x128xi32, #tpu.memory_space<vmem>> -> memref<1x128xi32, #tpu.memory_space<vmem>>
        %dma_wait3A_413 = tpu.memref_squeeze %dma_wait3A_412 : memref<1x128xi32, #tpu.memory_space<vmem>> -> memref<128xi32, #tpu.memory_space<vmem>>
        %dma_wait3A_414 = arith.constant 0 : i32
        %dma_wait3A_415 = arith.constant 0 : i32
        %dma_wait3A_416 = tpu.memref_slice %arg19[%dma_wait3A_414, %dma_wait3A_415] : memref<10240x80xf32, #tpu.memory_space<vmem_shared>> -> memref<10240x80xf32, #tpu.memory_space<vmem_shared>>
        tpu.wait_indirect_dma semaphore(%run_scoped3A : memref<!tpu.dma_semaphore, #tpu.memory_space<semaphore_mem>>) src(%arg15 : memref<128x80xf32, #tpu.memory_space<vmem>>) dst(%dma_wait3A_416 : memref<10240x80xf32, #tpu.memory_space<vmem_shared>>)
        tpu.yield
      }) : () -> ()
      %mul3A_222 = arith.constant 2 : i32
      %mul3A_223 = arith.muli %scan3A_48, %mul3A_222 : i32
      %add3A_224 = arith.constant 1 : i32
      %add3A_225 = arith.addi %mul3A_223, %add3A_224 : i32
      %add3A_226 = arith.constant 1 : i32
      %add3A_227 = arith.addi %add3A_225, %add3A_226 : i32
      %lt3A_228 = arith.constant 88 : i32
      %lt3A_229 = arith.cmpi slt, %add3A_227, %lt3A_228 : i32
      %convert_element_type3A_230 = arith.extui %lt3A_229 : i1 to i32
      %cond3A_231 = arith.constant 0 : i32
      %cond3A_232 = arith.cmpi ne, %convert_element_type3A_230, %cond3A_231 : i32
      scf.if %cond3A_232 {
        %dma_start3A_405 = arith.constant 0 : i32
        %dma_start3A_406 = tpu.memref_slice %arg12[%add3A_227, %dma_start3A_405] : memref<88x128xi32, #tpu.memory_space<vmem>> -> memref<1x128xi32, #tpu.memory_space<vmem>>
        %dma_start3A_407 = tpu.memref_squeeze %dma_start3A_406 : memref<1x128xi32, #tpu.memory_space<vmem>> -> memref<128xi32, #tpu.memory_space<vmem>>
        %dma_start3A_408 = arith.constant 0 : i32
        %dma_start3A_409 = arith.constant 0 : i32
        %dma_start3A_410 = tpu.memref_slice %arg2[%dma_start3A_408, %dma_start3A_409] : memref<10240x80xf32, #tpu.memory_space<hbm>> -> memref<10240x80xf32, #tpu.memory_space<hbm>>
        tpu.enqueue_indirect_dma source(%dma_start3A_410 : memref<10240x80xf32, #tpu.memory_space<hbm>>) target(%arg15 : memref<128x80xf32, #tpu.memory_space<vmem>>) offsets(%dma_start3A_407 : memref<128xi32, #tpu.memory_space<vmem>>) semaphore(%arg17 : memref<!tpu.dma_semaphore, #tpu.memory_space<semaphore_mem>>)
      } else {
      }
      %get3A_233 = arith.index_cast %add3A_225 : i32 to index
      %get3A_234 = arith.constant 0 : index
      %get3A_235 = tpu.vector_load %arg12[%get3A_233, %get3A_234] {strides = array<i32>} : memref<88x128xi32, #tpu.memory_space<vmem>>, vector<16xi32>,
      %gather3A_236 = tpu.vector_load_idx %arg9[%get3A_235] : memref<10240xf32, #tpu.memory_space<vmem>>[vector<16xi32>], vector<16xf32>,
      %get3A_237 = arith.index_cast %add3A_225 : i32 to index
      %get3A_238 = arith.constant 0 : index
      %get3A_239 = tpu.vector_load %arg13[%get3A_237, %get3A_238] {strides = array<i32>} : memref<88x128xi32, #tpu.memory_space<vmem>>, vector<16xi32>,
      %gather3A_240 = tpu.vector_load_idx %arg10[%get3A_239] : memref<10240xf32, #tpu.memory_space<vmem>>[vector<16xi32>], vector<16xf32>,
      %add3A_241 = arith.addf %gather3A_236, %gather3A_240 : vector<16xf32>
      %ge3A_242 = arith.constant 0.000000e+00 : f32
      %ge3A_243 = vector.broadcast %ge3A_242 : f32 to vector<16xf32>
      %ge3A_244 = arith.cmpf oge, %add3A_241, %ge3A_243 : vector<16xf32>
      %mul3A_245 = arith.constant 2.000000e-01 : f32
      %mul3A_246 = vector.broadcast %mul3A_245 : f32 to vector<16xf32>
      %mul3A_247 = arith.mulf %mul3A_246, %add3A_241 : vector<16xf32>
      %select_n3A_248 = arith.select %ge3A_244, %add3A_241, %mul3A_247 : vector<16xi1>, vector<16xf32>
      %sub3A_249 = arith.subf %select_n3A_248, %get3A_30 : vector<16xf32>
      %exp3A_250 = math.exp %sub3A_249 : vector<16xf32>
      %swap3A_251 = arith.constant 0 : index
      %swap3A_252 = tpu.vector_load %arg14[%swap3A_251] {strides = array<i32>} : memref<128xf32, #tpu.memory_space<vmem>>, vector<16xf32>,
      tpu.vector_store %arg14[%swap3A_251], %exp3A_250 {strides = array<i32>} : memref<128xf32, #tpu.memory_space<vmem>>, vector<16xf32>,
      %get3A_253 = arith.index_cast %add3A_225 : i32 to index
      %get3A_254 = arith.constant 16 : index
      %get3A_255 = tpu.vector_load %arg12[%get3A_253, %get3A_254] {strides = array<i32>} : memref<88x128xi32, #tpu.memory_space<vmem>>, vector<16xi32>,
      %gather3A_256 = tpu.vector_load_idx %arg9[%get3A_255] : memref<10240xf32, #tpu.memory_space<vmem>>[vector<16xi32>], vector<16xf32>,
      %get3A_257 = arith.index_cast %add3A_225 : i32 to index
      %get3A_258 = arith.constant 16 : index
      %get3A_259 = tpu.vector_load %arg13[%get3A_257, %get3A_258] {strides = array<i32>} : memref<88x128xi32, #tpu.memory_space<vmem>>, vector<16xi32>,
      %gather3A_260 = tpu.vector_load_idx %arg10[%get3A_259] : memref<10240xf32, #tpu.memory_space<vmem>>[vector<16xi32>], vector<16xf32>,
      %add3A_261 = arith.addf %gather3A_256, %gather3A_260 : vector<16xf32>
      %ge3A_262 = arith.constant 0.000000e+00 : f32
      %ge3A_263 = vector.broadcast %ge3A_262 : f32 to vector<16xf32>
      %ge3A_264 = arith.cmpf oge, %add3A_261, %ge3A_263 : vector<16xf32>
      %mul3A_265 = arith.constant 2.000000e-01 : f32
      %mul3A_266 = vector.broadcast %mul3A_265 : f32 to vector<16xf32>
      %mul3A_267 = arith.mulf %mul3A_266, %add3A_261 : vector<16xf32>
      %select_n3A_268 = arith.select %ge3A_264, %add3A_261, %mul3A_267 : vector<16xi1>, vector<16xf32>
      %sub3A_269 = arith.subf %select_n3A_268, %get3A_30 : vector<16xf32>
      %exp3A_270 = math.exp %sub3A_269 : vector<16xf32>
      %swap3A_271 = arith.constant 16 : index
      %swap3A_272 = tpu.vector_load %arg14[%swap3A_271] {strides = array<i32>} : memref<128xf32, #tpu.memory_space<vmem>>, vector<16xf32>,
      tpu.vector_store %arg14[%swap3A_271], %exp3A_270 {strides = array<i32>} : memref<128xf32, #tpu.memory_space<vmem>>, vector<16xf32>,
      %get3A_273 = arith.index_cast %add3A_225 : i32 to index
      %get3A_274 = arith.constant 32 : index
      %get3A_275 = tpu.vector_load %arg12[%get3A_273, %get3A_274] {strides = array<i32>} : memref<88x128xi32, #tpu.memory_space<vmem>>, vector<16xi32>,
      %gather3A_276 = tpu.vector_load_idx %arg9[%get3A_275] : memref<10240xf32, #tpu.memory_space<vmem>>[vector<16xi32>], vector<16xf32>,
      %get3A_277 = arith.index_cast %add3A_225 : i32 to index
      %get3A_278 = arith.constant 32 : index
      %get3A_279 = tpu.vector_load %arg13[%get3A_277, %get3A_278] {strides = array<i32>} : memref<88x128xi32, #tpu.memory_space<vmem>>, vector<16xi32>,
      %gather3A_280 = tpu.vector_load_idx %arg10[%get3A_279] : memref<10240xf32, #tpu.memory_space<vmem>>[vector<16xi32>], vector<16xf32>,
      %add3A_281 = arith.addf %gather3A_276, %gather3A_280 : vector<16xf32>
      %ge3A_282 = arith.constant 0.000000e+00 : f32
      %ge3A_283 = vector.broadcast %ge3A_282 : f32 to vector<16xf32>
      %ge3A_284 = arith.cmpf oge, %add3A_281, %ge3A_283 : vector<16xf32>
      %mul3A_285 = arith.constant 2.000000e-01 : f32
      %mul3A_286 = vector.broadcast %mul3A_285 : f32 to vector<16xf32>
      %mul3A_287 = arith.mulf %mul3A_286, %add3A_281 : vector<16xf32>
      %select_n3A_288 = arith.select %ge3A_284, %add3A_281, %mul3A_287 : vector<16xi1>, vector<16xf32>
      %sub3A_289 = arith.subf %select_n3A_288, %get3A_30 : vector<16xf32>
      %exp3A_290 = math.exp %sub3A_289 : vector<16xf32>
      %swap3A_291 = arith.constant 32 : index
      %swap3A_292 = tpu.vector_load %arg14[%swap3A_291] {strides = array<i32>} : memref<128xf32, #tpu.memory_space<vmem>>, vector<16xf32>,
      tpu.vector_store %arg14[%swap3A_291], %exp3A_290 {strides = array<i32>} : memref<128xf32, #tpu.memory_space<vmem>>, vector<16xf32>,
      %get3A_293 = arith.index_cast %add3A_225 : i32 to index
      %get3A_294 = arith.constant 48 : index
      %get3A_295 = tpu.vector_load %arg12[%get3A_293, %get3A_294] {strides = array<i32>} : memref<88x128xi32, #tpu.memory_space<vmem>>, vector<16xi32>,
      %gather3A_296 = tpu.vector_load_idx %arg9[%get3A_295] : memref<10240xf32, #tpu.memory_space<vmem>>[vector<16xi32>], vector<16xf32>,
      %get3A_297 = arith.index_cast %add3A_225 : i32 to index
      %get3A_298 = arith.constant 48 : index
      %get3A_299 = tpu.vector_load %arg13[%get3A_297, %get3A_298] {strides = array<i32>} : memref<88x128xi32, #tpu.memory_space<vmem>>, vector<16xi32>,
      %gather3A_300 = tpu.vector_load_idx %arg10[%get3A_299] : memref<10240xf32, #tpu.memory_space<vmem>>[vector<16xi32>], vector<16xf32>,
      %add3A_301 = arith.addf %gather3A_296, %gather3A_300 : vector<16xf32>
      %ge3A_302 = arith.constant 0.000000e+00 : f32
      %ge3A_303 = vector.broadcast %ge3A_302 : f32 to vector<16xf32>
      %ge3A_304 = arith.cmpf oge, %add3A_301, %ge3A_303 : vector<16xf32>
      %mul3A_305 = arith.constant 2.000000e-01 : f32
      %mul3A_306 = vector.broadcast %mul3A_305 : f32 to vector<16xf32>
      %mul3A_307 = arith.mulf %mul3A_306, %add3A_301 : vector<16xf32>
      %select_n3A_308 = arith.select %ge3A_304, %add3A_301, %mul3A_307 : vector<16xi1>, vector<16xf32>
      %sub3A_309 = arith.subf %select_n3A_308, %get3A_30 : vector<16xf32>
      %exp3A_310 = math.exp %sub3A_309 : vector<16xf32>
      %swap3A_311 = arith.constant 48 : index
      %swap3A_312 = tpu.vector_load %arg14[%swap3A_311] {strides = array<i32>} : memref<128xf32, #tpu.memory_space<vmem>>, vector<16xf32>,
      tpu.vector_store %arg14[%swap3A_311], %exp3A_310 {strides = array<i32>} : memref<128xf32, #tpu.memory_space<vmem>>, vector<16xf32>,
      %get3A_313 = arith.index_cast %add3A_225 : i32 to index
      %get3A_314 = arith.constant 64 : index
      %get3A_315 = tpu.vector_load %arg12[%get3A_313, %get3A_314] {strides = array<i32>} : memref<88x128xi32, #tpu.memory_space<vmem>>, vector<16xi32>,
      %gather3A_316 = tpu.vector_load_idx %arg9[%get3A_315] : memref<10240xf32, #tpu.memory_space<vmem>>[vector<16xi32>], vector<16xf32>,
      %get3A_317 = arith.index_cast %add3A_225 : i32 to index
      %get3A_318 = arith.constant 64 : index
      %get3A_319 = tpu.vector_load %arg13[%get3A_317, %get3A_318] {strides = array<i32>} : memref<88x128xi32, #tpu.memory_space<vmem>>, vector<16xi32>,
      %gather3A_320 = tpu.vector_load_idx %arg10[%get3A_319] : memref<10240xf32, #tpu.memory_space<vmem>>[vector<16xi32>], vector<16xf32>,
      %add3A_321 = arith.addf %gather3A_316, %gather3A_320 : vector<16xf32>
      %ge3A_322 = arith.constant 0.000000e+00 : f32
      %ge3A_323 = vector.broadcast %ge3A_322 : f32 to vector<16xf32>
      %ge3A_324 = arith.cmpf oge, %add3A_321, %ge3A_323 : vector<16xf32>
      %mul3A_325 = arith.constant 2.000000e-01 : f32
      %mul3A_326 = vector.broadcast %mul3A_325 : f32 to vector<16xf32>
      %mul3A_327 = arith.mulf %mul3A_326, %add3A_321 : vector<16xf32>
      %select_n3A_328 = arith.select %ge3A_324, %add3A_321, %mul3A_327 : vector<16xi1>, vector<16xf32>
      %sub3A_329 = arith.subf %select_n3A_328, %get3A_30 : vector<16xf32>
      %exp3A_330 = math.exp %sub3A_329 : vector<16xf32>
      %swap3A_331 = arith.constant 64 : index
      %swap3A_332 = tpu.vector_load %arg14[%swap3A_331] {strides = array<i32>} : memref<128xf32, #tpu.memory_space<vmem>>, vector<16xf32>,
      tpu.vector_store %arg14[%swap3A_331], %exp3A_330 {strides = array<i32>} : memref<128xf32, #tpu.memory_space<vmem>>, vector<16xf32>,
      %get3A_333 = arith.index_cast %add3A_225 : i32 to index
      %get3A_334 = arith.constant 80 : index
      %get3A_335 = tpu.vector_load %arg12[%get3A_333, %get3A_334] {strides = array<i32>} : memref<88x128xi32, #tpu.memory_space<vmem>>, vector<16xi32>,
      %gather3A_336 = tpu.vector_load_idx %arg9[%get3A_335] : memref<10240xf32, #tpu.memory_space<vmem>>[vector<16xi32>], vector<16xf32>,
      %get3A_337 = arith.index_cast %add3A_225 : i32 to index
      %get3A_338 = arith.constant 80 : index
      %get3A_339 = tpu.vector_load %arg13[%get3A_337, %get3A_338] {strides = array<i32>} : memref<88x128xi32, #tpu.memory_space<vmem>>, vector<16xi32>,
      %gather3A_340 = tpu.vector_load_idx %arg10[%get3A_339] : memref<10240xf32, #tpu.memory_space<vmem>>[vector<16xi32>], vector<16xf32>,
      %add3A_341 = arith.addf %gather3A_336, %gather3A_340 : vector<16xf32>
      %ge3A_342 = arith.constant 0.000000e+00 : f32
      %ge3A_343 = vector.broadcast %ge3A_342 : f32 to vector<16xf32>
      %ge3A_344 = arith.cmpf oge, %add3A_341, %ge3A_343 : vector<16xf32>
      %mul3A_345 = arith.constant 2.000000e-01 : f32
      %mul3A_346 = vector.broadcast %mul3A_345 : f32 to vector<16xf32>
      %mul3A_347 = arith.mulf %mul3A_346, %add3A_341 : vector<16xf32>
      %select_n3A_348 = arith.select %ge3A_344, %add3A_341, %mul3A_347 : vector<16xi1>, vector<16xf32>
      %sub3A_349 = arith.subf %select_n3A_348, %get3A_30 : vector<16xf32>
      %exp3A_350 = math.exp %sub3A_349 : vector<16xf32>
      %swap3A_351 = arith.constant 80 : index
      %swap3A_352 = tpu.vector_load %arg14[%swap3A_351] {strides = array<i32>} : memref<128xf32, #tpu.memory_space<vmem>>, vector<16xf32>,
      tpu.vector_store %arg14[%swap3A_351], %exp3A_350 {strides = array<i32>} : memref<128xf32, #tpu.memory_space<vmem>>, vector<16xf32>,
      %get3A_353 = arith.index_cast %add3A_225 : i32 to index
      %get3A_354 = arith.constant 96 : index
      %get3A_355 = tpu.vector_load %arg12[%get3A_353, %get3A_354] {strides = array<i32>} : memref<88x128xi32, #tpu.memory_space<vmem>>, vector<16xi32>,
      %gather3A_356 = tpu.vector_load_idx %arg9[%get3A_355] : memref<10240xf32, #tpu.memory_space<vmem>>[vector<16xi32>], vector<16xf32>,
      %get3A_357 = arith.index_cast %add3A_225 : i32 to index
      %get3A_358 = arith.constant 96 : index
      %get3A_359 = tpu.vector_load %arg13[%get3A_357, %get3A_358] {strides = array<i32>} : memref<88x128xi32, #tpu.memory_space<vmem>>, vector<16xi32>,
      %gather3A_360 = tpu.vector_load_idx %arg10[%get3A_359] : memref<10240xf32, #tpu.memory_space<vmem>>[vector<16xi32>], vector<16xf32>,
      %add3A_361 = arith.addf %gather3A_356, %gather3A_360 : vector<16xf32>
      %ge3A_362 = arith.constant 0.000000e+00 : f32
      %ge3A_363 = vector.broadcast %ge3A_362 : f32 to vector<16xf32>
      %ge3A_364 = arith.cmpf oge, %add3A_361, %ge3A_363 : vector<16xf32>
      %mul3A_365 = arith.constant 2.000000e-01 : f32
      %mul3A_366 = vector.broadcast %mul3A_365 : f32 to vector<16xf32>
      %mul3A_367 = arith.mulf %mul3A_366, %add3A_361 : vector<16xf32>
      %select_n3A_368 = arith.select %ge3A_364, %add3A_361, %mul3A_367 : vector<16xi1>, vector<16xf32>
      %sub3A_369 = arith.subf %select_n3A_368, %get3A_30 : vector<16xf32>
      %exp3A_370 = math.exp %sub3A_369 : vector<16xf32>
      %swap3A_371 = arith.constant 96 : index
      %swap3A_372 = tpu.vector_load %arg14[%swap3A_371] {strides = array<i32>} : memref<128xf32, #tpu.memory_space<vmem>>, vector<16xf32>,
      tpu.vector_store %arg14[%swap3A_371], %exp3A_370 {strides = array<i32>} : memref<128xf32, #tpu.memory_space<vmem>>, vector<16xf32>,
      %get3A_373 = arith.index_cast %add3A_225 : i32 to index
      %get3A_374 = arith.constant 112 : index
      %get3A_375 = tpu.vector_load %arg12[%get3A_373, %get3A_374] {strides = array<i32>} : memref<88x128xi32, #tpu.memory_space<vmem>>, vector<16xi32>,
      %gather3A_376 = tpu.vector_load_idx %arg9[%get3A_375] : memref<10240xf32, #tpu.memory_space<vmem>>[vector<16xi32>], vector<16xf32>,
      %get3A_377 = arith.index_cast %add3A_225 : i32 to index
      %get3A_378 = arith.constant 112 : index
      %get3A_379 = tpu.vector_load %arg13[%get3A_377, %get3A_378] {strides = array<i32>} : memref<88x128xi32, #tpu.memory_space<vmem>>, vector<16xi32>,
      %gather3A_380 = tpu.vector_load_idx %arg10[%get3A_379] : memref<10240xf32, #tpu.memory_space<vmem>>[vector<16xi32>], vector<16xf32>,
      %add3A_381 = arith.addf %gather3A_376, %gather3A_380 : vector<16xf32>
      %ge3A_382 = arith.constant 0.000000e+00 : f32
      %ge3A_383 = vector.broadcast %ge3A_382 : f32 to vector<16xf32>
      %ge3A_384 = arith.cmpf oge, %add3A_381, %ge3A_383 : vector<16xf32>
      %mul3A_385 = arith.constant 2.000000e-01 : f32
      %mul3A_386 = vector.broadcast %mul3A_385 : f32 to vector<16xf32>
      %mul3A_387 = arith.mulf %mul3A_386, %add3A_381 : vector<16xf32>
      %select_n3A_388 = arith.select %ge3A_384, %add3A_381, %mul3A_387 : vector<16xi1>, vector<16xf32>
      %sub3A_389 = arith.subf %select_n3A_388, %get3A_30 : vector<16xf32>
      %exp3A_390 = math.exp %sub3A_389 : vector<16xf32>
      %swap3A_391 = arith.constant 112 : index
      %swap3A_392 = tpu.vector_load %arg14[%swap3A_391] {strides = array<i32>} : memref<128xf32, #tpu.memory_space<vmem>>, vector<16xf32>,
      tpu.vector_store %arg14[%swap3A_391], %exp3A_390 {strides = array<i32>} : memref<128xf32, #tpu.memory_space<vmem>>, vector<16xf32>,
      %dma_wait3A_393 = arith.constant 0 : i32
      %dma_wait3A_394 = tpu.memref_slice %arg12[%add3A_225, %dma_wait3A_393] : memref<88x128xi32, #tpu.memory_space<vmem>> -> memref<1x128xi32, #tpu.memory_space<vmem>>
      %dma_wait3A_395 = tpu.memref_squeeze %dma_wait3A_394 : memref<1x128xi32, #tpu.memory_space<vmem>> -> memref<128xi32, #tpu.memory_space<vmem>>
      %dma_wait3A_396 = arith.constant 0 : i32
      %dma_wait3A_397 = arith.constant 0 : i32
      %dma_wait3A_398 = tpu.memref_slice %arg2[%dma_wait3A_396, %dma_wait3A_397] : memref<10240x80xf32, #tpu.memory_space<hbm>> -> memref<10240x80xf32, #tpu.memory_space<hbm>>
      tpu.wait_indirect_dma semaphore(%arg18 : memref<!tpu.dma_semaphore, #tpu.memory_space<semaphore_mem>>) src(%dma_wait3A_398 : memref<10240x80xf32, #tpu.memory_space<hbm>>) dst(%arg16 : memref<128x80xf32, #tpu.memory_space<vmem>>)
      %scan3A_399 = arith.constant 0 : i32
      %scan3A_400 = arith.constant 0 : i32
      %scan3A_401 = arith.constant 16 : i32
      %scan3A_402 = arith.addi %scan3A_400, %scan3A_401 : i32
      %scan3A_403 = arith.constant 1 : i32
      scf.for %scan3A_405 = %scan3A_400 to %scan3A_402 step %scan3A_403  : i32 {
        %mul3A_406 = arith.constant 8 : i32
        %mul3A_407 = arith.muli %scan3A_405, %mul3A_406 : i32
        %add3A_408 = arith.constant 0 : i32
        %add3A_409 = arith.addi %mul3A_407, %add3A_408 : i32
        %broadcast_in_dim3A = vector.broadcast %add3A_409 : i32 to vector<16xi32>
        %gather3A_410 = tpu.vector_load_idx %arg14[%broadcast_in_dim3A] : memref<128xf32, #tpu.memory_space<vmem>>[vector<16xi32>], vector<16xf32>,
        %get3A_411 = arith.index_cast %add3A_409 : i32 to index
        %get3A_412 = arith.constant 0 : index
        %get3A_413 = tpu.vector_load %arg16[%get3A_411, %get3A_412] {strides = array<i32>} : memref<128x80xf32, #tpu.memory_space<vmem>>, vector<16xf32>,
        %mul3A_414 = arith.mulf %get3A_413, %gather3A_410 : vector<16xf32>
        %swap3A_415 = arith.index_cast %add3A_409 : i32 to index
        %swap3A_416 = arith.constant 0 : index
        %swap3A_417 = tpu.vector_load %arg16[%swap3A_415, %swap3A_416] {strides = array<i32>} : memref<128x80xf32, #tpu.memory_space<vmem>>, vector<16xf32>,
        tpu.vector_store %arg16[%swap3A_415, %swap3A_416], %mul3A_414 {strides = array<i32>} : memref<128x80xf32, #tpu.memory_space<vmem>>, vector<16xf32>,
        %get3A_418 = arith.index_cast %add3A_409 : i32 to index
        %get3A_419 = arith.constant 16 : index
        %get3A_420 = tpu.vector_load %arg16[%get3A_418, %get3A_419] {strides = array<i32>} : memref<128x80xf32, #tpu.memory_space<vmem>>, vector<16xf32>,
        %mul3A_421 = arith.mulf %get3A_420, %gather3A_410 : vector<16xf32>
        %swap3A_422 = arith.index_cast %add3A_409 : i32 to index
        %swap3A_423 = arith.constant 16 : index
        %swap3A_424 = tpu.vector_load %arg16[%swap3A_422, %swap3A_423] {strides = array<i32>} : memref<128x80xf32, #tpu.memory_space<vmem>>, vector<16xf32>,
        tpu.vector_store %arg16[%swap3A_422, %swap3A_423], %mul3A_421 {strides = array<i32>} : memref<128x80xf32, #tpu.memory_space<vmem>>, vector<16xf32>,
        %get3A_425 = arith.index_cast %add3A_409 : i32 to index
        %get3A_426 = arith.constant 32 : index
        %get3A_427 = tpu.vector_load %arg16[%get3A_425, %get3A_426] {strides = array<i32>} : memref<128x80xf32, #tpu.memory_space<vmem>>, vector<16xf32>,
        %mul3A_428 = arith.mulf %get3A_427, %gather3A_410 : vector<16xf32>
        %swap3A_429 = arith.index_cast %add3A_409 : i32 to index
        %swap3A_430 = arith.constant 32 : index
        %swap3A_431 = tpu.vector_load %arg16[%swap3A_429, %swap3A_430] {strides = array<i32>} : memref<128x80xf32, #tpu.memory_space<vmem>>, vector<16xf32>,
        tpu.vector_store %arg16[%swap3A_429, %swap3A_430], %mul3A_428 {strides = array<i32>} : memref<128x80xf32, #tpu.memory_space<vmem>>, vector<16xf32>,
        %get3A_432 = arith.index_cast %add3A_409 : i32 to index
        %get3A_433 = arith.constant 48 : index
        %get3A_434 = tpu.vector_load %arg16[%get3A_432, %get3A_433] {strides = array<i32>} : memref<128x80xf32, #tpu.memory_space<vmem>>, vector<16xf32>,
        %mul3A_435 = arith.mulf %get3A_434, %gather3A_410 : vector<16xf32>
        %swap3A_436 = arith.index_cast %add3A_409 : i32 to index
        %swap3A_437 = arith.constant 48 : index
        %swap3A_438 = tpu.vector_load %arg16[%swap3A_436, %swap3A_437] {strides = array<i32>} : memref<128x80xf32, #tpu.memory_space<vmem>>, vector<16xf32>,
        tpu.vector_store %arg16[%swap3A_436, %swap3A_437], %mul3A_435 {strides = array<i32>} : memref<128x80xf32, #tpu.memory_space<vmem>>, vector<16xf32>,
        %get3A_439 = arith.index_cast %add3A_409 : i32 to index
        %get3A_440 = arith.constant 64 : index
        %get3A_441 = tpu.vector_load %arg16[%get3A_439, %get3A_440] {strides = array<i32>} : memref<128x80xf32, #tpu.memory_space<vmem>>, vector<16xf32>,
        %mul3A_442 = arith.mulf %get3A_441, %gather3A_410 : vector<16xf32>
        %swap3A_443 = arith.index_cast %add3A_409 : i32 to index
        %swap3A_444 = arith.constant 64 : index
        %swap3A_445 = tpu.vector_load %arg16[%swap3A_443, %swap3A_444] {strides = array<i32>} : memref<128x80xf32, #tpu.memory_space<vmem>>, vector<16xf32>,
        tpu.vector_store %arg16[%swap3A_443, %swap3A_444], %mul3A_442 {strides = array<i32>} : memref<128x80xf32, #tpu.memory_space<vmem>>, vector<16xf32>,
        %mul3A_446 = arith.constant 8 : i32
        %mul3A_447 = arith.muli %scan3A_405, %mul3A_446 : i32
        %add3A_448 = arith.constant 1 : i32
        %add3A_449 = arith.addi %mul3A_447, %add3A_448 : i32
        %broadcast_in_dim3A_450 = vector.broadcast %add3A_449 : i32 to vector<16xi32>
        %gather3A_451 = tpu.vector_load_idx %arg14[%broadcast_in_dim3A_450] : memref<128xf32, #tpu.memory_space<vmem>>[vector<16xi32>], vector<16xf32>,
        %get3A_452 = arith.index_cast %add3A_449 : i32 to index
        %get3A_453 = arith.constant 0 : index
        %get3A_454 = tpu.vector_load %arg16[%get3A_452, %get3A_453] {strides = array<i32>} : memref<128x80xf32, #tpu.memory_space<vmem>>, vector<16xf32>,
        %mul3A_455 = arith.mulf %get3A_454, %gather3A_451 : vector<16xf32>
        %swap3A_456 = arith.index_cast %add3A_449 : i32 to index
        %swap3A_457 = arith.constant 0 : index
        %swap3A_458 = tpu.vector_load %arg16[%swap3A_456, %swap3A_457] {strides = array<i32>} : memref<128x80xf32, #tpu.memory_space<vmem>>, vector<16xf32>,
        tpu.vector_store %arg16[%swap3A_456, %swap3A_457], %mul3A_455 {strides = array<i32>} : memref<128x80xf32, #tpu.memory_space<vmem>>, vector<16xf32>,
        %get3A_459 = arith.index_cast %add3A_449 : i32 to index
        %get3A_460 = arith.constant 16 : index
        %get3A_461 = tpu.vector_load %arg16[%get3A_459, %get3A_460] {strides = array<i32>} : memref<128x80xf32, #tpu.memory_space<vmem>>, vector<16xf32>,
        %mul3A_462 = arith.mulf %get3A_461, %gather3A_451 : vector<16xf32>
        %swap3A_463 = arith.index_cast %add3A_449 : i32 to index
        %swap3A_464 = arith.constant 16 : index
        %swap3A_465 = tpu.vector_load %arg16[%swap3A_463, %swap3A_464] {strides = array<i32>} : memref<128x80xf32, #tpu.memory_space<vmem>>, vector<16xf32>,
        tpu.vector_store %arg16[%swap3A_463, %swap3A_464], %mul3A_462 {strides = array<i32>} : memref<128x80xf32, #tpu.memory_space<vmem>>, vector<16xf32>,
        %get3A_466 = arith.index_cast %add3A_449 : i32 to index
        %get3A_467 = arith.constant 32 : index
        %get3A_468 = tpu.vector_load %arg16[%get3A_466, %get3A_467] {strides = array<i32>} : memref<128x80xf32, #tpu.memory_space<vmem>>, vector<16xf32>,
        %mul3A_469 = arith.mulf %get3A_468, %gather3A_451 : vector<16xf32>
        %swap3A_470 = arith.index_cast %add3A_449 : i32 to index
        %swap3A_471 = arith.constant 32 : index
        %swap3A_472 = tpu.vector_load %arg16[%swap3A_470, %swap3A_471] {strides = array<i32>} : memref<128x80xf32, #tpu.memory_space<vmem>>, vector<16xf32>,
        tpu.vector_store %arg16[%swap3A_470, %swap3A_471], %mul3A_469 {strides = array<i32>} : memref<128x80xf32, #tpu.memory_space<vmem>>, vector<16xf32>,
        %get3A_473 = arith.index_cast %add3A_449 : i32 to index
        %get3A_474 = arith.constant 48 : index
        %get3A_475 = tpu.vector_load %arg16[%get3A_473, %get3A_474] {strides = array<i32>} : memref<128x80xf32, #tpu.memory_space<vmem>>, vector<16xf32>,
        %mul3A_476 = arith.mulf %get3A_475, %gather3A_451 : vector<16xf32>
        %swap3A_477 = arith.index_cast %add3A_449 : i32 to index
        %swap3A_478 = arith.constant 48 : index
        %swap3A_479 = tpu.vector_load %arg16[%swap3A_477, %swap3A_478] {strides = array<i32>} : memref<128x80xf32, #tpu.memory_space<vmem>>, vector<16xf32>,
        tpu.vector_store %arg16[%swap3A_477, %swap3A_478], %mul3A_476 {strides = array<i32>} : memref<128x80xf32, #tpu.memory_space<vmem>>, vector<16xf32>,
        %get3A_480 = arith.index_cast %add3A_449 : i32 to index
        %get3A_481 = arith.constant 64 : index
        %get3A_482 = tpu.vector_load %arg16[%get3A_480, %get3A_481] {strides = array<i32>} : memref<128x80xf32, #tpu.memory_space<vmem>>, vector<16xf32>,
        %mul3A_483 = arith.mulf %get3A_482, %gather3A_451 : vector<16xf32>
        %swap3A_484 = arith.index_cast %add3A_449 : i32 to index
        %swap3A_485 = arith.constant 64 : index
        %swap3A_486 = tpu.vector_load %arg16[%swap3A_484, %swap3A_485] {strides = array<i32>} : memref<128x80xf32, #tpu.memory_space<vmem>>, vector<16xf32>,
        tpu.vector_store %arg16[%swap3A_484, %swap3A_485], %mul3A_483 {strides = array<i32>} : memref<128x80xf32, #tpu.memory_space<vmem>>, vector<16xf32>,
        %mul3A_487 = arith.constant 8 : i32
        %mul3A_488 = arith.muli %scan3A_405, %mul3A_487 : i32
        %add3A_489 = arith.constant 2 : i32
        %add3A_490 = arith.addi %mul3A_488, %add3A_489 : i32
        %broadcast_in_dim3A_491 = vector.broadcast %add3A_490 : i32 to vector<16xi32>
        %gather3A_492 = tpu.vector_load_idx %arg14[%broadcast_in_dim3A_491] : memref<128xf32, #tpu.memory_space<vmem>>[vector<16xi32>], vector<16xf32>,
        %get3A_493 = arith.index_cast %add3A_490 : i32 to index
        %get3A_494 = arith.constant 0 : index
        %get3A_495 = tpu.vector_load %arg16[%get3A_493, %get3A_494] {strides = array<i32>} : memref<128x80xf32, #tpu.memory_space<vmem>>, vector<16xf32>,
        %mul3A_496 = arith.mulf %get3A_495, %gather3A_492 : vector<16xf32>
        %swap3A_497 = arith.index_cast %add3A_490 : i32 to index
        %swap3A_498 = arith.constant 0 : index
        %swap3A_499 = tpu.vector_load %arg16[%swap3A_497, %swap3A_498] {strides = array<i32>} : memref<128x80xf32, #tpu.memory_space<vmem>>, vector<16xf32>,
        tpu.vector_store %arg16[%swap3A_497, %swap3A_498], %mul3A_496 {strides = array<i32>} : memref<128x80xf32, #tpu.memory_space<vmem>>, vector<16xf32>,
        %get3A_500 = arith.index_cast %add3A_490 : i32 to index
        %get3A_501 = arith.constant 16 : index
        %get3A_502 = tpu.vector_load %arg16[%get3A_500, %get3A_501] {strides = array<i32>} : memref<128x80xf32, #tpu.memory_space<vmem>>, vector<16xf32>,
        %mul3A_503 = arith.mulf %get3A_502, %gather3A_492 : vector<16xf32>
        %swap3A_504 = arith.index_cast %add3A_490 : i32 to index
        %swap3A_505 = arith.constant 16 : index
        %swap3A_506 = tpu.vector_load %arg16[%swap3A_504, %swap3A_505] {strides = array<i32>} : memref<128x80xf32, #tpu.memory_space<vmem>>, vector<16xf32>,
        tpu.vector_store %arg16[%swap3A_504, %swap3A_505], %mul3A_503 {strides = array<i32>} : memref<128x80xf32, #tpu.memory_space<vmem>>, vector<16xf32>,
        %get3A_507 = arith.index_cast %add3A_490 : i32 to index
        %get3A_508 = arith.constant 32 : index
        %get3A_509 = tpu.vector_load %arg16[%get3A_507, %get3A_508] {strides = array<i32>} : memref<128x80xf32, #tpu.memory_space<vmem>>, vector<16xf32>,
        %mul3A_510 = arith.mulf %get3A_509, %gather3A_492 : vector<16xf32>
        %swap3A_511 = arith.index_cast %add3A_490 : i32 to index
        %swap3A_512 = arith.constant 32 : index
        %swap3A_513 = tpu.vector_load %arg16[%swap3A_511, %swap3A_512] {strides = array<i32>} : memref<128x80xf32, #tpu.memory_space<vmem>>, vector<16xf32>,
        tpu.vector_store %arg16[%swap3A_511, %swap3A_512], %mul3A_510 {strides = array<i32>} : memref<128x80xf32, #tpu.memory_space<vmem>>, vector<16xf32>,
        %get3A_514 = arith.index_cast %add3A_490 : i32 to index
        %get3A_515 = arith.constant 48 : index
        %get3A_516 = tpu.vector_load %arg16[%get3A_514, %get3A_515] {strides = array<i32>} : memref<128x80xf32, #tpu.memory_space<vmem>>, vector<16xf32>,
        %mul3A_517 = arith.mulf %get3A_516, %gather3A_492 : vector<16xf32>
        %swap3A_518 = arith.index_cast %add3A_490 : i32 to index
        %swap3A_519 = arith.constant 48 : index
        %swap3A_520 = tpu.vector_load %arg16[%swap3A_518, %swap3A_519] {strides = array<i32>} : memref<128x80xf32, #tpu.memory_space<vmem>>, vector<16xf32>,
        tpu.vector_store %arg16[%swap3A_518, %swap3A_519], %mul3A_517 {strides = array<i32>} : memref<128x80xf32, #tpu.memory_space<vmem>>, vector<16xf32>,
        %get3A_521 = arith.index_cast %add3A_490 : i32 to index
        %get3A_522 = arith.constant 64 : index
        %get3A_523 = tpu.vector_load %arg16[%get3A_521, %get3A_522] {strides = array<i32>} : memref<128x80xf32, #tpu.memory_space<vmem>>, vector<16xf32>,
        %mul3A_524 = arith.mulf %get3A_523, %gather3A_492 : vector<16xf32>
        %swap3A_525 = arith.index_cast %add3A_490 : i32 to index
        %swap3A_526 = arith.constant 64 : index
        %swap3A_527 = tpu.vector_load %arg16[%swap3A_525, %swap3A_526] {strides = array<i32>} : memref<128x80xf32, #tpu.memory_space<vmem>>, vector<16xf32>,
        tpu.vector_store %arg16[%swap3A_525, %swap3A_526], %mul3A_524 {strides = array<i32>} : memref<128x80xf32, #tpu.memory_space<vmem>>, vector<16xf32>,
        %mul3A_528 = arith.constant 8 : i32
        %mul3A_529 = arith.muli %scan3A_405, %mul3A_528 : i32
        %add3A_530 = arith.constant 3 : i32
        %add3A_531 = arith.addi %mul3A_529, %add3A_530 : i32
        %broadcast_in_dim3A_532 = vector.broadcast %add3A_531 : i32 to vector<16xi32>
        %gather3A_533 = tpu.vector_load_idx %arg14[%broadcast_in_dim3A_532] : memref<128xf32, #tpu.memory_space<vmem>>[vector<16xi32>], vector<16xf32>,
        %get3A_534 = arith.index_cast %add3A_531 : i32 to index
        %get3A_535 = arith.constant 0 : index
        %get3A_536 = tpu.vector_load %arg16[%get3A_534, %get3A_535] {strides = array<i32>} : memref<128x80xf32, #tpu.memory_space<vmem>>, vector<16xf32>,
        %mul3A_537 = arith.mulf %get3A_536, %gather3A_533 : vector<16xf32>
        %swap3A_538 = arith.index_cast %add3A_531 : i32 to index
        %swap3A_539 = arith.constant 0 : index
        %swap3A_540 = tpu.vector_load %arg16[%swap3A_538, %swap3A_539] {strides = array<i32>} : memref<128x80xf32, #tpu.memory_space<vmem>>, vector<16xf32>,
        tpu.vector_store %arg16[%swap3A_538, %swap3A_539], %mul3A_537 {strides = array<i32>} : memref<128x80xf32, #tpu.memory_space<vmem>>, vector<16xf32>,
        %get3A_541 = arith.index_cast %add3A_531 : i32 to index
        %get3A_542 = arith.constant 16 : index
        %get3A_543 = tpu.vector_load %arg16[%get3A_541, %get3A_542] {strides = array<i32>} : memref<128x80xf32, #tpu.memory_space<vmem>>, vector<16xf32>,
        %mul3A_544 = arith.mulf %get3A_543, %gather3A_533 : vector<16xf32>
        %swap3A_545 = arith.index_cast %add3A_531 : i32 to index
        %swap3A_546 = arith.constant 16 : index
        %swap3A_547 = tpu.vector_load %arg16[%swap3A_545, %swap3A_546] {strides = array<i32>} : memref<128x80xf32, #tpu.memory_space<vmem>>, vector<16xf32>,
        tpu.vector_store %arg16[%swap3A_545, %swap3A_546], %mul3A_544 {strides = array<i32>} : memref<128x80xf32, #tpu.memory_space<vmem>>, vector<16xf32>,
        %get3A_548 = arith.index_cast %add3A_531 : i32 to index
        %get3A_549 = arith.constant 32 : index
        %get3A_550 = tpu.vector_load %arg16[%get3A_548, %get3A_549] {strides = array<i32>} : memref<128x80xf32, #tpu.memory_space<vmem>>, vector<16xf32>,
        %mul3A_551 = arith.mulf %get3A_550, %gather3A_533 : vector<16xf32>
        %swap3A_552 = arith.index_cast %add3A_531 : i32 to index
        %swap3A_553 = arith.constant 32 : index
        %swap3A_554 = tpu.vector_load %arg16[%swap3A_552, %swap3A_553] {strides = array<i32>} : memref<128x80xf32, #tpu.memory_space<vmem>>, vector<16xf32>,
        tpu.vector_store %arg16[%swap3A_552, %swap3A_553], %mul3A_551 {strides = array<i32>} : memref<128x80xf32, #tpu.memory_space<vmem>>, vector<16xf32>,
        %get3A_555 = arith.index_cast %add3A_531 : i32 to index
        %get3A_556 = arith.constant 48 : index
        %get3A_557 = tpu.vector_load %arg16[%get3A_555, %get3A_556] {strides = array<i32>} : memref<128x80xf32, #tpu.memory_space<vmem>>, vector<16xf32>,
        %mul3A_558 = arith.mulf %get3A_557, %gather3A_533 : vector<16xf32>
        %swap3A_559 = arith.index_cast %add3A_531 : i32 to index
        %swap3A_560 = arith.constant 48 : index
        %swap3A_561 = tpu.vector_load %arg16[%swap3A_559, %swap3A_560] {strides = array<i32>} : memref<128x80xf32, #tpu.memory_space<vmem>>, vector<16xf32>,
        tpu.vector_store %arg16[%swap3A_559, %swap3A_560], %mul3A_558 {strides = array<i32>} : memref<128x80xf32, #tpu.memory_space<vmem>>, vector<16xf32>,
        %get3A_562 = arith.index_cast %add3A_531 : i32 to index
        %get3A_563 = arith.constant 64 : index
        %get3A_564 = tpu.vector_load %arg16[%get3A_562, %get3A_563] {strides = array<i32>} : memref<128x80xf32, #tpu.memory_space<vmem>>, vector<16xf32>,
        %mul3A_565 = arith.mulf %get3A_564, %gather3A_533 : vector<16xf32>
        %swap3A_566 = arith.index_cast %add3A_531 : i32 to index
        %swap3A_567 = arith.constant 64 : index
        %swap3A_568 = tpu.vector_load %arg16[%swap3A_566, %swap3A_567] {strides = array<i32>} : memref<128x80xf32, #tpu.memory_space<vmem>>, vector<16xf32>,
        tpu.vector_store %arg16[%swap3A_566, %swap3A_567], %mul3A_565 {strides = array<i32>} : memref<128x80xf32, #tpu.memory_space<vmem>>, vector<16xf32>,
        %mul3A_569 = arith.constant 8 : i32
        %mul3A_570 = arith.muli %scan3A_405, %mul3A_569 : i32
        %add3A_571 = arith.constant 4 : i32
        %add3A_572 = arith.addi %mul3A_570, %add3A_571 : i32
        %broadcast_in_dim3A_573 = vector.broadcast %add3A_572 : i32 to vector<16xi32>
        %gather3A_574 = tpu.vector_load_idx %arg14[%broadcast_in_dim3A_573] : memref<128xf32, #tpu.memory_space<vmem>>[vector<16xi32>], vector<16xf32>,
        %get3A_575 = arith.index_cast %add3A_572 : i32 to index
        %get3A_576 = arith.constant 0 : index
        %get3A_577 = tpu.vector_load %arg16[%get3A_575, %get3A_576] {strides = array<i32>} : memref<128x80xf32, #tpu.memory_space<vmem>>, vector<16xf32>,
        %mul3A_578 = arith.mulf %get3A_577, %gather3A_574 : vector<16xf32>
        %swap3A_579 = arith.index_cast %add3A_572 : i32 to index
        %swap3A_580 = arith.constant 0 : index
        %swap3A_581 = tpu.vector_load %arg16[%swap3A_579, %swap3A_580] {strides = array<i32>} : memref<128x80xf32, #tpu.memory_space<vmem>>, vector<16xf32>,
        tpu.vector_store %arg16[%swap3A_579, %swap3A_580], %mul3A_578 {strides = array<i32>} : memref<128x80xf32, #tpu.memory_space<vmem>>, vector<16xf32>,
        %get3A_582 = arith.index_cast %add3A_572 : i32 to index
        %get3A_583 = arith.constant 16 : index
        %get3A_584 = tpu.vector_load %arg16[%get3A_582, %get3A_583] {strides = array<i32>} : memref<128x80xf32, #tpu.memory_space<vmem>>, vector<16xf32>,
        %mul3A_585 = arith.mulf %get3A_584, %gather3A_574 : vector<16xf32>
        %swap3A_586 = arith.index_cast %add3A_572 : i32 to index
        %swap3A_587 = arith.constant 16 : index
        %swap3A_588 = tpu.vector_load %arg16[%swap3A_586, %swap3A_587] {strides = array<i32>} : memref<128x80xf32, #tpu.memory_space<vmem>>, vector<16xf32>,
        tpu.vector_store %arg16[%swap3A_586, %swap3A_587], %mul3A_585 {strides = array<i32>} : memref<128x80xf32, #tpu.memory_space<vmem>>, vector<16xf32>,
        %get3A_589 = arith.index_cast %add3A_572 : i32 to index
        %get3A_590 = arith.constant 32 : index
        %get3A_591 = tpu.vector_load %arg16[%get3A_589, %get3A_590] {strides = array<i32>} : memref<128x80xf32, #tpu.memory_space<vmem>>, vector<16xf32>,
        %mul3A_592 = arith.mulf %get3A_591, %gather3A_574 : vector<16xf32>
        %swap3A_593 = arith.index_cast %add3A_572 : i32 to index
        %swap3A_594 = arith.constant 32 : index
        %swap3A_595 = tpu.vector_load %arg16[%swap3A_593, %swap3A_594] {strides = array<i32>} : memref<128x80xf32, #tpu.memory_space<vmem>>, vector<16xf32>,
        tpu.vector_store %arg16[%swap3A_593, %swap3A_594], %mul3A_592 {strides = array<i32>} : memref<128x80xf32, #tpu.memory_space<vmem>>, vector<16xf32>,
        %get3A_596 = arith.index_cast %add3A_572 : i32 to index
        %get3A_597 = arith.constant 48 : index
        %get3A_598 = tpu.vector_load %arg16[%get3A_596, %get3A_597] {strides = array<i32>} : memref<128x80xf32, #tpu.memory_space<vmem>>, vector<16xf32>,
        %mul3A_599 = arith.mulf %get3A_598, %gather3A_574 : vector<16xf32>
        %swap3A_600 = arith.index_cast %add3A_572 : i32 to index
        %swap3A_601 = arith.constant 48 : index
        %swap3A_602 = tpu.vector_load %arg16[%swap3A_600, %swap3A_601] {strides = array<i32>} : memref<128x80xf32, #tpu.memory_space<vmem>>, vector<16xf32>,
        tpu.vector_store %arg16[%swap3A_600, %swap3A_601], %mul3A_599 {strides = array<i32>} : memref<128x80xf32, #tpu.memory_space<vmem>>, vector<16xf32>,
        %get3A_603 = arith.index_cast %add3A_572 : i32 to index
        %get3A_604 = arith.constant 64 : index
        %get3A_605 = tpu.vector_load %arg16[%get3A_603, %get3A_604] {strides = array<i32>} : memref<128x80xf32, #tpu.memory_space<vmem>>, vector<16xf32>,
        %mul3A_606 = arith.mulf %get3A_605, %gather3A_574 : vector<16xf32>
        %swap3A_607 = arith.index_cast %add3A_572 : i32 to index
        %swap3A_608 = arith.constant 64 : index
        %swap3A_609 = tpu.vector_load %arg16[%swap3A_607, %swap3A_608] {strides = array<i32>} : memref<128x80xf32, #tpu.memory_space<vmem>>, vector<16xf32>,
        tpu.vector_store %arg16[%swap3A_607, %swap3A_608], %mul3A_606 {strides = array<i32>} : memref<128x80xf32, #tpu.memory_space<vmem>>, vector<16xf32>,
        %mul3A_610 = arith.constant 8 : i32
        %mul3A_611 = arith.muli %scan3A_405, %mul3A_610 : i32
        %add3A_612 = arith.constant 5 : i32
        %add3A_613 = arith.addi %mul3A_611, %add3A_612 : i32
        %broadcast_in_dim3A_614 = vector.broadcast %add3A_613 : i32 to vector<16xi32>
        %gather3A_615 = tpu.vector_load_idx %arg14[%broadcast_in_dim3A_614] : memref<128xf32, #tpu.memory_space<vmem>>[vector<16xi32>], vector<16xf32>,
        %get3A_616 = arith.index_cast %add3A_613 : i32 to index
        %get3A_617 = arith.constant 0 : index
        %get3A_618 = tpu.vector_load %arg16[%get3A_616, %get3A_617] {strides = array<i32>} : memref<128x80xf32, #tpu.memory_space<vmem>>, vector<16xf32>,
        %mul3A_619 = arith.mulf %get3A_618, %gather3A_615 : vector<16xf32>
        %swap3A_620 = arith.index_cast %add3A_613 : i32 to index
        %swap3A_621 = arith.constant 0 : index
        %swap3A_622 = tpu.vector_load %arg16[%swap3A_620, %swap3A_621] {strides = array<i32>} : memref<128x80xf32, #tpu.memory_space<vmem>>, vector<16xf32>,
        tpu.vector_store %arg16[%swap3A_620, %swap3A_621], %mul3A_619 {strides = array<i32>} : memref<128x80xf32, #tpu.memory_space<vmem>>, vector<16xf32>,
        %get3A_623 = arith.index_cast %add3A_613 : i32 to index
        %get3A_624 = arith.constant 16 : index
        %get3A_625 = tpu.vector_load %arg16[%get3A_623, %get3A_624] {strides = array<i32>} : memref<128x80xf32, #tpu.memory_space<vmem>>, vector<16xf32>,
        %mul3A_626 = arith.mulf %get3A_625, %gather3A_615 : vector<16xf32>
        %swap3A_627 = arith.index_cast %add3A_613 : i32 to index
        %swap3A_628 = arith.constant 16 : index
        %swap3A_629 = tpu.vector_load %arg16[%swap3A_627, %swap3A_628] {strides = array<i32>} : memref<128x80xf32, #tpu.memory_space<vmem>>, vector<16xf32>,
        tpu.vector_store %arg16[%swap3A_627, %swap3A_628], %mul3A_626 {strides = array<i32>} : memref<128x80xf32, #tpu.memory_space<vmem>>, vector<16xf32>,
        %get3A_630 = arith.index_cast %add3A_613 : i32 to index
        %get3A_631 = arith.constant 32 : index
        %get3A_632 = tpu.vector_load %arg16[%get3A_630, %get3A_631] {strides = array<i32>} : memref<128x80xf32, #tpu.memory_space<vmem>>, vector<16xf32>,
        %mul3A_633 = arith.mulf %get3A_632, %gather3A_615 : vector<16xf32>
        %swap3A_634 = arith.index_cast %add3A_613 : i32 to index
        %swap3A_635 = arith.constant 32 : index
        %swap3A_636 = tpu.vector_load %arg16[%swap3A_634, %swap3A_635] {strides = array<i32>} : memref<128x80xf32, #tpu.memory_space<vmem>>, vector<16xf32>,
        tpu.vector_store %arg16[%swap3A_634, %swap3A_635], %mul3A_633 {strides = array<i32>} : memref<128x80xf32, #tpu.memory_space<vmem>>, vector<16xf32>,
        %get3A_637 = arith.index_cast %add3A_613 : i32 to index
        %get3A_638 = arith.constant 48 : index
        %get3A_639 = tpu.vector_load %arg16[%get3A_637, %get3A_638] {strides = array<i32>} : memref<128x80xf32, #tpu.memory_space<vmem>>, vector<16xf32>,
        %mul3A_640 = arith.mulf %get3A_639, %gather3A_615 : vector<16xf32>
        %swap3A_641 = arith.index_cast %add3A_613 : i32 to index
        %swap3A_642 = arith.constant 48 : index
        %swap3A_643 = tpu.vector_load %arg16[%swap3A_641, %swap3A_642] {strides = array<i32>} : memref<128x80xf32, #tpu.memory_space<vmem>>, vector<16xf32>,
        tpu.vector_store %arg16[%swap3A_641, %swap3A_642], %mul3A_640 {strides = array<i32>} : memref<128x80xf32, #tpu.memory_space<vmem>>, vector<16xf32>,
        %get3A_644 = arith.index_cast %add3A_613 : i32 to index
        %get3A_645 = arith.constant 64 : index
        %get3A_646 = tpu.vector_load %arg16[%get3A_644, %get3A_645] {strides = array<i32>} : memref<128x80xf32, #tpu.memory_space<vmem>>, vector<16xf32>,
        %mul3A_647 = arith.mulf %get3A_646, %gather3A_615 : vector<16xf32>
        %swap3A_648 = arith.index_cast %add3A_613 : i32 to index
        %swap3A_649 = arith.constant 64 : index
        %swap3A_650 = tpu.vector_load %arg16[%swap3A_648, %swap3A_649] {strides = array<i32>} : memref<128x80xf32, #tpu.memory_space<vmem>>, vector<16xf32>,
        tpu.vector_store %arg16[%swap3A_648, %swap3A_649], %mul3A_647 {strides = array<i32>} : memref<128x80xf32, #tpu.memory_space<vmem>>, vector<16xf32>,
        %mul3A_651 = arith.constant 8 : i32
        %mul3A_652 = arith.muli %scan3A_405, %mul3A_651 : i32
        %add3A_653 = arith.constant 6 : i32
        %add3A_654 = arith.addi %mul3A_652, %add3A_653 : i32
        %broadcast_in_dim3A_655 = vector.broadcast %add3A_654 : i32 to vector<16xi32>
        %gather3A_656 = tpu.vector_load_idx %arg14[%broadcast_in_dim3A_655] : memref<128xf32, #tpu.memory_space<vmem>>[vector<16xi32>], vector<16xf32>,
        %get3A_657 = arith.index_cast %add3A_654 : i32 to index
        %get3A_658 = arith.constant 0 : index
        %get3A_659 = tpu.vector_load %arg16[%get3A_657, %get3A_658] {strides = array<i32>} : memref<128x80xf32, #tpu.memory_space<vmem>>, vector<16xf32>,
        %mul3A_660 = arith.mulf %get3A_659, %gather3A_656 : vector<16xf32>
        %swap3A_661 = arith.index_cast %add3A_654 : i32 to index
        %swap3A_662 = arith.constant 0 : index
        %swap3A_663 = tpu.vector_load %arg16[%swap3A_661, %swap3A_662] {strides = array<i32>} : memref<128x80xf32, #tpu.memory_space<vmem>>, vector<16xf32>,
        tpu.vector_store %arg16[%swap3A_661, %swap3A_662], %mul3A_660 {strides = array<i32>} : memref<128x80xf32, #tpu.memory_space<vmem>>, vector<16xf32>,
        %get3A_664 = arith.index_cast %add3A_654 : i32 to index
        %get3A_665 = arith.constant 16 : index
        %get3A_666 = tpu.vector_load %arg16[%get3A_664, %get3A_665] {strides = array<i32>} : memref<128x80xf32, #tpu.memory_space<vmem>>, vector<16xf32>,
        %mul3A_667 = arith.mulf %get3A_666, %gather3A_656 : vector<16xf32>
        %swap3A_668 = arith.index_cast %add3A_654 : i32 to index
        %swap3A_669 = arith.constant 16 : index
        %swap3A_670 = tpu.vector_load %arg16[%swap3A_668, %swap3A_669] {strides = array<i32>} : memref<128x80xf32, #tpu.memory_space<vmem>>, vector<16xf32>,
        tpu.vector_store %arg16[%swap3A_668, %swap3A_669], %mul3A_667 {strides = array<i32>} : memref<128x80xf32, #tpu.memory_space<vmem>>, vector<16xf32>,
        %get3A_671 = arith.index_cast %add3A_654 : i32 to index
        %get3A_672 = arith.constant 32 : index
        %get3A_673 = tpu.vector_load %arg16[%get3A_671, %get3A_672] {strides = array<i32>} : memref<128x80xf32, #tpu.memory_space<vmem>>, vector<16xf32>,
        %mul3A_674 = arith.mulf %get3A_673, %gather3A_656 : vector<16xf32>
        %swap3A_675 = arith.index_cast %add3A_654 : i32 to index
        %swap3A_676 = arith.constant 32 : index
        %swap3A_677 = tpu.vector_load %arg16[%swap3A_675, %swap3A_676] {strides = array<i32>} : memref<128x80xf32, #tpu.memory_space<vmem>>, vector<16xf32>,
        tpu.vector_store %arg16[%swap3A_675, %swap3A_676], %mul3A_674 {strides = array<i32>} : memref<128x80xf32, #tpu.memory_space<vmem>>, vector<16xf32>,
        %get3A_678 = arith.index_cast %add3A_654 : i32 to index
        %get3A_679 = arith.constant 48 : index
        %get3A_680 = tpu.vector_load %arg16[%get3A_678, %get3A_679] {strides = array<i32>} : memref<128x80xf32, #tpu.memory_space<vmem>>, vector<16xf32>,
        %mul3A_681 = arith.mulf %get3A_680, %gather3A_656 : vector<16xf32>
        %swap3A_682 = arith.index_cast %add3A_654 : i32 to index
        %swap3A_683 = arith.constant 48 : index
        %swap3A_684 = tpu.vector_load %arg16[%swap3A_682, %swap3A_683] {strides = array<i32>} : memref<128x80xf32, #tpu.memory_space<vmem>>, vector<16xf32>,
        tpu.vector_store %arg16[%swap3A_682, %swap3A_683], %mul3A_681 {strides = array<i32>} : memref<128x80xf32, #tpu.memory_space<vmem>>, vector<16xf32>,
        %get3A_685 = arith.index_cast %add3A_654 : i32 to index
        %get3A_686 = arith.constant 64 : index
        %get3A_687 = tpu.vector_load %arg16[%get3A_685, %get3A_686] {strides = array<i32>} : memref<128x80xf32, #tpu.memory_space<vmem>>, vector<16xf32>,
        %mul3A_688 = arith.mulf %get3A_687, %gather3A_656 : vector<16xf32>
        %swap3A_689 = arith.index_cast %add3A_654 : i32 to index
        %swap3A_690 = arith.constant 64 : index
        %swap3A_691 = tpu.vector_load %arg16[%swap3A_689, %swap3A_690] {strides = array<i32>} : memref<128x80xf32, #tpu.memory_space<vmem>>, vector<16xf32>,
        tpu.vector_store %arg16[%swap3A_689, %swap3A_690], %mul3A_688 {strides = array<i32>} : memref<128x80xf32, #tpu.memory_space<vmem>>, vector<16xf32>,
        %mul3A_692 = arith.constant 8 : i32
        %mul3A_693 = arith.muli %scan3A_405, %mul3A_692 : i32
        %add3A_694 = arith.constant 7 : i32
        %add3A_695 = arith.addi %mul3A_693, %add3A_694 : i32
        %broadcast_in_dim3A_696 = vector.broadcast %add3A_695 : i32 to vector<16xi32>
        %gather3A_697 = tpu.vector_load_idx %arg14[%broadcast_in_dim3A_696] : memref<128xf32, #tpu.memory_space<vmem>>[vector<16xi32>], vector<16xf32>,
        %get3A_698 = arith.index_cast %add3A_695 : i32 to index
        %get3A_699 = arith.constant 0 : index
        %get3A_700 = tpu.vector_load %arg16[%get3A_698, %get3A_699] {strides = array<i32>} : memref<128x80xf32, #tpu.memory_space<vmem>>, vector<16xf32>,
        %mul3A_701 = arith.mulf %get3A_700, %gather3A_697 : vector<16xf32>
        %swap3A_702 = arith.index_cast %add3A_695 : i32 to index
        %swap3A_703 = arith.constant 0 : index
        %swap3A_704 = tpu.vector_load %arg16[%swap3A_702, %swap3A_703] {strides = array<i32>} : memref<128x80xf32, #tpu.memory_space<vmem>>, vector<16xf32>,
        tpu.vector_store %arg16[%swap3A_702, %swap3A_703], %mul3A_701 {strides = array<i32>} : memref<128x80xf32, #tpu.memory_space<vmem>>, vector<16xf32>,
        %get3A_705 = arith.index_cast %add3A_695 : i32 to index
        %get3A_706 = arith.constant 16 : index
        %get3A_707 = tpu.vector_load %arg16[%get3A_705, %get3A_706] {strides = array<i32>} : memref<128x80xf32, #tpu.memory_space<vmem>>, vector<16xf32>,
        %mul3A_708 = arith.mulf %get3A_707, %gather3A_697 : vector<16xf32>
        %swap3A_709 = arith.index_cast %add3A_695 : i32 to index
        %swap3A_710 = arith.constant 16 : index
        %swap3A_711 = tpu.vector_load %arg16[%swap3A_709, %swap3A_710] {strides = array<i32>} : memref<128x80xf32, #tpu.memory_space<vmem>>, vector<16xf32>,
        tpu.vector_store %arg16[%swap3A_709, %swap3A_710], %mul3A_708 {strides = array<i32>} : memref<128x80xf32, #tpu.memory_space<vmem>>, vector<16xf32>,
        %get3A_712 = arith.index_cast %add3A_695 : i32 to index
        %get3A_713 = arith.constant 32 : index
        %get3A_714 = tpu.vector_load %arg16[%get3A_712, %get3A_713] {strides = array<i32>} : memref<128x80xf32, #tpu.memory_space<vmem>>, vector<16xf32>,
        %mul3A_715 = arith.mulf %get3A_714, %gather3A_697 : vector<16xf32>
        %swap3A_716 = arith.index_cast %add3A_695 : i32 to index
        %swap3A_717 = arith.constant 32 : index
        %swap3A_718 = tpu.vector_load %arg16[%swap3A_716, %swap3A_717] {strides = array<i32>} : memref<128x80xf32, #tpu.memory_space<vmem>>, vector<16xf32>,
        tpu.vector_store %arg16[%swap3A_716, %swap3A_717], %mul3A_715 {strides = array<i32>} : memref<128x80xf32, #tpu.memory_space<vmem>>, vector<16xf32>,
        %get3A_719 = arith.index_cast %add3A_695 : i32 to index
        %get3A_720 = arith.constant 48 : index
        %get3A_721 = tpu.vector_load %arg16[%get3A_719, %get3A_720] {strides = array<i32>} : memref<128x80xf32, #tpu.memory_space<vmem>>, vector<16xf32>,
        %mul3A_722 = arith.mulf %get3A_721, %gather3A_697 : vector<16xf32>
        %swap3A_723 = arith.index_cast %add3A_695 : i32 to index
        %swap3A_724 = arith.constant 48 : index
        %swap3A_725 = tpu.vector_load %arg16[%swap3A_723, %swap3A_724] {strides = array<i32>} : memref<128x80xf32, #tpu.memory_space<vmem>>, vector<16xf32>,
        tpu.vector_store %arg16[%swap3A_723, %swap3A_724], %mul3A_722 {strides = array<i32>} : memref<128x80xf32, #tpu.memory_space<vmem>>, vector<16xf32>,
        %get3A_726 = arith.index_cast %add3A_695 : i32 to index
        %get3A_727 = arith.constant 64 : index
        %get3A_728 = tpu.vector_load %arg16[%get3A_726, %get3A_727] {strides = array<i32>} : memref<128x80xf32, #tpu.memory_space<vmem>>, vector<16xf32>,
        %mul3A_729 = arith.mulf %get3A_728, %gather3A_697 : vector<16xf32>
        %swap3A_730 = arith.index_cast %add3A_695 : i32 to index
        %swap3A_731 = arith.constant 64 : index
        %swap3A_732 = tpu.vector_load %arg16[%swap3A_730, %swap3A_731] {strides = array<i32>} : memref<128x80xf32, #tpu.memory_space<vmem>>, vector<16xf32>,
        tpu.vector_store %arg16[%swap3A_730, %swap3A_731], %mul3A_729 {strides = array<i32>} : memref<128x80xf32, #tpu.memory_space<vmem>>, vector<16xf32>,
      }
      %scan3A_404 = arith.constant 16 : i32
      "tpu.region"() ({
        %run_scoped3A = tpu.sem_alloc : memref<!tpu.dma_semaphore, #tpu.memory_space<semaphore_mem>>
        %dma_start3A_405 = arith.constant 0 : i32
        %dma_start3A_406 = tpu.memref_slice %arg13[%add3A_225, %dma_start3A_405] : memref<88x128xi32, #tpu.memory_space<vmem>> -> memref<1x128xi32, #tpu.memory_space<vmem>>
        %dma_start3A_407 = tpu.memref_squeeze %dma_start3A_406 : memref<1x128xi32, #tpu.memory_space<vmem>> -> memref<128xi32, #tpu.memory_space<vmem>>
        %dma_start3A_408 = arith.constant 0 : i32
        %dma_start3A_409 = arith.constant 0 : i32
        %dma_start3A_410 = tpu.memref_slice %arg19[%dma_start3A_408, %dma_start3A_409] : memref<10240x80xf32, #tpu.memory_space<vmem_shared>> -> memref<10240x80xf32, #tpu.memory_space<vmem_shared>>
        tpu.enqueue_indirect_dma source(%arg16 : memref<128x80xf32, #tpu.memory_space<vmem>>) target(%dma_start3A_410 : memref<10240x80xf32, #tpu.memory_space<vmem_shared>>) offsets(%dma_start3A_407 : memref<128xi32, #tpu.memory_space<vmem>>) semaphore(%run_scoped3A : memref<!tpu.dma_semaphore, #tpu.memory_space<semaphore_mem>>) {add = true}
        %dma_wait3A_411 = arith.constant 0 : i32
        %dma_wait3A_412 = tpu.memref_slice %arg13[%add3A_225, %dma_wait3A_411] : memref<88x128xi32, #tpu.memory_space<vmem>> -> memref<1x128xi32, #tpu.memory_space<vmem>>
        %dma_wait3A_413 = tpu.memref_squeeze %dma_wait3A_412 : memref<1x128xi32, #tpu.memory_space<vmem>> -> memref<128xi32, #tpu.memory_space<vmem>>
        %dma_wait3A_414 = arith.constant 0 : i32
        %dma_wait3A_415 = arith.constant 0 : i32
        %dma_wait3A_416 = tpu.memref_slice %arg19[%dma_wait3A_414, %dma_wait3A_415] : memref<10240x80xf32, #tpu.memory_space<vmem_shared>> -> memref<10240x80xf32, #tpu.memory_space<vmem_shared>>
        tpu.wait_indirect_dma semaphore(%run_scoped3A : memref<!tpu.dma_semaphore, #tpu.memory_space<semaphore_mem>>) src(%arg16 : memref<128x80xf32, #tpu.memory_space<vmem>>) dst(%dma_wait3A_416 : memref<10240x80xf32, #tpu.memory_space<vmem_shared>>)
        tpu.yield
      }) : () -> ()
    }
    %scan3A_42 = arith.constant 44 : i32
    %barrier3A_43 = arith.constant 0 : index
    tpu.barrier barrier_id(%barrier3A_43)
    %mul3A_44 = arith.constant 640 : i32
    %mul3A_45 = arith.muli %arg1, %mul3A_44 : i32
    %mul3A_46 = arith.constant 640 : i32
    %mul3A_47 = arith.muli %arg1, %mul3A_46 : i32
    "tpu.region"() ({
      %run_scoped3A = tpu.sem_alloc : memref<!tpu.dma_semaphore, #tpu.memory_space<semaphore_mem>>
      %dma_start3A_48 = arith.constant 0 : i32
      %dma_start3A_49 = arith.constant 0 : i32
      %dma_start3A_50 = tpu.memref_slice %arg8[%arg0, %dma_start3A_48, %dma_start3A_49] : memref<2x10240x80xf32, #tpu.memory_space<hbm>> -> memref<1x10240x80xf32, #tpu.memory_space<hbm>>
      %dma_start3A_51 = tpu.memref_squeeze %dma_start3A_50 : memref<1x10240x80xf32, #tpu.memory_space<hbm>> -> memref<10240x80xf32, #tpu.memory_space<hbm>>
      %dma_start3A_52 = arith.constant 0 : i32
      %dma_start3A_53 = tpu.memref_slice %dma_start3A_51[%mul3A_47, %dma_start3A_52] : memref<10240x80xf32, #tpu.memory_space<hbm>> -> memref<640x80xf32, #tpu.memory_space<hbm>>
      %dma_start3A_54 = arith.constant 0 : i32
      %dma_start3A_55 = tpu.memref_slice %arg19[%mul3A_45, %dma_start3A_54] : memref<10240x80xf32, #tpu.memory_space<vmem_shared>> -> memref<640x80xf32, #tpu.memory_space<vmem_shared>>
      tpu.enqueue_dma source(%dma_start3A_55 : memref<640x80xf32, #tpu.memory_space<vmem_shared>>) target(%dma_start3A_53 : memref<640x80xf32, #tpu.memory_space<hbm>>) target_semaphore(%run_scoped3A : memref<!tpu.dma_semaphore, #tpu.memory_space<semaphore_mem>>)
      %dma_wait3A = arith.constant 0 : i32
      %dma_wait3A_56 = arith.constant 0 : i32
      %dma_wait3A_57 = tpu.memref_slice %arg8[%arg0, %dma_wait3A, %dma_wait3A_56] : memref<2x10240x80xf32, #tpu.memory_space<hbm>> -> memref<1x10240x80xf32, #tpu.memory_space<hbm>>
      %dma_wait3A_58 = tpu.memref_squeeze %dma_wait3A_57 : memref<1x10240x80xf32, #tpu.memory_space<hbm>> -> memref<10240x80xf32, #tpu.memory_space<hbm>>
      %dma_wait3A_59 = arith.constant 0 : i32
      %dma_wait3A_60 = tpu.memref_slice %dma_wait3A_58[%mul3A_47, %dma_wait3A_59] : memref<10240x80xf32, #tpu.memory_space<hbm>> -> memref<640x80xf32, #tpu.memory_space<hbm>>
      %dma_wait3A_61 = arith.constant 0 : i32
      %dma_wait3A_62 = tpu.memref_slice %arg19[%mul3A_45, %dma_wait3A_61] : memref<10240x80xf32, #tpu.memory_space<vmem_shared>> -> memref<640x80xf32, #tpu.memory_space<vmem_shared>>
      tpu.wait_dma2 semaphore(%run_scoped3A : memref<!tpu.dma_semaphore, #tpu.memory_space<semaphore_mem>>) src(%dma_wait3A_62 : memref<640x80xf32, #tpu.memory_space<vmem_shared>>) dst(%dma_wait3A_60 : memref<640x80xf32, #tpu.memory_space<hbm>>)
      tpu.yield
    }) : () -> ()
    return
  }
}

#map = affine_map<(d0, d1) -> (0, 0)>
#map1 = affine_map<(d0, d1) -> (0)>
#map2 = affine_map<(d0, d1) -> (0, 0, 0)>
module attributes {stable_mosaic.version = 14 : i64} {
  func.func @edge_kernel(%arg0: i32, %arg1: i32, %arg2: memref<10240x16xf32, #tpu.memory_space<hbm>>, %arg3: memref<10240xf32, #tpu.memory_space<hbm>>, %arg4: memref<10240xf32, #tpu.memory_space<hbm>>, %arg5: memref<16xf32, #tpu.memory_space<hbm>>, %arg6: memref<2816x128xi32, #tpu.memory_space<hbm>>, %arg7: memref<2816x128xi32, #tpu.memory_space<hbm>>, %arg8: memref<2x10240x16xf32, #tpu.memory_space<hbm>>, %arg9: memref<10240xf32, #tpu.memory_space<vmem>>, %arg10: memref<10240xf32, #tpu.memory_space<vmem>>, %arg11: memref<16xf32, #tpu.memory_space<vmem>>, %arg12: memref<88x128xi32, #tpu.memory_space<vmem>>, %arg13: memref<88x128xi32, #tpu.memory_space<vmem>>, %arg14: memref<128xf32, #tpu.memory_space<vmem>>, %arg15: memref<128x16xf32, #tpu.memory_space<vmem>>, %arg16: memref<128x16xf32, #tpu.memory_space<vmem>>, %arg17: memref<!tpu.dma_semaphore, #tpu.memory_space<semaphore_mem>>, %arg18: memref<!tpu.dma_semaphore, #tpu.memory_space<semaphore_mem>>, %arg19: memref<10240x16xf32, #tpu.memory_space<vmem_shared>>) attributes {dimension_semantics = [#tpu.dimension_semantics<core_parallel>, #tpu.dimension_semantics<subcore_parallel>], iteration_bounds = array<i64: 2, 16>, scalar_prefetch = 0 : i64, scratch_operands = 11 : i64, tpu.core_type = #tpu.core_type<sc_vector_subcore>, window_params = [{transform_indices = #map}, {transform_indices = #map1}, {transform_indices = #map1}, {transform_indices = #map1}, {transform_indices = #map}, {transform_indices = #map}, {transform_indices = #map2}]} {
    %mul3A = arith.constant 2 : i32
    %mul3A_0 = arith.muli %arg1, %mul3A : i32
    %add3A = arith.addi %mul3A_0, %arg0 : i32
    %scan3A = arith.constant 0 : i32
    %scan3A_1 = arith.constant 0 : i32
    %scan3A_2 = arith.constant 128 : i32
    %scan3A_3 = arith.addi %scan3A_1, %scan3A_2 : i32
    %scan3A_4 = arith.constant 1 : i32
    scf.for %scan3A_48 = %scan3A_1 to %scan3A_3 step %scan3A_4  : i32 {
      %broadcast_in_dim3A = arith.constant 0.000000e+00 : f32
      %broadcast_in_dim3A_49 = vector.broadcast %broadcast_in_dim3A : f32 to vector<16xf32>
      %swap3A = arith.index_cast %scan3A_48 : i32 to index
      %swap3A_50 = arith.constant 0 : index
      %swap3A_51 = tpu.vector_load %arg15[%swap3A, %swap3A_50] {strides = array<i32>} : memref<128x16xf32, #tpu.memory_space<vmem>>, vector<16xf32>,
      tpu.vector_store %arg15[%swap3A, %swap3A_50], %broadcast_in_dim3A_49 {strides = array<i32>} : memref<128x16xf32, #tpu.memory_space<vmem>>, vector<16xf32>,
    }
    %scan3A_5 = arith.constant 128 : i32
    %mul3A_6 = arith.constant 640 : i32
    %mul3A_7 = arith.muli %arg1, %mul3A_6 : i32
    %add3A_8 = arith.constant 0 : i32
    %add3A_9 = arith.addi %mul3A_7, %add3A_8 : i32
    "tpu.region"() ({
      %run_scoped3A = tpu.sem_alloc : memref<!tpu.dma_semaphore, #tpu.memory_space<semaphore_mem>>
      %dma_start3A_48 = arith.constant 0 : i32
      %dma_start3A_49 = tpu.memref_slice %arg19[%add3A_9, %dma_start3A_48] : memref<10240x16xf32, #tpu.memory_space<vmem_shared>> -> memref<128x16xf32, #tpu.memory_space<vmem_shared>>
      %dma_start3A_50 = arith.constant 0 : i32
      %dma_start3A_51 = tpu.memref_slice %arg19[%add3A_9, %dma_start3A_50] : memref<10240x16xf32, #tpu.memory_space<vmem_shared>> -> memref<128x16xf32, #tpu.memory_space<vmem_shared>>
      tpu.enqueue_dma source(%arg15 : memref<128x16xf32, #tpu.memory_space<vmem>>) target(%dma_start3A_51 : memref<128x16xf32, #tpu.memory_space<vmem_shared>>) target_semaphore(%run_scoped3A : memref<!tpu.dma_semaphore, #tpu.memory_space<semaphore_mem>>)
      %dma_wait3A = arith.constant 0 : i32
      %dma_wait3A_52 = tpu.memref_slice %arg19[%add3A_9, %dma_wait3A] : memref<10240x16xf32, #tpu.memory_space<vmem_shared>> -> memref<128x16xf32, #tpu.memory_space<vmem_shared>>
      %dma_wait3A_53 = arith.constant 0 : i32
      %dma_wait3A_54 = tpu.memref_slice %arg19[%add3A_9, %dma_wait3A_53] : memref<10240x16xf32, #tpu.memory_space<vmem_shared>> -> memref<128x16xf32, #tpu.memory_space<vmem_shared>>
      tpu.wait_dma2 semaphore(%run_scoped3A : memref<!tpu.dma_semaphore, #tpu.memory_space<semaphore_mem>>) src(%arg15 : memref<128x16xf32, #tpu.memory_space<vmem>>) dst(%dma_wait3A_54 : memref<128x16xf32, #tpu.memory_space<vmem_shared>>)
      tpu.yield
    }) : () -> ()
    %mul3A_10 = arith.constant 640 : i32
    %mul3A_11 = arith.muli %arg1, %mul3A_10 : i32
    %add3A_12 = arith.constant 128 : i32
    %add3A_13 = arith.addi %mul3A_11, %add3A_12 : i32
    "tpu.region"() ({
      %run_scoped3A = tpu.sem_alloc : memref<!tpu.dma_semaphore, #tpu.memory_space<semaphore_mem>>
      %dma_start3A_48 = arith.constant 0 : i32
      %dma_start3A_49 = tpu.memref_slice %arg19[%add3A_13, %dma_start3A_48] : memref<10240x16xf32, #tpu.memory_space<vmem_shared>> -> memref<128x16xf32, #tpu.memory_space<vmem_shared>>
      %dma_start3A_50 = arith.constant 0 : i32
      %dma_start3A_51 = tpu.memref_slice %arg19[%add3A_13, %dma_start3A_50] : memref<10240x16xf32, #tpu.memory_space<vmem_shared>> -> memref<128x16xf32, #tpu.memory_space<vmem_shared>>
      tpu.enqueue_dma source(%arg15 : memref<128x16xf32, #tpu.memory_space<vmem>>) target(%dma_start3A_51 : memref<128x16xf32, #tpu.memory_space<vmem_shared>>) target_semaphore(%run_scoped3A : memref<!tpu.dma_semaphore, #tpu.memory_space<semaphore_mem>>)
      %dma_wait3A = arith.constant 0 : i32
      %dma_wait3A_52 = tpu.memref_slice %arg19[%add3A_13, %dma_wait3A] : memref<10240x16xf32, #tpu.memory_space<vmem_shared>> -> memref<128x16xf32, #tpu.memory_space<vmem_shared>>
      %dma_wait3A_53 = arith.constant 0 : i32
      %dma_wait3A_54 = tpu.memref_slice %arg19[%add3A_13, %dma_wait3A_53] : memref<10240x16xf32, #tpu.memory_space<vmem_shared>> -> memref<128x16xf32, #tpu.memory_space<vmem_shared>>
      tpu.wait_dma2 semaphore(%run_scoped3A : memref<!tpu.dma_semaphore, #tpu.memory_space<semaphore_mem>>) src(%arg15 : memref<128x16xf32, #tpu.memory_space<vmem>>) dst(%dma_wait3A_54 : memref<128x16xf32, #tpu.memory_space<vmem_shared>>)
      tpu.yield
    }) : () -> ()
    %mul3A_14 = arith.constant 640 : i32
    %mul3A_15 = arith.muli %arg1, %mul3A_14 : i32
    %add3A_16 = arith.constant 256 : i32
    %add3A_17 = arith.addi %mul3A_15, %add3A_16 : i32
    "tpu.region"() ({
      %run_scoped3A = tpu.sem_alloc : memref<!tpu.dma_semaphore, #tpu.memory_space<semaphore_mem>>
      %dma_start3A_48 = arith.constant 0 : i32
      %dma_start3A_49 = tpu.memref_slice %arg19[%add3A_17, %dma_start3A_48] : memref<10240x16xf32, #tpu.memory_space<vmem_shared>> -> memref<128x16xf32, #tpu.memory_space<vmem_shared>>
      %dma_start3A_50 = arith.constant 0 : i32
      %dma_start3A_51 = tpu.memref_slice %arg19[%add3A_17, %dma_start3A_50] : memref<10240x16xf32, #tpu.memory_space<vmem_shared>> -> memref<128x16xf32, #tpu.memory_space<vmem_shared>>
      tpu.enqueue_dma source(%arg15 : memref<128x16xf32, #tpu.memory_space<vmem>>) target(%dma_start3A_51 : memref<128x16xf32, #tpu.memory_space<vmem_shared>>) target_semaphore(%run_scoped3A : memref<!tpu.dma_semaphore, #tpu.memory_space<semaphore_mem>>)
      %dma_wait3A = arith.constant 0 : i32
      %dma_wait3A_52 = tpu.memref_slice %arg19[%add3A_17, %dma_wait3A] : memref<10240x16xf32, #tpu.memory_space<vmem_shared>> -> memref<128x16xf32, #tpu.memory_space<vmem_shared>>
      %dma_wait3A_53 = arith.constant 0 : i32
      %dma_wait3A_54 = tpu.memref_slice %arg19[%add3A_17, %dma_wait3A_53] : memref<10240x16xf32, #tpu.memory_space<vmem_shared>> -> memref<128x16xf32, #tpu.memory_space<vmem_shared>>
      tpu.wait_dma2 semaphore(%run_scoped3A : memref<!tpu.dma_semaphore, #tpu.memory_space<semaphore_mem>>) src(%arg15 : memref<128x16xf32, #tpu.memory_space<vmem>>) dst(%dma_wait3A_54 : memref<128x16xf32, #tpu.memory_space<vmem_shared>>)
      tpu.yield
    }) : () -> ()
    %mul3A_18 = arith.constant 640 : i32
    %mul3A_19 = arith.muli %arg1, %mul3A_18 : i32
    %add3A_20 = arith.constant 384 : i32
    %add3A_21 = arith.addi %mul3A_19, %add3A_20 : i32
    "tpu.region"() ({
      %run_scoped3A = tpu.sem_alloc : memref<!tpu.dma_semaphore, #tpu.memory_space<semaphore_mem>>
      %dma_start3A_48 = arith.constant 0 : i32
      %dma_start3A_49 = tpu.memref_slice %arg19[%add3A_21, %dma_start3A_48] : memref<10240x16xf32, #tpu.memory_space<vmem_shared>> -> memref<128x16xf32, #tpu.memory_space<vmem_shared>>
      %dma_start3A_50 = arith.constant 0 : i32
      %dma_start3A_51 = tpu.memref_slice %arg19[%add3A_21, %dma_start3A_50] : memref<10240x16xf32, #tpu.memory_space<vmem_shared>> -> memref<128x16xf32, #tpu.memory_space<vmem_shared>>
      tpu.enqueue_dma source(%arg15 : memref<128x16xf32, #tpu.memory_space<vmem>>) target(%dma_start3A_51 : memref<128x16xf32, #tpu.memory_space<vmem_shared>>) target_semaphore(%run_scoped3A : memref<!tpu.dma_semaphore, #tpu.memory_space<semaphore_mem>>)
      %dma_wait3A = arith.constant 0 : i32
      %dma_wait3A_52 = tpu.memref_slice %arg19[%add3A_21, %dma_wait3A] : memref<10240x16xf32, #tpu.memory_space<vmem_shared>> -> memref<128x16xf32, #tpu.memory_space<vmem_shared>>
      %dma_wait3A_53 = arith.constant 0 : i32
      %dma_wait3A_54 = tpu.memref_slice %arg19[%add3A_21, %dma_wait3A_53] : memref<10240x16xf32, #tpu.memory_space<vmem_shared>> -> memref<128x16xf32, #tpu.memory_space<vmem_shared>>
      tpu.wait_dma2 semaphore(%run_scoped3A : memref<!tpu.dma_semaphore, #tpu.memory_space<semaphore_mem>>) src(%arg15 : memref<128x16xf32, #tpu.memory_space<vmem>>) dst(%dma_wait3A_54 : memref<128x16xf32, #tpu.memory_space<vmem_shared>>)
      tpu.yield
    }) : () -> ()
    %mul3A_22 = arith.constant 640 : i32
    %mul3A_23 = arith.muli %arg1, %mul3A_22 : i32
    %add3A_24 = arith.constant 512 : i32
    %add3A_25 = arith.addi %mul3A_23, %add3A_24 : i32
    "tpu.region"() ({
      %run_scoped3A = tpu.sem_alloc : memref<!tpu.dma_semaphore, #tpu.memory_space<semaphore_mem>>
      %dma_start3A_48 = arith.constant 0 : i32
      %dma_start3A_49 = tpu.memref_slice %arg19[%add3A_25, %dma_start3A_48] : memref<10240x16xf32, #tpu.memory_space<vmem_shared>> -> memref<128x16xf32, #tpu.memory_space<vmem_shared>>
      %dma_start3A_50 = arith.constant 0 : i32
      %dma_start3A_51 = tpu.memref_slice %arg19[%add3A_25, %dma_start3A_50] : memref<10240x16xf32, #tpu.memory_space<vmem_shared>> -> memref<128x16xf32, #tpu.memory_space<vmem_shared>>
      tpu.enqueue_dma source(%arg15 : memref<128x16xf32, #tpu.memory_space<vmem>>) target(%dma_start3A_51 : memref<128x16xf32, #tpu.memory_space<vmem_shared>>) target_semaphore(%run_scoped3A : memref<!tpu.dma_semaphore, #tpu.memory_space<semaphore_mem>>)
      %dma_wait3A = arith.constant 0 : i32
      %dma_wait3A_52 = tpu.memref_slice %arg19[%add3A_25, %dma_wait3A] : memref<10240x16xf32, #tpu.memory_space<vmem_shared>> -> memref<128x16xf32, #tpu.memory_space<vmem_shared>>
      %dma_wait3A_53 = arith.constant 0 : i32
      %dma_wait3A_54 = tpu.memref_slice %arg19[%add3A_25, %dma_wait3A_53] : memref<10240x16xf32, #tpu.memory_space<vmem_shared>> -> memref<128x16xf32, #tpu.memory_space<vmem_shared>>
      tpu.wait_dma2 semaphore(%run_scoped3A : memref<!tpu.dma_semaphore, #tpu.memory_space<semaphore_mem>>) src(%arg15 : memref<128x16xf32, #tpu.memory_space<vmem>>) dst(%dma_wait3A_54 : memref<128x16xf32, #tpu.memory_space<vmem_shared>>)
      tpu.yield
    }) : () -> ()
    "tpu.region"() ({
      %run_scoped3A = tpu.sem_alloc : memref<!tpu.dma_semaphore, #tpu.memory_space<semaphore_mem>>
      tpu.enqueue_dma source(%arg3 : memref<10240xf32, #tpu.memory_space<hbm>>) target(%arg9 : memref<10240xf32, #tpu.memory_space<vmem>>) target_semaphore(%run_scoped3A : memref<!tpu.dma_semaphore, #tpu.memory_space<semaphore_mem>>)
      tpu.wait_dma2 semaphore(%run_scoped3A : memref<!tpu.dma_semaphore, #tpu.memory_space<semaphore_mem>>) src(%arg3 : memref<10240xf32, #tpu.memory_space<hbm>>) dst(%arg9 : memref<10240xf32, #tpu.memory_space<vmem>>)
      tpu.yield
    }) : () -> ()
    "tpu.region"() ({
      %run_scoped3A = tpu.sem_alloc : memref<!tpu.dma_semaphore, #tpu.memory_space<semaphore_mem>>
      tpu.enqueue_dma source(%arg4 : memref<10240xf32, #tpu.memory_space<hbm>>) target(%arg10 : memref<10240xf32, #tpu.memory_space<vmem>>) target_semaphore(%run_scoped3A : memref<!tpu.dma_semaphore, #tpu.memory_space<semaphore_mem>>)
      tpu.wait_dma2 semaphore(%run_scoped3A : memref<!tpu.dma_semaphore, #tpu.memory_space<semaphore_mem>>) src(%arg4 : memref<10240xf32, #tpu.memory_space<hbm>>) dst(%arg10 : memref<10240xf32, #tpu.memory_space<vmem>>)
      tpu.yield
    }) : () -> ()
    "tpu.region"() ({
      %run_scoped3A = tpu.sem_alloc : memref<!tpu.dma_semaphore, #tpu.memory_space<semaphore_mem>>
      tpu.enqueue_dma source(%arg5 : memref<16xf32, #tpu.memory_space<hbm>>) target(%arg11 : memref<16xf32, #tpu.memory_space<vmem>>) target_semaphore(%run_scoped3A : memref<!tpu.dma_semaphore, #tpu.memory_space<semaphore_mem>>)
      tpu.wait_dma2 semaphore(%run_scoped3A : memref<!tpu.dma_semaphore, #tpu.memory_space<semaphore_mem>>) src(%arg5 : memref<16xf32, #tpu.memory_space<hbm>>) dst(%arg11 : memref<16xf32, #tpu.memory_space<vmem>>)
      tpu.yield
    }) : () -> ()
    %mul3A_26 = arith.constant 88 : i32
    %mul3A_27 = arith.muli %add3A, %mul3A_26 : i32
    "tpu.region"() ({
      %run_scoped3A = tpu.sem_alloc : memref<!tpu.dma_semaphore, #tpu.memory_space<semaphore_mem>>
      %dma_start3A_48 = arith.constant 0 : i32
      %dma_start3A_49 = tpu.memref_slice %arg6[%mul3A_27, %dma_start3A_48] : memref<2816x128xi32, #tpu.memory_space<hbm>> -> memref<88x128xi32, #tpu.memory_space<hbm>>
      %dma_start3A_50 = arith.constant 0 : i32
      %dma_start3A_51 = tpu.memref_slice %arg6[%mul3A_27, %dma_start3A_50] : memref<2816x128xi32, #tpu.memory_space<hbm>> -> memref<88x128xi32, #tpu.memory_space<hbm>>
      tpu.enqueue_dma source(%dma_start3A_51 : memref<88x128xi32, #tpu.memory_space<hbm>>) target(%arg12 : memref<88x128xi32, #tpu.memory_space<vmem>>) target_semaphore(%run_scoped3A : memref<!tpu.dma_semaphore, #tpu.memory_space<semaphore_mem>>)
      %dma_wait3A = arith.constant 0 : i32
      %dma_wait3A_52 = tpu.memref_slice %arg6[%mul3A_27, %dma_wait3A] : memref<2816x128xi32, #tpu.memory_space<hbm>> -> memref<88x128xi32, #tpu.memory_space<hbm>>
      %dma_wait3A_53 = arith.constant 0 : i32
      %dma_wait3A_54 = tpu.memref_slice %arg6[%mul3A_27, %dma_wait3A_53] : memref<2816x128xi32, #tpu.memory_space<hbm>> -> memref<88x128xi32, #tpu.memory_space<hbm>>
      tpu.wait_dma2 semaphore(%run_scoped3A : memref<!tpu.dma_semaphore, #tpu.memory_space<semaphore_mem>>) src(%dma_wait3A_54 : memref<88x128xi32, #tpu.memory_space<hbm>>) dst(%arg12 : memref<88x128xi32, #tpu.memory_space<vmem>>)
      tpu.yield
    }) : () -> ()
    %mul3A_28 = arith.constant 88 : i32
    %mul3A_29 = arith.muli %add3A, %mul3A_28 : i32
    "tpu.region"() ({
      %run_scoped3A = tpu.sem_alloc : memref<!tpu.dma_semaphore, #tpu.memory_space<semaphore_mem>>
      %dma_start3A_48 = arith.constant 0 : i32
      %dma_start3A_49 = tpu.memref_slice %arg7[%mul3A_29, %dma_start3A_48] : memref<2816x128xi32, #tpu.memory_space<hbm>> -> memref<88x128xi32, #tpu.memory_space<hbm>>
      %dma_start3A_50 = arith.constant 0 : i32
      %dma_start3A_51 = tpu.memref_slice %arg7[%mul3A_29, %dma_start3A_50] : memref<2816x128xi32, #tpu.memory_space<hbm>> -> memref<88x128xi32, #tpu.memory_space<hbm>>
      tpu.enqueue_dma source(%dma_start3A_51 : memref<88x128xi32, #tpu.memory_space<hbm>>) target(%arg13 : memref<88x128xi32, #tpu.memory_space<vmem>>) target_semaphore(%run_scoped3A : memref<!tpu.dma_semaphore, #tpu.memory_space<semaphore_mem>>)
      %dma_wait3A = arith.constant 0 : i32
      %dma_wait3A_52 = tpu.memref_slice %arg7[%mul3A_29, %dma_wait3A] : memref<2816x128xi32, #tpu.memory_space<hbm>> -> memref<88x128xi32, #tpu.memory_space<hbm>>
      %dma_wait3A_53 = arith.constant 0 : i32
      %dma_wait3A_54 = tpu.memref_slice %arg7[%mul3A_29, %dma_wait3A_53] : memref<2816x128xi32, #tpu.memory_space<hbm>> -> memref<88x128xi32, #tpu.memory_space<hbm>>
      tpu.wait_dma2 semaphore(%run_scoped3A : memref<!tpu.dma_semaphore, #tpu.memory_space<semaphore_mem>>) src(%dma_wait3A_54 : memref<88x128xi32, #tpu.memory_space<hbm>>) dst(%arg13 : memref<88x128xi32, #tpu.memory_space<vmem>>)
      tpu.yield
    }) : () -> ()
    %barrier3A = arith.constant 0 : index
    tpu.barrier barrier_id(%barrier3A)
    %get3A = arith.constant 0 : index
    %get3A_30 = tpu.vector_load %arg11[%get3A] {strides = array<i32>} : memref<16xf32, #tpu.memory_space<vmem>>, vector<16xf32>,
    %dma_start3A = arith.constant 0 : i32
    %dma_start3A_31 = arith.constant 0 : i32
    %dma_start3A_32 = tpu.memref_slice %arg12[%dma_start3A, %dma_start3A_31] : memref<88x128xi32, #tpu.memory_space<vmem>> -> memref<1x128xi32, #tpu.memory_space<vmem>>
    %dma_start3A_33 = tpu.memref_squeeze %dma_start3A_32 : memref<1x128xi32, #tpu.memory_space<vmem>> -> memref<128xi32, #tpu.memory_space<vmem>>
    %dma_start3A_34 = arith.constant 0 : i32
    %dma_start3A_35 = arith.constant 0 : i32
    %dma_start3A_36 = tpu.memref_slice %arg2[%dma_start3A_34, %dma_start3A_35] : memref<10240x16xf32, #tpu.memory_space<hbm>> -> memref<10240x16xf32, #tpu.memory_space<hbm>>
    tpu.enqueue_indirect_dma source(%dma_start3A_36 : memref<10240x16xf32, #tpu.memory_space<hbm>>) target(%arg15 : memref<128x16xf32, #tpu.memory_space<vmem>>) offsets(%dma_start3A_33 : memref<128xi32, #tpu.memory_space<vmem>>) semaphore(%arg17 : memref<!tpu.dma_semaphore, #tpu.memory_space<semaphore_mem>>)
    %scan3A_37 = arith.constant 0 : i32
    %scan3A_38 = arith.constant 0 : i32
    %scan3A_39 = arith.constant 44 : i32
    %scan3A_40 = arith.addi %scan3A_38, %scan3A_39 : i32
    %scan3A_41 = arith.constant 1 : i32
    scf.for %scan3A_48 = %scan3A_38 to %scan3A_40 step %scan3A_41  : i32 {
      %mul3A_49 = arith.constant 2 : i32
      %mul3A_50 = arith.muli %scan3A_48, %mul3A_49 : i32
      %add3A_51 = arith.constant 0 : i32
      %add3A_52 = arith.addi %mul3A_50, %add3A_51 : i32
      %add3A_53 = arith.constant 1 : i32
      %add3A_54 = arith.addi %add3A_52, %add3A_53 : i32
      %lt3A = arith.constant 88 : i32
      %lt3A_55 = arith.cmpi slt, %add3A_54, %lt3A : i32
      %convert_element_type3A = arith.extui %lt3A_55 : i1 to i32
      %cond3A = arith.constant 0 : i32
      %cond3A_56 = arith.cmpi ne, %convert_element_type3A, %cond3A : i32
      scf.if %cond3A_56 {
        %dma_start3A_405 = arith.constant 0 : i32
        %dma_start3A_406 = tpu.memref_slice %arg12[%add3A_54, %dma_start3A_405] : memref<88x128xi32, #tpu.memory_space<vmem>> -> memref<1x128xi32, #tpu.memory_space<vmem>>
        %dma_start3A_407 = tpu.memref_squeeze %dma_start3A_406 : memref<1x128xi32, #tpu.memory_space<vmem>> -> memref<128xi32, #tpu.memory_space<vmem>>
        %dma_start3A_408 = arith.constant 0 : i32
        %dma_start3A_409 = arith.constant 0 : i32
        %dma_start3A_410 = tpu.memref_slice %arg2[%dma_start3A_408, %dma_start3A_409] : memref<10240x16xf32, #tpu.memory_space<hbm>> -> memref<10240x16xf32, #tpu.memory_space<hbm>>
        tpu.enqueue_indirect_dma source(%dma_start3A_410 : memref<10240x16xf32, #tpu.memory_space<hbm>>) target(%arg16 : memref<128x16xf32, #tpu.memory_space<vmem>>) offsets(%dma_start3A_407 : memref<128xi32, #tpu.memory_space<vmem>>) semaphore(%arg18 : memref<!tpu.dma_semaphore, #tpu.memory_space<semaphore_mem>>)
      } else {
      }
      %get3A_57 = arith.index_cast %add3A_52 : i32 to index
      %get3A_58 = arith.constant 0 : index
      %get3A_59 = tpu.vector_load %arg12[%get3A_57, %get3A_58] {strides = array<i32>} : memref<88x128xi32, #tpu.memory_space<vmem>>, vector<16xi32>,
      %gather3A = tpu.vector_load_idx %arg9[%get3A_59] : memref<10240xf32, #tpu.memory_space<vmem>>[vector<16xi32>], vector<16xf32>,
      %get3A_60 = arith.index_cast %add3A_52 : i32 to index
      %get3A_61 = arith.constant 0 : index
      %get3A_62 = tpu.vector_load %arg13[%get3A_60, %get3A_61] {strides = array<i32>} : memref<88x128xi32, #tpu.memory_space<vmem>>, vector<16xi32>,
      %gather3A_63 = tpu.vector_load_idx %arg10[%get3A_62] : memref<10240xf32, #tpu.memory_space<vmem>>[vector<16xi32>], vector<16xf32>,
      %add3A_64 = arith.addf %gather3A, %gather3A_63 : vector<16xf32>
      %ge3A = arith.constant 0.000000e+00 : f32
      %ge3A_65 = vector.broadcast %ge3A : f32 to vector<16xf32>
      %ge3A_66 = arith.cmpf oge, %add3A_64, %ge3A_65 : vector<16xf32>
      %mul3A_67 = arith.constant 2.000000e-01 : f32
      %mul3A_68 = vector.broadcast %mul3A_67 : f32 to vector<16xf32>
      %mul3A_69 = arith.mulf %mul3A_68, %add3A_64 : vector<16xf32>
      %select_n3A = arith.select %ge3A_66, %add3A_64, %mul3A_69 : vector<16xi1>, vector<16xf32>
      %sub3A = arith.subf %select_n3A, %get3A_30 : vector<16xf32>
      %exp3A = math.exp %sub3A : vector<16xf32>
      %swap3A = arith.constant 0 : index
      %swap3A_70 = tpu.vector_load %arg14[%swap3A] {strides = array<i32>} : memref<128xf32, #tpu.memory_space<vmem>>, vector<16xf32>,
      tpu.vector_store %arg14[%swap3A], %exp3A {strides = array<i32>} : memref<128xf32, #tpu.memory_space<vmem>>, vector<16xf32>,
      %get3A_71 = arith.index_cast %add3A_52 : i32 to index
      %get3A_72 = arith.constant 16 : index
      %get3A_73 = tpu.vector_load %arg12[%get3A_71, %get3A_72] {strides = array<i32>} : memref<88x128xi32, #tpu.memory_space<vmem>>, vector<16xi32>,
      %gather3A_74 = tpu.vector_load_idx %arg9[%get3A_73] : memref<10240xf32, #tpu.memory_space<vmem>>[vector<16xi32>], vector<16xf32>,
      %get3A_75 = arith.index_cast %add3A_52 : i32 to index
      %get3A_76 = arith.constant 16 : index
      %get3A_77 = tpu.vector_load %arg13[%get3A_75, %get3A_76] {strides = array<i32>} : memref<88x128xi32, #tpu.memory_space<vmem>>, vector<16xi32>,
      %gather3A_78 = tpu.vector_load_idx %arg10[%get3A_77] : memref<10240xf32, #tpu.memory_space<vmem>>[vector<16xi32>], vector<16xf32>,
      %add3A_79 = arith.addf %gather3A_74, %gather3A_78 : vector<16xf32>
      %ge3A_80 = arith.constant 0.000000e+00 : f32
      %ge3A_81 = vector.broadcast %ge3A_80 : f32 to vector<16xf32>
      %ge3A_82 = arith.cmpf oge, %add3A_79, %ge3A_81 : vector<16xf32>
      %mul3A_83 = arith.constant 2.000000e-01 : f32
      %mul3A_84 = vector.broadcast %mul3A_83 : f32 to vector<16xf32>
      %mul3A_85 = arith.mulf %mul3A_84, %add3A_79 : vector<16xf32>
      %select_n3A_86 = arith.select %ge3A_82, %add3A_79, %mul3A_85 : vector<16xi1>, vector<16xf32>
      %sub3A_87 = arith.subf %select_n3A_86, %get3A_30 : vector<16xf32>
      %exp3A_88 = math.exp %sub3A_87 : vector<16xf32>
      %swap3A_89 = arith.constant 16 : index
      %swap3A_90 = tpu.vector_load %arg14[%swap3A_89] {strides = array<i32>} : memref<128xf32, #tpu.memory_space<vmem>>, vector<16xf32>,
      tpu.vector_store %arg14[%swap3A_89], %exp3A_88 {strides = array<i32>} : memref<128xf32, #tpu.memory_space<vmem>>, vector<16xf32>,
      %get3A_91 = arith.index_cast %add3A_52 : i32 to index
      %get3A_92 = arith.constant 32 : index
      %get3A_93 = tpu.vector_load %arg12[%get3A_91, %get3A_92] {strides = array<i32>} : memref<88x128xi32, #tpu.memory_space<vmem>>, vector<16xi32>,
      %gather3A_94 = tpu.vector_load_idx %arg9[%get3A_93] : memref<10240xf32, #tpu.memory_space<vmem>>[vector<16xi32>], vector<16xf32>,
      %get3A_95 = arith.index_cast %add3A_52 : i32 to index
      %get3A_96 = arith.constant 32 : index
      %get3A_97 = tpu.vector_load %arg13[%get3A_95, %get3A_96] {strides = array<i32>} : memref<88x128xi32, #tpu.memory_space<vmem>>, vector<16xi32>,
      %gather3A_98 = tpu.vector_load_idx %arg10[%get3A_97] : memref<10240xf32, #tpu.memory_space<vmem>>[vector<16xi32>], vector<16xf32>,
      %add3A_99 = arith.addf %gather3A_94, %gather3A_98 : vector<16xf32>
      %ge3A_100 = arith.constant 0.000000e+00 : f32
      %ge3A_101 = vector.broadcast %ge3A_100 : f32 to vector<16xf32>
      %ge3A_102 = arith.cmpf oge, %add3A_99, %ge3A_101 : vector<16xf32>
      %mul3A_103 = arith.constant 2.000000e-01 : f32
      %mul3A_104 = vector.broadcast %mul3A_103 : f32 to vector<16xf32>
      %mul3A_105 = arith.mulf %mul3A_104, %add3A_99 : vector<16xf32>
      %select_n3A_106 = arith.select %ge3A_102, %add3A_99, %mul3A_105 : vector<16xi1>, vector<16xf32>
      %sub3A_107 = arith.subf %select_n3A_106, %get3A_30 : vector<16xf32>
      %exp3A_108 = math.exp %sub3A_107 : vector<16xf32>
      %swap3A_109 = arith.constant 32 : index
      %swap3A_110 = tpu.vector_load %arg14[%swap3A_109] {strides = array<i32>} : memref<128xf32, #tpu.memory_space<vmem>>, vector<16xf32>,
      tpu.vector_store %arg14[%swap3A_109], %exp3A_108 {strides = array<i32>} : memref<128xf32, #tpu.memory_space<vmem>>, vector<16xf32>,
      %get3A_111 = arith.index_cast %add3A_52 : i32 to index
      %get3A_112 = arith.constant 48 : index
      %get3A_113 = tpu.vector_load %arg12[%get3A_111, %get3A_112] {strides = array<i32>} : memref<88x128xi32, #tpu.memory_space<vmem>>, vector<16xi32>,
      %gather3A_114 = tpu.vector_load_idx %arg9[%get3A_113] : memref<10240xf32, #tpu.memory_space<vmem>>[vector<16xi32>], vector<16xf32>,
      %get3A_115 = arith.index_cast %add3A_52 : i32 to index
      %get3A_116 = arith.constant 48 : index
      %get3A_117 = tpu.vector_load %arg13[%get3A_115, %get3A_116] {strides = array<i32>} : memref<88x128xi32, #tpu.memory_space<vmem>>, vector<16xi32>,
      %gather3A_118 = tpu.vector_load_idx %arg10[%get3A_117] : memref<10240xf32, #tpu.memory_space<vmem>>[vector<16xi32>], vector<16xf32>,
      %add3A_119 = arith.addf %gather3A_114, %gather3A_118 : vector<16xf32>
      %ge3A_120 = arith.constant 0.000000e+00 : f32
      %ge3A_121 = vector.broadcast %ge3A_120 : f32 to vector<16xf32>
      %ge3A_122 = arith.cmpf oge, %add3A_119, %ge3A_121 : vector<16xf32>
      %mul3A_123 = arith.constant 2.000000e-01 : f32
      %mul3A_124 = vector.broadcast %mul3A_123 : f32 to vector<16xf32>
      %mul3A_125 = arith.mulf %mul3A_124, %add3A_119 : vector<16xf32>
      %select_n3A_126 = arith.select %ge3A_122, %add3A_119, %mul3A_125 : vector<16xi1>, vector<16xf32>
      %sub3A_127 = arith.subf %select_n3A_126, %get3A_30 : vector<16xf32>
      %exp3A_128 = math.exp %sub3A_127 : vector<16xf32>
      %swap3A_129 = arith.constant 48 : index
      %swap3A_130 = tpu.vector_load %arg14[%swap3A_129] {strides = array<i32>} : memref<128xf32, #tpu.memory_space<vmem>>, vector<16xf32>,
      tpu.vector_store %arg14[%swap3A_129], %exp3A_128 {strides = array<i32>} : memref<128xf32, #tpu.memory_space<vmem>>, vector<16xf32>,
      %get3A_131 = arith.index_cast %add3A_52 : i32 to index
      %get3A_132 = arith.constant 64 : index
      %get3A_133 = tpu.vector_load %arg12[%get3A_131, %get3A_132] {strides = array<i32>} : memref<88x128xi32, #tpu.memory_space<vmem>>, vector<16xi32>,
      %gather3A_134 = tpu.vector_load_idx %arg9[%get3A_133] : memref<10240xf32, #tpu.memory_space<vmem>>[vector<16xi32>], vector<16xf32>,
      %get3A_135 = arith.index_cast %add3A_52 : i32 to index
      %get3A_136 = arith.constant 64 : index
      %get3A_137 = tpu.vector_load %arg13[%get3A_135, %get3A_136] {strides = array<i32>} : memref<88x128xi32, #tpu.memory_space<vmem>>, vector<16xi32>,
      %gather3A_138 = tpu.vector_load_idx %arg10[%get3A_137] : memref<10240xf32, #tpu.memory_space<vmem>>[vector<16xi32>], vector<16xf32>,
      %add3A_139 = arith.addf %gather3A_134, %gather3A_138 : vector<16xf32>
      %ge3A_140 = arith.constant 0.000000e+00 : f32
      %ge3A_141 = vector.broadcast %ge3A_140 : f32 to vector<16xf32>
      %ge3A_142 = arith.cmpf oge, %add3A_139, %ge3A_141 : vector<16xf32>
      %mul3A_143 = arith.constant 2.000000e-01 : f32
      %mul3A_144 = vector.broadcast %mul3A_143 : f32 to vector<16xf32>
      %mul3A_145 = arith.mulf %mul3A_144, %add3A_139 : vector<16xf32>
      %select_n3A_146 = arith.select %ge3A_142, %add3A_139, %mul3A_145 : vector<16xi1>, vector<16xf32>
      %sub3A_147 = arith.subf %select_n3A_146, %get3A_30 : vector<16xf32>
      %exp3A_148 = math.exp %sub3A_147 : vector<16xf32>
      %swap3A_149 = arith.constant 64 : index
      %swap3A_150 = tpu.vector_load %arg14[%swap3A_149] {strides = array<i32>} : memref<128xf32, #tpu.memory_space<vmem>>, vector<16xf32>,
      tpu.vector_store %arg14[%swap3A_149], %exp3A_148 {strides = array<i32>} : memref<128xf32, #tpu.memory_space<vmem>>, vector<16xf32>,
      %get3A_151 = arith.index_cast %add3A_52 : i32 to index
      %get3A_152 = arith.constant 80 : index
      %get3A_153 = tpu.vector_load %arg12[%get3A_151, %get3A_152] {strides = array<i32>} : memref<88x128xi32, #tpu.memory_space<vmem>>, vector<16xi32>,
      %gather3A_154 = tpu.vector_load_idx %arg9[%get3A_153] : memref<10240xf32, #tpu.memory_space<vmem>>[vector<16xi32>], vector<16xf32>,
      %get3A_155 = arith.index_cast %add3A_52 : i32 to index
      %get3A_156 = arith.constant 80 : index
      %get3A_157 = tpu.vector_load %arg13[%get3A_155, %get3A_156] {strides = array<i32>} : memref<88x128xi32, #tpu.memory_space<vmem>>, vector<16xi32>,
      %gather3A_158 = tpu.vector_load_idx %arg10[%get3A_157] : memref<10240xf32, #tpu.memory_space<vmem>>[vector<16xi32>], vector<16xf32>,
      %add3A_159 = arith.addf %gather3A_154, %gather3A_158 : vector<16xf32>
      %ge3A_160 = arith.constant 0.000000e+00 : f32
      %ge3A_161 = vector.broadcast %ge3A_160 : f32 to vector<16xf32>
      %ge3A_162 = arith.cmpf oge, %add3A_159, %ge3A_161 : vector<16xf32>
      %mul3A_163 = arith.constant 2.000000e-01 : f32
      %mul3A_164 = vector.broadcast %mul3A_163 : f32 to vector<16xf32>
      %mul3A_165 = arith.mulf %mul3A_164, %add3A_159 : vector<16xf32>
      %select_n3A_166 = arith.select %ge3A_162, %add3A_159, %mul3A_165 : vector<16xi1>, vector<16xf32>
      %sub3A_167 = arith.subf %select_n3A_166, %get3A_30 : vector<16xf32>
      %exp3A_168 = math.exp %sub3A_167 : vector<16xf32>
      %swap3A_169 = arith.constant 80 : index
      %swap3A_170 = tpu.vector_load %arg14[%swap3A_169] {strides = array<i32>} : memref<128xf32, #tpu.memory_space<vmem>>, vector<16xf32>,
      tpu.vector_store %arg14[%swap3A_169], %exp3A_168 {strides = array<i32>} : memref<128xf32, #tpu.memory_space<vmem>>, vector<16xf32>,
      %get3A_171 = arith.index_cast %add3A_52 : i32 to index
      %get3A_172 = arith.constant 96 : index
      %get3A_173 = tpu.vector_load %arg12[%get3A_171, %get3A_172] {strides = array<i32>} : memref<88x128xi32, #tpu.memory_space<vmem>>, vector<16xi32>,
      %gather3A_174 = tpu.vector_load_idx %arg9[%get3A_173] : memref<10240xf32, #tpu.memory_space<vmem>>[vector<16xi32>], vector<16xf32>,
      %get3A_175 = arith.index_cast %add3A_52 : i32 to index
      %get3A_176 = arith.constant 96 : index
      %get3A_177 = tpu.vector_load %arg13[%get3A_175, %get3A_176] {strides = array<i32>} : memref<88x128xi32, #tpu.memory_space<vmem>>, vector<16xi32>,
      %gather3A_178 = tpu.vector_load_idx %arg10[%get3A_177] : memref<10240xf32, #tpu.memory_space<vmem>>[vector<16xi32>], vector<16xf32>,
      %add3A_179 = arith.addf %gather3A_174, %gather3A_178 : vector<16xf32>
      %ge3A_180 = arith.constant 0.000000e+00 : f32
      %ge3A_181 = vector.broadcast %ge3A_180 : f32 to vector<16xf32>
      %ge3A_182 = arith.cmpf oge, %add3A_179, %ge3A_181 : vector<16xf32>
      %mul3A_183 = arith.constant 2.000000e-01 : f32
      %mul3A_184 = vector.broadcast %mul3A_183 : f32 to vector<16xf32>
      %mul3A_185 = arith.mulf %mul3A_184, %add3A_179 : vector<16xf32>
      %select_n3A_186 = arith.select %ge3A_182, %add3A_179, %mul3A_185 : vector<16xi1>, vector<16xf32>
      %sub3A_187 = arith.subf %select_n3A_186, %get3A_30 : vector<16xf32>
      %exp3A_188 = math.exp %sub3A_187 : vector<16xf32>
      %swap3A_189 = arith.constant 96 : index
      %swap3A_190 = tpu.vector_load %arg14[%swap3A_189] {strides = array<i32>} : memref<128xf32, #tpu.memory_space<vmem>>, vector<16xf32>,
      tpu.vector_store %arg14[%swap3A_189], %exp3A_188 {strides = array<i32>} : memref<128xf32, #tpu.memory_space<vmem>>, vector<16xf32>,
      %get3A_191 = arith.index_cast %add3A_52 : i32 to index
      %get3A_192 = arith.constant 112 : index
      %get3A_193 = tpu.vector_load %arg12[%get3A_191, %get3A_192] {strides = array<i32>} : memref<88x128xi32, #tpu.memory_space<vmem>>, vector<16xi32>,
      %gather3A_194 = tpu.vector_load_idx %arg9[%get3A_193] : memref<10240xf32, #tpu.memory_space<vmem>>[vector<16xi32>], vector<16xf32>,
      %get3A_195 = arith.index_cast %add3A_52 : i32 to index
      %get3A_196 = arith.constant 112 : index
      %get3A_197 = tpu.vector_load %arg13[%get3A_195, %get3A_196] {strides = array<i32>} : memref<88x128xi32, #tpu.memory_space<vmem>>, vector<16xi32>,
      %gather3A_198 = tpu.vector_load_idx %arg10[%get3A_197] : memref<10240xf32, #tpu.memory_space<vmem>>[vector<16xi32>], vector<16xf32>,
      %add3A_199 = arith.addf %gather3A_194, %gather3A_198 : vector<16xf32>
      %ge3A_200 = arith.constant 0.000000e+00 : f32
      %ge3A_201 = vector.broadcast %ge3A_200 : f32 to vector<16xf32>
      %ge3A_202 = arith.cmpf oge, %add3A_199, %ge3A_201 : vector<16xf32>
      %mul3A_203 = arith.constant 2.000000e-01 : f32
      %mul3A_204 = vector.broadcast %mul3A_203 : f32 to vector<16xf32>
      %mul3A_205 = arith.mulf %mul3A_204, %add3A_199 : vector<16xf32>
      %select_n3A_206 = arith.select %ge3A_202, %add3A_199, %mul3A_205 : vector<16xi1>, vector<16xf32>
      %sub3A_207 = arith.subf %select_n3A_206, %get3A_30 : vector<16xf32>
      %exp3A_208 = math.exp %sub3A_207 : vector<16xf32>
      %swap3A_209 = arith.constant 112 : index
      %swap3A_210 = tpu.vector_load %arg14[%swap3A_209] {strides = array<i32>} : memref<128xf32, #tpu.memory_space<vmem>>, vector<16xf32>,
      tpu.vector_store %arg14[%swap3A_209], %exp3A_208 {strides = array<i32>} : memref<128xf32, #tpu.memory_space<vmem>>, vector<16xf32>,
      %dma_wait3A = arith.constant 0 : i32
      %dma_wait3A_211 = tpu.memref_slice %arg12[%add3A_52, %dma_wait3A] : memref<88x128xi32, #tpu.memory_space<vmem>> -> memref<1x128xi32, #tpu.memory_space<vmem>>
      %dma_wait3A_212 = tpu.memref_squeeze %dma_wait3A_211 : memref<1x128xi32, #tpu.memory_space<vmem>> -> memref<128xi32, #tpu.memory_space<vmem>>
      %dma_wait3A_213 = arith.constant 0 : i32
      %dma_wait3A_214 = arith.constant 0 : i32
      %dma_wait3A_215 = tpu.memref_slice %arg2[%dma_wait3A_213, %dma_wait3A_214] : memref<10240x16xf32, #tpu.memory_space<hbm>> -> memref<10240x16xf32, #tpu.memory_space<hbm>>
      tpu.wait_indirect_dma semaphore(%arg17 : memref<!tpu.dma_semaphore, #tpu.memory_space<semaphore_mem>>) src(%dma_wait3A_215 : memref<10240x16xf32, #tpu.memory_space<hbm>>) dst(%arg15 : memref<128x16xf32, #tpu.memory_space<vmem>>)
      %scan3A_216 = arith.constant 0 : i32
      %scan3A_217 = arith.constant 0 : i32
      %scan3A_218 = arith.constant 16 : i32
      %scan3A_219 = arith.addi %scan3A_217, %scan3A_218 : i32
      %scan3A_220 = arith.constant 1 : i32
      scf.for %scan3A_405 = %scan3A_217 to %scan3A_219 step %scan3A_220  : i32 {
        %mul3A_406 = arith.constant 8 : i32
        %mul3A_407 = arith.muli %scan3A_405, %mul3A_406 : i32
        %add3A_408 = arith.constant 0 : i32
        %add3A_409 = arith.addi %mul3A_407, %add3A_408 : i32
        %broadcast_in_dim3A = vector.broadcast %add3A_409 : i32 to vector<16xi32>
        %gather3A_410 = tpu.vector_load_idx %arg14[%broadcast_in_dim3A] : memref<128xf32, #tpu.memory_space<vmem>>[vector<16xi32>], vector<16xf32>,
        %get3A_411 = arith.index_cast %add3A_409 : i32 to index
        %get3A_412 = arith.constant 0 : index
        %get3A_413 = tpu.vector_load %arg15[%get3A_411, %get3A_412] {strides = array<i32>} : memref<128x16xf32, #tpu.memory_space<vmem>>, vector<16xf32>,
        %mul3A_414 = arith.mulf %get3A_413, %gather3A_410 : vector<16xf32>
        %swap3A_415 = arith.index_cast %add3A_409 : i32 to index
        %swap3A_416 = arith.constant 0 : index
        %swap3A_417 = tpu.vector_load %arg15[%swap3A_415, %swap3A_416] {strides = array<i32>} : memref<128x16xf32, #tpu.memory_space<vmem>>, vector<16xf32>,
        tpu.vector_store %arg15[%swap3A_415, %swap3A_416], %mul3A_414 {strides = array<i32>} : memref<128x16xf32, #tpu.memory_space<vmem>>, vector<16xf32>,
        %mul3A_418 = arith.constant 8 : i32
        %mul3A_419 = arith.muli %scan3A_405, %mul3A_418 : i32
        %add3A_420 = arith.constant 1 : i32
        %add3A_421 = arith.addi %mul3A_419, %add3A_420 : i32
        %broadcast_in_dim3A_422 = vector.broadcast %add3A_421 : i32 to vector<16xi32>
        %gather3A_423 = tpu.vector_load_idx %arg14[%broadcast_in_dim3A_422] : memref<128xf32, #tpu.memory_space<vmem>>[vector<16xi32>], vector<16xf32>,
        %get3A_424 = arith.index_cast %add3A_421 : i32 to index
        %get3A_425 = arith.constant 0 : index
        %get3A_426 = tpu.vector_load %arg15[%get3A_424, %get3A_425] {strides = array<i32>} : memref<128x16xf32, #tpu.memory_space<vmem>>, vector<16xf32>,
        %mul3A_427 = arith.mulf %get3A_426, %gather3A_423 : vector<16xf32>
        %swap3A_428 = arith.index_cast %add3A_421 : i32 to index
        %swap3A_429 = arith.constant 0 : index
        %swap3A_430 = tpu.vector_load %arg15[%swap3A_428, %swap3A_429] {strides = array<i32>} : memref<128x16xf32, #tpu.memory_space<vmem>>, vector<16xf32>,
        tpu.vector_store %arg15[%swap3A_428, %swap3A_429], %mul3A_427 {strides = array<i32>} : memref<128x16xf32, #tpu.memory_space<vmem>>, vector<16xf32>,
        %mul3A_431 = arith.constant 8 : i32
        %mul3A_432 = arith.muli %scan3A_405, %mul3A_431 : i32
        %add3A_433 = arith.constant 2 : i32
        %add3A_434 = arith.addi %mul3A_432, %add3A_433 : i32
        %broadcast_in_dim3A_435 = vector.broadcast %add3A_434 : i32 to vector<16xi32>
        %gather3A_436 = tpu.vector_load_idx %arg14[%broadcast_in_dim3A_435] : memref<128xf32, #tpu.memory_space<vmem>>[vector<16xi32>], vector<16xf32>,
        %get3A_437 = arith.index_cast %add3A_434 : i32 to index
        %get3A_438 = arith.constant 0 : index
        %get3A_439 = tpu.vector_load %arg15[%get3A_437, %get3A_438] {strides = array<i32>} : memref<128x16xf32, #tpu.memory_space<vmem>>, vector<16xf32>,
        %mul3A_440 = arith.mulf %get3A_439, %gather3A_436 : vector<16xf32>
        %swap3A_441 = arith.index_cast %add3A_434 : i32 to index
        %swap3A_442 = arith.constant 0 : index
        %swap3A_443 = tpu.vector_load %arg15[%swap3A_441, %swap3A_442] {strides = array<i32>} : memref<128x16xf32, #tpu.memory_space<vmem>>, vector<16xf32>,
        tpu.vector_store %arg15[%swap3A_441, %swap3A_442], %mul3A_440 {strides = array<i32>} : memref<128x16xf32, #tpu.memory_space<vmem>>, vector<16xf32>,
        %mul3A_444 = arith.constant 8 : i32
        %mul3A_445 = arith.muli %scan3A_405, %mul3A_444 : i32
        %add3A_446 = arith.constant 3 : i32
        %add3A_447 = arith.addi %mul3A_445, %add3A_446 : i32
        %broadcast_in_dim3A_448 = vector.broadcast %add3A_447 : i32 to vector<16xi32>
        %gather3A_449 = tpu.vector_load_idx %arg14[%broadcast_in_dim3A_448] : memref<128xf32, #tpu.memory_space<vmem>>[vector<16xi32>], vector<16xf32>,
        %get3A_450 = arith.index_cast %add3A_447 : i32 to index
        %get3A_451 = arith.constant 0 : index
        %get3A_452 = tpu.vector_load %arg15[%get3A_450, %get3A_451] {strides = array<i32>} : memref<128x16xf32, #tpu.memory_space<vmem>>, vector<16xf32>,
        %mul3A_453 = arith.mulf %get3A_452, %gather3A_449 : vector<16xf32>
        %swap3A_454 = arith.index_cast %add3A_447 : i32 to index
        %swap3A_455 = arith.constant 0 : index
        %swap3A_456 = tpu.vector_load %arg15[%swap3A_454, %swap3A_455] {strides = array<i32>} : memref<128x16xf32, #tpu.memory_space<vmem>>, vector<16xf32>,
        tpu.vector_store %arg15[%swap3A_454, %swap3A_455], %mul3A_453 {strides = array<i32>} : memref<128x16xf32, #tpu.memory_space<vmem>>, vector<16xf32>,
        %mul3A_457 = arith.constant 8 : i32
        %mul3A_458 = arith.muli %scan3A_405, %mul3A_457 : i32
        %add3A_459 = arith.constant 4 : i32
        %add3A_460 = arith.addi %mul3A_458, %add3A_459 : i32
        %broadcast_in_dim3A_461 = vector.broadcast %add3A_460 : i32 to vector<16xi32>
        %gather3A_462 = tpu.vector_load_idx %arg14[%broadcast_in_dim3A_461] : memref<128xf32, #tpu.memory_space<vmem>>[vector<16xi32>], vector<16xf32>,
        %get3A_463 = arith.index_cast %add3A_460 : i32 to index
        %get3A_464 = arith.constant 0 : index
        %get3A_465 = tpu.vector_load %arg15[%get3A_463, %get3A_464] {strides = array<i32>} : memref<128x16xf32, #tpu.memory_space<vmem>>, vector<16xf32>,
        %mul3A_466 = arith.mulf %get3A_465, %gather3A_462 : vector<16xf32>
        %swap3A_467 = arith.index_cast %add3A_460 : i32 to index
        %swap3A_468 = arith.constant 0 : index
        %swap3A_469 = tpu.vector_load %arg15[%swap3A_467, %swap3A_468] {strides = array<i32>} : memref<128x16xf32, #tpu.memory_space<vmem>>, vector<16xf32>,
        tpu.vector_store %arg15[%swap3A_467, %swap3A_468], %mul3A_466 {strides = array<i32>} : memref<128x16xf32, #tpu.memory_space<vmem>>, vector<16xf32>,
        %mul3A_470 = arith.constant 8 : i32
        %mul3A_471 = arith.muli %scan3A_405, %mul3A_470 : i32
        %add3A_472 = arith.constant 5 : i32
        %add3A_473 = arith.addi %mul3A_471, %add3A_472 : i32
        %broadcast_in_dim3A_474 = vector.broadcast %add3A_473 : i32 to vector<16xi32>
        %gather3A_475 = tpu.vector_load_idx %arg14[%broadcast_in_dim3A_474] : memref<128xf32, #tpu.memory_space<vmem>>[vector<16xi32>], vector<16xf32>,
        %get3A_476 = arith.index_cast %add3A_473 : i32 to index
        %get3A_477 = arith.constant 0 : index
        %get3A_478 = tpu.vector_load %arg15[%get3A_476, %get3A_477] {strides = array<i32>} : memref<128x16xf32, #tpu.memory_space<vmem>>, vector<16xf32>,
        %mul3A_479 = arith.mulf %get3A_478, %gather3A_475 : vector<16xf32>
        %swap3A_480 = arith.index_cast %add3A_473 : i32 to index
        %swap3A_481 = arith.constant 0 : index
        %swap3A_482 = tpu.vector_load %arg15[%swap3A_480, %swap3A_481] {strides = array<i32>} : memref<128x16xf32, #tpu.memory_space<vmem>>, vector<16xf32>,
        tpu.vector_store %arg15[%swap3A_480, %swap3A_481], %mul3A_479 {strides = array<i32>} : memref<128x16xf32, #tpu.memory_space<vmem>>, vector<16xf32>,
        %mul3A_483 = arith.constant 8 : i32
        %mul3A_484 = arith.muli %scan3A_405, %mul3A_483 : i32
        %add3A_485 = arith.constant 6 : i32
        %add3A_486 = arith.addi %mul3A_484, %add3A_485 : i32
        %broadcast_in_dim3A_487 = vector.broadcast %add3A_486 : i32 to vector<16xi32>
        %gather3A_488 = tpu.vector_load_idx %arg14[%broadcast_in_dim3A_487] : memref<128xf32, #tpu.memory_space<vmem>>[vector<16xi32>], vector<16xf32>,
        %get3A_489 = arith.index_cast %add3A_486 : i32 to index
        %get3A_490 = arith.constant 0 : index
        %get3A_491 = tpu.vector_load %arg15[%get3A_489, %get3A_490] {strides = array<i32>} : memref<128x16xf32, #tpu.memory_space<vmem>>, vector<16xf32>,
        %mul3A_492 = arith.mulf %get3A_491, %gather3A_488 : vector<16xf32>
        %swap3A_493 = arith.index_cast %add3A_486 : i32 to index
        %swap3A_494 = arith.constant 0 : index
        %swap3A_495 = tpu.vector_load %arg15[%swap3A_493, %swap3A_494] {strides = array<i32>} : memref<128x16xf32, #tpu.memory_space<vmem>>, vector<16xf32>,
        tpu.vector_store %arg15[%swap3A_493, %swap3A_494], %mul3A_492 {strides = array<i32>} : memref<128x16xf32, #tpu.memory_space<vmem>>, vector<16xf32>,
        %mul3A_496 = arith.constant 8 : i32
        %mul3A_497 = arith.muli %scan3A_405, %mul3A_496 : i32
        %add3A_498 = arith.constant 7 : i32
        %add3A_499 = arith.addi %mul3A_497, %add3A_498 : i32
        %broadcast_in_dim3A_500 = vector.broadcast %add3A_499 : i32 to vector<16xi32>
        %gather3A_501 = tpu.vector_load_idx %arg14[%broadcast_in_dim3A_500] : memref<128xf32, #tpu.memory_space<vmem>>[vector<16xi32>], vector<16xf32>,
        %get3A_502 = arith.index_cast %add3A_499 : i32 to index
        %get3A_503 = arith.constant 0 : index
        %get3A_504 = tpu.vector_load %arg15[%get3A_502, %get3A_503] {strides = array<i32>} : memref<128x16xf32, #tpu.memory_space<vmem>>, vector<16xf32>,
        %mul3A_505 = arith.mulf %get3A_504, %gather3A_501 : vector<16xf32>
        %swap3A_506 = arith.index_cast %add3A_499 : i32 to index
        %swap3A_507 = arith.constant 0 : index
        %swap3A_508 = tpu.vector_load %arg15[%swap3A_506, %swap3A_507] {strides = array<i32>} : memref<128x16xf32, #tpu.memory_space<vmem>>, vector<16xf32>,
        tpu.vector_store %arg15[%swap3A_506, %swap3A_507], %mul3A_505 {strides = array<i32>} : memref<128x16xf32, #tpu.memory_space<vmem>>, vector<16xf32>,
      }
      %scan3A_221 = arith.constant 16 : i32
      "tpu.region"() ({
        %run_scoped3A = tpu.sem_alloc : memref<!tpu.dma_semaphore, #tpu.memory_space<semaphore_mem>>
        %dma_start3A_405 = arith.constant 0 : i32
        %dma_start3A_406 = tpu.memref_slice %arg13[%add3A_52, %dma_start3A_405] : memref<88x128xi32, #tpu.memory_space<vmem>> -> memref<1x128xi32, #tpu.memory_space<vmem>>
        %dma_start3A_407 = tpu.memref_squeeze %dma_start3A_406 : memref<1x128xi32, #tpu.memory_space<vmem>> -> memref<128xi32, #tpu.memory_space<vmem>>
        %dma_start3A_408 = arith.constant 0 : i32
        %dma_start3A_409 = arith.constant 0 : i32
        %dma_start3A_410 = tpu.memref_slice %arg19[%dma_start3A_408, %dma_start3A_409] : memref<10240x16xf32, #tpu.memory_space<vmem_shared>> -> memref<10240x16xf32, #tpu.memory_space<vmem_shared>>
        tpu.enqueue_indirect_dma source(%arg15 : memref<128x16xf32, #tpu.memory_space<vmem>>) target(%dma_start3A_410 : memref<10240x16xf32, #tpu.memory_space<vmem_shared>>) offsets(%dma_start3A_407 : memref<128xi32, #tpu.memory_space<vmem>>) semaphore(%run_scoped3A : memref<!tpu.dma_semaphore, #tpu.memory_space<semaphore_mem>>) {add = true}
        %dma_wait3A_411 = arith.constant 0 : i32
        %dma_wait3A_412 = tpu.memref_slice %arg13[%add3A_52, %dma_wait3A_411] : memref<88x128xi32, #tpu.memory_space<vmem>> -> memref<1x128xi32, #tpu.memory_space<vmem>>
        %dma_wait3A_413 = tpu.memref_squeeze %dma_wait3A_412 : memref<1x128xi32, #tpu.memory_space<vmem>> -> memref<128xi32, #tpu.memory_space<vmem>>
        %dma_wait3A_414 = arith.constant 0 : i32
        %dma_wait3A_415 = arith.constant 0 : i32
        %dma_wait3A_416 = tpu.memref_slice %arg19[%dma_wait3A_414, %dma_wait3A_415] : memref<10240x16xf32, #tpu.memory_space<vmem_shared>> -> memref<10240x16xf32, #tpu.memory_space<vmem_shared>>
        tpu.wait_indirect_dma semaphore(%run_scoped3A : memref<!tpu.dma_semaphore, #tpu.memory_space<semaphore_mem>>) src(%arg15 : memref<128x16xf32, #tpu.memory_space<vmem>>) dst(%dma_wait3A_416 : memref<10240x16xf32, #tpu.memory_space<vmem_shared>>)
        tpu.yield
      }) : () -> ()
      %mul3A_222 = arith.constant 2 : i32
      %mul3A_223 = arith.muli %scan3A_48, %mul3A_222 : i32
      %add3A_224 = arith.constant 1 : i32
      %add3A_225 = arith.addi %mul3A_223, %add3A_224 : i32
      %add3A_226 = arith.constant 1 : i32
      %add3A_227 = arith.addi %add3A_225, %add3A_226 : i32
      %lt3A_228 = arith.constant 88 : i32
      %lt3A_229 = arith.cmpi slt, %add3A_227, %lt3A_228 : i32
      %convert_element_type3A_230 = arith.extui %lt3A_229 : i1 to i32
      %cond3A_231 = arith.constant 0 : i32
      %cond3A_232 = arith.cmpi ne, %convert_element_type3A_230, %cond3A_231 : i32
      scf.if %cond3A_232 {
        %dma_start3A_405 = arith.constant 0 : i32
        %dma_start3A_406 = tpu.memref_slice %arg12[%add3A_227, %dma_start3A_405] : memref<88x128xi32, #tpu.memory_space<vmem>> -> memref<1x128xi32, #tpu.memory_space<vmem>>
        %dma_start3A_407 = tpu.memref_squeeze %dma_start3A_406 : memref<1x128xi32, #tpu.memory_space<vmem>> -> memref<128xi32, #tpu.memory_space<vmem>>
        %dma_start3A_408 = arith.constant 0 : i32
        %dma_start3A_409 = arith.constant 0 : i32
        %dma_start3A_410 = tpu.memref_slice %arg2[%dma_start3A_408, %dma_start3A_409] : memref<10240x16xf32, #tpu.memory_space<hbm>> -> memref<10240x16xf32, #tpu.memory_space<hbm>>
        tpu.enqueue_indirect_dma source(%dma_start3A_410 : memref<10240x16xf32, #tpu.memory_space<hbm>>) target(%arg15 : memref<128x16xf32, #tpu.memory_space<vmem>>) offsets(%dma_start3A_407 : memref<128xi32, #tpu.memory_space<vmem>>) semaphore(%arg17 : memref<!tpu.dma_semaphore, #tpu.memory_space<semaphore_mem>>)
      } else {
      }
      %get3A_233 = arith.index_cast %add3A_225 : i32 to index
      %get3A_234 = arith.constant 0 : index
      %get3A_235 = tpu.vector_load %arg12[%get3A_233, %get3A_234] {strides = array<i32>} : memref<88x128xi32, #tpu.memory_space<vmem>>, vector<16xi32>,
      %gather3A_236 = tpu.vector_load_idx %arg9[%get3A_235] : memref<10240xf32, #tpu.memory_space<vmem>>[vector<16xi32>], vector<16xf32>,
      %get3A_237 = arith.index_cast %add3A_225 : i32 to index
      %get3A_238 = arith.constant 0 : index
      %get3A_239 = tpu.vector_load %arg13[%get3A_237, %get3A_238] {strides = array<i32>} : memref<88x128xi32, #tpu.memory_space<vmem>>, vector<16xi32>,
      %gather3A_240 = tpu.vector_load_idx %arg10[%get3A_239] : memref<10240xf32, #tpu.memory_space<vmem>>[vector<16xi32>], vector<16xf32>,
      %add3A_241 = arith.addf %gather3A_236, %gather3A_240 : vector<16xf32>
      %ge3A_242 = arith.constant 0.000000e+00 : f32
      %ge3A_243 = vector.broadcast %ge3A_242 : f32 to vector<16xf32>
      %ge3A_244 = arith.cmpf oge, %add3A_241, %ge3A_243 : vector<16xf32>
      %mul3A_245 = arith.constant 2.000000e-01 : f32
      %mul3A_246 = vector.broadcast %mul3A_245 : f32 to vector<16xf32>
      %mul3A_247 = arith.mulf %mul3A_246, %add3A_241 : vector<16xf32>
      %select_n3A_248 = arith.select %ge3A_244, %add3A_241, %mul3A_247 : vector<16xi1>, vector<16xf32>
      %sub3A_249 = arith.subf %select_n3A_248, %get3A_30 : vector<16xf32>
      %exp3A_250 = math.exp %sub3A_249 : vector<16xf32>
      %swap3A_251 = arith.constant 0 : index
      %swap3A_252 = tpu.vector_load %arg14[%swap3A_251] {strides = array<i32>} : memref<128xf32, #tpu.memory_space<vmem>>, vector<16xf32>,
      tpu.vector_store %arg14[%swap3A_251], %exp3A_250 {strides = array<i32>} : memref<128xf32, #tpu.memory_space<vmem>>, vector<16xf32>,
      %get3A_253 = arith.index_cast %add3A_225 : i32 to index
      %get3A_254 = arith.constant 16 : index
      %get3A_255 = tpu.vector_load %arg12[%get3A_253, %get3A_254] {strides = array<i32>} : memref<88x128xi32, #tpu.memory_space<vmem>>, vector<16xi32>,
      %gather3A_256 = tpu.vector_load_idx %arg9[%get3A_255] : memref<10240xf32, #tpu.memory_space<vmem>>[vector<16xi32>], vector<16xf32>,
      %get3A_257 = arith.index_cast %add3A_225 : i32 to index
      %get3A_258 = arith.constant 16 : index
      %get3A_259 = tpu.vector_load %arg13[%get3A_257, %get3A_258] {strides = array<i32>} : memref<88x128xi32, #tpu.memory_space<vmem>>, vector<16xi32>,
      %gather3A_260 = tpu.vector_load_idx %arg10[%get3A_259] : memref<10240xf32, #tpu.memory_space<vmem>>[vector<16xi32>], vector<16xf32>,
      %add3A_261 = arith.addf %gather3A_256, %gather3A_260 : vector<16xf32>
      %ge3A_262 = arith.constant 0.000000e+00 : f32
      %ge3A_263 = vector.broadcast %ge3A_262 : f32 to vector<16xf32>
      %ge3A_264 = arith.cmpf oge, %add3A_261, %ge3A_263 : vector<16xf32>
      %mul3A_265 = arith.constant 2.000000e-01 : f32
      %mul3A_266 = vector.broadcast %mul3A_265 : f32 to vector<16xf32>
      %mul3A_267 = arith.mulf %mul3A_266, %add3A_261 : vector<16xf32>
      %select_n3A_268 = arith.select %ge3A_264, %add3A_261, %mul3A_267 : vector<16xi1>, vector<16xf32>
      %sub3A_269 = arith.subf %select_n3A_268, %get3A_30 : vector<16xf32>
      %exp3A_270 = math.exp %sub3A_269 : vector<16xf32>
      %swap3A_271 = arith.constant 16 : index
      %swap3A_272 = tpu.vector_load %arg14[%swap3A_271] {strides = array<i32>} : memref<128xf32, #tpu.memory_space<vmem>>, vector<16xf32>,
      tpu.vector_store %arg14[%swap3A_271], %exp3A_270 {strides = array<i32>} : memref<128xf32, #tpu.memory_space<vmem>>, vector<16xf32>,
      %get3A_273 = arith.index_cast %add3A_225 : i32 to index
      %get3A_274 = arith.constant 32 : index
      %get3A_275 = tpu.vector_load %arg12[%get3A_273, %get3A_274] {strides = array<i32>} : memref<88x128xi32, #tpu.memory_space<vmem>>, vector<16xi32>,
      %gather3A_276 = tpu.vector_load_idx %arg9[%get3A_275] : memref<10240xf32, #tpu.memory_space<vmem>>[vector<16xi32>], vector<16xf32>,
      %get3A_277 = arith.index_cast %add3A_225 : i32 to index
      %get3A_278 = arith.constant 32 : index
      %get3A_279 = tpu.vector_load %arg13[%get3A_277, %get3A_278] {strides = array<i32>} : memref<88x128xi32, #tpu.memory_space<vmem>>, vector<16xi32>,
      %gather3A_280 = tpu.vector_load_idx %arg10[%get3A_279] : memref<10240xf32, #tpu.memory_space<vmem>>[vector<16xi32>], vector<16xf32>,
      %add3A_281 = arith.addf %gather3A_276, %gather3A_280 : vector<16xf32>
      %ge3A_282 = arith.constant 0.000000e+00 : f32
      %ge3A_283 = vector.broadcast %ge3A_282 : f32 to vector<16xf32>
      %ge3A_284 = arith.cmpf oge, %add3A_281, %ge3A_283 : vector<16xf32>
      %mul3A_285 = arith.constant 2.000000e-01 : f32
      %mul3A_286 = vector.broadcast %mul3A_285 : f32 to vector<16xf32>
      %mul3A_287 = arith.mulf %mul3A_286, %add3A_281 : vector<16xf32>
      %select_n3A_288 = arith.select %ge3A_284, %add3A_281, %mul3A_287 : vector<16xi1>, vector<16xf32>
      %sub3A_289 = arith.subf %select_n3A_288, %get3A_30 : vector<16xf32>
      %exp3A_290 = math.exp %sub3A_289 : vector<16xf32>
      %swap3A_291 = arith.constant 32 : index
      %swap3A_292 = tpu.vector_load %arg14[%swap3A_291] {strides = array<i32>} : memref<128xf32, #tpu.memory_space<vmem>>, vector<16xf32>,
      tpu.vector_store %arg14[%swap3A_291], %exp3A_290 {strides = array<i32>} : memref<128xf32, #tpu.memory_space<vmem>>, vector<16xf32>,
      %get3A_293 = arith.index_cast %add3A_225 : i32 to index
      %get3A_294 = arith.constant 48 : index
      %get3A_295 = tpu.vector_load %arg12[%get3A_293, %get3A_294] {strides = array<i32>} : memref<88x128xi32, #tpu.memory_space<vmem>>, vector<16xi32>,
      %gather3A_296 = tpu.vector_load_idx %arg9[%get3A_295] : memref<10240xf32, #tpu.memory_space<vmem>>[vector<16xi32>], vector<16xf32>,
      %get3A_297 = arith.index_cast %add3A_225 : i32 to index
      %get3A_298 = arith.constant 48 : index
      %get3A_299 = tpu.vector_load %arg13[%get3A_297, %get3A_298] {strides = array<i32>} : memref<88x128xi32, #tpu.memory_space<vmem>>, vector<16xi32>,
      %gather3A_300 = tpu.vector_load_idx %arg10[%get3A_299] : memref<10240xf32, #tpu.memory_space<vmem>>[vector<16xi32>], vector<16xf32>,
      %add3A_301 = arith.addf %gather3A_296, %gather3A_300 : vector<16xf32>
      %ge3A_302 = arith.constant 0.000000e+00 : f32
      %ge3A_303 = vector.broadcast %ge3A_302 : f32 to vector<16xf32>
      %ge3A_304 = arith.cmpf oge, %add3A_301, %ge3A_303 : vector<16xf32>
      %mul3A_305 = arith.constant 2.000000e-01 : f32
      %mul3A_306 = vector.broadcast %mul3A_305 : f32 to vector<16xf32>
      %mul3A_307 = arith.mulf %mul3A_306, %add3A_301 : vector<16xf32>
      %select_n3A_308 = arith.select %ge3A_304, %add3A_301, %mul3A_307 : vector<16xi1>, vector<16xf32>
      %sub3A_309 = arith.subf %select_n3A_308, %get3A_30 : vector<16xf32>
      %exp3A_310 = math.exp %sub3A_309 : vector<16xf32>
      %swap3A_311 = arith.constant 48 : index
      %swap3A_312 = tpu.vector_load %arg14[%swap3A_311] {strides = array<i32>} : memref<128xf32, #tpu.memory_space<vmem>>, vector<16xf32>,
      tpu.vector_store %arg14[%swap3A_311], %exp3A_310 {strides = array<i32>} : memref<128xf32, #tpu.memory_space<vmem>>, vector<16xf32>,
      %get3A_313 = arith.index_cast %add3A_225 : i32 to index
      %get3A_314 = arith.constant 64 : index
      %get3A_315 = tpu.vector_load %arg12[%get3A_313, %get3A_314] {strides = array<i32>} : memref<88x128xi32, #tpu.memory_space<vmem>>, vector<16xi32>,
      %gather3A_316 = tpu.vector_load_idx %arg9[%get3A_315] : memref<10240xf32, #tpu.memory_space<vmem>>[vector<16xi32>], vector<16xf32>,
      %get3A_317 = arith.index_cast %add3A_225 : i32 to index
      %get3A_318 = arith.constant 64 : index
      %get3A_319 = tpu.vector_load %arg13[%get3A_317, %get3A_318] {strides = array<i32>} : memref<88x128xi32, #tpu.memory_space<vmem>>, vector<16xi32>,
      %gather3A_320 = tpu.vector_load_idx %arg10[%get3A_319] : memref<10240xf32, #tpu.memory_space<vmem>>[vector<16xi32>], vector<16xf32>,
      %add3A_321 = arith.addf %gather3A_316, %gather3A_320 : vector<16xf32>
      %ge3A_322 = arith.constant 0.000000e+00 : f32
      %ge3A_323 = vector.broadcast %ge3A_322 : f32 to vector<16xf32>
      %ge3A_324 = arith.cmpf oge, %add3A_321, %ge3A_323 : vector<16xf32>
      %mul3A_325 = arith.constant 2.000000e-01 : f32
      %mul3A_326 = vector.broadcast %mul3A_325 : f32 to vector<16xf32>
      %mul3A_327 = arith.mulf %mul3A_326, %add3A_321 : vector<16xf32>
      %select_n3A_328 = arith.select %ge3A_324, %add3A_321, %mul3A_327 : vector<16xi1>, vector<16xf32>
      %sub3A_329 = arith.subf %select_n3A_328, %get3A_30 : vector<16xf32>
      %exp3A_330 = math.exp %sub3A_329 : vector<16xf32>
      %swap3A_331 = arith.constant 64 : index
      %swap3A_332 = tpu.vector_load %arg14[%swap3A_331] {strides = array<i32>} : memref<128xf32, #tpu.memory_space<vmem>>, vector<16xf32>,
      tpu.vector_store %arg14[%swap3A_331], %exp3A_330 {strides = array<i32>} : memref<128xf32, #tpu.memory_space<vmem>>, vector<16xf32>,
      %get3A_333 = arith.index_cast %add3A_225 : i32 to index
      %get3A_334 = arith.constant 80 : index
      %get3A_335 = tpu.vector_load %arg12[%get3A_333, %get3A_334] {strides = array<i32>} : memref<88x128xi32, #tpu.memory_space<vmem>>, vector<16xi32>,
      %gather3A_336 = tpu.vector_load_idx %arg9[%get3A_335] : memref<10240xf32, #tpu.memory_space<vmem>>[vector<16xi32>], vector<16xf32>,
      %get3A_337 = arith.index_cast %add3A_225 : i32 to index
      %get3A_338 = arith.constant 80 : index
      %get3A_339 = tpu.vector_load %arg13[%get3A_337, %get3A_338] {strides = array<i32>} : memref<88x128xi32, #tpu.memory_space<vmem>>, vector<16xi32>,
      %gather3A_340 = tpu.vector_load_idx %arg10[%get3A_339] : memref<10240xf32, #tpu.memory_space<vmem>>[vector<16xi32>], vector<16xf32>,
      %add3A_341 = arith.addf %gather3A_336, %gather3A_340 : vector<16xf32>
      %ge3A_342 = arith.constant 0.000000e+00 : f32
      %ge3A_343 = vector.broadcast %ge3A_342 : f32 to vector<16xf32>
      %ge3A_344 = arith.cmpf oge, %add3A_341, %ge3A_343 : vector<16xf32>
      %mul3A_345 = arith.constant 2.000000e-01 : f32
      %mul3A_346 = vector.broadcast %mul3A_345 : f32 to vector<16xf32>
      %mul3A_347 = arith.mulf %mul3A_346, %add3A_341 : vector<16xf32>
      %select_n3A_348 = arith.select %ge3A_344, %add3A_341, %mul3A_347 : vector<16xi1>, vector<16xf32>
      %sub3A_349 = arith.subf %select_n3A_348, %get3A_30 : vector<16xf32>
      %exp3A_350 = math.exp %sub3A_349 : vector<16xf32>
      %swap3A_351 = arith.constant 80 : index
      %swap3A_352 = tpu.vector_load %arg14[%swap3A_351] {strides = array<i32>} : memref<128xf32, #tpu.memory_space<vmem>>, vector<16xf32>,
      tpu.vector_store %arg14[%swap3A_351], %exp3A_350 {strides = array<i32>} : memref<128xf32, #tpu.memory_space<vmem>>, vector<16xf32>,
      %get3A_353 = arith.index_cast %add3A_225 : i32 to index
      %get3A_354 = arith.constant 96 : index
      %get3A_355 = tpu.vector_load %arg12[%get3A_353, %get3A_354] {strides = array<i32>} : memref<88x128xi32, #tpu.memory_space<vmem>>, vector<16xi32>,
      %gather3A_356 = tpu.vector_load_idx %arg9[%get3A_355] : memref<10240xf32, #tpu.memory_space<vmem>>[vector<16xi32>], vector<16xf32>,
      %get3A_357 = arith.index_cast %add3A_225 : i32 to index
      %get3A_358 = arith.constant 96 : index
      %get3A_359 = tpu.vector_load %arg13[%get3A_357, %get3A_358] {strides = array<i32>} : memref<88x128xi32, #tpu.memory_space<vmem>>, vector<16xi32>,
      %gather3A_360 = tpu.vector_load_idx %arg10[%get3A_359] : memref<10240xf32, #tpu.memory_space<vmem>>[vector<16xi32>], vector<16xf32>,
      %add3A_361 = arith.addf %gather3A_356, %gather3A_360 : vector<16xf32>
      %ge3A_362 = arith.constant 0.000000e+00 : f32
      %ge3A_363 = vector.broadcast %ge3A_362 : f32 to vector<16xf32>
      %ge3A_364 = arith.cmpf oge, %add3A_361, %ge3A_363 : vector<16xf32>
      %mul3A_365 = arith.constant 2.000000e-01 : f32
      %mul3A_366 = vector.broadcast %mul3A_365 : f32 to vector<16xf32>
      %mul3A_367 = arith.mulf %mul3A_366, %add3A_361 : vector<16xf32>
      %select_n3A_368 = arith.select %ge3A_364, %add3A_361, %mul3A_367 : vector<16xi1>, vector<16xf32>
      %sub3A_369 = arith.subf %select_n3A_368, %get3A_30 : vector<16xf32>
      %exp3A_370 = math.exp %sub3A_369 : vector<16xf32>
      %swap3A_371 = arith.constant 96 : index
      %swap3A_372 = tpu.vector_load %arg14[%swap3A_371] {strides = array<i32>} : memref<128xf32, #tpu.memory_space<vmem>>, vector<16xf32>,
      tpu.vector_store %arg14[%swap3A_371], %exp3A_370 {strides = array<i32>} : memref<128xf32, #tpu.memory_space<vmem>>, vector<16xf32>,
      %get3A_373 = arith.index_cast %add3A_225 : i32 to index
      %get3A_374 = arith.constant 112 : index
      %get3A_375 = tpu.vector_load %arg12[%get3A_373, %get3A_374] {strides = array<i32>} : memref<88x128xi32, #tpu.memory_space<vmem>>, vector<16xi32>,
      %gather3A_376 = tpu.vector_load_idx %arg9[%get3A_375] : memref<10240xf32, #tpu.memory_space<vmem>>[vector<16xi32>], vector<16xf32>,
      %get3A_377 = arith.index_cast %add3A_225 : i32 to index
      %get3A_378 = arith.constant 112 : index
      %get3A_379 = tpu.vector_load %arg13[%get3A_377, %get3A_378] {strides = array<i32>} : memref<88x128xi32, #tpu.memory_space<vmem>>, vector<16xi32>,
      %gather3A_380 = tpu.vector_load_idx %arg10[%get3A_379] : memref<10240xf32, #tpu.memory_space<vmem>>[vector<16xi32>], vector<16xf32>,
      %add3A_381 = arith.addf %gather3A_376, %gather3A_380 : vector<16xf32>
      %ge3A_382 = arith.constant 0.000000e+00 : f32
      %ge3A_383 = vector.broadcast %ge3A_382 : f32 to vector<16xf32>
      %ge3A_384 = arith.cmpf oge, %add3A_381, %ge3A_383 : vector<16xf32>
      %mul3A_385 = arith.constant 2.000000e-01 : f32
      %mul3A_386 = vector.broadcast %mul3A_385 : f32 to vector<16xf32>
      %mul3A_387 = arith.mulf %mul3A_386, %add3A_381 : vector<16xf32>
      %select_n3A_388 = arith.select %ge3A_384, %add3A_381, %mul3A_387 : vector<16xi1>, vector<16xf32>
      %sub3A_389 = arith.subf %select_n3A_388, %get3A_30 : vector<16xf32>
      %exp3A_390 = math.exp %sub3A_389 : vector<16xf32>
      %swap3A_391 = arith.constant 112 : index
      %swap3A_392 = tpu.vector_load %arg14[%swap3A_391] {strides = array<i32>} : memref<128xf32, #tpu.memory_space<vmem>>, vector<16xf32>,
      tpu.vector_store %arg14[%swap3A_391], %exp3A_390 {strides = array<i32>} : memref<128xf32, #tpu.memory_space<vmem>>, vector<16xf32>,
      %dma_wait3A_393 = arith.constant 0 : i32
      %dma_wait3A_394 = tpu.memref_slice %arg12[%add3A_225, %dma_wait3A_393] : memref<88x128xi32, #tpu.memory_space<vmem>> -> memref<1x128xi32, #tpu.memory_space<vmem>>
      %dma_wait3A_395 = tpu.memref_squeeze %dma_wait3A_394 : memref<1x128xi32, #tpu.memory_space<vmem>> -> memref<128xi32, #tpu.memory_space<vmem>>
      %dma_wait3A_396 = arith.constant 0 : i32
      %dma_wait3A_397 = arith.constant 0 : i32
      %dma_wait3A_398 = tpu.memref_slice %arg2[%dma_wait3A_396, %dma_wait3A_397] : memref<10240x16xf32, #tpu.memory_space<hbm>> -> memref<10240x16xf32, #tpu.memory_space<hbm>>
      tpu.wait_indirect_dma semaphore(%arg18 : memref<!tpu.dma_semaphore, #tpu.memory_space<semaphore_mem>>) src(%dma_wait3A_398 : memref<10240x16xf32, #tpu.memory_space<hbm>>) dst(%arg16 : memref<128x16xf32, #tpu.memory_space<vmem>>)
      %scan3A_399 = arith.constant 0 : i32
      %scan3A_400 = arith.constant 0 : i32
      %scan3A_401 = arith.constant 16 : i32
      %scan3A_402 = arith.addi %scan3A_400, %scan3A_401 : i32
      %scan3A_403 = arith.constant 1 : i32
      scf.for %scan3A_405 = %scan3A_400 to %scan3A_402 step %scan3A_403  : i32 {
        %mul3A_406 = arith.constant 8 : i32
        %mul3A_407 = arith.muli %scan3A_405, %mul3A_406 : i32
        %add3A_408 = arith.constant 0 : i32
        %add3A_409 = arith.addi %mul3A_407, %add3A_408 : i32
        %broadcast_in_dim3A = vector.broadcast %add3A_409 : i32 to vector<16xi32>
        %gather3A_410 = tpu.vector_load_idx %arg14[%broadcast_in_dim3A] : memref<128xf32, #tpu.memory_space<vmem>>[vector<16xi32>], vector<16xf32>,
        %get3A_411 = arith.index_cast %add3A_409 : i32 to index
        %get3A_412 = arith.constant 0 : index
        %get3A_413 = tpu.vector_load %arg16[%get3A_411, %get3A_412] {strides = array<i32>} : memref<128x16xf32, #tpu.memory_space<vmem>>, vector<16xf32>,
        %mul3A_414 = arith.mulf %get3A_413, %gather3A_410 : vector<16xf32>
        %swap3A_415 = arith.index_cast %add3A_409 : i32 to index
        %swap3A_416 = arith.constant 0 : index
        %swap3A_417 = tpu.vector_load %arg16[%swap3A_415, %swap3A_416] {strides = array<i32>} : memref<128x16xf32, #tpu.memory_space<vmem>>, vector<16xf32>,
        tpu.vector_store %arg16[%swap3A_415, %swap3A_416], %mul3A_414 {strides = array<i32>} : memref<128x16xf32, #tpu.memory_space<vmem>>, vector<16xf32>,
        %mul3A_418 = arith.constant 8 : i32
        %mul3A_419 = arith.muli %scan3A_405, %mul3A_418 : i32
        %add3A_420 = arith.constant 1 : i32
        %add3A_421 = arith.addi %mul3A_419, %add3A_420 : i32
        %broadcast_in_dim3A_422 = vector.broadcast %add3A_421 : i32 to vector<16xi32>
        %gather3A_423 = tpu.vector_load_idx %arg14[%broadcast_in_dim3A_422] : memref<128xf32, #tpu.memory_space<vmem>>[vector<16xi32>], vector<16xf32>,
        %get3A_424 = arith.index_cast %add3A_421 : i32 to index
        %get3A_425 = arith.constant 0 : index
        %get3A_426 = tpu.vector_load %arg16[%get3A_424, %get3A_425] {strides = array<i32>} : memref<128x16xf32, #tpu.memory_space<vmem>>, vector<16xf32>,
        %mul3A_427 = arith.mulf %get3A_426, %gather3A_423 : vector<16xf32>
        %swap3A_428 = arith.index_cast %add3A_421 : i32 to index
        %swap3A_429 = arith.constant 0 : index
        %swap3A_430 = tpu.vector_load %arg16[%swap3A_428, %swap3A_429] {strides = array<i32>} : memref<128x16xf32, #tpu.memory_space<vmem>>, vector<16xf32>,
        tpu.vector_store %arg16[%swap3A_428, %swap3A_429], %mul3A_427 {strides = array<i32>} : memref<128x16xf32, #tpu.memory_space<vmem>>, vector<16xf32>,
        %mul3A_431 = arith.constant 8 : i32
        %mul3A_432 = arith.muli %scan3A_405, %mul3A_431 : i32
        %add3A_433 = arith.constant 2 : i32
        %add3A_434 = arith.addi %mul3A_432, %add3A_433 : i32
        %broadcast_in_dim3A_435 = vector.broadcast %add3A_434 : i32 to vector<16xi32>
        %gather3A_436 = tpu.vector_load_idx %arg14[%broadcast_in_dim3A_435] : memref<128xf32, #tpu.memory_space<vmem>>[vector<16xi32>], vector<16xf32>,
        %get3A_437 = arith.index_cast %add3A_434 : i32 to index
        %get3A_438 = arith.constant 0 : index
        %get3A_439 = tpu.vector_load %arg16[%get3A_437, %get3A_438] {strides = array<i32>} : memref<128x16xf32, #tpu.memory_space<vmem>>, vector<16xf32>,
        %mul3A_440 = arith.mulf %get3A_439, %gather3A_436 : vector<16xf32>
        %swap3A_441 = arith.index_cast %add3A_434 : i32 to index
        %swap3A_442 = arith.constant 0 : index
        %swap3A_443 = tpu.vector_load %arg16[%swap3A_441, %swap3A_442] {strides = array<i32>} : memref<128x16xf32, #tpu.memory_space<vmem>>, vector<16xf32>,
        tpu.vector_store %arg16[%swap3A_441, %swap3A_442], %mul3A_440 {strides = array<i32>} : memref<128x16xf32, #tpu.memory_space<vmem>>, vector<16xf32>,
        %mul3A_444 = arith.constant 8 : i32
        %mul3A_445 = arith.muli %scan3A_405, %mul3A_444 : i32
        %add3A_446 = arith.constant 3 : i32
        %add3A_447 = arith.addi %mul3A_445, %add3A_446 : i32
        %broadcast_in_dim3A_448 = vector.broadcast %add3A_447 : i32 to vector<16xi32>
        %gather3A_449 = tpu.vector_load_idx %arg14[%broadcast_in_dim3A_448] : memref<128xf32, #tpu.memory_space<vmem>>[vector<16xi32>], vector<16xf32>,
        %get3A_450 = arith.index_cast %add3A_447 : i32 to index
        %get3A_451 = arith.constant 0 : index
        %get3A_452 = tpu.vector_load %arg16[%get3A_450, %get3A_451] {strides = array<i32>} : memref<128x16xf32, #tpu.memory_space<vmem>>, vector<16xf32>,
        %mul3A_453 = arith.mulf %get3A_452, %gather3A_449 : vector<16xf32>
        %swap3A_454 = arith.index_cast %add3A_447 : i32 to index
        %swap3A_455 = arith.constant 0 : index
        %swap3A_456 = tpu.vector_load %arg16[%swap3A_454, %swap3A_455] {strides = array<i32>} : memref<128x16xf32, #tpu.memory_space<vmem>>, vector<16xf32>,
        tpu.vector_store %arg16[%swap3A_454, %swap3A_455], %mul3A_453 {strides = array<i32>} : memref<128x16xf32, #tpu.memory_space<vmem>>, vector<16xf32>,
        %mul3A_457 = arith.constant 8 : i32
        %mul3A_458 = arith.muli %scan3A_405, %mul3A_457 : i32
        %add3A_459 = arith.constant 4 : i32
        %add3A_460 = arith.addi %mul3A_458, %add3A_459 : i32
        %broadcast_in_dim3A_461 = vector.broadcast %add3A_460 : i32 to vector<16xi32>
        %gather3A_462 = tpu.vector_load_idx %arg14[%broadcast_in_dim3A_461] : memref<128xf32, #tpu.memory_space<vmem>>[vector<16xi32>], vector<16xf32>,
        %get3A_463 = arith.index_cast %add3A_460 : i32 to index
        %get3A_464 = arith.constant 0 : index
        %get3A_465 = tpu.vector_load %arg16[%get3A_463, %get3A_464] {strides = array<i32>} : memref<128x16xf32, #tpu.memory_space<vmem>>, vector<16xf32>,
        %mul3A_466 = arith.mulf %get3A_465, %gather3A_462 : vector<16xf32>
        %swap3A_467 = arith.index_cast %add3A_460 : i32 to index
        %swap3A_468 = arith.constant 0 : index
        %swap3A_469 = tpu.vector_load %arg16[%swap3A_467, %swap3A_468] {strides = array<i32>} : memref<128x16xf32, #tpu.memory_space<vmem>>, vector<16xf32>,
        tpu.vector_store %arg16[%swap3A_467, %swap3A_468], %mul3A_466 {strides = array<i32>} : memref<128x16xf32, #tpu.memory_space<vmem>>, vector<16xf32>,
        %mul3A_470 = arith.constant 8 : i32
        %mul3A_471 = arith.muli %scan3A_405, %mul3A_470 : i32
        %add3A_472 = arith.constant 5 : i32
        %add3A_473 = arith.addi %mul3A_471, %add3A_472 : i32
        %broadcast_in_dim3A_474 = vector.broadcast %add3A_473 : i32 to vector<16xi32>
        %gather3A_475 = tpu.vector_load_idx %arg14[%broadcast_in_dim3A_474] : memref<128xf32, #tpu.memory_space<vmem>>[vector<16xi32>], vector<16xf32>,
        %get3A_476 = arith.index_cast %add3A_473 : i32 to index
        %get3A_477 = arith.constant 0 : index
        %get3A_478 = tpu.vector_load %arg16[%get3A_476, %get3A_477] {strides = array<i32>} : memref<128x16xf32, #tpu.memory_space<vmem>>, vector<16xf32>,
        %mul3A_479 = arith.mulf %get3A_478, %gather3A_475 : vector<16xf32>
        %swap3A_480 = arith.index_cast %add3A_473 : i32 to index
        %swap3A_481 = arith.constant 0 : index
        %swap3A_482 = tpu.vector_load %arg16[%swap3A_480, %swap3A_481] {strides = array<i32>} : memref<128x16xf32, #tpu.memory_space<vmem>>, vector<16xf32>,
        tpu.vector_store %arg16[%swap3A_480, %swap3A_481], %mul3A_479 {strides = array<i32>} : memref<128x16xf32, #tpu.memory_space<vmem>>, vector<16xf32>,
        %mul3A_483 = arith.constant 8 : i32
        %mul3A_484 = arith.muli %scan3A_405, %mul3A_483 : i32
        %add3A_485 = arith.constant 6 : i32
        %add3A_486 = arith.addi %mul3A_484, %add3A_485 : i32
        %broadcast_in_dim3A_487 = vector.broadcast %add3A_486 : i32 to vector<16xi32>
        %gather3A_488 = tpu.vector_load_idx %arg14[%broadcast_in_dim3A_487] : memref<128xf32, #tpu.memory_space<vmem>>[vector<16xi32>], vector<16xf32>,
        %get3A_489 = arith.index_cast %add3A_486 : i32 to index
        %get3A_490 = arith.constant 0 : index
        %get3A_491 = tpu.vector_load %arg16[%get3A_489, %get3A_490] {strides = array<i32>} : memref<128x16xf32, #tpu.memory_space<vmem>>, vector<16xf32>,
        %mul3A_492 = arith.mulf %get3A_491, %gather3A_488 : vector<16xf32>
        %swap3A_493 = arith.index_cast %add3A_486 : i32 to index
        %swap3A_494 = arith.constant 0 : index
        %swap3A_495 = tpu.vector_load %arg16[%swap3A_493, %swap3A_494] {strides = array<i32>} : memref<128x16xf32, #tpu.memory_space<vmem>>, vector<16xf32>,
        tpu.vector_store %arg16[%swap3A_493, %swap3A_494], %mul3A_492 {strides = array<i32>} : memref<128x16xf32, #tpu.memory_space<vmem>>, vector<16xf32>,
        %mul3A_496 = arith.constant 8 : i32
        %mul3A_497 = arith.muli %scan3A_405, %mul3A_496 : i32
        %add3A_498 = arith.constant 7 : i32
        %add3A_499 = arith.addi %mul3A_497, %add3A_498 : i32
        %broadcast_in_dim3A_500 = vector.broadcast %add3A_499 : i32 to vector<16xi32>
        %gather3A_501 = tpu.vector_load_idx %arg14[%broadcast_in_dim3A_500] : memref<128xf32, #tpu.memory_space<vmem>>[vector<16xi32>], vector<16xf32>,
        %get3A_502 = arith.index_cast %add3A_499 : i32 to index
        %get3A_503 = arith.constant 0 : index
        %get3A_504 = tpu.vector_load %arg16[%get3A_502, %get3A_503] {strides = array<i32>} : memref<128x16xf32, #tpu.memory_space<vmem>>, vector<16xf32>,
        %mul3A_505 = arith.mulf %get3A_504, %gather3A_501 : vector<16xf32>
        %swap3A_506 = arith.index_cast %add3A_499 : i32 to index
        %swap3A_507 = arith.constant 0 : index
        %swap3A_508 = tpu.vector_load %arg16[%swap3A_506, %swap3A_507] {strides = array<i32>} : memref<128x16xf32, #tpu.memory_space<vmem>>, vector<16xf32>,
        tpu.vector_store %arg16[%swap3A_506, %swap3A_507], %mul3A_505 {strides = array<i32>} : memref<128x16xf32, #tpu.memory_space<vmem>>, vector<16xf32>,
      }
      %scan3A_404 = arith.constant 16 : i32
      "tpu.region"() ({
        %run_scoped3A = tpu.sem_alloc : memref<!tpu.dma_semaphore, #tpu.memory_space<semaphore_mem>>
        %dma_start3A_405 = arith.constant 0 : i32
        %dma_start3A_406 = tpu.memref_slice %arg13[%add3A_225, %dma_start3A_405] : memref<88x128xi32, #tpu.memory_space<vmem>> -> memref<1x128xi32, #tpu.memory_space<vmem>>
        %dma_start3A_407 = tpu.memref_squeeze %dma_start3A_406 : memref<1x128xi32, #tpu.memory_space<vmem>> -> memref<128xi32, #tpu.memory_space<vmem>>
        %dma_start3A_408 = arith.constant 0 : i32
        %dma_start3A_409 = arith.constant 0 : i32
        %dma_start3A_410 = tpu.memref_slice %arg19[%dma_start3A_408, %dma_start3A_409] : memref<10240x16xf32, #tpu.memory_space<vmem_shared>> -> memref<10240x16xf32, #tpu.memory_space<vmem_shared>>
        tpu.enqueue_indirect_dma source(%arg16 : memref<128x16xf32, #tpu.memory_space<vmem>>) target(%dma_start3A_410 : memref<10240x16xf32, #tpu.memory_space<vmem_shared>>) offsets(%dma_start3A_407 : memref<128xi32, #tpu.memory_space<vmem>>) semaphore(%run_scoped3A : memref<!tpu.dma_semaphore, #tpu.memory_space<semaphore_mem>>) {add = true}
        %dma_wait3A_411 = arith.constant 0 : i32
        %dma_wait3A_412 = tpu.memref_slice %arg13[%add3A_225, %dma_wait3A_411] : memref<88x128xi32, #tpu.memory_space<vmem>> -> memref<1x128xi32, #tpu.memory_space<vmem>>
        %dma_wait3A_413 = tpu.memref_squeeze %dma_wait3A_412 : memref<1x128xi32, #tpu.memory_space<vmem>> -> memref<128xi32, #tpu.memory_space<vmem>>
        %dma_wait3A_414 = arith.constant 0 : i32
        %dma_wait3A_415 = arith.constant 0 : i32
        %dma_wait3A_416 = tpu.memref_slice %arg19[%dma_wait3A_414, %dma_wait3A_415] : memref<10240x16xf32, #tpu.memory_space<vmem_shared>> -> memref<10240x16xf32, #tpu.memory_space<vmem_shared>>
        tpu.wait_indirect_dma semaphore(%run_scoped3A : memref<!tpu.dma_semaphore, #tpu.memory_space<semaphore_mem>>) src(%arg16 : memref<128x16xf32, #tpu.memory_space<vmem>>) dst(%dma_wait3A_416 : memref<10240x16xf32, #tpu.memory_space<vmem_shared>>)
        tpu.yield
      }) : () -> ()
    }
    %scan3A_42 = arith.constant 44 : i32
    %barrier3A_43 = arith.constant 0 : index
    tpu.barrier barrier_id(%barrier3A_43)
    %mul3A_44 = arith.constant 640 : i32
    %mul3A_45 = arith.muli %arg1, %mul3A_44 : i32
    %mul3A_46 = arith.constant 640 : i32
    %mul3A_47 = arith.muli %arg1, %mul3A_46 : i32
    "tpu.region"() ({
      %run_scoped3A = tpu.sem_alloc : memref<!tpu.dma_semaphore, #tpu.memory_space<semaphore_mem>>
      %dma_start3A_48 = arith.constant 0 : i32
      %dma_start3A_49 = arith.constant 0 : i32
      %dma_start3A_50 = tpu.memref_slice %arg8[%arg0, %dma_start3A_48, %dma_start3A_49] : memref<2x10240x16xf32, #tpu.memory_space<hbm>> -> memref<1x10240x16xf32, #tpu.memory_space<hbm>>
      %dma_start3A_51 = tpu.memref_squeeze %dma_start3A_50 : memref<1x10240x16xf32, #tpu.memory_space<hbm>> -> memref<10240x16xf32, #tpu.memory_space<hbm>>
      %dma_start3A_52 = arith.constant 0 : i32
      %dma_start3A_53 = tpu.memref_slice %dma_start3A_51[%mul3A_47, %dma_start3A_52] : memref<10240x16xf32, #tpu.memory_space<hbm>> -> memref<640x16xf32, #tpu.memory_space<hbm>>
      %dma_start3A_54 = arith.constant 0 : i32
      %dma_start3A_55 = tpu.memref_slice %arg19[%mul3A_45, %dma_start3A_54] : memref<10240x16xf32, #tpu.memory_space<vmem_shared>> -> memref<640x16xf32, #tpu.memory_space<vmem_shared>>
      tpu.enqueue_dma source(%dma_start3A_55 : memref<640x16xf32, #tpu.memory_space<vmem_shared>>) target(%dma_start3A_53 : memref<640x16xf32, #tpu.memory_space<hbm>>) target_semaphore(%run_scoped3A : memref<!tpu.dma_semaphore, #tpu.memory_space<semaphore_mem>>)
      %dma_wait3A = arith.constant 0 : i32
      %dma_wait3A_56 = arith.constant 0 : i32
      %dma_wait3A_57 = tpu.memref_slice %arg8[%arg0, %dma_wait3A, %dma_wait3A_56] : memref<2x10240x16xf32, #tpu.memory_space<hbm>> -> memref<1x10240x16xf32, #tpu.memory_space<hbm>>
      %dma_wait3A_58 = tpu.memref_squeeze %dma_wait3A_57 : memref<1x10240x16xf32, #tpu.memory_space<hbm>> -> memref<10240x16xf32, #tpu.memory_space<hbm>>
      %dma_wait3A_59 = arith.constant 0 : i32
      %dma_wait3A_60 = tpu.memref_slice %dma_wait3A_58[%mul3A_47, %dma_wait3A_59] : memref<10240x16xf32, #tpu.memory_space<hbm>> -> memref<640x16xf32, #tpu.memory_space<hbm>>
      %dma_wait3A_61 = arith.constant 0 : i32
      %dma_wait3A_62 = tpu.memref_slice %arg19[%mul3A_45, %dma_wait3A_61] : memref<10240x16xf32, #tpu.memory_space<vmem_shared>> -> memref<640x16xf32, #tpu.memory_space<vmem_shared>>
      tpu.wait_dma2 semaphore(%run_scoped3A : memref<!tpu.dma_semaphore, #tpu.memory_space<semaphore_mem>>) src(%dma_wait3A_62 : memref<640x16xf32, #tpu.memory_space<vmem_shared>>) dst(%dma_wait3A_60 : memref<640x16xf32, #tpu.memory_space<hbm>>)
      tpu.yield
    }) : () -> ()
    return
  }
}

module attributes {stable_mosaic.version = 14 : i64} {
  func.func @_dense1_body(%arg0: memref<10000x128xf32, #tpu.memory_space<vmem>>, %arg1: memref<128x64xf32, #tpu.memory_space<vmem>>, %arg2: memref<1x64xf32, #tpu.memory_space<vmem>>, %arg3: memref<1x64xf32, #tpu.memory_space<vmem>>, %arg4: memref<10240x80xf32, #tpu.memory_space<vmem>>, %arg5: memref<10240x2xf32, #tpu.memory_space<vmem>>, %arg6: memref<1x16xf32, #tpu.memory_space<vmem>>) attributes {dimension_semantics = [], scalar_prefetch = 0 : i64, scratch_operands = 0 : i64, tpu.core_type = #tpu.core_type<tc>} {
    %get3A = arith.constant 0 : index
    %get3A_0 = arith.constant 0 : index
    %get3A_1 = vector.load %arg0[%get3A, %get3A_0] : memref<10000x128xf32, #tpu.memory_space<vmem>>, vector<10000x128xf32>
    %get3A_2 = arith.constant 0 : index
    %get3A_3 = arith.constant 0 : index
    %get3A_4 = vector.load %arg1[%get3A_2, %get3A_3] : memref<128x64xf32, #tpu.memory_space<vmem>>, vector<128x64xf32>
    %dot_general3A = arith.constant dense<0.000000e+00> : vector<10000x64xf32>
    %dot_general3A_5 = tpu.matmul %get3A_1, %get3A_4, %dot_general3A {dimension_numbers = #tpu.dot_dimension_numbers<[1], [0], [0], [1], [0, 0, 1, 1], [], []>, transpose_lhs_hint = false} : vector<10000x128xf32>, vector<128x64xf32>, vector<10000x64xf32> -> vector<10000x64xf32>
    %get3A_6 = arith.constant 0 : index
    %get3A_7 = arith.constant 0 : index
    %get3A_8 = vector.load %arg2[%get3A_6, %get3A_7] : memref<1x64xf32, #tpu.memory_space<vmem>>, vector<1x64xf32>
    %get3A_9 = arith.constant 0 : index
    %get3A_10 = arith.constant 0 : index
    %get3A_11 = vector.load %arg3[%get3A_9, %get3A_10] : memref<1x64xf32, #tpu.memory_space<vmem>>, vector<1x64xf32>
    %mul3A = vector.broadcast %get3A_8 : vector<1x64xf32> to vector<10000x64xf32>
    %mul3A_12 = arith.mulf %dot_general3A_5, %mul3A : vector<10000x64xf32>
    %reduce_sum3A = arith.constant dense<0.000000e+00> : vector<10000xf32>
    %reduce_sum3A_13 = vector.multi_reduction <add>, %mul3A_12, %reduce_sum3A [1] : vector<10000x64xf32> to vector<10000xf32>
    %broadcast_in_dim3A = vector.shape_cast %reduce_sum3A_13 : vector<10000xf32> to vector<10000x1xf32>
    %mul3A_14 = vector.broadcast %get3A_11 : vector<1x64xf32> to vector<10000x64xf32>
    %mul3A_15 = arith.mulf %dot_general3A_5, %mul3A_14 : vector<10000x64xf32>
    %reduce_sum3A_16 = arith.constant dense<0.000000e+00> : vector<10000xf32>
    %reduce_sum3A_17 = vector.multi_reduction <add>, %mul3A_15, %reduce_sum3A_16 [1] : vector<10000x64xf32> to vector<10000xf32>
    %broadcast_in_dim3A_18 = vector.shape_cast %reduce_sum3A_17 : vector<10000xf32> to vector<10000x1xf32>
    %reduce_max3A = vector.shape_cast %broadcast_in_dim3A : vector<10000x1xf32> to vector<1x10000x1xf32>
    %reduce_max3A_19 = arith.constant dense<0xFF800000> : vector<1xf32>
    %reduce_max3A_20 = vector.multi_reduction <maximumf>, %reduce_max3A, %reduce_max3A_19 [1, 2] : vector<1x10000x1xf32> to vector<1xf32>
    %reduce_max3A_21 = vector.shape_cast %reduce_max3A_20 : vector<1xf32> to vector<1x1x1xf32>
    %reduce_max3A_22 = vector.extract %reduce_max3A_21[0, 0, 0] : f32 from vector<1x1x1xf32>
    %reduce_max3A_23 = vector.shape_cast %broadcast_in_dim3A_18 : vector<10000x1xf32> to vector<1x10000x1xf32>
    %reduce_max3A_24 = arith.constant dense<0xFF800000> : vector<1xf32>
    %reduce_max3A_25 = vector.multi_reduction <maximumf>, %reduce_max3A_23, %reduce_max3A_24 [1, 2] : vector<1x10000x1xf32> to vector<1xf32>
    %reduce_max3A_26 = vector.shape_cast %reduce_max3A_25 : vector<1xf32> to vector<1x1x1xf32>
    %reduce_max3A_27 = vector.extract %reduce_max3A_26[0, 0, 0] : f32 from vector<1x1x1xf32>
    %add3A = arith.addf %reduce_max3A_22, %reduce_max3A_27 : f32
    %ge3A = arith.constant 0.000000e+00 : f32
    %ge3A_28 = arith.cmpf oge, %add3A, %ge3A : f32
    %mul3A_29 = arith.constant 2.000000e-01 : f32
    %mul3A_30 = arith.mulf %mul3A_29, %add3A : f32
    %select_n3A = arith.select %ge3A_28, %add3A, %mul3A_30 : f32
    %iota3A = tpu.iota {dimensions = array<i32: 1>} : vector<10000x16xi32>
    %eq3A = arith.constant 0 : i32
    %eq3A_31 = vector.broadcast %eq3A : i32 to vector<10000x16xi32>
    %eq3A_32 = arith.cmpi eq, %iota3A, %eq3A_31 : vector<10000x16xi32>
    %jit3A = arith.constant 1.000000e+00 : f32
    %jit3A_33 = arith.constant 0.000000e+00 : f32
    %broadcast_in_dim3A_34 = vector.broadcast %jit3A : f32 to vector<10000x16xf32>
    %broadcast_in_dim3A_35 = vector.broadcast %jit3A_33 : f32 to vector<10000x16xf32>
    %select_n3A_36 = arith.select %eq3A_32, %broadcast_in_dim3A_34, %broadcast_in_dim3A_35 : vector<10000x16xi1>, vector<10000x16xf32>
    %concatenate3A = tpu.concatenate %dot_general3A_5, %select_n3A_36 in 1 : vector<10000x64xf32>, vector<10000x16xf32> -> vector<10000x80xf32>
    %broadcast_in_dim3A_37 = arith.constant 0.000000e+00 : f32
    %broadcast_in_dim3A_38 = vector.broadcast %broadcast_in_dim3A_37 : f32 to vector<240x80xf32>
    %concatenate3A_39 = tpu.concatenate %concatenate3A, %broadcast_in_dim3A_38 in 0 : vector<10000x80xf32>, vector<240x80xf32> -> vector<10240x80xf32>
    %concatenate3A_40 = tpu.concatenate %broadcast_in_dim3A, %broadcast_in_dim3A_18 in 1 : vector<10000x1xf32>, vector<10000x1xf32> -> vector<10000x2xf32>
    %broadcast_in_dim3A_41 = arith.constant 0.000000e+00 : f32
    %broadcast_in_dim3A_42 = vector.broadcast %broadcast_in_dim3A_41 : f32 to vector<240x2xf32>
    %concatenate3A_43 = tpu.concatenate %concatenate3A_40, %broadcast_in_dim3A_42 in 0 : vector<10000x2xf32>, vector<240x2xf32> -> vector<10240x2xf32>
    %broadcast_in_dim3A_44 = vector.broadcast %select_n3A : f32 to vector<1x16xf32>
    %swap3A = arith.constant 0 : index
    %swap3A_45 = arith.constant 0 : index
    %swap3A_46 = vector.load %arg4[%swap3A, %swap3A_45] : memref<10240x80xf32, #tpu.memory_space<vmem>>, vector<10240x80xf32>
    tpu.vector_store %arg4[%swap3A, %swap3A_45], %concatenate3A_39 {strides = array<i32>} : memref<10240x80xf32, #tpu.memory_space<vmem>>, vector<10240x80xf32>,
    %swap3A_47 = arith.constant 0 : index
    %swap3A_48 = arith.constant 0 : index
    %swap3A_49 = vector.load %arg5[%swap3A_47, %swap3A_48] : memref<10240x2xf32, #tpu.memory_space<vmem>>, vector<10240x2xf32>
    tpu.vector_store %arg5[%swap3A_47, %swap3A_48], %concatenate3A_43 {strides = array<i32>} : memref<10240x2xf32, #tpu.memory_space<vmem>>, vector<10240x2xf32>,
    %swap3A_50 = arith.constant 0 : index
    %swap3A_51 = arith.constant 0 : index
    %swap3A_52 = vector.load %arg6[%swap3A_50, %swap3A_51] : memref<1x16xf32, #tpu.memory_space<vmem>>, vector<1x16xf32>
    tpu.vector_store %arg6[%swap3A_50, %swap3A_51], %broadcast_in_dim3A_44 {strides = array<i32>} : memref<1x16xf32, #tpu.memory_space<vmem>>, vector<1x16xf32>,
    return
  }
}

module attributes {stable_mosaic.version = 14 : i64} {
  func.func @_dense2_body(%arg0: memref<2x10240x80xf32, #tpu.memory_space<vmem>>, %arg1: memref<64x2xf32, #tpu.memory_space<vmem>>, %arg2: memref<1x2xf32, #tpu.memory_space<vmem>>, %arg3: memref<1x2xf32, #tpu.memory_space<vmem>>, %arg4: memref<1x64xf32, #tpu.memory_space<vmem>>, %arg5: memref<10240x16xf32, #tpu.memory_space<vmem>>, %arg6: memref<10240x2xf32, #tpu.memory_space<vmem>>, %arg7: memref<1x16xf32, #tpu.memory_space<vmem>>) attributes {dimension_semantics = [], scalar_prefetch = 0 : i64, scratch_operands = 0 : i64, tpu.core_type = #tpu.core_type<tc>} {
    %get3A = arith.constant 0 : index
    %get3A_0 = arith.constant 0 : index
    %get3A_1 = arith.constant 0 : index
    %get3A_2 = vector.load %arg0[%get3A, %get3A_0, %get3A_1] : memref<2x10240x80xf32, #tpu.memory_space<vmem>>, vector<1x10240x80xf32>
    %get3A_3 = vector.shape_cast %get3A_2 : vector<1x10240x80xf32> to vector<10240x80xf32>
    %get3A_4 = arith.constant 1 : index
    %get3A_5 = arith.constant 0 : index
    %get3A_6 = arith.constant 0 : index
    %get3A_7 = vector.load %arg0[%get3A_4, %get3A_5, %get3A_6] : memref<2x10240x80xf32, #tpu.memory_space<vmem>>, vector<1x10240x80xf32>
    %get3A_8 = vector.shape_cast %get3A_7 : vector<1x10240x80xf32> to vector<10240x80xf32>
    %add3A = arith.addf %get3A_3, %get3A_8 : vector<10240x80xf32>
    %slice3A = vector.extract_strided_slice %add3A {offsets = [0, 0], sizes = [10000, 64], strides = [1, 1]} : vector<10240x80xf32> to vector<10000x64xf32>
    %slice3A_9 = vector.extract_strided_slice %add3A {offsets = [0, 64], sizes = [10000, 1], strides = [1, 1]} : vector<10240x80xf32> to vector<10000x1xf32>
    %add3A_10 = arith.constant 1.000000e-16 : f32
    %add3A_11 = vector.broadcast %add3A_10 : f32 to vector<10000x1xf32>
    %add3A_12 = arith.addf %slice3A_9, %add3A_11 : vector<10000x1xf32>
    %div3A = vector.broadcast %add3A_12 : vector<10000x1xf32> to vector<10000x64xf32>
    %div3A_13 = arith.divf %slice3A, %div3A : vector<10000x64xf32>
    %get3A_14 = arith.constant 0 : index
    %get3A_15 = arith.constant 0 : index
    %get3A_16 = vector.load %arg4[%get3A_14, %get3A_15] : memref<1x64xf32, #tpu.memory_space<vmem>>, vector<1x64xf32>
    %add3A_17 = vector.broadcast %get3A_16 : vector<1x64xf32> to vector<10000x64xf32>
    %add3A_18 = arith.addf %div3A_13, %add3A_17 : vector<10000x64xf32>
    %gt3A = arith.constant 0.000000e+00 : f32
    %gt3A_19 = vector.broadcast %gt3A : f32 to vector<10000x64xf32>
    %gt3A_20 = arith.cmpf ogt, %add3A_18, %gt3A_19 : vector<10000x64xf32>
    %exp3A = math.exp %add3A_18 : vector<10000x64xf32>
    %sub3A = arith.constant 1.000000e+00 : f32
    %sub3A_21 = vector.broadcast %sub3A : f32 to vector<10000x64xf32>
    %sub3A_22 = arith.subf %exp3A, %sub3A_21 : vector<10000x64xf32>
    %select_n3A = arith.select %gt3A_20, %add3A_18, %sub3A_22 : vector<10000x64xi1>, vector<10000x64xf32>
    %get3A_23 = arith.constant 0 : index
    %get3A_24 = arith.constant 0 : index
    %get3A_25 = vector.load %arg1[%get3A_23, %get3A_24] : memref<64x2xf32, #tpu.memory_space<vmem>>, vector<64x2xf32>
    %dot_general3A = arith.constant dense<0.000000e+00> : vector<10000x2xf32>
    %dot_general3A_26 = tpu.matmul %select_n3A, %get3A_25, %dot_general3A {dimension_numbers = #tpu.dot_dimension_numbers<[1], [0], [0], [1], [0, 0, 1, 1], [], []>, transpose_lhs_hint = false} : vector<10000x64xf32>, vector<64x2xf32>, vector<10000x2xf32> -> vector<10000x2xf32>
    %get3A_27 = arith.constant 0 : index
    %get3A_28 = arith.constant 0 : index
    %get3A_29 = vector.load %arg2[%get3A_27, %get3A_28] : memref<1x2xf32, #tpu.memory_space<vmem>>, vector<1x2xf32>
    %get3A_30 = arith.constant 0 : index
    %get3A_31 = arith.constant 0 : index
    %get3A_32 = vector.load %arg3[%get3A_30, %get3A_31] : memref<1x2xf32, #tpu.memory_space<vmem>>, vector<1x2xf32>
    %mul3A = vector.broadcast %get3A_29 : vector<1x2xf32> to vector<10000x2xf32>
    %mul3A_33 = arith.mulf %dot_general3A_26, %mul3A : vector<10000x2xf32>
    %reduce_sum3A = arith.constant dense<0.000000e+00> : vector<10000xf32>
    %reduce_sum3A_34 = vector.multi_reduction <add>, %mul3A_33, %reduce_sum3A [1] : vector<10000x2xf32> to vector<10000xf32>
    %broadcast_in_dim3A = vector.shape_cast %reduce_sum3A_34 : vector<10000xf32> to vector<10000x1xf32>
    %mul3A_35 = vector.broadcast %get3A_32 : vector<1x2xf32> to vector<10000x2xf32>
    %mul3A_36 = arith.mulf %dot_general3A_26, %mul3A_35 : vector<10000x2xf32>
    %reduce_sum3A_37 = arith.constant dense<0.000000e+00> : vector<10000xf32>
    %reduce_sum3A_38 = vector.multi_reduction <add>, %mul3A_36, %reduce_sum3A_37 [1] : vector<10000x2xf32> to vector<10000xf32>
    %broadcast_in_dim3A_39 = vector.shape_cast %reduce_sum3A_38 : vector<10000xf32> to vector<10000x1xf32>
    %reduce_max3A = vector.shape_cast %broadcast_in_dim3A : vector<10000x1xf32> to vector<1x10000x1xf32>
    %reduce_max3A_40 = arith.constant dense<0xFF800000> : vector<1xf32>
    %reduce_max3A_41 = vector.multi_reduction <maximumf>, %reduce_max3A, %reduce_max3A_40 [1, 2] : vector<1x10000x1xf32> to vector<1xf32>
    %reduce_max3A_42 = vector.shape_cast %reduce_max3A_41 : vector<1xf32> to vector<1x1x1xf32>
    %reduce_max3A_43 = vector.extract %reduce_max3A_42[0, 0, 0] : f32 from vector<1x1x1xf32>
    %reduce_max3A_44 = vector.shape_cast %broadcast_in_dim3A_39 : vector<10000x1xf32> to vector<1x10000x1xf32>
    %reduce_max3A_45 = arith.constant dense<0xFF800000> : vector<1xf32>
    %reduce_max3A_46 = vector.multi_reduction <maximumf>, %reduce_max3A_44, %reduce_max3A_45 [1, 2] : vector<1x10000x1xf32> to vector<1xf32>
    %reduce_max3A_47 = vector.shape_cast %reduce_max3A_46 : vector<1xf32> to vector<1x1x1xf32>
    %reduce_max3A_48 = vector.extract %reduce_max3A_47[0, 0, 0] : f32 from vector<1x1x1xf32>
    %add3A_49 = arith.addf %reduce_max3A_43, %reduce_max3A_48 : f32
    %ge3A = arith.constant 0.000000e+00 : f32
    %ge3A_50 = arith.cmpf oge, %add3A_49, %ge3A : f32
    %mul3A_51 = arith.constant 2.000000e-01 : f32
    %mul3A_52 = arith.mulf %mul3A_51, %add3A_49 : f32
    %select_n3A_53 = arith.select %ge3A_50, %add3A_49, %mul3A_52 : f32
    %iota3A = tpu.iota {dimensions = array<i32: 1>} : vector<10000x14xi32>
    %eq3A = arith.constant 0 : i32
    %eq3A_54 = vector.broadcast %eq3A : i32 to vector<10000x14xi32>
    %eq3A_55 = arith.cmpi eq, %iota3A, %eq3A_54 : vector<10000x14xi32>
    %jit3A = arith.constant 1.000000e+00 : f32
    %jit3A_56 = arith.constant 0.000000e+00 : f32
    %broadcast_in_dim3A_57 = vector.broadcast %jit3A : f32 to vector<10000x14xf32>
    %broadcast_in_dim3A_58 = vector.broadcast %jit3A_56 : f32 to vector<10000x14xf32>
    %select_n3A_59 = arith.select %eq3A_55, %broadcast_in_dim3A_57, %broadcast_in_dim3A_58 : vector<10000x14xi1>, vector<10000x14xf32>
    %concatenate3A = tpu.concatenate %dot_general3A_26, %select_n3A_59 in 1 : vector<10000x2xf32>, vector<10000x14xf32> -> vector<10000x16xf32>
    %broadcast_in_dim3A_60 = arith.constant 0.000000e+00 : f32
    %broadcast_in_dim3A_61 = vector.broadcast %broadcast_in_dim3A_60 : f32 to vector<240x16xf32>
    %concatenate3A_62 = tpu.concatenate %concatenate3A, %broadcast_in_dim3A_61 in 0 : vector<10000x16xf32>, vector<240x16xf32> -> vector<10240x16xf32>
    %concatenate3A_63 = tpu.concatenate %broadcast_in_dim3A, %broadcast_in_dim3A_39 in 1 : vector<10000x1xf32>, vector<10000x1xf32> -> vector<10000x2xf32>
    %broadcast_in_dim3A_64 = arith.constant 0.000000e+00 : f32
    %broadcast_in_dim3A_65 = vector.broadcast %broadcast_in_dim3A_64 : f32 to vector<240x2xf32>
    %concatenate3A_66 = tpu.concatenate %concatenate3A_63, %broadcast_in_dim3A_65 in 0 : vector<10000x2xf32>, vector<240x2xf32> -> vector<10240x2xf32>
    %broadcast_in_dim3A_67 = vector.broadcast %select_n3A_53 : f32 to vector<1x16xf32>
    %swap3A = arith.constant 0 : index
    %swap3A_68 = arith.constant 0 : index
    %swap3A_69 = vector.load %arg5[%swap3A, %swap3A_68] : memref<10240x16xf32, #tpu.memory_space<vmem>>, vector<10240x16xf32>
    tpu.vector_store %arg5[%swap3A, %swap3A_68], %concatenate3A_62 {strides = array<i32>} : memref<10240x16xf32, #tpu.memory_space<vmem>>, vector<10240x16xf32>,
    %swap3A_70 = arith.constant 0 : index
    %swap3A_71 = arith.constant 0 : index
    %swap3A_72 = vector.load %arg6[%swap3A_70, %swap3A_71] : memref<10240x2xf32, #tpu.memory_space<vmem>>, vector<10240x2xf32>
    tpu.vector_store %arg6[%swap3A_70, %swap3A_71], %concatenate3A_66 {strides = array<i32>} : memref<10240x2xf32, #tpu.memory_space<vmem>>, vector<10240x2xf32>,
    %swap3A_73 = arith.constant 0 : index
    %swap3A_74 = arith.constant 0 : index
    %swap3A_75 = vector.load %arg7[%swap3A_73, %swap3A_74] : memref<1x16xf32, #tpu.memory_space<vmem>>, vector<1x16xf32>
    tpu.vector_store %arg7[%swap3A_73, %swap3A_74], %broadcast_in_dim3A_67 {strides = array<i32>} : memref<1x16xf32, #tpu.memory_space<vmem>>, vector<1x16xf32>,
    return
  }
}

module attributes {stable_mosaic.version = 14 : i64} {
  func.func @_final_body(%arg0: memref<2x10240x16xf32, #tpu.memory_space<vmem>>, %arg1: memref<1x2xf32, #tpu.memory_space<vmem>>, %arg2: memref<10000x2xf32, #tpu.memory_space<vmem>>) attributes {dimension_semantics = [], scalar_prefetch = 0 : i64, scratch_operands = 0 : i64, tpu.core_type = #tpu.core_type<tc>} {
    %get3A = arith.constant 0 : index
    %get3A_0 = arith.constant 0 : index
    %get3A_1 = arith.constant 0 : index
    %get3A_2 = vector.load %arg0[%get3A, %get3A_0, %get3A_1] : memref<2x10240x16xf32, #tpu.memory_space<vmem>>, vector<1x10240x16xf32>
    %get3A_3 = vector.shape_cast %get3A_2 : vector<1x10240x16xf32> to vector<10240x16xf32>
    %get3A_4 = arith.constant 1 : index
    %get3A_5 = arith.constant 0 : index
    %get3A_6 = arith.constant 0 : index
    %get3A_7 = vector.load %arg0[%get3A_4, %get3A_5, %get3A_6] : memref<2x10240x16xf32, #tpu.memory_space<vmem>>, vector<1x10240x16xf32>
    %get3A_8 = vector.shape_cast %get3A_7 : vector<1x10240x16xf32> to vector<10240x16xf32>
    %add3A = arith.addf %get3A_3, %get3A_8 : vector<10240x16xf32>
    %slice3A = vector.extract_strided_slice %add3A {offsets = [0, 0], sizes = [10000, 2], strides = [1, 1]} : vector<10240x16xf32> to vector<10000x2xf32>
    %slice3A_9 = vector.extract_strided_slice %add3A {offsets = [0, 2], sizes = [10000, 1], strides = [1, 1]} : vector<10240x16xf32> to vector<10000x1xf32>
    %add3A_10 = arith.constant 1.000000e-16 : f32
    %add3A_11 = vector.broadcast %add3A_10 : f32 to vector<10000x1xf32>
    %add3A_12 = arith.addf %slice3A_9, %add3A_11 : vector<10000x1xf32>
    %div3A = vector.broadcast %add3A_12 : vector<10000x1xf32> to vector<10000x2xf32>
    %div3A_13 = arith.divf %slice3A, %div3A : vector<10000x2xf32>
    %get3A_14 = arith.constant 0 : index
    %get3A_15 = arith.constant 0 : index
    %get3A_16 = vector.load %arg1[%get3A_14, %get3A_15] : memref<1x2xf32, #tpu.memory_space<vmem>>, vector<1x2xf32>
    %add3A_17 = vector.broadcast %get3A_16 : vector<1x2xf32> to vector<10000x2xf32>
    %add3A_18 = arith.addf %div3A_13, %add3A_17 : vector<10000x2xf32>
    %swap3A = arith.constant 0 : index
    %swap3A_19 = arith.constant 0 : index
    %swap3A_20 = vector.load %arg2[%swap3A, %swap3A_19] : memref<10000x2xf32, #tpu.memory_space<vmem>>, vector<10000x2xf32>
    tpu.vector_store %arg2[%swap3A, %swap3A_19], %add3A_18 {strides = array<i32>} : memref<10000x2xf32, #tpu.memory_space<vmem>>, vector<10000x2xf32>,
    return
  }
}

</mosaic_0001>

<sc_bundles>
// kernel: kernel.10.cloned.1.call-start
scs
__scs_entry_jumppad:
0x0: {  	(pc) =	sbr.rel $0x88, $3  }
0x1: {  	(tag) =	ssettag $0x0;
	lr =	simm.s32 $0x1  }
0x2: {  	[smem:$0x3F97] =	sst lr;
	_ =	strace $0xD0000000  }
0x3: {  	_ = 	snop  }
0x4: {  	_ = 	snop  }
0x5: {  	_ = 	snop  }
0x6: {  	_ = 	snop  }
0x7: {  	_ = 	snop  }
__scs_overlays_trampoline_lowered:
0x8: {  	[smem:$0x3FA6] =	sst s0  }
0x9: {  	[smem:$0x3FA7] =	sst s1  }
0xa: {  	[smem:$0x3FA8] =	sst s2  }
0xb: {  	[smem:$0x3FA9] =	sst s3  }
0xc: {  	[smem:$0x3FAA] =	sst s4  }
0xd: {  	[smem:$0x3FAB] =	sst s5  }
0xe: {  	[smem:$0x3FAC] =	sst s6  }
0xf: {  	[smem:$0x3FAD] =	sst s7  }
0x10: {  	[smem:$0x3FAE] =	sst s8  }
0x11: {  	[smem:$0x3FAF] =	sst s9;
	s0 =	simm.s32 @!p0 $0x0  }
0x12: {  	s1 =	sld [smem:$0x3F95];
	s0 =	simm.s32 @p0 $0x1  }
0x13: {  	[smem:$0x3FB0] =	sst s0;
	s0 =	simm.s32 @!p1 $0x0  }
0x14: {  	s2 =	sld [smem:$0x3F94];
	s0 =	simm.s32 @p1 $0x1  }
0x15: {  	[smem:$0x3FB1] =	sst s0;
	s0 =	simm.s32 @!p2 $0x0  }
0x16: {  	s3 =	sld [smem:$0x3FDB];
	s0 =	simm.s32 @p2 $0x1  }
0x17: {  	s4 =	simm.s32 $0x1BF5;
	[smem:$0x3FB3] =	sst s0  }
0x18: {  	s0 =	sld [smem:$0x3F96];
	_ =	swait.ge [sflag:s4], $0x0  }
0x19: {  	s7 =	sld [smem:$0x3F97]  }
0x1a: {  	s8 =	sadd.s32 $0xFFFFE003, lr  }
0x1b: {  	s9 =	sadd.s32 $0xFFFFFEF7, lr;
	s5 =	simm.s32 $0xFFFFFFFF;
	p2 =	slt.u32 s8, $0xFFFFF086  }
0x1c: {  	p1 =	slt.u32 s9, $0xF7A;
	s5 =	simm.s32 @!p2 $0x0  }
0x1d: {  	s5 =	simm.s32 @p1 $0x1;
	p0 =	seq.s32 s7, s2  }
0x1e: {  	s7 =	smul.u32 @!p0 $0xF7A, s2;
	p2 =	seq.s32 @!p0 s5, $0x0  }
0x1f: {  	s9 =	smul.u32 $0xF7A, s1;
	s8 =	simm.s32 @!p0 $0x1BF5;
	p2 =	por !p2, p0  }
0x20: {  	[sflag:s8] =	ssyncset.s32 @!p0 $0xFFFFF086;
	s6 =	sadd.s32 @!p0 s3, s7;
	s7 =	simm.s32 @!p0 $0x108  }
0x21: {  	s3 =	sadd.s32 s3, s9;
	s6 =	sadd.s32 @!p0 $0x88, s6;
	s7 =	simm.s32 @p2 $0x1082  }
0x22: {  	[simem:s7], [sflag:s8] =	dma.local @!p0 [hbm:s6], $0xF7A  }
0x23: {  	s9 =	sor.u32 $0xD0000000, s2;
	s6 =	simm.s32 $0x108;
	_ =	swait.ge @!p0 [sflag:s8], $0x0  }
0x24: {  	s3 =	sadd.s32 $0x88, s3;
	s6 =	simm.s32 @!p1 $0x1082;
	[sflag:s4] =	ssyncset.s32 $0xFFFFF086  }
0x25: {  	[simem:s6], [sflag:s4] =	dma.local [hbm:s3], $0xF7A  }
0x26: {  	[smem:$0x3F97] =	sst s1;
	(tag) =	ssettag s2;
	_ =	strace s9  }
0x27: {  	s1 =	sld [smem:$0x3FA7]  }
0x28: {  	s2 =	sld [smem:$0x3FA8]  }
0x29: {  	s4 =	sld [smem:$0x3FAA]  }
0x2a: {  	p0 =	seq.s32 s5, $0x0;
	s5 =	sld [smem:$0x3FAB]  }
0x2b: {  	s6 =	sld [smem:$0x3FAC]  }
0x2c: {  	s7 =	sld [smem:$0x3FAD]  }
0x2d: {  	s3 =	simm.s32 $0x108;
	s8 =	sld [smem:$0x3FAE]  }
0x2e: {  	s3 =	simm.s32 @!p0 $0x1082;
	s9 =	sld [smem:$0x3FAF]  }
0x2f: {  	lr =	sadd.s32 s0, s3;
	s0 =	sld [smem:$0x3FA6]  }
0x30: {  	s3 =	sld [smem:$0x3FA9]  }
0x31: {  	[smem:$0x3FB2] =	sst s10  }
0x32: {  	s10 =	sld [smem:$0x3FB0];
	_ =	sdelay $0x3  }
0x33: {  	p0 =	seq.s32 s10, $0x1;
	s10 =	sld [smem:$0x3FB2];
	_ =	sdelay $0x3  }
0x34: {  	[smem:$0x3FB2] =	sst s10  }
0x35: {  	s10 =	sld [smem:$0x3FB1];
	_ =	sdelay $0x3  }
0x36: {  	p1 =	seq.s32 s10, $0x1;
	s10 =	sld [smem:$0x3FB2];
	_ =	sdelay $0x3  }
0x37: {  	[smem:$0x3FB2] =	sst s10  }
0x38: {  	s10 =	sld [smem:$0x3FB3]  }
0x39: {  	_ = 	snop;
	(pc) =	sbr.ind lr, $3  }
0x3a: {  	_ = 	snop  }
0x3b: {  	_ = 	snop  }
0x3c: {  	p2 =	seq.s32 s10, $0x1;
	s10 =	sld [smem:$0x3FB2]  }
0x3d: {  	_ =	shalt  }
0x3e: {  	_ =	shalt  }
0x3f: {  	_ =	shalt  }
0x40: {  	_ =	shalt  }
0x41: {  	_ =	shalt  }
0x42: {  	_ =	shalt  }
0x43: {  	_ =	shalt  }
0x44: {  	_ =	shalt  }
0x45: {  	_ =	shalt  }
0x46: {  	_ =	shalt  }
0x47: {  	_ =	shalt  }
0x48: {  	_ =	shalt  }
0x49: {  	_ =	shalt  }
0x4a: {  	_ =	shalt  }
0x4b: {  	_ =	shalt  }
0x4c: {  	_ =	shalt  }
0x4d: {  	_ =	shalt  }
0x4e: {  	_ =	shalt  }
0x4f: {  	_ =	shalt  }
0x50: {  	_ =	shalt  }
0x51: {  	_ =	shalt  }
0x52: {  	_ =	shalt  }
0x53: {  	_ =	shalt  }
0x54: {  	_ =	shalt  }
0x55: {  	_ =	shalt  }
0x56: {  	_ =	shalt  }
0x57: {  	_ =	shalt  }
0x58: {  	_ =	shalt  }
0x59: {  	_ =	shalt  }
0x5a: {  	_ =	shalt  }
0x5b: {  	_ =	shalt  }
0x5c: {  	_ =	shalt  }
0x5d: {  	_ =	shalt  }
0x5e: {  	_ =	shalt  }
0x5f: {  	_ =	shalt  }
0x60: {  	_ =	shalt  }
0x61: {  	_ =	shalt  }
0x62: {  	_ =	shalt  }
0x63: {  	_ =	shalt  }
0x64: {  	_ =	shalt  }
0x65: {  	_ =	shalt  }
0x66: {  	_ =	shalt  }
0x67: {  	_ =	shalt  }
0x68: {  	_ =	shalt  }
0x69: {  	_ =	shalt  }
0x6a: {  	_ =	shalt  }
0x6b: {  	_ =	shalt  }
0x6c: {  	_ =	shalt  }
0x6d: {  	_ =	shalt  }
0x6e: {  	_ =	shalt  }
0x6f: {  	_ =	shalt  }
0x70: {  	_ =	shalt  }
0x71: {  	_ =	shalt  }
0x72: {  	_ =	shalt  }
0x73: {  	_ =	shalt  }
0x74: {  	_ =	shalt  }
0x75: {  	_ =	shalt  }
0x76: {  	_ =	shalt  }
0x77: {  	_ =	shalt  }
0x78: {  	_ =	shalt  }
0x79: {  	_ =	shalt  }
0x7a: {  	_ =	shalt  }
0x7b: {  	_ =	shalt  }
0x7c: {  	_ =	shalt  }
0x7d: {  	_ =	shalt  }
0x7e: {  	_ =	shalt  }
0x7f: {  	_ =	shalt  }
0x80: {  	_ =	shalt  }
0x81: {  	_ =	shalt  }
0x82: {  	_ =	shalt  }
0x83: {  	_ =	shalt  }
0x84: {  	_ =	shalt  }
0x85: {  	_ =	shalt  }
0x86: {  	_ =	shalt  }
0x87: {  	_ =	shalt  }
.Lfunc_end0:
.L_simem_size_0:
called_computation.1_lowered:
.L_overlay_start_0:
0x88: {  	s2 =	sld [smem:$0x3FD9]  }
0x89: {  	s3 =	sld [smem:$0x3FFE];
	_ =	sdelay $0x1  }
0x8a: {  	s1 =	srdreg.scid  }
0x8b: {  	s0 =	sand.u32 $0x1, s1  }
0x8c: {  	s17 =	sshll.u32 s0, $0xA;
	s2 =	sadd.s32 s3, s2  }
0x8d: {  	s2 =	sadd.s32 s2, s17  }
0x8e: {  	[smem:$0x3FBE] =	sst s2  }
0x8f: {  	_ = 	snop  }
0x90: {  	s2 =	sld [smem:$0x3FD0];
	(tm) =	ssettm $0x1  }
0x91: {  	s18 =	sld [smem:$0x3FFB];
	_ =	sdelay $0x3  }
0x92: {  	_ =	strace s18  }
0x93: {  	s3 =	sld [smem:$0x3FFC];
	_ =	sdelay $0x3  }
0x94: {  	_ =	strace s3  }
0x95: {  	s3 =	sld [smem:$0x3FFD];
	_ =	sdelay $0x3  }
0x96: {  	_ =	strace s3  }
0x97: {  	_ =	strace $0x8FFFFFFF  }
0x98: {  	s19 =	sld [smem:$0x3FDB];
	_ =	sdelay $0x1  }
0x99: {  	s4 =	simm.s32 $_scs_section_size  }
0x9a: {  	s5 =	simm.s32 $_size__tile_overlayer_lowered;
	s6 =	simm.s32 $_tile_overlayer_lowered  }
0x9b: {  	s22 =	simm.s32 $0x1BFF;
	s21 =	sshll.u32 s6, $0x1;
	s3 =	sadd.s32 s4, s19  }
0x9c: {  	s7 =	simm.s32 $0x0;
	s20 =	sshll.u32 s5, $0x1;
	s5 =	sadd.s32 s21, s3  }
0x9d: {  	[timem:s7], [sflag:s22] =	dma.local [hbm:s5], s20  }
0x9e: {  	_ =	swait.ge [sflag:s22], s20  }
0x9f: {  	s4 =	ssub.s32 $0x0, s20;
	[sflag:s22] =	ssyncset.done $0x0  }
0xa0: {  	[sflag:s22] =	ssyncadd.s32 s4;
	_ =	sdelay $0x1  }
0xa1: {  	s23 =	simm.s32 $0x1B8B  }
0xa2: {  	_ =	swait.ge [sflag:s23], $0x1  }
0xa3: {  	[sflag:s23] =	ssyncset.done $0x0  }
0xa4: {  	s25 =	simm.s32 $0x1B8E;
	s24 =	sld [smem:$0x3FFE];
	[sflag:s23] =	ssyncadd.s32 $0xFFFFFFFF  }
0xa5: {  	s26 =	simm.s32 $execute0_lowered;
	[smem:$0x3FD2] =	sst s25  }
0xa6: {  	s5 =	sshll.u32 s26, $0x1;
	_ =	strace $0x80000049;
	[dreg:$0x1] =	wrdreg $0xFFFFFFFF  }
0xa7: {  	s28 =	simm.s32 $_size_execute0_lowered;
	s3 =	sadd.s32 s3, s5;
	[dreg:$0x0] =	wrdreg $0x0  }
0xa8: {  	s5 =	sshll.u32 s28, $0x1;
	[dreg:$0x2] =	wrdreg s3  }
0xa9: {  	[dreg:$0x3] =	wrdreg s5  }
0xaa: {  	[dreg:$0x4] =	wrdreg $0xC0  }
0xab: {  	_ =	task [dreg:s7], $0x5FFFF  }
0xac: {  	[dreg:$0x1] =	wrdreg $0xFFFFFFFF  }
0xad: {  	[dreg:$0x0] =	wrdreg $0x60  }
0xae: {  	[dreg:$0x2] =	wrdreg s24  }
0xaf: {  	[dreg:$0x3] =	wrdreg s2  }
0xb0: {  	[dreg:$0x4] =	wrdreg $0xB8900  }
0xb1: {  	[dreg:$0x5] =	wrdreg $0x9  }
0xb2: {  	_ =	task.clear_ibuf [dreg:s7], $0x6FFFF;
	_ =	strace $0x90000049  }
0xb3: {  	s29 =	simm.s32 $0x9;
	_ =	strace $0x8000004B  }
0xb4: {  	_ =	swait.ge [sflag:s29], $0x1  }
0xb5: {  	[sflag:s29] =	ssyncadd.s32 $0xFFFFFFFF  }
0xb6: {  	_ =	strace $0x9000004B  }
0xb7: {  	_ =	sfence  }
0xb8: {  	s30 =	sld [smem:$0x0];
	_ =	sdelay $0x2  }
0xb9: {  	s31 =	sshll.u32 s1, $0xD;
	s1 =	sshrl.u32 s1, $0x2  }
0xba: {  	s3 =	sand.u32 $0x4000, s31;
	s1 =	sadd.s32 s1, s30  }
0xbb: {  	s0 =	sor.u32 s3, s0;
	s1 =	sshll.u32 s1, $0x11  }
0xbc: {  	s0 =	sor.u32 s1, s0  }
0xbd: {  	s0 =	sadd.s32 $0x8F2B, s0  }
0xbe: {  	[sflag:s0] =	ssyncadd.remote.s32 $0x1  }
0xbf: {  	_ =	sfence.sel $0xFFFF  }
0xc0: {  	[dreg:$0x0] =	wrdreg $0xFFFFFFFF;
	(pc) =	sbr.abs _section_cstart, $3  }
0xc1: {  	[dreg:$0x1] =	wrdreg $0xFFFFFFFF  }
0xc2: {  	_ =	task.clear_ibuf [dreg:s7], $0x2FFFF;
	_ =	strace $0x9FFFFFFF  }
0xc3: {  	(tm) =	ssettm $0x7FFFFFFF  }
tec
execute0_lowered:
.L_overlay_start_1:
0x0: {  	(tag) =	ssettag $0x1  }
0x1: {  	s0 =	rddreg [dreg:$0x0]  }
0x2: {  	s3 =	rddreg [dreg:$0x2];
	s1 =	srdreg.scid  }
0x3: {  	s10 =	stileid.u32;
	s4 =	simm.s32 $0x0;
	s16 =	simm.s32 $0xA890  }
0x4: {  	s17 =	simm.s32 $0x3;
	s18 =	simm.s32 $0x2800;
	s20 =	simm.s32 $0x5010  }
0x5: {  	s22 =	simm.s32 $0x80;
	s23 =	simm.s32 $0xB090;
	s25 =	simm.s32 $0x1  }
0x6: {  	s26 =	simm.s32 $0xA810;
	s28 =	simm.s32 $0x2;
	s29 =	simm.s32 $0x0  }
0x7: {  	s1 =	sand.u32 $0x1, s1;
	s2 =	sshll.u32 s10, $0x1;
	[smem:$0x7FF] =	sst s4  }
0x8: {  	s5 =	sadd.s32 $0x16600, s0;
	s6 =	sadd.s32 $0x1B600, s0;
	s8 =	smul.u32 $0xA000, s10  }
0x9: {  	s7 =	sadd.s32 $0x16400, s0;
	s15 =	smul.u32 $0x2800, s10;
	s2 =	sor.u32 s1, s2  }
0xa: {  	_ =	strace $0x8000004A;
	s9 =	smul.u32 $0x5000, s1;
	s1 =	ssub.s32 $0x2, s1  }
0xb: {  	s2 =	smul.u32 $0x580, s2;
	s8 =	sshrl.u32 s8, $0x2;
	s30 =	sshrl.u32 s1, $0x1  }
0xc: {  	s31 =	sshrl.u32 s15, $0x3;
	s12 =	sadd.s32 s8, s3;
	s1 =	ssub.s32 s1, s30  }
0xd: {  	s8 =	sadd.s32 s15, s3;
	s2 =	sadd.s32 s2, s0;
	s0 =	sadd.s32 s9, s0  }
0xe: {  	s9 =	sadd.s32 $0x800, s12;
	s10 =	sadd.s32 $0x1000, s12;
	s11 =	sadd.s32 $0x1800, s12  }
0xf: {  	v1 =	vimm.s32 $0x0;
	vm0 =	vcmask $0x300;
	s12 =	sadd.s32 $0x2000, s12;
	s15 =	smax.u32 s1, $0x1;
	s0 =	sadd.s32 $0x1BC00, s0  }
0x10: {  	v0 =	vimm.f32 $0.0e+00;
	v1 =	vsel vm0, $0x3, v1;
	s13 =	sadd.s32 $0xB400, s2;
	s14 =	sadd.s32 $0x400, s2;
	s24 =	sadd.s32 s31, s0  }
.LBB2_1:
0x11: {  	s0 =	simm.s32 $0x40;
	s1 =	simm.s32 $0x0  }
.LBB2_2:
0x12: {  	p0 =	sne.s32 s0, $0x1FC0;
	[tilespmem:s1+$0xA890] =	vst v0;
	s1 =	smov.u32 s0;
	s0 =	sadd.s32 $0x40, s0  }
.Ltmp0:
0x13: {  	(pc) =	sbr.rel @p0 .LBB2_2-.Ltmp0, $2  }
0x14: {  	_ =	sdelay $0x2  }
0x15: {  	s1 =	sshra.s32 s1, $0x2  }
0x16: {  	[tilespmem:s1+$0xA890] =	vst v0  }
0x17: {  	[spmem:s8] =	stream.linear.scatter [tilespmem:s16], [sflag:$0x3], $0x800, $0x38;
	[tilespmem:$0xE090] =	vst v63  }
0x18: {  	_ =	swait.ge [sflag:s17], $0x800  }
0x19: {  	[sflag:s17] =	ssyncset.done $0x0  }
0x1a: {  	[sflag:s17] =	ssyncadd.s32 $0xFFFFF800  }
0x1b: {  	[spmem:s9] =	stream.linear.scatter [tilespmem:s16], [sflag:$0x3], $0x800, $0x38;
	[tilespmem:$0xE090] =	vst v63  }
0x1c: {  	_ =	swait.ge [sflag:s17], $0x800  }
0x1d: {  	[sflag:s17] =	ssyncset.done $0x0  }
0x1e: {  	[sflag:s17] =	ssyncadd.s32 $0xFFFFF800  }
0x1f: {  	[spmem:s10] =	stream.linear.scatter [tilespmem:s16], [sflag:$0x3], $0x800, $0x38;
	[tilespmem:$0xE090] =	vst v63  }
0x20: {  	_ =	swait.ge [sflag:s17], $0x800  }
0x21: {  	[sflag:s17] =	ssyncset.done $0x0  }
0x22: {  	[sflag:s17] =	ssyncadd.s32 $0xFFFFF800  }
0x23: {  	[spmem:s11] =	stream.linear.scatter [tilespmem:s16], [sflag:$0x3], $0x800, $0x38;
	[tilespmem:$0xE090] =	vst v63  }
0x24: {  	_ =	swait.ge [sflag:s17], $0x800  }
0x25: {  	[sflag:s17] =	ssyncset.done $0x0  }
0x26: {  	[sflag:s17] =	ssyncadd.s32 $0xFFFFF800  }
0x27: {  	[spmem:s12] =	stream.linear.scatter [tilespmem:s16], [sflag:$0x3], $0x800, $0x38;
	[tilespmem:$0xE090] =	vst v63  }
0x28: {  	_ =	swait.ge [sflag:s17], $0x800  }
0x29: {  	[sflag:s17] =	ssyncset.done $0x0  }
0x2a: {  	s30 =	simm.s32 $0x0;
	[sflag:s17] =	ssyncadd.s32 $0xFFFFF800  }
0x2b: {  	[tilespmem:s30], [sflag:$0x3] =	stream.linear.gather [hbm4b:s6+s30], $0x2800, $0x38;
	[tilespmem:$0xE090] =	vst v63  }
0x2c: {  	_ =	swait.ge [sflag:s17], $0x2800  }
0x2d: {  	[sflag:s17] =	ssyncset.done $0x0  }
0x2e: {  	[sflag:s17] =	ssyncadd.s32 $0xFFFFD800  }
0x2f: {  	s0 =	rddreg [dreg:$0x1]  }
0x30: {  	[tilespmem:s18], [sflag:$0x3] =	stream.linear.gather [hbm4b:s0+s30], $0x2800, $0x38;
	[tilespmem:$0xE090] =	vst v63  }
0x31: {  	_ =	swait.ge [sflag:s17], $0x2800  }
0x32: {  	[sflag:s17] =	ssyncset.done $0x0  }
0x33: {  	s21 =	simm.s32 $0x5000;
	[sflag:s17] =	ssyncadd.s32 $0xFFFFD800  }
0x34: {  	[tilespmem:s21], [sflag:$0x3] =	stream.linear.gather [hbm4b:s7+s30], $0x10, $0x38;
	[tilespmem:$0xE090] =	vst v63  }
0x35: {  	_ =	swait.ge [sflag:s17], $0x10  }
0x36: {  	[sflag:s17] =	ssyncset.done $0x0  }
0x37: {  	[sflag:s17] =	ssyncadd.s32 $0xFFFFFFF0  }
0x38: {  	[tilespmem:s20], [sflag:$0x3] =	stream.linear.gather [hbm4b:s13+s30], $0x2C00, $0x38;
	[tilespmem:$0xE090] =	vst v63  }
0x39: {  	_ =	swait.ge [sflag:s17], $0x2C00  }
0x3a: {  	[sflag:s17] =	ssyncset.done $0x0  }
0x3b: {  	s31 =	simm.s32 $0x7C10;
	[sflag:s17] =	ssyncadd.s32 $0xFFFFD400  }
0x3c: {  	[tilespmem:s31], [sflag:$0x3] =	stream.linear.gather [hbm4b:s14+s30], $0x2C00, $0x38;
	[tilespmem:$0xE090] =	vst v63  }
0x3d: {  	_ =	swait.ge [sflag:s17], $0x2C00  }
0x3e: {  	[sflag:s17] =	ssyncset.done $0x0  }
0x3f: {  	[sflag:s17] =	ssyncadd.s32 $0xFFFFD400  }
0x40: {  	[bflag:$0x0] =	sbarrier.arrive $0xFFFF  }
0x41: {  	v2 =	vld [tilespmem:$0x5000];
	[tilespmem:s16], [sflag:$0x1] =	stream.indirect.gather [hbm4b:s5+s22], $0x10, s20, s22, $0xb8  }
.LBB2_4:
0x42: {  	s0 =	sshllo.u32 s30, $0x1  }
0x43: {  	s31 =	sshll.u32 s0, $0x7  }
0x44: {  	s0 =	sand.u32 $0x3FFFFF80, s31  }
0x45: {  	s0 =	sadd.s32 $0x5010, s0  }
0x46: {  	[tilespmem:s23], [sflag:$0x2] =	stream.indirect.gather [hbm4b:s5+s22], $0x10, s0, s22, $0xb8;
	[tilespmem:$0xE090] =	vst v63  }
0x47: {  	s0 =	sshll.u32 s30, $0x8  }
0x48: {  	v3 =	vld [tilespmem:s0+$0x5010]  }
0x49: {  	v4 =	vld [tilespmem:s0+$0x7C10];
	_ =	sdelay $0x6  }
0x4a: {  	v3 =	vld.idx.msk [tilespmem:v3+s4+$0x0], $0xffff  }
0x4b: {  	v4 =	vld.idx.msk [tilespmem:v4+s18+$0x0], $0xffff;
	_ =	sdelay $0x4  }
0x4c: {  	v3 =	vadd.f32 v4, v3;
	_ =	sdelay $0x1  }
0x4d: {  	v4 =	vmul.f32 $2.000000030e-01, v3  }
0x4e: {  	vm0 =	vge.f32 v3, $0.0e+00  }
0x4f: {  	v3 =	vsel vm0, v3, v4  }
0x50: {  	v3 =	vsub.f32 v3, v2;
	_ =	sdelay $0x1  }
0x51: {  	v3 =	vmul.f32 $1.442695020e+00, v3;
	_ =	sdelay $0x1  }
0x52: {  	(erf) = vpow2.f32 v3;
	_ =	sdelay $0x8  }
0x53: {  	v3 =	vpop (erf)  }
0x54: {  	[tilespmem:$0xA810] =	vst v3  }
0x55: {  	v3 =	vld [tilespmem:s0+$0x5020]  }
0x56: {  	v4 =	vld [tilespmem:s0+$0x7C20];
	_ =	sdelay $0x6  }
0x57: {  	v3 =	vld.idx.msk [tilespmem:v3+s4+$0x0], $0xffff  }
0x58: {  	v4 =	vld.idx.msk [tilespmem:v4+s18+$0x0], $0xffff;
	_ =	sdelay $0x4  }
0x59: {  	v3 =	vadd.f32 v4, v3;
	_ =	sdelay $0x1  }
0x5a: {  	v4 =	vmul.f32 $2.000000030e-01, v3  }
0x5b: {  	vm9 =	vge.f32 v3, $0.0e+00  }
0x5c: {  	v3 =	vsel vm9, v3, v4  }
0x5d: {  	v3 =	vsub.f32 v3, v2;
	_ =	sdelay $0x1  }
0x5e: {  	v3 =	vmul.f32 $1.442695020e+00, v3;
	_ =	sdelay $0x1  }
0x5f: {  	(erf) = vpow2.f32 v3;
	_ =	sdelay $0x8  }
0x60: {  	v3 =	vpop (erf)  }
0x61: {  	[tilespmem:$0xA820] =	vst v3  }
0x62: {  	v3 =	vld [tilespmem:s0+$0x5030]  }
0x63: {  	v4 =	vld [tilespmem:s0+$0x7C30];
	_ =	sdelay $0x6  }
0x64: {  	v3 =	vld.idx.msk [tilespmem:v3+s4+$0x0], $0xffff  }
0x65: {  	v4 =	vld.idx.msk [tilespmem:v4+s18+$0x0], $0xffff;
	_ =	sdelay $0x4  }
0x66: {  	v3 =	vadd.f32 v4, v3;
	_ =	sdelay $0x1  }
0x67: {  	v4 =	vmul.f32 $2.000000030e-01, v3  }
0x68: {  	vm10 =	vge.f32 v3, $0.0e+00  }
0x69: {  	v3 =	vsel vm10, v3, v4  }
0x6a: {  	v3 =	vsub.f32 v3, v2;
	_ =	sdelay $0x1  }
0x6b: {  	v3 =	vmul.f32 $1.442695020e+00, v3;
	_ =	sdelay $0x1  }
0x6c: {  	(erf) = vpow2.f32 v3;
	_ =	sdelay $0x8  }
0x6d: {  	v3 =	vpop (erf)  }
0x6e: {  	[tilespmem:$0xA830] =	vst v3  }
0x6f: {  	v3 =	vld [tilespmem:s0+$0x5040]  }
0x70: {  	v4 =	vld [tilespmem:s0+$0x7C40];
	_ =	sdelay $0x6  }
0x71: {  	v3 =	vld.idx.msk [tilespmem:v3+s4+$0x0], $0xffff  }
0x72: {  	v4 =	vld.idx.msk [tilespmem:v4+s18+$0x0], $0xffff;
	_ =	sdelay $0x4  }
0x73: {  	v3 =	vadd.f32 v4, v3;
	_ =	sdelay $0x1  }
0x74: {  	v4 =	vmul.f32 $2.000000030e-01, v3  }
0x75: {  	vm11 =	vge.f32 v3, $0.0e+00  }
0x76: {  	v3 =	vsel vm11, v3, v4  }
0x77: {  	v3 =	vsub.f32 v3, v2;
	_ =	sdelay $0x1  }
0x78: {  	v3 =	vmul.f32 $1.442695020e+00, v3;
	_ =	sdelay $0x1  }
0x79: {  	(erf) = vpow2.f32 v3;
	_ =	sdelay $0x8  }
0x7a: {  	v3 =	vpop (erf)  }
0x7b: {  	[tilespmem:$0xA840] =	vst v3  }
0x7c: {  	v3 =	vld [tilespmem:s0+$0x5050]  }
0x7d: {  	v4 =	vld [tilespmem:s0+$0x7C50];
	_ =	sdelay $0x6  }
0x7e: {  	v3 =	vld.idx.msk [tilespmem:v3+s4+$0x0], $0xffff  }
0x7f: {  	v4 =	vld.idx.msk [tilespmem:v4+s18+$0x0], $0xffff;
	_ =	sdelay $0x4  }
0x80: {  	v3 =	vadd.f32 v4, v3;
	_ =	sdelay $0x1  }
0x81: {  	v4 =	vmul.f32 $2.000000030e-01, v3  }
0x82: {  	vm12 =	vge.f32 v3, $0.0e+00  }
0x83: {  	v3 =	vsel vm12, v3, v4  }
0x84: {  	v3 =	vsub.f32 v3, v2;
	_ =	sdelay $0x1  }
0x85: {  	v3 =	vmul.f32 $1.442695020e+00, v3;
	_ =	sdelay $0x1  }
0x86: {  	(erf) = vpow2.f32 v3;
	_ =	sdelay $0x8  }
0x87: {  	v3 =	vpop (erf)  }
0x88: {  	[tilespmem:$0xA850] =	vst v3  }
0x89: {  	v3 =	vld [tilespmem:s0+$0x5060]  }
0x8a: {  	v4 =	vld [tilespmem:s0+$0x7C60];
	_ =	sdelay $0x6  }
0x8b: {  	v3 =	vld.idx.msk [tilespmem:v3+s4+$0x0], $0xffff  }
0x8c: {  	v4 =	vld.idx.msk [tilespmem:v4+s18+$0x0], $0xffff;
	_ =	sdelay $0x4  }
0x8d: {  	v3 =	vadd.f32 v4, v3;
	_ =	sdelay $0x1  }
0x8e: {  	v4 =	vmul.f32 $2.000000030e-01, v3  }
0x8f: {  	vm13 =	vge.f32 v3, $0.0e+00  }
0x90: {  	v3 =	vsel vm13, v3, v4  }
0x91: {  	v3 =	vsub.f32 v3, v2;
	_ =	sdelay $0x1  }
0x92: {  	v3 =	vmul.f32 $1.442695020e+00, v3;
	_ =	sdelay $0x1  }
0x93: {  	(erf) = vpow2.f32 v3;
	_ =	sdelay $0x8  }
0x94: {  	v3 =	vpop (erf)  }
0x95: {  	[tilespmem:$0xA860] =	vst v3  }
0x96: {  	v3 =	vld [tilespmem:s0+$0x5070]  }
0x97: {  	v4 =	vld [tilespmem:s0+$0x7C70];
	_ =	sdelay $0x6  }
0x98: {  	v3 =	vld.idx.msk [tilespmem:v3+s4+$0x0], $0xffff  }
0x99: {  	v4 =	vld.idx.msk [tilespmem:v4+s18+$0x0], $0xffff;
	_ =	sdelay $0x4  }
0x9a: {  	v3 =	vadd.f32 v4, v3;
	_ =	sdelay $0x1  }
0x9b: {  	v4 =	vmul.f32 $2.000000030e-01, v3  }
0x9c: {  	vm14 =	vge.f32 v3, $0.0e+00  }
0x9d: {  	v3 =	vsel vm14, v3, v4  }
0x9e: {  	v3 =	vsub.f32 v3, v2;
	_ =	sdelay $0x1  }
0x9f: {  	v3 =	vmul.f32 $1.442695020e+00, v3;
	_ =	sdelay $0x1  }
0xa0: {  	(erf) = vpow2.f32 v3;
	_ =	sdelay $0x8  }
0xa1: {  	v3 =	vpop (erf)  }
0xa2: {  	[tilespmem:$0xA870] =	vst v3  }
0xa3: {  	v3 =	vld [tilespmem:s0+$0x5080]  }
0xa4: {  	v4 =	vld [tilespmem:s0+$0x7C80];
	_ =	sdelay $0x6  }
0xa5: {  	v3 =	vld.idx.msk [tilespmem:v3+s4+$0x0], $0xffff  }
0xa6: {  	v4 =	vld.idx.msk [tilespmem:v4+s18+$0x0], $0xffff;
	_ =	sdelay $0x4  }
0xa7: {  	v3 =	vadd.f32 v4, v3;
	_ =	sdelay $0x1  }
0xa8: {  	v4 =	vmul.f32 $2.000000030e-01, v3  }
0xa9: {  	vm15 =	vge.f32 v3, $0.0e+00  }
0xaa: {  	v3 =	vsel vm15, v3, v4  }
0xab: {  	v3 =	vsub.f32 v3, v2;
	_ =	sdelay $0x1  }
0xac: {  	v3 =	vmul.f32 $1.442695020e+00, v3;
	_ =	sdelay $0x1  }
0xad: {  	(erf) = vpow2.f32 v3;
	_ =	sdelay $0x3  }
0xae: {  	s1 =	simm.s32 $0x0  }
0xaf: {  	v3 =	vmov s1  }
0xb0: {  	v3 =	vshrl.u32 v3, $0x3  }
0xb1: {  	v3 =	vshll.u32 v3, v1  }
0xb2: {  	v3 =	vbroadcast v3, $0x0  }
0xb3: {  	v4 =	vpop (erf)  }
0xb4: {  	[tilespmem:$0xA880] =	vst v4  }
0xb5: {  	_ =	swait.ge [sflag:s25], $0x800  }
0xb6: {  	[sflag:s25] =	ssyncset.done $0x0  }
0xb7: {  	s2 =	simm.s32 $0x1;
	[sflag:s25] =	ssyncadd.s32 $0xFFFFF800  }
0xb8: {  	v4 =	vmov s2;
	s2 =	simm.s32 $0xA8D0;
	v3 =	vld.idx.msk [tilespmem:v3+s26+$0x0], $0xffff  }
0xb9: {  	v4 =	vshrl.u32 v4, $0x3;
	v5 =	vld [tilespmem:s2+$0xFFFFFFC0]  }
0xba: {  	v4 =	vshll.u32 v4, v1  }
0xbb: {  	v4 =	vadd.s32 $0x1, v4  }
0xbc: {  	v4 =	vbroadcast v4, $0x0;
	_ =	sdelay $0x1  }
0xbd: {  	v3 =	vmul.f32 v5, v3  }
0xbe: {  	s19 =	simm.s32 $0x2  }
0xbf: {  	[tilespmem:s2+$0xFFFFFFC0] =	vst v3;
	v3 =	vmov s19  }
0xc0: {  	v5 =	vld [tilespmem:s2+$0xFFFFFFD0];
	v3 =	vshrl.u32 v3, $0x3  }
0xc1: {  	v4 =	vld.idx.msk [tilespmem:v4+s26+$0x0], $0xffff;
	v3 =	vshll.u32 v3, v1  }
0xc2: {  	v3 =	vadd.s32 $0x2, v3  }
0xc3: {  	v3 =	vbroadcast v3, $0x0;
	_ =	sdelay $0x2  }
0xc4: {  	v4 =	vmul.f32 v5, v4  }
0xc5: {  	s21 =	simm.s32 $0x3  }
0xc6: {  	v5 =	vld [tilespmem:s2+$0xFFFFFFE0];
	[tilespmem:s2+$0xFFFFFFD0] =	vst v4;
	v4 =	vmov s21  }
0xc7: {  	v4 =	vshrl.u32 v4, $0x3;
	v3 =	vld.idx.msk [tilespmem:v3+s26+$0x0], $0xffff  }
0xc8: {  	v4 =	vshll.u32 v4, v1  }
0xc9: {  	v4 =	vadd.s32 $0x3, v4  }
0xca: {  	v4 =	vbroadcast v4, $0x0;
	_ =	sdelay $0x1  }
0xcb: {  	v3 =	vmul.f32 v5, v3  }
0xcc: {  	s19 =	simm.s32 $0x4  }
0xcd: {  	[tilespmem:s2+$0xFFFFFFE0] =	vst v3;
	v3 =	vmov s19  }
0xce: {  	v5 =	vld [tilespmem:s2+$0xFFFFFFF0];
	v3 =	vshrl.u32 v3, $0x3  }
0xcf: {  	v4 =	vld.idx.msk [tilespmem:v4+s26+$0x0], $0xffff;
	v3 =	vshll.u32 v3, v1  }
0xd0: {  	v3 =	vadd.s32 $0x4, v3  }
0xd1: {  	v3 =	vbroadcast v3, $0x0;
	_ =	sdelay $0x2  }
0xd2: {  	v4 =	vmul.f32 v5, v4  }
0xd3: {  	s21 =	simm.s32 $0x5  }
0xd4: {  	v5 =	vld [tilespmem:s2+$0x0];
	[tilespmem:s2+$0xFFFFFFF0] =	vst v4;
	v4 =	vmov s21  }
0xd5: {  	v4 =	vshrl.u32 v4, $0x3;
	v3 =	vld.idx.msk [tilespmem:v3+s26+$0x0], $0xffff  }
0xd6: {  	v4 =	vshll.u32 v4, v1  }
0xd7: {  	v4 =	vadd.s32 $0x5, v4  }
0xd8: {  	v4 =	vbroadcast v4, $0x0;
	_ =	sdelay $0x1  }
0xd9: {  	v3 =	vmul.f32 v5, v3  }
0xda: {  	s19 =	simm.s32 $0x6  }
0xdb: {  	[tilespmem:s2+$0x0] =	vst v3;
	v3 =	vmov s19  }
0xdc: {  	v5 =	vld [tilespmem:s2+$0x10];
	v3 =	vshrl.u32 v3, $0x3  }
0xdd: {  	v4 =	vld.idx.msk [tilespmem:v4+s26+$0x0], $0xffff;
	v3 =	vshll.u32 v3, v1  }
0xde: {  	v3 =	vadd.s32 $0x6, v3  }
0xdf: {  	v3 =	vbroadcast v3, $0x0;
	_ =	sdelay $0x2  }
0xe0: {  	v4 =	vmul.f32 v5, v4;
	_ =	sdelay $0x1  }
0xe1: {  	[tilespmem:s2+$0x10] =	vst v4;
	v4 =	vld [tilespmem:s2+$0x20]  }
0xe2: {  	v3 =	vld.idx.msk [tilespmem:v3+s26+$0x0], $0xffff  }
0xe3: {  	s21 =	simm.s32 $0x7  }
0xe4: {  	v5 =	vmov s21  }
0xe5: {  	v5 =	vshrl.u32 v5, $0x3  }
0xe6: {  	v5 =	vshll.u32 v5, v1  }
0xe7: {  	v4 =	vmul.f32 v4, v3;
	v3 =	vadd.s32 $0x7, v5  }
0xe8: {  	v3 =	vbroadcast v3, $0x0;
	_ =	sdelay $0x3  }
0xe9: {  	s0 =	sadd.s32 $0x7C10, s0  }
0xea: {  	s1 =	simm.s32 $0x8;
	s19 =	simm.s32 $0xF;
	s21 =	simm.s32 $0x17;
	[tilespmem:s2+$0x20] =	vst v4  }
.LBB2_5:
0xeb: {  	p0 =	sne.s32 s21, $0x7F;
	v4 =	vmov s1;
	v3 =	vld.idx.msk [tilespmem:v3+s26+$0x0], $0xffff  }
0xec: {  	v4 =	vshrl.u32 v4, $0x3;
	v5 =	vld [tilespmem:s2+$0x30]  }
0xed: {  	v4 =	vshll.u32 v4, v1  }
0xee: {  	v4 =	vbroadcast v4, $0x0;
	_ =	sdelay $0x2  }
0xef: {  	v3 =	vmul.f32 v5, v3  }
0xf0: {  	s1 =	sadd.s32 $0xFFFFFFFA, s19  }
0xf1: {  	v5 =	vmov s1;
	[tilespmem:s2+$0x30] =	vst v3  }
0xf2: {  	s2 =	sadd.s32 $0x80, s2;
	v3 =	vld.idx.msk [tilespmem:v4+s26+$0x0], $0xffff;
	v4 =	vshrl.u32 v5, $0x3  }
0xf3: {  	v5 =	vld [tilespmem:s2+$0xFFFFFFC0];
	v4 =	vshll.u32 v4, v1  }
0xf4: {  	v4 =	vadd.s32 $0x1, v4  }
0xf5: {  	v4 =	vbroadcast v4, $0x0;
	_ =	sdelay $0x2  }
0xf6: {  	v3 =	vmul.f32 v5, v3  }
0xf7: {  	s1 =	sadd.s32 $0xFFFFFFFB, s19  }
0xf8: {  	[tilespmem:s2+$0xFFFFFFC0] =	vst v3;
	v3 =	vmov s1  }
0xf9: {  	v4 =	vld.idx.msk [tilespmem:v4+s26+$0x0], $0xffff;
	v3 =	vshrl.u32 v3, $0x3  }
0xfa: {  	v5 =	vld [tilespmem:s2+$0xFFFFFFD0];
	v3 =	vshll.u32 v3, v1  }
0xfb: {  	v3 =	vadd.s32 $0x2, v3  }
0xfc: {  	v3 =	vbroadcast v3, $0x0;
	_ =	sdelay $0x2  }
0xfd: {  	v4 =	vmul.f32 v5, v4  }
0xfe: {  	s1 =	sadd.s32 $0xFFFFFFFC, s19  }
0xff: {  	[tilespmem:s2+$0xFFFFFFD0] =	vst v4;
	v4 =	vmov s1  }
0x100: {  	v3 =	vld.idx.msk [tilespmem:v3+s26+$0x0], $0xffff;
	v4 =	vshrl.u32 v4, $0x3  }
0x101: {  	v5 =	vld [tilespmem:s2+$0xFFFFFFE0];
	v4 =	vshll.u32 v4, v1  }
0x102: {  	v4 =	vadd.s32 $0x3, v4  }
0x103: {  	v4 =	vbroadcast v4, $0x0;
	_ =	sdelay $0x2  }
0x104: {  	v3 =	vmul.f32 v5, v3  }
0x105: {  	s1 =	sadd.s32 $0xFFFFFFFD, s19  }
0x106: {  	[tilespmem:s2+$0xFFFFFFE0] =	vst v3;
	v3 =	vmov s1  }
0x107: {  	v4 =	vld.idx.msk [tilespmem:v4+s26+$0x0], $0xffff;
	v3 =	vshrl.u32 v3, $0x3  }
0x108: {  	v5 =	vld [tilespmem:s2+$0xFFFFFFF0];
	v3 =	vshll.u32 v3, v1  }
0x109: {  	v3 =	vadd.s32 $0x4, v3  }
0x10a: {  	v3 =	vbroadcast v3, $0x0;
	_ =	sdelay $0x2  }
0x10b: {  	v4 =	vmul.f32 v5, v4  }
0x10c: {  	s1 =	sadd.s32 $0xFFFFFFFE, s19  }
0x10d: {  	[tilespmem:s2+$0xFFFFFFF0] =	vst v4;
	v4 =	vmov s1  }
0x10e: {  	v3 =	vld.idx.msk [tilespmem:v3+s26+$0x0], $0xffff;
	v4 =	vshrl.u32 v4, $0x3  }
0x10f: {  	v5 =	vld [tilespmem:s2+$0x0];
	v4 =	vshll.u32 v4, v1  }
0x110: {  	v4 =	vadd.s32 $0x5, v4  }
0x111: {  	v4 =	vbroadcast v4, $0x0;
	_ =	sdelay $0x2  }
0x112: {  	v3 =	vmul.f32 v5, v3  }
0x113: {  	s1 =	sadd.s32 $0xFFFFFFFF, s19  }
0x114: {  	[tilespmem:s2+$0x0] =	vst v3;
	v3 =	vmov s1  }
0x115: {  	v4 =	vld.idx.msk [tilespmem:v4+s26+$0x0], $0xffff;
	v3 =	vshrl.u32 v3, $0x3  }
0x116: {  	v5 =	vld [tilespmem:s2+$0x10];
	v3 =	vshll.u32 v3, v1  }
0x117: {  	v3 =	vadd.s32 $0x6, v3  }
0x118: {  	v3 =	vbroadcast v3, $0x0;
	_ =	sdelay $0x2  }
0x119: {  	v4 =	vmul.f32 v5, v4;
	_ =	sdelay $0x1  }
0x11a: {  	[tilespmem:s2+$0x10] =	vst v4;
	v4 =	vmov s19;
	s19 =	smov.u32 s21  }
0x11b: {  	v5 =	vld.idx.msk [tilespmem:v3+s26+$0x0], $0xffff;
	v3 =	vshrl.u32 v4, $0x3  }
0x11c: {  	v4 =	vld [tilespmem:s2+$0x20];
	v3 =	vshll.u32 v3, v1  }
0x11d: {  	v3 =	vadd.s32 $0x7, v3  }
0x11e: {  	v3 =	vbroadcast v3, $0x0  }
.Ltmp1:
0x11f: {  	(pc) =	sbr.rel @p0 .LBB2_5-.Ltmp1, $3  }
0x120: {  	_ = 	snop  }
0x121: {  	v4 =	vmul.f32 v4, v5;
	_ =	sdelay $0x1  }
0x122: {  	s21 =	sadd.s32 $0x8, s21;
	s1 =	sadd.s32 $0xFFFFFFF9, s19;
	[tilespmem:s2+$0x20] =	vst v4  }
0x123: {  	_ =	sdelay $0x3  }
0x124: {  	v4 =	vmov s1;
	v3 =	vld.idx.msk [tilespmem:v3+s26+$0x0], $0xffff  }
0x125: {  	v5 =	vld [tilespmem:s2+$0x30];
	v4 =	vshrl.u32 v4, $0x3  }
0x126: {  	v4 =	vshll.u32 v4, v1  }
0x127: {  	v4 =	vbroadcast v4, $0x0;
	_ =	sdelay $0x2  }
0x128: {  	v3 =	vmul.f32 v5, v3  }
0x129: {  	s21 =	sadd.s32 $0xFFFFFFFA, s19  }
0x12a: {  	v5 =	vmov s21;
	[tilespmem:s2+$0x30] =	vst v3  }
0x12b: {  	s2 =	sadd.s32 $0x80, s2;
	v3 =	vld.idx.msk [tilespmem:v4+s26+$0x0], $0xffff;
	v4 =	vshrl.u32 v5, $0x3  }
0x12c: {  	v5 =	vld [tilespmem:s2+$0xFFFFFFC0];
	v4 =	vshll.u32 v4, v1  }
0x12d: {  	v4 =	vadd.s32 $0x1, v4  }
0x12e: {  	v4 =	vbroadcast v4, $0x0;
	_ =	sdelay $0x2  }
0x12f: {  	v3 =	vmul.f32 v5, v3  }
0x130: {  	s21 =	sadd.s32 $0xFFFFFFFB, s19  }
0x131: {  	v5 =	vld [tilespmem:s2+$0xFFFFFFD0];
	[tilespmem:s2+$0xFFFFFFC0] =	vst v3;
	v3 =	vmov s21  }
0x132: {  	v3 =	vshrl.u32 v3, $0x3;
	v4 =	vld.idx.msk [tilespmem:v4+s26+$0x0], $0xffff  }
0x133: {  	v3 =	vshll.u32 v3, v1  }
0x134: {  	v3 =	vadd.s32 $0x2, v3  }
0x135: {  	v3 =	vbroadcast v3, $0x0;
	_ =	sdelay $0x1  }
0x136: {  	v4 =	vmul.f32 v5, v4  }
0x137: {  	s21 =	sadd.s32 $0xFFFFFFFC, s19  }
0x138: {  	[tilespmem:s2+$0xFFFFFFD0] =	vst v4;
	v4 =	vmov s21  }
0x139: {  	v5 =	vld [tilespmem:s2+$0xFFFFFFE0];
	v4 =	vshrl.u32 v4, $0x3  }
0x13a: {  	v3 =	vld.idx.msk [tilespmem:v3+s26+$0x0], $0xffff;
	v4 =	vshll.u32 v4, v1  }
0x13b: {  	v4 =	vadd.s32 $0x3, v4  }
0x13c: {  	v4 =	vbroadcast v4, $0x0;
	_ =	sdelay $0x2  }
0x13d: {  	v3 =	vmul.f32 v5, v3  }
0x13e: {  	s21 =	sadd.s32 $0xFFFFFFFD, s19  }
0x13f: {  	v5 =	vld [tilespmem:s2+$0xFFFFFFF0];
	[tilespmem:s2+$0xFFFFFFE0] =	vst v3;
	v3 =	vmov s21  }
0x140: {  	v3 =	vshrl.u32 v3, $0x3;
	v4 =	vld.idx.msk [tilespmem:v4+s26+$0x0], $0xffff  }
0x141: {  	v3 =	vshll.u32 v3, v1  }
0x142: {  	v3 =	vadd.s32 $0x4, v3  }
0x143: {  	v3 =	vbroadcast v3, $0x0;
	_ =	sdelay $0x1  }
0x144: {  	v4 =	vmul.f32 v5, v4  }
0x145: {  	s21 =	sadd.s32 $0xFFFFFFFE, s19  }
0x146: {  	[tilespmem:s2+$0xFFFFFFF0] =	vst v4;
	v4 =	vmov s21  }
0x147: {  	v5 =	vld [tilespmem:s2+$0x0];
	v4 =	vshrl.u32 v4, $0x3  }
0x148: {  	v3 =	vld.idx.msk [tilespmem:v3+s26+$0x0], $0xffff;
	v4 =	vshll.u32 v4, v1  }
0x149: {  	v4 =	vadd.s32 $0x5, v4  }
0x14a: {  	v4 =	vbroadcast v4, $0x0;
	_ =	sdelay $0x2  }
0x14b: {  	v3 =	vmul.f32 v5, v3  }
0x14c: {  	s21 =	sadd.s32 $0xFFFFFFFF, s19  }
0x14d: {  	v5 =	vld [tilespmem:s2+$0x10];
	[tilespmem:s2+$0x0] =	vst v3;
	v3 =	vmov s21  }
0x14e: {  	v3 =	vshrl.u32 v3, $0x3;
	v4 =	vld.idx.msk [tilespmem:v4+s26+$0x0], $0xffff  }
0x14f: {  	v3 =	vshll.u32 v3, v1  }
0x150: {  	v3 =	vadd.s32 $0x6, v3  }
0x151: {  	v3 =	vbroadcast v3, $0x0;
	_ =	sdelay $0x1  }
0x152: {  	v4 =	vmul.f32 v5, v4;
	_ =	sdelay $0x1  }
0x153: {  	[tilespmem:s2+$0x10] =	vst v4;
	v4 =	vmov s19  }
0x154: {  	v5 =	vld [tilespmem:s2+$0x20];
	v4 =	vshrl.u32 v4, $0x3  }
0x155: {  	v3 =	vld.idx.msk [tilespmem:v3+s26+$0x0], $0xffff;
	v4 =	vshll.u32 v4, v1  }
0x156: {  	v4 =	vadd.s32 $0x7, v4  }
0x157: {  	v4 =	vbroadcast v4, $0x0;
	_ =	sdelay $0x2  }
0x158: {  	v3 =	vmul.f32 v5, v3;
	_ =	sdelay $0x1  }
0x159: {  	[tilespmem:s2+$0x20] =	vst v3  }
0x15a: {  	v3 =	vld.idx.msk [tilespmem:v4+s26+$0x0], $0xffff  }
0x15b: {  	v4 =	vld [tilespmem:s2+$0x30];
	_ =	sdelay $0x4  }
0x15c: {  	v3 =	vmul.f32 v4, v3;
	_ =	sdelay $0x1  }
0x15d: {  	p0 =	seq.s32 s30, $0x2B;
	[tilespmem:s2+$0x30] =	vst v3  }
0x15e: {  	[spmem:s3] =	stream.indirect.scatter.add.f32 [tilespmem:s16], [sflag:$0x3], $0x10, s0, s22, $0xb8;
	[tilespmem:$0xE090] =	vst v63  }
0x15f: {  	s0 =	sshll.u32 @!p0 s30, $0x8;
	_ =	swait.ge [sflag:s17], $0x800  }
0x160: {  	s1 =	simm.s32 @!p0 $0x80;
	s0 =	sand.u32 @!p0 $0x3FFFFF00, s0;
	[sflag:s17] =	ssyncset.done $0x0  }
0x161: {  	s2 =	simm.s32 @!p0 $0xA890;
	s0 =	sadd.s32 @!p0 $0x5110, s0;
	[sflag:s17] =	ssyncadd.s32 $0xFFFFF800  }
0x162: {  	[tilespmem:s2], [sflag:$0x1] =	stream.indirect.gather @!p0 [hbm4b:s5+s1], $0x10, s0, s1, $0xb8;
	[tilespmem:$0xE090] =	vst v63  }
0x163: {  	v3 =	vld [tilespmem:s31+$0x5010]  }
0x164: {  	v4 =	vld [tilespmem:s31+$0x7C10];
	_ =	sdelay $0x6  }
0x165: {  	v3 =	vld.idx.msk [tilespmem:v3+s4+$0x0], $0xffff  }
0x166: {  	v4 =	vld.idx.msk [tilespmem:v4+s18+$0x0], $0xffff;
	_ =	sdelay $0x4  }
0x167: {  	v3 =	vadd.f32 v4, v3;
	_ =	sdelay $0x1  }
0x168: {  	v4 =	vmul.f32 $2.000000030e-01, v3  }
0x169: {  	vm0 =	vge.f32 v3, $0.0e+00  }
0x16a: {  	v3 =	vsel vm0, v3, v4  }
0x16b: {  	v3 =	vsub.f32 v3, v2;
	_ =	sdelay $0x1  }
0x16c: {  	v3 =	vmul.f32 $1.442695020e+00, v3;
	_ =	sdelay $0x1  }
0x16d: {  	(erf) = vpow2.f32 v3;
	_ =	sdelay $0x8  }
0x16e: {  	v3 =	vpop (erf)  }
0x16f: {  	[tilespmem:$0xA810] =	vst v3  }
0x170: {  	v3 =	vld [tilespmem:s31+$0x5020]  }
0x171: {  	v4 =	vld [tilespmem:s31+$0x7C20];
	_ =	sdelay $0x6  }
0x172: {  	v3 =	vld.idx.msk [tilespmem:v3+s4+$0x0], $0xffff  }
0x173: {  	v4 =	vld.idx.msk [tilespmem:v4+s18+$0x0], $0xffff;
	_ =	sdelay $0x4  }
0x174: {  	v3 =	vadd.f32 v4, v3;
	_ =	sdelay $0x1  }
0x175: {  	v4 =	vmul.f32 $2.000000030e-01, v3  }
0x176: {  	vm9 =	vge.f32 v3, $0.0e+00  }
0x177: {  	v3 =	vsel vm9, v3, v4  }
0x178: {  	v3 =	vsub.f32 v3, v2;
	_ =	sdelay $0x1  }
0x179: {  	v3 =	vmul.f32 $1.442695020e+00, v3;
	_ =	sdelay $0x1  }
0x17a: {  	(erf) = vpow2.f32 v3;
	_ =	sdelay $0x8  }
0x17b: {  	v3 =	vpop (erf)  }
0x17c: {  	[tilespmem:$0xA820] =	vst v3  }
0x17d: {  	v3 =	vld [tilespmem:s31+$0x5030]  }
0x17e: {  	v4 =	vld [tilespmem:s31+$0x7C30];
	_ =	sdelay $0x6  }
0x17f: {  	v3 =	vld.idx.msk [tilespmem:v3+s4+$0x0], $0xffff  }
0x180: {  	v4 =	vld.idx.msk [tilespmem:v4+s18+$0x0], $0xffff;
	_ =	sdelay $0x4  }
0x181: {  	v3 =	vadd.f32 v4, v3;
	_ =	sdelay $0x1  }
0x182: {  	v4 =	vmul.f32 $2.000000030e-01, v3  }
0x183: {  	vm10 =	vge.f32 v3, $0.0e+00  }
0x184: {  	v3 =	vsel vm10, v3, v4  }
0x185: {  	v3 =	vsub.f32 v3, v2;
	_ =	sdelay $0x1  }
0x186: {  	v3 =	vmul.f32 $1.442695020e+00, v3;
	_ =	sdelay $0x1  }
0x187: {  	(erf) = vpow2.f32 v3;
	_ =	sdelay $0x8  }
0x188: {  	v3 =	vpop (erf)  }
0x189: {  	[tilespmem:$0xA830] =	vst v3  }
0x18a: {  	v3 =	vld [tilespmem:s31+$0x5040]  }
0x18b: {  	v4 =	vld [tilespmem:s31+$0x7C40];
	_ =	sdelay $0x6  }
0x18c: {  	v3 =	vld.idx.msk [tilespmem:v3+s4+$0x0], $0xffff  }
0x18d: {  	v4 =	vld.idx.msk [tilespmem:v4+s18+$0x0], $0xffff;
	_ =	sdelay $0x4  }
0x18e: {  	v3 =	vadd.f32 v4, v3;
	_ =	sdelay $0x1  }
0x18f: {  	v4 =	vmul.f32 $2.000000030e-01, v3  }
0x190: {  	vm11 =	vge.f32 v3, $0.0e+00  }
0x191: {  	v3 =	vsel vm11, v3, v4  }
0x192: {  	v3 =	vsub.f32 v3, v2;
	_ =	sdelay $0x1  }
0x193: {  	v3 =	vmul.f32 $1.442695020e+00, v3;
	_ =	sdelay $0x1  }
0x194: {  	(erf) = vpow2.f32 v3;
	_ =	sdelay $0x8  }
0x195: {  	v3 =	vpop (erf)  }
0x196: {  	[tilespmem:$0xA840] =	vst v3  }
0x197: {  	v3 =	vld [tilespmem:s31+$0x5050]  }
0x198: {  	v4 =	vld [tilespmem:s31+$0x7C50];
	_ =	sdelay $0x6  }
0x199: {  	v3 =	vld.idx.msk [tilespmem:v3+s4+$0x0], $0xffff  }
0x19a: {  	v4 =	vld.idx.msk [tilespmem:v4+s18+$0x0], $0xffff;
	_ =	sdelay $0x4  }
0x19b: {  	v3 =	vadd.f32 v4, v3;
	_ =	sdelay $0x1  }
0x19c: {  	v4 =	vmul.f32 $2.000000030e-01, v3  }
0x19d: {  	vm12 =	vge.f32 v3, $0.0e+00  }
0x19e: {  	v3 =	vsel vm12, v3, v4  }
0x19f: {  	v3 =	vsub.f32 v3, v2;
	_ =	sdelay $0x1  }
0x1a0: {  	v3 =	vmul.f32 $1.442695020e+00, v3;
	_ =	sdelay $0x1  }
0x1a1: {  	(erf) = vpow2.f32 v3;
	_ =	sdelay $0x8  }
0x1a2: {  	v3 =	vpop (erf)  }
0x1a3: {  	[tilespmem:$0xA850] =	vst v3  }
0x1a4: {  	v3 =	vld [tilespmem:s31+$0x5060]  }
0x1a5: {  	v4 =	vld [tilespmem:s31+$0x7C60];
	_ =	sdelay $0x6  }
0x1a6: {  	v3 =	vld.idx.msk [tilespmem:v3+s4+$0x0], $0xffff  }
0x1a7: {  	v4 =	vld.idx.msk [tilespmem:v4+s18+$0x0], $0xffff;
	_ =	sdelay $0x4  }
0x1a8: {  	v3 =	vadd.f32 v4, v3;
	_ =	sdelay $0x1  }
0x1a9: {  	v4 =	vmul.f32 $2.000000030e-01, v3  }
0x1aa: {  	vm13 =	vge.f32 v3, $0.0e+00  }
0x1ab: {  	v3 =	vsel vm13, v3, v4  }
0x1ac: {  	v3 =	vsub.f32 v3, v2;
	_ =	sdelay $0x1  }
0x1ad: {  	v3 =	vmul.f32 $1.442695020e+00, v3;
	_ =	sdelay $0x1  }
0x1ae: {  	(erf) = vpow2.f32 v3;
	_ =	sdelay $0x8  }
0x1af: {  	v3 =	vpop (erf)  }
0x1b0: {  	[tilespmem:$0xA860] =	vst v3  }
0x1b1: {  	v3 =	vld [tilespmem:s31+$0x5070]  }
0x1b2: {  	v4 =	vld [tilespmem:s31+$0x7C70];
	_ =	sdelay $0x6  }
0x1b3: {  	v3 =	vld.idx.msk [tilespmem:v3+s4+$0x0], $0xffff  }
0x1b4: {  	v4 =	vld.idx.msk [tilespmem:v4+s18+$0x0], $0xffff;
	_ =	sdelay $0x4  }
0x1b5: {  	v3 =	vadd.f32 v4, v3;
	_ =	sdelay $0x1  }
0x1b6: {  	v4 =	vmul.f32 $2.000000030e-01, v3  }
0x1b7: {  	vm14 =	vge.f32 v3, $0.0e+00  }
0x1b8: {  	v3 =	vsel vm14, v3, v4  }
0x1b9: {  	v3 =	vsub.f32 v3, v2;
	_ =	sdelay $0x1  }
0x1ba: {  	v3 =	vmul.f32 $1.442695020e+00, v3;
	_ =	sdelay $0x1  }
0x1bb: {  	(erf) = vpow2.f32 v3;
	_ =	sdelay $0x8  }
0x1bc: {  	v3 =	vpop (erf)  }
0x1bd: {  	[tilespmem:$0xA870] =	vst v3  }
0x1be: {  	v3 =	vld [tilespmem:s31+$0x5080]  }
0x1bf: {  	v4 =	vld [tilespmem:s31+$0x7C80];
	_ =	sdelay $0x6  }
0x1c0: {  	v3 =	vld.idx.msk [tilespmem:v3+s4+$0x0], $0xffff  }
0x1c1: {  	v4 =	vld.idx.msk [tilespmem:v4+s18+$0x0], $0xffff;
	_ =	sdelay $0x4  }
0x1c2: {  	v3 =	vadd.f32 v4, v3;
	_ =	sdelay $0x1  }
0x1c3: {  	v4 =	vmul.f32 $2.000000030e-01, v3  }
0x1c4: {  	vm15 =	vge.f32 v3, $0.0e+00  }
0x1c5: {  	v3 =	vsel vm15, v3, v4  }
0x1c6: {  	v3 =	vsub.f32 v3, v2;
	_ =	sdelay $0x1  }
0x1c7: {  	v3 =	vmul.f32 $1.442695020e+00, v3;
	_ =	sdelay $0x1  }
0x1c8: {  	(erf) = vpow2.f32 v3;
	_ =	sdelay $0x3  }
0x1c9: {  	s19 =	simm.s32 $0x0  }
0x1ca: {  	v3 =	vmov s19  }
0x1cb: {  	v3 =	vshrl.u32 v3, $0x3  }
0x1cc: {  	v3 =	vshll.u32 v3, v1  }
0x1cd: {  	v3 =	vbroadcast v3, $0x0  }
0x1ce: {  	v4 =	vpop (erf)  }
0x1cf: {  	[tilespmem:$0xA880] =	vst v4  }
0x1d0: {  	_ =	swait.ge [sflag:s28], $0x800  }
0x1d1: {  	[sflag:s28] =	ssyncset.done $0x0  }
0x1d2: {  	s21 =	simm.s32 $0x1;
	[sflag:s28] =	ssyncadd.s32 $0xFFFFF800  }
0x1d3: {  	s2 =	simm.s32 $0xB0D0;
	v4 =	vmov s21;
	v3 =	vld.idx.msk [tilespmem:v3+s26+$0x0], $0xffff  }
0x1d4: {  	v4 =	vshrl.u32 v4, $0x3;
	v5 =	vld [tilespmem:s2+$0xFFFFFFC0]  }
0x1d5: {  	v4 =	vshll.u32 v4, v1  }
0x1d6: {  	v4 =	vadd.s32 $0x1, v4  }
0x1d7: {  	v4 =	vbroadcast v4, $0x0;
	_ =	sdelay $0x1  }
0x1d8: {  	v3 =	vmul.f32 v5, v3  }
0x1d9: {  	s1 =	simm.s32 $0x2  }
0x1da: {  	[tilespmem:s2+$0xFFFFFFC0] =	vst v3;
	v3 =	vmov s1  }
0x1db: {  	v5 =	vld [tilespmem:s2+$0xFFFFFFD0];
	v3 =	vshrl.u32 v3, $0x3  }
0x1dc: {  	v4 =	vld.idx.msk [tilespmem:v4+s26+$0x0], $0xffff;
	v3 =	vshll.u32 v3, v1  }
0x1dd: {  	v3 =	vadd.s32 $0x2, v3  }
0x1de: {  	v3 =	vbroadcast v3, $0x0;
	_ =	sdelay $0x2  }
0x1df: {  	v4 =	vmul.f32 v5, v4  }
0x1e0: {  	s19 =	simm.s32 $0x3  }
0x1e1: {  	v5 =	vld [tilespmem:s2+$0xFFFFFFE0];
	[tilespmem:s2+$0xFFFFFFD0] =	vst v4;
	v4 =	vmov s19  }
0x1e2: {  	v4 =	vshrl.u32 v4, $0x3;
	v3 =	vld.idx.msk [tilespmem:v3+s26+$0x0], $0xffff  }
0x1e3: {  	v4 =	vshll.u32 v4, v1  }
0x1e4: {  	v4 =	vadd.s32 $0x3, v4  }
0x1e5: {  	v4 =	vbroadcast v4, $0x0;
	_ =	sdelay $0x1  }
0x1e6: {  	v3 =	vmul.f32 v5, v3  }
0x1e7: {  	s21 =	simm.s32 $0x4  }
0x1e8: {  	[tilespmem:s2+$0xFFFFFFE0] =	vst v3;
	v3 =	vmov s21  }
0x1e9: {  	v5 =	vld [tilespmem:s2+$0xFFFFFFF0];
	v3 =	vshrl.u32 v3, $0x3  }
0x1ea: {  	v4 =	vld.idx.msk [tilespmem:v4+s26+$0x0], $0xffff;
	v3 =	vshll.u32 v3, v1  }
0x1eb: {  	v3 =	vadd.s32 $0x4, v3  }
0x1ec: {  	v3 =	vbroadcast v3, $0x0;
	_ =	sdelay $0x2  }
0x1ed: {  	v4 =	vmul.f32 v5, v4  }
0x1ee: {  	s1 =	simm.s32 $0x5  }
0x1ef: {  	v5 =	vld [tilespmem:s2+$0x0];
	[tilespmem:s2+$0xFFFFFFF0] =	vst v4;
	v4 =	vmov s1  }
0x1f0: {  	v4 =	vshrl.u32 v4, $0x3;
	v3 =	vld.idx.msk [tilespmem:v3+s26+$0x0], $0xffff  }
0x1f1: {  	v4 =	vshll.u32 v4, v1  }
0x1f2: {  	v4 =	vadd.s32 $0x5, v4  }
0x1f3: {  	v4 =	vbroadcast v4, $0x0;
	_ =	sdelay $0x1  }
0x1f4: {  	v3 =	vmul.f32 v5, v3  }
0x1f5: {  	s19 =	simm.s32 $0x6  }
0x1f6: {  	[tilespmem:s2+$0x0] =	vst v3;
	v3 =	vmov s19  }
0x1f7: {  	v5 =	vld [tilespmem:s2+$0x10];
	v3 =	vshrl.u32 v3, $0x3  }
0x1f8: {  	v4 =	vld.idx.msk [tilespmem:v4+s26+$0x0], $0xffff;
	v3 =	vshll.u32 v3, v1  }
0x1f9: {  	v3 =	vadd.s32 $0x6, v3  }
0x1fa: {  	v3 =	vbroadcast v3, $0x0;
	_ =	sdelay $0x2  }
0x1fb: {  	v4 =	vmul.f32 v5, v4;
	_ =	sdelay $0x1  }
0x1fc: {  	[tilespmem:s2+$0x10] =	vst v4;
	v4 =	vld [tilespmem:s2+$0x20]  }
0x1fd: {  	v3 =	vld.idx.msk [tilespmem:v3+s26+$0x0], $0xffff  }
0x1fe: {  	s21 =	simm.s32 $0x7  }
0x1ff: {  	v5 =	vmov s21  }
0x200: {  	v5 =	vshrl.u32 v5, $0x3  }
0x201: {  	v5 =	vshll.u32 v5, v1  }
0x202: {  	v4 =	vmul.f32 v4, v3;
	v3 =	vadd.s32 $0x7, v5  }
0x203: {  	v3 =	vbroadcast v3, $0x0;
	_ =	sdelay $0x3  }
0x204: {  	s0 =	sadd.s32 $0x7C10, s31  }
0x205: {  	s1 =	simm.s32 $0x8;
	s19 =	simm.s32 $0xF;
	s21 =	simm.s32 $0x17;
	[tilespmem:s2+$0x20] =	vst v4  }
.LBB2_7:
0x206: {  	p0 =	sne.s32 s21, $0x7F;
	v4 =	vmov s1;
	v3 =	vld.idx.msk [tilespmem:v3+s26+$0x0], $0xffff  }
0x207: {  	v4 =	vshrl.u32 v4, $0x3;
	v5 =	vld [tilespmem:s2+$0x30]  }
0x208: {  	v4 =	vshll.u32 v4, v1  }
0x209: {  	v4 =	vbroadcast v4, $0x0;
	_ =	sdelay $0x2  }
0x20a: {  	v3 =	vmul.f32 v5, v3  }
0x20b: {  	s1 =	sadd.s32 $0xFFFFFFFA, s19  }
0x20c: {  	v5 =	vmov s1;
	[tilespmem:s2+$0x30] =	vst v3  }
0x20d: {  	s2 =	sadd.s32 $0x80, s2;
	v3 =	vld.idx.msk [tilespmem:v4+s26+$0x0], $0xffff;
	v4 =	vshrl.u32 v5, $0x3  }
0x20e: {  	v5 =	vld [tilespmem:s2+$0xFFFFFFC0];
	v4 =	vshll.u32 v4, v1  }
0x20f: {  	v4 =	vadd.s32 $0x1, v4  }
0x210: {  	v4 =	vbroadcast v4, $0x0;
	_ =	sdelay $0x2  }
0x211: {  	v3 =	vmul.f32 v5, v3  }
0x212: {  	s1 =	sadd.s32 $0xFFFFFFFB, s19  }
0x213: {  	[tilespmem:s2+$0xFFFFFFC0] =	vst v3;
	v3 =	vmov s1  }
0x214: {  	v4 =	vld.idx.msk [tilespmem:v4+s26+$0x0], $0xffff;
	v3 =	vshrl.u32 v3, $0x3  }
0x215: {  	v5 =	vld [tilespmem:s2+$0xFFFFFFD0];
	v3 =	vshll.u32 v3, v1  }
0x216: {  	v3 =	vadd.s32 $0x2, v3  }
0x217: {  	v3 =	vbroadcast v3, $0x0;
	_ =	sdelay $0x2  }
0x218: {  	v4 =	vmul.f32 v5, v4  }
0x219: {  	s1 =	sadd.s32 $0xFFFFFFFC, s19  }
0x21a: {  	[tilespmem:s2+$0xFFFFFFD0] =	vst v4;
	v4 =	vmov s1  }
0x21b: {  	v3 =	vld.idx.msk [tilespmem:v3+s26+$0x0], $0xffff;
	v4 =	vshrl.u32 v4, $0x3  }
0x21c: {  	v5 =	vld [tilespmem:s2+$0xFFFFFFE0];
	v4 =	vshll.u32 v4, v1  }
0x21d: {  	v4 =	vadd.s32 $0x3, v4  }
0x21e: {  	v4 =	vbroadcast v4, $0x0;
	_ =	sdelay $0x2  }
0x21f: {  	v3 =	vmul.f32 v5, v3  }
0x220: {  	s1 =	sadd.s32 $0xFFFFFFFD, s19  }
0x221: {  	[tilespmem:s2+$0xFFFFFFE0] =	vst v3;
	v3 =	vmov s1  }
0x222: {  	v4 =	vld.idx.msk [tilespmem:v4+s26+$0x0], $0xffff;
	v3 =	vshrl.u32 v3, $0x3  }
0x223: {  	v5 =	vld [tilespmem:s2+$0xFFFFFFF0];
	v3 =	vshll.u32 v3, v1  }
0x224: {  	v3 =	vadd.s32 $0x4, v3  }
0x225: {  	v3 =	vbroadcast v3, $0x0;
	_ =	sdelay $0x2  }
0x226: {  	v4 =	vmul.f32 v5, v4  }
0x227: {  	s1 =	sadd.s32 $0xFFFFFFFE, s19  }
0x228: {  	[tilespmem:s2+$0xFFFFFFF0] =	vst v4;
	v4 =	vmov s1  }
0x229: {  	v3 =	vld.idx.msk [tilespmem:v3+s26+$0x0], $0xffff;
	v4 =	vshrl.u32 v4, $0x3  }
0x22a: {  	v5 =	vld [tilespmem:s2+$0x0];
	v4 =	vshll.u32 v4, v1  }
0x22b: {  	v4 =	vadd.s32 $0x5, v4  }
0x22c: {  	v4 =	vbroadcast v4, $0x0;
	_ =	sdelay $0x2  }
0x22d: {  	v3 =	vmul.f32 v5, v3  }
0x22e: {  	s1 =	sadd.s32 $0xFFFFFFFF, s19  }
0x22f: {  	[tilespmem:s2+$0x0] =	vst v3;
	v3 =	vmov s1  }
0x230: {  	v4 =	vld.idx.msk [tilespmem:v4+s26+$0x0], $0xffff;
	v3 =	vshrl.u32 v3, $0x3  }
0x231: {  	v5 =	vld [tilespmem:s2+$0x10];
	v3 =	vshll.u32 v3, v1  }
0x232: {  	v3 =	vadd.s32 $0x6, v3  }
0x233: {  	v3 =	vbroadcast v3, $0x0;
	_ =	sdelay $0x2  }
0x234: {  	v4 =	vmul.f32 v5, v4;
	_ =	sdelay $0x1  }
0x235: {  	[tilespmem:s2+$0x10] =	vst v4;
	v4 =	vmov s19;
	s19 =	smov.u32 s21  }
0x236: {  	v5 =	vld.idx.msk [tilespmem:v3+s26+$0x0], $0xffff;
	v3 =	vshrl.u32 v4, $0x3  }
0x237: {  	v4 =	vld [tilespmem:s2+$0x20];
	v3 =	vshll.u32 v3, v1  }
0x238: {  	v3 =	vadd.s32 $0x7, v3  }
0x239: {  	v3 =	vbroadcast v3, $0x0  }
.Ltmp2:
0x23a: {  	(pc) =	sbr.rel @p0 .LBB2_7-.Ltmp2, $3  }
0x23b: {  	_ = 	snop  }
0x23c: {  	v4 =	vmul.f32 v4, v5;
	_ =	sdelay $0x1  }
0x23d: {  	s21 =	sadd.s32 $0x8, s21;
	s1 =	sadd.s32 $0xFFFFFFF9, s19;
	[tilespmem:s2+$0x20] =	vst v4  }
0x23e: {  	_ =	sdelay $0x3  }
0x23f: {  	v3 =	vld.idx.msk [tilespmem:v3+s26+$0x0], $0xffff  }
0x240: {  	v4 =	vmov s1;
	v5 =	vld [tilespmem:s2+$0x30]  }
0x241: {  	v4 =	vshrl.u32 v4, $0x3  }
0x242: {  	v4 =	vshll.u32 v4, v1  }
0x243: {  	v4 =	vbroadcast v4, $0x0;
	_ =	sdelay $0x1  }
0x244: {  	v3 =	vmul.f32 v5, v3;
	_ =	sdelay $0x1  }
0x245: {  	s21 =	sadd.s32 $0xFFFFFFFA, s19;
	[tilespmem:s2+$0x30] =	vst v3;
	s2 =	sadd.s32 $0x80, s2  }
0x246: {  	v51 =	vmov s21;
	v53 =	vld [tilespmem:s2+$0xFFFFFFC0]  }
0x247: {  	v52 =	vshrl.u32 v51, $0x3;
	v3 =	vld.idx.msk [tilespmem:v4+s26+$0x0], $0xffff  }
0x248: {  	v4 =	vshll.u32 v52, v1  }
0x249: {  	v4 =	vadd.s32 $0x1, v4  }
0x24a: {  	v4 =	vbroadcast v4, $0x0;
	_ =	sdelay $0x1  }
0x24b: {  	v3 =	vmul.f32 v53, v3  }
0x24c: {  	s31 =	sadd.s32 $0xFFFFFFFB, s19  }
0x24d: {  	[tilespmem:s2+$0xFFFFFFC0] =	vst v3;
	v3 =	vmov s31  }
0x24e: {  	v54 =	vld [tilespmem:s2+$0xFFFFFFD0];
	v3 =	vshrl.u32 v3, $0x3  }
0x24f: {  	v4 =	vld.idx.msk [tilespmem:v4+s26+$0x0], $0xffff;
	v3 =	vshll.u32 v3, v1  }
0x250: {  	v3 =	vadd.s32 $0x2, v3  }
0x251: {  	v3 =	vbroadcast v3, $0x0;
	_ =	sdelay $0x2  }
0x252: {  	v4 =	vmul.f32 v54, v4  }
0x253: {  	s21 =	sadd.s32 $0xFFFFFFFC, s19  }
0x254: {  	v55 =	vmov s21;
	v56 =	vld [tilespmem:s2+$0xFFFFFFE0];
	[tilespmem:s2+$0xFFFFFFD0] =	vst v4  }
0x255: {  	v4 =	vshrl.u32 v55, $0x3;
	v3 =	vld.idx.msk [tilespmem:v3+s26+$0x0], $0xffff  }
0x256: {  	v4 =	vshll.u32 v4, v1  }
0x257: {  	v4 =	vadd.s32 $0x3, v4  }
0x258: {  	v4 =	vbroadcast v4, $0x0;
	_ =	sdelay $0x1  }
0x259: {  	v3 =	vmul.f32 v56, v3  }
0x25a: {  	s31 =	sadd.s32 $0xFFFFFFFD, s19  }
0x25b: {  	[tilespmem:s2+$0xFFFFFFE0] =	vst v3;
	v3 =	vmov s31  }
0x25c: {  	v57 =	vld [tilespmem:s2+$0xFFFFFFF0];
	v3 =	vshrl.u32 v3, $0x3  }
0x25d: {  	v4 =	vld.idx.msk [tilespmem:v4+s26+$0x0], $0xffff;
	v3 =	vshll.u32 v3, v1  }
0x25e: {  	v3 =	vadd.s32 $0x4, v3  }
0x25f: {  	v3 =	vbroadcast v3, $0x0;
	_ =	sdelay $0x2  }
0x260: {  	v4 =	vmul.f32 v57, v4  }
0x261: {  	s21 =	sadd.s32 $0xFFFFFFFE, s19  }
0x262: {  	v58 =	vmov s21;
	v59 =	vld [tilespmem:s2+$0x0];
	[tilespmem:s2+$0xFFFFFFF0] =	vst v4  }
0x263: {  	v4 =	vshrl.u32 v58, $0x3;
	v3 =	vld.idx.msk [tilespmem:v3+s26+$0x0], $0xffff  }
0x264: {  	v4 =	vshll.u32 v4, v1  }
0x265: {  	v4 =	vadd.s32 $0x5, v4  }
0x266: {  	v4 =	vbroadcast v4, $0x0;
	_ =	sdelay $0x1  }
0x267: {  	v3 =	vmul.f32 v59, v3  }
0x268: {  	s31 =	sadd.s32 $0xFFFFFFFF, s19  }
0x269: {  	[tilespmem:s2+$0x0] =	vst v3;
	v3 =	vmov s31  }
0x26a: {  	v60 =	vld [tilespmem:s2+$0x10];
	v3 =	vshrl.u32 v3, $0x3  }
0x26b: {  	v4 =	vld.idx.msk [tilespmem:v4+s26+$0x0], $0xffff;
	v3 =	vshll.u32 v3, v1  }
0x26c: {  	v3 =	vadd.s32 $0x6, v3  }
0x26d: {  	v3 =	vbroadcast v3, $0x0;
	_ =	sdelay $0x2  }
0x26e: {  	v4 =	vmul.f32 v60, v4  }
0x26f: {  	v61 =	vmov s19  }
0x270: {  	v62 =	vld [tilespmem:s2+$0x20];
	[tilespmem:s2+$0x10] =	vst v4;
	v4 =	vshrl.u32 v61, $0x3  }
0x271: {  	v4 =	vshll.u32 v4, v1;
	v3 =	vld.idx.msk [tilespmem:v3+s26+$0x0], $0xffff  }
0x272: {  	v4 =	vadd.s32 $0x7, v4  }
0x273: {  	v4 =	vbroadcast v4, $0x0;
	_ =	sdelay $0x2  }
0x274: {  	v3 =	vmul.f32 v62, v3;
	_ =	sdelay $0x1  }
0x275: {  	v63 =	vld [tilespmem:s2+$0x30];
	[tilespmem:s2+$0x20] =	vst v3  }
0x276: {  	v3 =	vld.idx.msk [tilespmem:v4+s26+$0x0], $0xffff;
	_ =	sdelay $0x4  }
0x277: {  	s30 =	sadd.s32 $0x1, s30;
	v3 =	vmul.f32 v63, v3  }
0x278: {  	p0 =	sne.s32 s30, $0x2C  }
.Ltmp3:
0x279: {  	[tilespmem:s2+$0x30] =	vst v3;
	(pc) =	sbr.rel @p0 .LBB2_4-.Ltmp3, $4  }
0x27a: {  	[spmem:s3] =	stream.indirect.scatter.add.f32 [tilespmem:s23], [sflag:$0x3], $0x10, s0, s22, $0xb8;
	[tilespmem:$0xE090] =	vst v63  }
0x27b: {  	_ =	swait.ge [sflag:s17], $0x800  }
0x27c: {  	[sflag:s17] =	ssyncset.done $0x0  }
0x27d: {  	[sflag:s17] =	ssyncadd.s32 $0xFFFFF800  }
0x27e: {  	s0 =	stileid.u32;
	s29 =	sadd.s32 $0x1, s29  }
0x27f: {  	[bflag:$0x0] =	sbarrier.arrive $0xFFFF;
	s0 =	sshll.u32 s0, $0x6;
	p0 =	sne.s32 s29, s15  }
.Ltmp4:
0x280: {  	s1 =	sshrl.u32 s8, $0x3;
	s0 =	sor.u32 $0x1C03, s0;
	(pc) =	sbr.rel @p0 .LBB2_1-.Ltmp4, $4  }
0x281: {  	[hbm:s24], [sflag:s0] =	dma.local [spmem:s1], $0x500  }
0x282: {  	_ =	swait.ge [sflag:s17], $0x500  }
0x283: {  	[sflag:s17] =	ssyncset.done $0x0  }
0x284: {  	[sflag:s17] =	ssyncadd.s32 $0xFFFFFB00  }
0x285: {  	_ =	sfence.sel $0x180000  }
0x286: {  	[bflag:$0x0] =	sbarrier.arrive $0xFFFF  }
0x287: {  	_ =	strace $0x9000004A  }
0x288: {  	s0 =	stileid.u32;
	[bflag:$0x2] =	sbarrier.arrive $0xFFFF  }
0x289: {  	p0 =	sne.s32 s0, $0x0;
	s0 =	rddreg [dreg:$0x3]  }
0x28a: {  	s0 =	sadd.s32 @!p0 $0x100000, s0  }
0x28b: {  	[sflag:s0] =	ssyncadd.tile.s32 @!p0 $0x1;
	_ =	shalt  }
.Lfunc_end2:
_tile_overlayer_lowered:
.L_overlay_start_2:
0x28c: {  	(tag) =	ssettag $0x2  }
0x28d: {  	s0 =	rddreg [dreg:$0x0];
	s2 =	stileid.u32  }
0x28e: {  	s1 =	rddreg [dreg:$0x1];
	p0 =	sne.s32 s2, $0x0  }
0x28f: {  	s3 =	rddreg [dreg:$0x2];
	[bflag:$0x3] =	sbarrier.arrive $0xFFFF;
	s2 =	simm.s32 @!p0 $0x1C03  }
0x290: {  	[timem:s3], [sflag:s2] =	dma.local @!p0 [hbm:s0], s1  }
0x291: {  	s0 =	simm.s32 @!p0 $0x3  }
0x292: {  	_ =	swait.ge @!p0 [sflag:s0], s1  }
0x293: {  	s1 =	ssub.s32 @!p0 $0x0, s1;
	[sflag:s0] =	ssyncset.done @!p0 $0x0  }
0x294: {  	[sflag:s0] =	ssyncadd.s32 @!p0 s1  }
0x295: {  	[bflag:$0x3] =	sbarrier.arrive $0xFFFF  }
0x296: {  	_ =	shalt  }

// kernel: kernel.7.cloned.1.call-start
scs
__scs_entry_jumppad:
0x0: {  	(pc) =	sbr.rel $0x88, $3  }
0x1: {  	(tag) =	ssettag $0x0;
	lr =	simm.s32 $0x1  }
0x2: {  	[smem:$0x3F97] =	sst lr;
	_ =	strace $0xD0000000  }
0x3: {  	_ = 	snop  }
0x4: {  	_ = 	snop  }
0x5: {  	_ = 	snop  }
0x6: {  	_ = 	snop  }
0x7: {  	_ = 	snop  }
__scs_overlays_trampoline_lowered:
0x8: {  	[smem:$0x3FA6] =	sst s0  }
0x9: {  	[smem:$0x3FA7] =	sst s1  }
0xa: {  	[smem:$0x3FA8] =	sst s2  }
0xb: {  	[smem:$0x3FA9] =	sst s3  }
0xc: {  	[smem:$0x3FAA] =	sst s4  }
0xd: {  	[smem:$0x3FAB] =	sst s5  }
0xe: {  	[smem:$0x3FAC] =	sst s6  }
0xf: {  	[smem:$0x3FAD] =	sst s7  }
0x10: {  	[smem:$0x3FAE] =	sst s8  }
0x11: {  	[smem:$0x3FAF] =	sst s9;
	s0 =	simm.s32 @!p0 $0x0  }
0x12: {  	s1 =	sld [smem:$0x3F95];
	s0 =	simm.s32 @p0 $0x1  }
0x13: {  	[smem:$0x3FB0] =	sst s0;
	s0 =	simm.s32 @!p1 $0x0  }
0x14: {  	s2 =	sld [smem:$0x3F94];
	s0 =	simm.s32 @p1 $0x1  }
0x15: {  	[smem:$0x3FB1] =	sst s0;
	s0 =	simm.s32 @!p2 $0x0  }
0x16: {  	s3 =	sld [smem:$0x3FDB];
	s0 =	simm.s32 @p2 $0x1  }
0x17: {  	s4 =	simm.s32 $0x1BF5;
	[smem:$0x3FB3] =	sst s0  }
0x18: {  	s0 =	sld [smem:$0x3F96];
	_ =	swait.ge [sflag:s4], $0x0  }
0x19: {  	s7 =	sld [smem:$0x3F97]  }
0x1a: {  	s8 =	sadd.s32 $0xFFFFE003, lr  }
0x1b: {  	s9 =	sadd.s32 $0xFFFFFEF7, lr;
	s5 =	simm.s32 $0xFFFFFFFF;
	p2 =	slt.u32 s8, $0xFFFFF086  }
0x1c: {  	p1 =	slt.u32 s9, $0xF7A;
	s5 =	simm.s32 @!p2 $0x0  }
0x1d: {  	s5 =	simm.s32 @p1 $0x1;
	p0 =	seq.s32 s7, s2  }
0x1e: {  	s7 =	smul.u32 @!p0 $0xF7A, s2;
	p2 =	seq.s32 @!p0 s5, $0x0  }
0x1f: {  	s9 =	smul.u32 $0xF7A, s1;
	s8 =	simm.s32 @!p0 $0x1BF5;
	p2 =	por !p2, p0  }
0x20: {  	[sflag:s8] =	ssyncset.s32 @!p0 $0xFFFFF086;
	s6 =	sadd.s32 @!p0 s3, s7;
	s7 =	simm.s32 @!p0 $0x108  }
0x21: {  	s3 =	sadd.s32 s3, s9;
	s6 =	sadd.s32 @!p0 $0x88, s6;
	s7 =	simm.s32 @p2 $0x1082  }
0x22: {  	[simem:s7], [sflag:s8] =	dma.local @!p0 [hbm:s6], $0xF7A  }
0x23: {  	s9 =	sor.u32 $0xD0000000, s2;
	s6 =	simm.s32 $0x108;
	_ =	swait.ge @!p0 [sflag:s8], $0x0  }
0x24: {  	s3 =	sadd.s32 $0x88, s3;
	s6 =	simm.s32 @!p1 $0x1082;
	[sflag:s4] =	ssyncset.s32 $0xFFFFF086  }
0x25: {  	[simem:s6], [sflag:s4] =	dma.local [hbm:s3], $0xF7A  }
0x26: {  	[smem:$0x3F97] =	sst s1;
	(tag) =	ssettag s2;
	_ =	strace s9  }
0x27: {  	s1 =	sld [smem:$0x3FA7]  }
0x28: {  	s2 =	sld [smem:$0x3FA8]  }
0x29: {  	s4 =	sld [smem:$0x3FAA]  }
0x2a: {  	p0 =	seq.s32 s5, $0x0;
	s5 =	sld [smem:$0x3FAB]  }
0x2b: {  	s6 =	sld [smem:$0x3FAC]  }
0x2c: {  	s7 =	sld [smem:$0x3FAD]  }
0x2d: {  	s3 =	simm.s32 $0x108;
	s8 =	sld [smem:$0x3FAE]  }
0x2e: {  	s3 =	simm.s32 @!p0 $0x1082;
	s9 =	sld [smem:$0x3FAF]  }
0x2f: {  	lr =	sadd.s32 s0, s3;
	s0 =	sld [smem:$0x3FA6]  }
0x30: {  	s3 =	sld [smem:$0x3FA9]  }
0x31: {  	[smem:$0x3FB2] =	sst s10  }
0x32: {  	s10 =	sld [smem:$0x3FB0];
	_ =	sdelay $0x3  }
0x33: {  	p0 =	seq.s32 s10, $0x1;
	s10 =	sld [smem:$0x3FB2];
	_ =	sdelay $0x3  }
0x34: {  	[smem:$0x3FB2] =	sst s10  }
0x35: {  	s10 =	sld [smem:$0x3FB1];
	_ =	sdelay $0x3  }
0x36: {  	p1 =	seq.s32 s10, $0x1;
	s10 =	sld [smem:$0x3FB2];
	_ =	sdelay $0x3  }
0x37: {  	[smem:$0x3FB2] =	sst s10  }
0x38: {  	s10 =	sld [smem:$0x3FB3]  }
0x39: {  	_ = 	snop;
	(pc) =	sbr.ind lr, $3  }
0x3a: {  	_ = 	snop  }
0x3b: {  	_ = 	snop  }
0x3c: {  	p2 =	seq.s32 s10, $0x1;
	s10 =	sld [smem:$0x3FB2]  }
0x3d: {  	_ =	shalt  }
0x3e: {  	_ =	shalt  }
0x3f: {  	_ =	shalt  }
0x40: {  	_ =	shalt  }
0x41: {  	_ =	shalt  }
0x42: {  	_ =	shalt  }
0x43: {  	_ =	shalt  }
0x44: {  	_ =	shalt  }
0x45: {  	_ =	shalt  }
0x46: {  	_ =	shalt  }
0x47: {  	_ =	shalt  }
0x48: {  	_ =	shalt  }
0x49: {  	_ =	shalt  }
0x4a: {  	_ =	shalt  }
0x4b: {  	_ =	shalt  }
0x4c: {  	_ =	shalt  }
0x4d: {  	_ =	shalt  }
0x4e: {  	_ =	shalt  }
0x4f: {  	_ =	shalt  }
0x50: {  	_ =	shalt  }
0x51: {  	_ =	shalt  }
0x52: {  	_ =	shalt  }
0x53: {  	_ =	shalt  }
0x54: {  	_ =	shalt  }
0x55: {  	_ =	shalt  }
0x56: {  	_ =	shalt  }
0x57: {  	_ =	shalt  }
0x58: {  	_ =	shalt  }
0x59: {  	_ =	shalt  }
0x5a: {  	_ =	shalt  }
0x5b: {  	_ =	shalt  }
0x5c: {  	_ =	shalt  }
0x5d: {  	_ =	shalt  }
0x5e: {  	_ =	shalt  }
0x5f: {  	_ =	shalt  }
0x60: {  	_ =	shalt  }
0x61: {  	_ =	shalt  }
0x62: {  	_ =	shalt  }
0x63: {  	_ =	shalt  }
0x64: {  	_ =	shalt  }
0x65: {  	_ =	shalt  }
0x66: {  	_ =	shalt  }
0x67: {  	_ =	shalt  }
0x68: {  	_ =	shalt  }
0x69: {  	_ =	shalt  }
0x6a: {  	_ =	shalt  }
0x6b: {  	_ =	shalt  }
0x6c: {  	_ =	shalt  }
0x6d: {  	_ =	shalt  }
0x6e: {  	_ =	shalt  }
0x6f: {  	_ =	shalt  }
0x70: {  	_ =	shalt  }
0x71: {  	_ =	shalt  }
0x72: {  	_ =	shalt  }
0x73: {  	_ =	shalt  }
0x74: {  	_ =	shalt  }
0x75: {  	_ =	shalt  }
0x76: {  	_ =	shalt  }
0x77: {  	_ =	shalt  }
0x78: {  	_ =	shalt  }
0x79: {  	_ =	shalt  }
0x7a: {  	_ =	shalt  }
0x7b: {  	_ =	shalt  }
0x7c: {  	_ =	shalt  }
0x7d: {  	_ =	shalt  }
0x7e: {  	_ =	shalt  }
0x7f: {  	_ =	shalt  }
0x80: {  	_ =	shalt  }
0x81: {  	_ =	shalt  }
0x82: {  	_ =	shalt  }
0x83: {  	_ =	shalt  }
0x84: {  	_ =	shalt  }
0x85: {  	_ =	shalt  }
0x86: {  	_ =	shalt  }
0x87: {  	_ =	shalt  }
.Lfunc_end0:
.L_simem_size_0:
called_computation_lowered:
.L_overlay_start_0:
0x88: {  	s2 =	sld [smem:$0x3FD9]  }
0x89: {  	s3 =	sld [smem:$0x3FFE];
	_ =	sdelay $0x1  }
0x8a: {  	s1 =	srdreg.scid  }
0x8b: {  	s0 =	sand.u32 $0x1, s1  }
0x8c: {  	s17 =	sshll.u32 s0, $0xA;
	s2 =	sadd.s32 s3, s2  }
0x8d: {  	s2 =	sadd.s32 s2, s17  }
0x8e: {  	[smem:$0x3FBE] =	sst s2  }
0x8f: {  	_ = 	snop  }
0x90: {  	s2 =	sld [smem:$0x3FD0];
	(tm) =	ssettm $0x1  }
0x91: {  	s18 =	sld [smem:$0x3FFB];
	_ =	sdelay $0x3  }
0x92: {  	_ =	strace s18  }
0x93: {  	s3 =	sld [smem:$0x3FFC];
	_ =	sdelay $0x3  }
0x94: {  	_ =	strace s3  }
0x95: {  	s3 =	sld [smem:$0x3FFD];
	_ =	sdelay $0x3  }
0x96: {  	_ =	strace s3  }
0x97: {  	_ =	strace $0x8FFFFFFF  }
0x98: {  	s19 =	sld [smem:$0x3FDB];
	_ =	sdelay $0x1  }
0x99: {  	s4 =	simm.s32 $_scs_section_size  }
0x9a: {  	s5 =	simm.s32 $_size__tile_overlayer_lowered;
	s6 =	simm.s32 $_tile_overlayer_lowered  }
0x9b: {  	s22 =	simm.s32 $0x1BFF;
	s21 =	sshll.u32 s6, $0x1;
	s3 =	sadd.s32 s4, s19  }
0x9c: {  	s7 =	simm.s32 $0x0;
	s20 =	sshll.u32 s5, $0x1;
	s5 =	sadd.s32 s21, s3  }
0x9d: {  	[timem:s7], [sflag:s22] =	dma.local [hbm:s5], s20  }
0x9e: {  	_ =	swait.ge [sflag:s22], s20  }
0x9f: {  	s4 =	ssub.s32 $0x0, s20;
	[sflag:s22] =	ssyncset.done $0x0  }
0xa0: {  	[sflag:s22] =	ssyncadd.s32 s4;
	_ =	sdelay $0x1  }
0xa1: {  	s23 =	simm.s32 $0x1B8B  }
0xa2: {  	_ =	swait.ge [sflag:s23], $0x1  }
0xa3: {  	[sflag:s23] =	ssyncset.done $0x0  }
0xa4: {  	s25 =	simm.s32 $0x1B8E;
	s24 =	sld [smem:$0x3FFE];
	[sflag:s23] =	ssyncadd.s32 $0xFFFFFFFF  }
0xa5: {  	s26 =	simm.s32 $execute0_lowered;
	[smem:$0x3FD2] =	sst s25  }
0xa6: {  	s5 =	sshll.u32 s26, $0x1;
	_ =	strace $0x80000046;
	[dreg:$0x1] =	wrdreg $0xFFFFFFFF  }
0xa7: {  	s28 =	simm.s32 $_size_execute0_lowered;
	s3 =	sadd.s32 s3, s5;
	[dreg:$0x0] =	wrdreg $0x0  }
0xa8: {  	s5 =	sshll.u32 s28, $0x1;
	[dreg:$0x2] =	wrdreg s3  }
0xa9: {  	[dreg:$0x3] =	wrdreg s5  }
0xaa: {  	[dreg:$0x4] =	wrdreg $0xC0  }
0xab: {  	_ =	task [dreg:s7], $0x5FFFF  }
0xac: {  	[dreg:$0x1] =	wrdreg $0xFFFFFFFF  }
0xad: {  	[dreg:$0x0] =	wrdreg $0x60  }
0xae: {  	[dreg:$0x2] =	wrdreg s24  }
0xaf: {  	[dreg:$0x3] =	wrdreg s2  }
0xb0: {  	[dreg:$0x4] =	wrdreg $0xF8900  }
0xb1: {  	[dreg:$0x5] =	wrdreg $0x9  }
0xb2: {  	_ =	task.clear_ibuf [dreg:s7], $0x6FFFF;
	_ =	strace $0x90000046  }
0xb3: {  	s29 =	simm.s32 $0x9;
	_ =	strace $0x80000048  }
0xb4: {  	_ =	swait.ge [sflag:s29], $0x1  }
0xb5: {  	[sflag:s29] =	ssyncadd.s32 $0xFFFFFFFF  }
0xb6: {  	_ =	strace $0x90000048  }
0xb7: {  	_ =	sfence  }
0xb8: {  	s30 =	sld [smem:$0x0];
	_ =	sdelay $0x2  }
0xb9: {  	s31 =	sshll.u32 s1, $0xD;
	s1 =	sshrl.u32 s1, $0x2  }
0xba: {  	s3 =	sand.u32 $0x4000, s31;
	s1 =	sadd.s32 s1, s30  }
0xbb: {  	s0 =	sor.u32 s3, s0;
	s1 =	sshll.u32 s1, $0x11  }
0xbc: {  	s0 =	sor.u32 s1, s0  }
0xbd: {  	s0 =	sadd.s32 $0x8F2B, s0  }
0xbe: {  	[sflag:s0] =	ssyncadd.remote.s32 $0x1  }
0xbf: {  	_ =	sfence.sel $0xFFFF  }
0xc0: {  	[dreg:$0x0] =	wrdreg $0xFFFFFFFF;
	(pc) =	sbr.abs _section_cstart, $3  }
0xc1: {  	[dreg:$0x1] =	wrdreg $0xFFFFFFFF  }
0xc2: {  	_ =	task.clear_ibuf [dreg:s7], $0x2FFFF;
	_ =	strace $0x9FFFFFFF  }
0xc3: {  	(tm) =	ssettm $0x7FFFFFFF  }
tec
execute0_lowered:
.L_overlay_start_1:
0x0: {  	(tag) =	ssettag $0x1  }
0x1: {  	s0 =	rddreg [dreg:$0x0]  }
0x2: {  	s3 =	rddreg [dreg:$0x2]  }
0x3: {  	s1 =	srdreg.scid;
	s6 =	stileid.u32;
	s4 =	simm.s32 $0x0  }
0x4: {  	s16 =	simm.s32 $0xA890;
	s17 =	simm.s32 $0x3;
	s18 =	simm.s32 $0x2800  }
0x5: {  	s20 =	simm.s32 $0x5010;
	s22 =	simm.s32 $0x80;
	s23 =	simm.s32 $0xD090  }
0x6: {  	s25 =	simm.s32 $0x1;
	s28 =	simm.s32 $0x2;
	s29 =	simm.s32 $0x0  }
0x7: {  	s1 =	sand.u32 $0x1, s1;
	s2 =	sshll.u32 s6, $0x1;
	[smem:$0x7FF] =	sst s4  }
0x8: {  	s5 =	sadd.s32 $0x16600, s0;
	s7 =	sadd.s32 $0x2F600, s0;
	s8 =	smul.u32 $0x32000, s6  }
0x9: {  	s26 =	sadd.s32 $0x16400, s0;
	_ =	strace $0x80000047;
	[dreg:$0x4] =	wrdreg s7  }
0xa: {  	s15 =	smul.u32 $0xC800, s6;
	s2 =	sor.u32 s1, s2;
	[dreg:$0x5] =	wrdreg s26  }
0xb: {  	s9 =	smul.u32 $0x19000, s1;
	s1 =	ssub.s32 $0x2, s1;
	s26 =	simm.s32 $0xA810  }
0xc: {  	s2 =	smul.u32 $0x580, s2;
	s8 =	sshrl.u32 s8, $0x2;
	s30 =	sshrl.u32 s1, $0x1  }
0xd: {  	s31 =	sshrl.u32 s15, $0x3;
	s12 =	sadd.s32 s8, s3;
	s1 =	ssub.s32 s1, s30  }
0xe: {  	s8 =	sadd.s32 s15, s3;
	s2 =	sadd.s32 s2, s0;
	s0 =	sadd.s32 s9, s0  }
0xf: {  	s9 =	sadd.s32 $0x2800, s12;
	s10 =	sadd.s32 $0x5000, s12;
	s11 =	sadd.s32 $0x7800, s12  }
0x10: {  	v1 =	vimm.s32 $0x0;
	vm0 =	vcmask $0x300;
	s12 =	sadd.s32 $0xA000, s12;
	s15 =	smax.u32 s1, $0x1;
	s0 =	sadd.s32 $0x2FC00, s0  }
0x11: {  	v0 =	vimm.f32 $0.0e+00;
	v1 =	vsel vm0, $0x3, v1;
	s13 =	sadd.s32 $0xB400, s2;
	s14 =	sadd.s32 $0x400, s2;
	s24 =	sadd.s32 s31, s0  }
.LBB2_1:
0x12: {  	s1 =	simm.s32 $0x140;
	s0 =	simm.s32 $0x0  }
.LBB2_2:
0x13: {  	p0 =	sne.s32 s1, $0x9EC0;
	[tilespmem:s0+$0xA8D0] =	vst v0;
	s2 =	smov.u32 s1;
	s1 =	sadd.s32 $0x140, s1  }
.Ltmp0:
0x14: {  	[tilespmem:s0+$0xA8C0] =	vst v0;
	(pc) =	sbr.rel @p0 .LBB2_2-.Ltmp0, $4  }
0x15: {  	[tilespmem:s0+$0xA8B0] =	vst v0  }
0x16: {  	[tilespmem:s0+$0xA890] =	vst v0  }
0x17: {  	[tilespmem:s0+$0xA8A0] =	vst v0  }
0x18: {  	s0 =	sshra.s32 s2, $0x2  }
0x19: {  	[tilespmem:s0+$0xA8D0] =	vst v0  }
0x1a: {  	[tilespmem:s0+$0xA8C0] =	vst v0  }
0x1b: {  	[tilespmem:s0+$0xA8B0] =	vst v0  }
0x1c: {  	[tilespmem:s0+$0xA890] =	vst v0  }
0x1d: {  	[tilespmem:s0+$0xA8A0] =	vst v0  }
0x1e: {  	[spmem:s8] =	stream.linear.scatter [tilespmem:s16], [sflag:$0x3], $0x2800, $0x38;
	[tilespmem:$0x1C090] =	vst v63  }
0x1f: {  	_ =	swait.ge [sflag:s17], $0x2800  }
0x20: {  	[sflag:s17] =	ssyncset.done $0x0  }
0x21: {  	[sflag:s17] =	ssyncadd.s32 $0xFFFFD800  }
0x22: {  	[spmem:s9] =	stream.linear.scatter [tilespmem:s16], [sflag:$0x3], $0x2800, $0x38;
	[tilespmem:$0x1C090] =	vst v63  }
0x23: {  	_ =	swait.ge [sflag:s17], $0x2800  }
0x24: {  	[sflag:s17] =	ssyncset.done $0x0  }
0x25: {  	[sflag:s17] =	ssyncadd.s32 $0xFFFFD800  }
0x26: {  	[spmem:s10] =	stream.linear.scatter [tilespmem:s16], [sflag:$0x3], $0x2800, $0x38;
	[tilespmem:$0x1C090] =	vst v63  }
0x27: {  	_ =	swait.ge [sflag:s17], $0x2800  }
0x28: {  	[sflag:s17] =	ssyncset.done $0x0  }
0x29: {  	[sflag:s17] =	ssyncadd.s32 $0xFFFFD800  }
0x2a: {  	[spmem:s11] =	stream.linear.scatter [tilespmem:s16], [sflag:$0x3], $0x2800, $0x38;
	[tilespmem:$0x1C090] =	vst v63  }
0x2b: {  	_ =	swait.ge [sflag:s17], $0x2800  }
0x2c: {  	[sflag:s17] =	ssyncset.done $0x0  }
0x2d: {  	[sflag:s17] =	ssyncadd.s32 $0xFFFFD800  }
0x2e: {  	[spmem:s12] =	stream.linear.scatter [tilespmem:s16], [sflag:$0x3], $0x2800, $0x38;
	[tilespmem:$0x1C090] =	vst v63  }
0x2f: {  	_ =	swait.ge [sflag:s17], $0x2800  }
0x30: {  	[sflag:s17] =	ssyncset.done $0x0  }
0x31: {  	s30 =	simm.s32 $0x0;
	s7 =	rddreg [dreg:$0x4];
	[sflag:s17] =	ssyncadd.s32 $0xFFFFD800  }
0x32: {  	[tilespmem:s30], [sflag:$0x3] =	stream.linear.gather [hbm4b:s7+s30], $0x2800, $0x38;
	[tilespmem:$0x1C090] =	vst v63  }
0x33: {  	_ =	swait.ge [sflag:s17], $0x2800  }
0x34: {  	[sflag:s17] =	ssyncset.done $0x0  }
0x35: {  	[sflag:s17] =	ssyncadd.s32 $0xFFFFD800  }
0x36: {  	s19 =	rddreg [dreg:$0x1]  }
0x37: {  	[tilespmem:s18], [sflag:$0x3] =	stream.linear.gather [hbm4b:s19+s30], $0x2800, $0x38;
	[tilespmem:$0x1C090] =	vst v63  }
0x38: {  	_ =	swait.ge [sflag:s17], $0x2800  }
0x39: {  	[sflag:s17] =	ssyncset.done $0x0  }
0x3a: {  	s1 =	simm.s32 $0x5000;
	s21 =	rddreg [dreg:$0x5];
	[sflag:s17] =	ssyncadd.s32 $0xFFFFD800  }
0x3b: {  	[tilespmem:s1], [sflag:$0x3] =	stream.linear.gather [hbm4b:s21+s30], $0x10, $0x38;
	[tilespmem:$0x1C090] =	vst v63  }
0x3c: {  	_ =	swait.ge [sflag:s17], $0x10  }
0x3d: {  	[sflag:s17] =	ssyncset.done $0x0  }
0x3e: {  	[sflag:s17] =	ssyncadd.s32 $0xFFFFFFF0  }
0x3f: {  	[tilespmem:s20], [sflag:$0x3] =	stream.linear.gather [hbm4b:s13+s30], $0x2C00, $0x38;
	[tilespmem:$0x1C090] =	vst v63  }
0x40: {  	_ =	swait.ge [sflag:s17], $0x2C00  }
0x41: {  	[sflag:s17] =	ssyncset.done $0x0  }
0x42: {  	s31 =	simm.s32 $0x7C10;
	[sflag:s17] =	ssyncadd.s32 $0xFFFFD400  }
0x43: {  	[tilespmem:s31], [sflag:$0x3] =	stream.linear.gather [hbm4b:s14+s30], $0x2C00, $0x38;
	[tilespmem:$0x1C090] =	vst v63  }
0x44: {  	_ =	swait.ge [sflag:s17], $0x2C00  }
0x45: {  	[sflag:s17] =	ssyncset.done $0x0  }
0x46: {  	[sflag:s17] =	ssyncadd.s32 $0xFFFFD400  }
0x47: {  	[bflag:$0x0] =	sbarrier.arrive $0xFFFF  }
0x48: {  	v2 =	vld [tilespmem:$0x5000];
	[tilespmem:s16], [sflag:$0x1] =	stream.indirect.gather [hbm4b:s5+s22], $0x50, s20, s22, $0xb8  }
.LBB2_4:
0x49: {  	s0 =	sshllo.u32 s30, $0x1  }
0x4a: {  	s31 =	sshll.u32 s0, $0x7  }
0x4b: {  	s0 =	sand.u32 $0x3FFFFF80, s31  }
0x4c: {  	s1 =	sshll.u32 s30, $0x8;
	s0 =	sadd.s32 $0x5010, s0  }
0x4d: {  	[tilespmem:s23], [sflag:$0x2] =	stream.indirect.gather [hbm4b:s5+s22], $0x50, s0, s22, $0xb8;
	[tilespmem:$0x1C090] =	vst v63  }
0x4e: {  	v3 =	vld [tilespmem:s1+$0x5010]  }
0x4f: {  	v4 =	vld [tilespmem:s1+$0x7C10];
	_ =	sdelay $0x6  }
0x50: {  	v3 =	vld.idx.msk [tilespmem:v3+s4+$0x0], $0xffff  }
0x51: {  	v4 =	vld.idx.msk [tilespmem:v4+s18+$0x0], $0xffff;
	_ =	sdelay $0x4  }
0x52: {  	v3 =	vadd.f32 v4, v3;
	_ =	sdelay $0x1  }
0x53: {  	v4 =	vmul.f32 $2.000000030e-01, v3  }
0x54: {  	vm0 =	vge.f32 v3, $0.0e+00  }
0x55: {  	v3 =	vsel vm0, v3, v4  }
0x56: {  	v3 =	vsub.f32 v3, v2;
	_ =	sdelay $0x1  }
0x57: {  	v3 =	vmul.f32 $1.442695020e+00, v3;
	_ =	sdelay $0x1  }
0x58: {  	(erf) = vpow2.f32 v3;
	_ =	sdelay $0x8  }
0x59: {  	v3 =	vpop (erf)  }
0x5a: {  	[tilespmem:$0xA810] =	vst v3  }
0x5b: {  	v3 =	vld [tilespmem:s1+$0x5020]  }
0x5c: {  	v4 =	vld [tilespmem:s1+$0x7C20];
	_ =	sdelay $0x6  }
0x5d: {  	v3 =	vld.idx.msk [tilespmem:v3+s4+$0x0], $0xffff  }
0x5e: {  	v4 =	vld.idx.msk [tilespmem:v4+s18+$0x0], $0xffff;
	_ =	sdelay $0x4  }
0x5f: {  	v3 =	vadd.f32 v4, v3;
	_ =	sdelay $0x1  }
0x60: {  	v4 =	vmul.f32 $2.000000030e-01, v3  }
0x61: {  	vm9 =	vge.f32 v3, $0.0e+00  }
0x62: {  	v3 =	vsel vm9, v3, v4  }
0x63: {  	v3 =	vsub.f32 v3, v2;
	_ =	sdelay $0x1  }
0x64: {  	v3 =	vmul.f32 $1.442695020e+00, v3;
	_ =	sdelay $0x1  }
0x65: {  	(erf) = vpow2.f32 v3;
	_ =	sdelay $0x8  }
0x66: {  	v3 =	vpop (erf)  }
0x67: {  	[tilespmem:$0xA820] =	vst v3  }
0x68: {  	v3 =	vld [tilespmem:s1+$0x5030]  }
0x69: {  	v4 =	vld [tilespmem:s1+$0x7C30];
	_ =	sdelay $0x6  }
0x6a: {  	v3 =	vld.idx.msk [tilespmem:v3+s4+$0x0], $0xffff  }
0x6b: {  	v4 =	vld.idx.msk [tilespmem:v4+s18+$0x0], $0xffff;
	_ =	sdelay $0x4  }
0x6c: {  	v3 =	vadd.f32 v4, v3;
	_ =	sdelay $0x1  }
0x6d: {  	v4 =	vmul.f32 $2.000000030e-01, v3  }
0x6e: {  	vm10 =	vge.f32 v3, $0.0e+00  }
0x6f: {  	v3 =	vsel vm10, v3, v4  }
0x70: {  	v3 =	vsub.f32 v3, v2;
	_ =	sdelay $0x1  }
0x71: {  	v3 =	vmul.f32 $1.442695020e+00, v3;
	_ =	sdelay $0x1  }
0x72: {  	(erf) = vpow2.f32 v3;
	_ =	sdelay $0x8  }
0x73: {  	v3 =	vpop (erf)  }
0x74: {  	[tilespmem:$0xA830] =	vst v3  }
0x75: {  	v3 =	vld [tilespmem:s1+$0x5040]  }
0x76: {  	v4 =	vld [tilespmem:s1+$0x7C40];
	_ =	sdelay $0x6  }
0x77: {  	v3 =	vld.idx.msk [tilespmem:v3+s4+$0x0], $0xffff  }
0x78: {  	v4 =	vld.idx.msk [tilespmem:v4+s18+$0x0], $0xffff;
	_ =	sdelay $0x4  }
0x79: {  	v3 =	vadd.f32 v4, v3;
	_ =	sdelay $0x1  }
0x7a: {  	v4 =	vmul.f32 $2.000000030e-01, v3  }
0x7b: {  	vm11 =	vge.f32 v3, $0.0e+00  }
0x7c: {  	v3 =	vsel vm11, v3, v4  }
0x7d: {  	v3 =	vsub.f32 v3, v2;
	_ =	sdelay $0x1  }
0x7e: {  	v3 =	vmul.f32 $1.442695020e+00, v3;
	_ =	sdelay $0x1  }
0x7f: {  	(erf) = vpow2.f32 v3;
	_ =	sdelay $0x8  }
0x80: {  	v3 =	vpop (erf)  }
0x81: {  	[tilespmem:$0xA840] =	vst v3  }
0x82: {  	v3 =	vld [tilespmem:s1+$0x5050]  }
0x83: {  	v4 =	vld [tilespmem:s1+$0x7C50];
	_ =	sdelay $0x6  }
0x84: {  	v3 =	vld.idx.msk [tilespmem:v3+s4+$0x0], $0xffff  }
0x85: {  	v4 =	vld.idx.msk [tilespmem:v4+s18+$0x0], $0xffff;
	_ =	sdelay $0x4  }
0x86: {  	v3 =	vadd.f32 v4, v3;
	_ =	sdelay $0x1  }
0x87: {  	v4 =	vmul.f32 $2.000000030e-01, v3  }
0x88: {  	vm12 =	vge.f32 v3, $0.0e+00  }
0x89: {  	v3 =	vsel vm12, v3, v4  }
0x8a: {  	v3 =	vsub.f32 v3, v2;
	_ =	sdelay $0x1  }
0x8b: {  	v3 =	vmul.f32 $1.442695020e+00, v3;
	_ =	sdelay $0x1  }
0x8c: {  	(erf) = vpow2.f32 v3;
	_ =	sdelay $0x8  }
0x8d: {  	v3 =	vpop (erf)  }
0x8e: {  	[tilespmem:$0xA850] =	vst v3  }
0x8f: {  	v3 =	vld [tilespmem:s1+$0x5060]  }
0x90: {  	v4 =	vld [tilespmem:s1+$0x7C60];
	_ =	sdelay $0x6  }
0x91: {  	v3 =	vld.idx.msk [tilespmem:v3+s4+$0x0], $0xffff  }
0x92: {  	v4 =	vld.idx.msk [tilespmem:v4+s18+$0x0], $0xffff;
	_ =	sdelay $0x4  }
0x93: {  	v3 =	vadd.f32 v4, v3;
	_ =	sdelay $0x1  }
0x94: {  	v4 =	vmul.f32 $2.000000030e-01, v3  }
0x95: {  	vm13 =	vge.f32 v3, $0.0e+00  }
0x96: {  	v3 =	vsel vm13, v3, v4  }
0x97: {  	v3 =	vsub.f32 v3, v2;
	_ =	sdelay $0x1  }
0x98: {  	v3 =	vmul.f32 $1.442695020e+00, v3;
	_ =	sdelay $0x1  }
0x99: {  	(erf) = vpow2.f32 v3;
	_ =	sdelay $0x8  }
0x9a: {  	v3 =	vpop (erf)  }
0x9b: {  	[tilespmem:$0xA860] =	vst v3  }
0x9c: {  	v3 =	vld [tilespmem:s1+$0x5070]  }
0x9d: {  	v4 =	vld [tilespmem:s1+$0x7C70];
	_ =	sdelay $0x6  }
0x9e: {  	v3 =	vld.idx.msk [tilespmem:v3+s4+$0x0], $0xffff  }
0x9f: {  	v4 =	vld.idx.msk [tilespmem:v4+s18+$0x0], $0xffff;
	_ =	sdelay $0x4  }
0xa0: {  	v3 =	vadd.f32 v4, v3;
	_ =	sdelay $0x1  }
0xa1: {  	v4 =	vmul.f32 $2.000000030e-01, v3  }
0xa2: {  	vm14 =	vge.f32 v3, $0.0e+00  }
0xa3: {  	v3 =	vsel vm14, v3, v4  }
0xa4: {  	v3 =	vsub.f32 v3, v2;
	_ =	sdelay $0x1  }
0xa5: {  	v3 =	vmul.f32 $1.442695020e+00, v3;
	_ =	sdelay $0x1  }
0xa6: {  	(erf) = vpow2.f32 v3;
	_ =	sdelay $0x8  }
0xa7: {  	v3 =	vpop (erf)  }
0xa8: {  	[tilespmem:$0xA870] =	vst v3  }
0xa9: {  	v3 =	vld [tilespmem:s1+$0x5080]  }
0xaa: {  	v4 =	vld [tilespmem:s1+$0x7C80];
	_ =	sdelay $0x6  }
0xab: {  	v3 =	vld.idx.msk [tilespmem:v3+s4+$0x0], $0xffff  }
0xac: {  	v4 =	vld.idx.msk [tilespmem:v4+s18+$0x0], $0xffff;
	_ =	sdelay $0x4  }
0xad: {  	v3 =	vadd.f32 v4, v3;
	_ =	sdelay $0x1  }
0xae: {  	v4 =	vmul.f32 $2.000000030e-01, v3  }
0xaf: {  	vm15 =	vge.f32 v3, $0.0e+00  }
0xb0: {  	v3 =	vsel vm15, v3, v4  }
0xb1: {  	v3 =	vsub.f32 v3, v2;
	_ =	sdelay $0x1  }
0xb2: {  	v3 =	vmul.f32 $1.442695020e+00, v3;
	_ =	sdelay $0x1  }
0xb3: {  	(erf) = vpow2.f32 v3;
	_ =	sdelay $0x4  }
0xb4: {  	s2 =	simm.s32 $0x0  }
0xb5: {  	v3 =	vmov s2  }
0xb6: {  	v3 =	vshrl.u32 v3, $0x3  }
0xb7: {  	v3 =	vshll.u32 v3, v1  }
0xb8: {  	v3 =	vbroadcast v3, $0x0;
	v4 =	vpop (erf)  }
0xb9: {  	[tilespmem:$0xA880] =	vst v4  }
0xba: {  	_ =	swait.ge [sflag:s25], $0x2800  }
0xbb: {  	[sflag:s25] =	ssyncset.done $0x0  }
0xbc: {  	s0 =	simm.s32 $0xA9D0;
	[sflag:s25] =	ssyncadd.s32 $0xFFFFD800  }
0xbd: {  	v4 =	vld [tilespmem:s0+$0xFFFFFEF0]  }
0xbe: {  	v3 =	vld.idx.msk [tilespmem:v3+s26+$0x0], $0xffff  }
0xbf: {  	s2 =	simm.s32 $0x1;
	v5 =	vld [tilespmem:s0+$0xFFFFFEC0]  }
0xc0: {  	v7 =	vmov s2;
	v6 =	vld [tilespmem:s0+$0xFFFFFED0]  }
0xc1: {  	v7 =	vshrl.u32 v7, $0x3;
	v8 =	vld [tilespmem:s0+$0xFFFFFEE0]  }
0xc2: {  	v7 =	vshll.u32 v7, v1;
	v9 =	vld [tilespmem:s0+$0xFFFFFF00]  }
0xc3: {  	v7 =	vadd.s32 $0x1, v7;
	v4 =	vmul.f32 v4, v3  }
0xc4: {  	v7 =	vbroadcast v7, $0x0;
	v5 =	vmul.f32 v5, v3  }
0xc5: {  	v6 =	vmul.f32 v6, v3;
	[tilespmem:s0+$0xFFFFFEF0] =	vst v4  }
0xc6: {  	[tilespmem:s0+$0xFFFFFEC0] =	vst v5;
	v4 =	vmul.f32 v8, v3  }
0xc7: {  	v3 =	vmul.f32 v9, v3;
	[tilespmem:s0+$0xFFFFFED0] =	vst v6  }
0xc8: {  	[tilespmem:s0+$0xFFFFFEE0] =	vst v4  }
0xc9: {  	[tilespmem:s0+$0xFFFFFF00] =	vst v3;
	v4 =	vld [tilespmem:s0+$0xFFFFFF10]  }
0xca: {  	v3 =	vld.idx.msk [tilespmem:v7+s26+$0x0], $0xffff  }
0xcb: {  	s6 =	simm.s32 $0x2;
	v5 =	vld [tilespmem:s0+$0xFFFFFF40]  }
0xcc: {  	v6 =	vld [tilespmem:s0+$0xFFFFFF20];
	v7 =	vmov s6  }
0xcd: {  	v8 =	vld [tilespmem:s0+$0xFFFFFF50];
	v7 =	vshrl.u32 v7, $0x3  }
0xce: {  	v9 =	vld [tilespmem:s0+$0xFFFFFF30];
	v7 =	vshll.u32 v7, v1  }
0xcf: {  	v7 =	vadd.s32 $0x2, v7;
	v4 =	vmul.f32 v4, v3  }
0xd0: {  	v7 =	vbroadcast v7, $0x0;
	v5 =	vmul.f32 v5, v3  }
0xd1: {  	[tilespmem:s0+$0xFFFFFF10] =	vst v4;
	v4 =	vmul.f32 v6, v3  }
0xd2: {  	v6 =	vmul.f32 v8, v3;
	[tilespmem:s0+$0xFFFFFF40] =	vst v5  }
0xd3: {  	v3 =	vmul.f32 v9, v3;
	[tilespmem:s0+$0xFFFFFF20] =	vst v4  }
0xd4: {  	[tilespmem:s0+$0xFFFFFF50] =	vst v6  }
0xd5: {  	[tilespmem:s0+$0xFFFFFF30] =	vst v3;
	v4 =	vld [tilespmem:s0+$0xFFFFFF60]  }
0xd6: {  	v3 =	vld.idx.msk [tilespmem:v7+s26+$0x0], $0xffff  }
0xd7: {  	s7 =	simm.s32 $0x3;
	v5 =	vld [tilespmem:s0+$0xFFFFFF80]  }
0xd8: {  	v6 =	vld [tilespmem:s0+$0xFFFFFF70];
	v7 =	vmov s7  }
0xd9: {  	v8 =	vld [tilespmem:s0+$0xFFFFFFA0];
	v7 =	vshrl.u32 v7, $0x3  }
0xda: {  	v9 =	vld [tilespmem:s0+$0xFFFFFF90];
	v7 =	vshll.u32 v7, v1  }
0xdb: {  	v7 =	vadd.s32 $0x3, v7;
	v4 =	vmul.f32 v4, v3  }
0xdc: {  	v7 =	vbroadcast v7, $0x0;
	v5 =	vmul.f32 v5, v3  }
0xdd: {  	v6 =	vmul.f32 v6, v3;
	[tilespmem:s0+$0xFFFFFF60] =	vst v4  }
0xde: {  	v4 =	vmul.f32 v8, v3;
	[tilespmem:s0+$0xFFFFFF80] =	vst v5  }
0xdf: {  	v3 =	vmul.f32 v9, v3;
	[tilespmem:s0+$0xFFFFFF70] =	vst v6  }
0xe0: {  	[tilespmem:s0+$0xFFFFFFA0] =	vst v4  }
0xe1: {  	[tilespmem:s0+$0xFFFFFF90] =	vst v3;
	v4 =	vld [tilespmem:s0+$0xFFFFFFB0]  }
0xe2: {  	v3 =	vld.idx.msk [tilespmem:v7+s26+$0x0], $0xffff  }
0xe3: {  	s19 =	simm.s32 $0x4;
	v5 =	vld [tilespmem:s0+$0xFFFFFFE0]  }
0xe4: {  	v6 =	vld [tilespmem:s0+$0xFFFFFFC0];
	v7 =	vmov s19  }
0xe5: {  	v8 =	vld [tilespmem:s0+$0xFFFFFFF0];
	v7 =	vshrl.u32 v7, $0x3  }
0xe6: {  	v9 =	vld [tilespmem:s0+$0xFFFFFFD0];
	v7 =	vshll.u32 v7, v1  }
0xe7: {  	v7 =	vadd.s32 $0x4, v7;
	v4 =	vmul.f32 v4, v3  }
0xe8: {  	v7 =	vbroadcast v7, $0x0;
	v5 =	vmul.f32 v5, v3  }
0xe9: {  	[tilespmem:s0+$0xFFFFFFB0] =	vst v4;
	v4 =	vmul.f32 v6, v3  }
0xea: {  	v6 =	vmul.f32 v8, v3;
	[tilespmem:s0+$0xFFFFFFE0] =	vst v5  }
0xeb: {  	v3 =	vmul.f32 v9, v3;
	[tilespmem:s0+$0xFFFFFFC0] =	vst v4  }
0xec: {  	[tilespmem:s0+$0xFFFFFFF0] =	vst v6  }
0xed: {  	[tilespmem:s0+$0xFFFFFFD0] =	vst v3;
	v4 =	vld [tilespmem:s0+$0x0]  }
0xee: {  	v3 =	vld.idx.msk [tilespmem:v7+s26+$0x0], $0xffff  }
0xef: {  	s21 =	simm.s32 $0x5;
	v5 =	vld [tilespmem:s0+$0x20]  }
0xf0: {  	v6 =	vld [tilespmem:s0+$0x40];
	v7 =	vmov s21  }
0xf1: {  	v8 =	vld [tilespmem:s0+$0x10];
	v7 =	vshrl.u32 v7, $0x3  }
0xf2: {  	v9 =	vld [tilespmem:s0+$0x30];
	v7 =	vshll.u32 v7, v1  }
0xf3: {  	v7 =	vadd.s32 $0x5, v7;
	v4 =	vmul.f32 v4, v3  }
0xf4: {  	v7 =	vbroadcast v7, $0x0;
	v5 =	vmul.f32 v5, v3  }
0xf5: {  	[tilespmem:s0+$0x0] =	vst v4;
	v4 =	vmul.f32 v6, v3  }
0xf6: {  	v6 =	vmul.f32 v8, v3;
	[tilespmem:s0+$0x20] =	vst v5;
	v5 =	vld [tilespmem:s0+$0x50]  }
0xf7: {  	v3 =	vmul.f32 v9, v3;
	v8 =	vld [tilespmem:s0+$0x60];
	[tilespmem:s0+$0x40] =	vst v4  }
0xf8: {  	[tilespmem:s0+$0x10] =	vst v6;
	v4 =	vld [tilespmem:s0+$0x80]  }
0xf9: {  	[tilespmem:s0+$0x30] =	vst v3;
	v6 =	vld [tilespmem:s0+$0x70]  }
0xfa: {  	s2 =	sadd.s32 $0x7C10, s1;
	v3 =	vld.idx.msk [tilespmem:v7+s26+$0x0], $0xffff  }
0xfb: {  	s1 =	simm.s32 $0xF;
	s19 =	simm.s32 $0xA9D0;
	s21 =	simm.s32 $0x7;
	v7 =	vld [tilespmem:s0+$0x90]  }
.LBB2_5:
0xfc: {  	p0 =	sne.s32 s1, $0x7F  }
0xfd: {  	s0 =	sadd.s32 $0x280, s0;
	s6 =	smov.u32 s1;
	s1 =	sadd.s32 $0x8, s1  }
0xfe: {  	s7 =	sadd.s32 $0xFFFFFFFF, s21  }
0xff: {  	v5 =	vmul.f32 v5, v3;
	v9 =	vmov s7;
	v8 =	vmul.f32 v8, v3  }
0x100: {  	v4 =	vmul.f32 v4, v3;
	v9 =	vshrl.u32 v9, $0x3;
	v6 =	vmul.f32 v6, v3  }
0x101: {  	[tilespmem:s19+$0x50] =	vst v5;
	v3 =	vmul.f32 v7, v3;
	v5 =	vshll.u32 v9, v1  }
0x102: {  	[tilespmem:s19+$0x60] =	vst v8;
	v5 =	vadd.s32 $0x6, v5  }
0x103: {  	[tilespmem:s19+$0x90] =	vst v3;
	v3 =	vbroadcast v5, $0x0  }
0x104: {  	[tilespmem:s19+$0x80] =	vst v4;
	_ =	sdelay $0x2  }
0x105: {  	v4 =	vld [tilespmem:s19+$0xA0]  }
0x106: {  	[tilespmem:s19+$0x70] =	vst v6;
	v5 =	vld [tilespmem:s19+$0xC0]  }
0x107: {  	v3 =	vld.idx.msk [tilespmem:v3+s26+$0x0], $0xffff  }
0x108: {  	v6 =	vld [tilespmem:s19+$0xB0]  }
0x109: {  	v7 =	vld [tilespmem:s19+$0xE0]  }
0x10a: {  	v9 =	vmov s21;
	s21 =	smov.u32 s6;
	v8 =	vld [tilespmem:s19+$0xD0]  }
0x10b: {  	v9 =	vshrl.u32 v9, $0x3  }
0x10c: {  	v9 =	vshll.u32 v9, v1  }
0x10d: {  	v9 =	vadd.s32 $0x7, v9;
	v4 =	vmul.f32 v4, v3;
	v6 =	vmul.f32 v6, v3  }
0x10e: {  	v9 =	vbroadcast v9, $0x0;
	v5 =	vmul.f32 v5, v3  }
0x10f: {  	[tilespmem:s19+$0xA0] =	vst v4;
	v4 =	vmul.f32 v8, v3;
	v3 =	vmul.f32 v7, v3  }
0x110: {  	[tilespmem:s19+$0xC0] =	vst v5  }
0x111: {  	[tilespmem:s19+$0xD0] =	vst v4  }
0x112: {  	[tilespmem:s19+$0xB0] =	vst v6;
	v4 =	vld [tilespmem:s19+$0xF0]  }
0x113: {  	[tilespmem:s19+$0xE0] =	vst v3;
	v3 =	vld [tilespmem:s19+$0x120]  }
0x114: {  	v5 =	vld.idx.msk [tilespmem:v9+s26+$0x0], $0xffff  }
0x115: {  	s6 =	sadd.s32 $0xFFFFFFF9, s21;
	v6 =	vld [tilespmem:s19+$0x100]  }
0x116: {  	v7 =	vmov s6;
	v8 =	vld [tilespmem:s19+$0x110]  }
0x117: {  	v7 =	vshrl.u32 v7, $0x3;
	v9 =	vld [tilespmem:s19+$0x130]  }
0x118: {  	v7 =	vshll.u32 v7, v1  }
0x119: {  	v7 =	vbroadcast v7, $0x0  }
0x11a: {  	v4 =	vmul.f32 v4, v5;
	v6 =	vmul.f32 v6, v5  }
0x11b: {  	v3 =	vmul.f32 v3, v5;
	v8 =	vmul.f32 v8, v5  }
0x11c: {  	[tilespmem:s19+$0xF0] =	vst v4;
	v4 =	vmul.f32 v9, v5  }
0x11d: {  	[tilespmem:s19+$0x100] =	vst v6  }
0x11e: {  	v5 =	vld [tilespmem:s0+$0xFFFFFEF0];
	[tilespmem:s19+$0x120] =	vst v3  }
0x11f: {  	v3 =	vld [tilespmem:s0+$0xFFFFFF00];
	[tilespmem:s19+$0x110] =	vst v8  }
0x120: {  	[tilespmem:s19+$0x130] =	vst v4;
	s19 =	smov.u32 s0  }
0x121: {  	v4 =	vld.idx.msk [tilespmem:v7+s26+$0x0], $0xffff  }
0x122: {  	s6 =	sadd.s32 $0xFFFFFFFA, s21;
	v6 =	vld [tilespmem:s0+$0xFFFFFED0]  }
0x123: {  	v8 =	vmov s6;
	v7 =	vld [tilespmem:s0+$0xFFFFFEC0]  }
0x124: {  	v8 =	vshrl.u32 v8, $0x3  }
0x125: {  	v8 =	vshll.u32 v8, v1;
	v9 =	vld [tilespmem:s0+$0xFFFFFEE0]  }
0x126: {  	v8 =	vadd.s32 $0x1, v8  }
0x127: {  	v5 =	vmul.f32 v5, v4;
	v6 =	vmul.f32 v6, v4  }
0x128: {  	v8 =	vbroadcast v8, $0x0;
	v7 =	vmul.f32 v7, v4  }
0x129: {  	v3 =	vmul.f32 v3, v4;
	[tilespmem:s0+$0xFFFFFEF0] =	vst v5  }
0x12a: {  	[tilespmem:s0+$0xFFFFFEC0] =	vst v7;
	v4 =	vmul.f32 v9, v4  }
0x12b: {  	[tilespmem:s0+$0xFFFFFED0] =	vst v6  }
0x12c: {  	[tilespmem:s0+$0xFFFFFEE0] =	vst v4;
	v4 =	vld [tilespmem:s0+$0xFFFFFF40]  }
0x12d: {  	[tilespmem:s0+$0xFFFFFF00] =	vst v3;
	v3 =	vld [tilespmem:s0+$0xFFFFFF50]  }
0x12e: {  	v5 =	vld.idx.msk [tilespmem:v8+s26+$0x0], $0xffff  }
0x12f: {  	v6 =	vld [tilespmem:s0+$0xFFFFFF10]  }
0x130: {  	s6 =	sadd.s32 $0xFFFFFFFB, s21;
	v7 =	vld [tilespmem:s0+$0xFFFFFF30]  }
0x131: {  	v9 =	vmov s6;
	v8 =	vld [tilespmem:s0+$0xFFFFFF20]  }
0x132: {  	v9 =	vshrl.u32 v9, $0x3  }
0x133: {  	v9 =	vshll.u32 v9, v1  }
0x134: {  	v9 =	vadd.s32 $0x2, v9;
	v4 =	vmul.f32 v4, v5;
	v6 =	vmul.f32 v6, v5  }
0x135: {  	v9 =	vbroadcast v9, $0x0;
	v7 =	vmul.f32 v7, v5  }
0x136: {  	v3 =	vmul.f32 v3, v5;
	[tilespmem:s0+$0xFFFFFF10] =	vst v6;
	v6 =	vmul.f32 v8, v5  }
0x137: {  	[tilespmem:s0+$0xFFFFFF40] =	vst v4  }
0x138: {  	[tilespmem:s0+$0xFFFFFF20] =	vst v6  }
0x139: {  	[tilespmem:s0+$0xFFFFFF50] =	vst v3;
	v3 =	vld [tilespmem:s0+$0xFFFFFF90]  }
0x13a: {  	[tilespmem:s0+$0xFFFFFF30] =	vst v7;
	v4 =	vld [tilespmem:s0+$0xFFFFFF70]  }
0x13b: {  	v5 =	vld.idx.msk [tilespmem:v9+s26+$0x0], $0xffff  }
0x13c: {  	v6 =	vld [tilespmem:s0+$0xFFFFFF60]  }
0x13d: {  	s6 =	sadd.s32 $0xFFFFFFFC, s21;
	v7 =	vld [tilespmem:s0+$0xFFFFFF80]  }
0x13e: {  	v9 =	vmov s6;
	v8 =	vld [tilespmem:s0+$0xFFFFFFA0]  }
0x13f: {  	v9 =	vshrl.u32 v9, $0x3  }
0x140: {  	v9 =	vshll.u32 v9, v1  }
0x141: {  	v9 =	vadd.s32 $0x3, v9;
	v4 =	vmul.f32 v4, v5;
	v6 =	vmul.f32 v6, v5  }
0x142: {  	v9 =	vbroadcast v9, $0x0;
	v7 =	vmul.f32 v7, v5  }
0x143: {  	v3 =	vmul.f32 v3, v5;
	[tilespmem:s0+$0xFFFFFF60] =	vst v6;
	v5 =	vmul.f32 v8, v5  }
0x144: {  	[tilespmem:s0+$0xFFFFFF80] =	vst v7  }
0x145: {  	[tilespmem:s0+$0xFFFFFF70] =	vst v4  }
0x146: {  	[tilespmem:s0+$0xFFFFFFA0] =	vst v5;
	v4 =	vld [tilespmem:s0+$0xFFFFFFE0]  }
0x147: {  	[tilespmem:s0+$0xFFFFFF90] =	vst v3;
	v3 =	vld [tilespmem:s0+$0xFFFFFFF0]  }
0x148: {  	v5 =	vld.idx.msk [tilespmem:v9+s26+$0x0], $0xffff  }
0x149: {  	v6 =	vld [tilespmem:s0+$0xFFFFFFB0]  }
0x14a: {  	s6 =	sadd.s32 $0xFFFFFFFD, s21;
	v7 =	vld [tilespmem:s0+$0xFFFFFFD0]  }
0x14b: {  	v9 =	vmov s6;
	v8 =	vld [tilespmem:s0+$0xFFFFFFC0]  }
0x14c: {  	v9 =	vshrl.u32 v9, $0x3  }
0x14d: {  	v9 =	vshll.u32 v9, v1  }
0x14e: {  	v9 =	vadd.s32 $0x4, v9;
	v4 =	vmul.f32 v4, v5;
	v6 =	vmul.f32 v6, v5  }
0x14f: {  	v9 =	vbroadcast v9, $0x0;
	v7 =	vmul.f32 v7, v5  }
0x150: {  	v3 =	vmul.f32 v3, v5;
	[tilespmem:s0+$0xFFFFFFB0] =	vst v6;
	v6 =	vmul.f32 v8, v5  }
0x151: {  	[tilespmem:s0+$0xFFFFFFE0] =	vst v4  }
0x152: {  	[tilespmem:s0+$0xFFFFFFC0] =	vst v6  }
0x153: {  	[tilespmem:s0+$0xFFFFFFF0] =	vst v3;
	v3 =	vld [tilespmem:s0+$0x30]  }
0x154: {  	[tilespmem:s0+$0xFFFFFFD0] =	vst v7;
	v4 =	vld [tilespmem:s0+$0x10]  }
0x155: {  	v5 =	vld.idx.msk [tilespmem:v9+s26+$0x0], $0xffff  }
0x156: {  	v6 =	vld [tilespmem:s0+$0x0]  }
0x157: {  	s6 =	sadd.s32 $0xFFFFFFFE, s21;
	v7 =	vld [tilespmem:s0+$0x20]  }
0x158: {  	v9 =	vmov s6;
	v8 =	vld [tilespmem:s0+$0x40]  }
0x159: {  	v9 =	vshrl.u32 v9, $0x3  }
0x15a: {  	v9 =	vshll.u32 v9, v1  }
0x15b: {  	v9 =	vadd.s32 $0x5, v9;
	v4 =	vmul.f32 v4, v5;
	v6 =	vmul.f32 v6, v5  }
0x15c: {  	v9 =	vbroadcast v9, $0x0;
	v7 =	vmul.f32 v7, v5  }
0x15d: {  	v3 =	vmul.f32 v3, v5;
	[tilespmem:s0+$0x0] =	vst v6;
	v5 =	vmul.f32 v8, v5  }
0x15e: {  	[tilespmem:s0+$0x20] =	vst v7  }
0x15f: {  	[tilespmem:s0+$0x40] =	vst v5  }
0x160: {  	[tilespmem:s0+$0x10] =	vst v4;
	v5 =	vld [tilespmem:s0+$0x50]  }
.Ltmp1:
0x161: {  	[tilespmem:s0+$0x30] =	vst v3;
	v4 =	vld [tilespmem:s0+$0x80];
	(pc) =	sbr.rel @p0 .LBB2_5-.Ltmp1, $4  }
0x162: {  	v3 =	vld.idx.msk [tilespmem:v9+s26+$0x0], $0xffff  }
0x163: {  	v8 =	vld [tilespmem:s0+$0x60]  }
0x164: {  	v6 =	vld [tilespmem:s0+$0x70]  }
0x165: {  	v7 =	vld [tilespmem:s0+$0x90]  }
0x166: {  	s0 =	sadd.s32 $0xFFFFFFFF, s21  }
0x167: {  	v9 =	vmov s0  }
0x168: {  	v9 =	vshrl.u32 v9, $0x3  }
0x169: {  	v5 =	vmul.f32 v5, v3;
	v9 =	vshll.u32 v9, v1  }
0x16a: {  	v4 =	vmul.f32 v4, v3;
	v9 =	vadd.s32 $0x6, v9  }
0x16b: {  	[tilespmem:s19+$0x50] =	vst v5;
	v5 =	vmul.f32 v7, v3;
	v7 =	vbroadcast v9, $0x0  }
0x16c: {  	v8 =	vmul.f32 v8, v3  }
0x16d: {  	[tilespmem:s19+$0x80] =	vst v4  }
0x16e: {  	[tilespmem:s19+$0x60] =	vst v8;
	v3 =	vmul.f32 v6, v3  }
0x16f: {  	[tilespmem:s19+$0x90] =	vst v5  }
0x170: {  	v4 =	vld [tilespmem:s19+$0xA0];
	[tilespmem:s19+$0x70] =	vst v3  }
0x171: {  	v3 =	vld.idx.msk [tilespmem:v7+s26+$0x0], $0xffff  }
0x172: {  	v5 =	vld [tilespmem:s19+$0xC0]  }
0x173: {  	v6 =	vld [tilespmem:s19+$0xD0];
	v7 =	vmov s21  }
0x174: {  	v8 =	vld [tilespmem:s19+$0xB0];
	v7 =	vshrl.u32 v7, $0x3  }
0x175: {  	v9 =	vld [tilespmem:s19+$0xE0];
	v7 =	vshll.u32 v7, v1  }
0x176: {  	v7 =	vadd.s32 $0x7, v7;
	v4 =	vmul.f32 v4, v3  }
0x177: {  	v7 =	vbroadcast v7, $0x0;
	v5 =	vmul.f32 v5, v3  }
0x178: {  	[tilespmem:s19+$0xA0] =	vst v4;
	v4 =	vmul.f32 v6, v3  }
0x179: {  	v6 =	vmul.f32 v8, v3;
	[tilespmem:s19+$0xC0] =	vst v5  }
0x17a: {  	v3 =	vmul.f32 v9, v3;
	[tilespmem:s19+$0xD0] =	vst v4  }
0x17b: {  	[tilespmem:s19+$0xB0] =	vst v6  }
0x17c: {  	v4 =	vld [tilespmem:s19+$0xF0];
	[tilespmem:s19+$0xE0] =	vst v3  }
0x17d: {  	v3 =	vld.idx.msk [tilespmem:v7+s26+$0x0], $0xffff  }
0x17e: {  	v5 =	vld [tilespmem:s19+$0x100]  }
0x17f: {  	v6 =	vld [tilespmem:s19+$0x120]  }
0x180: {  	v7 =	vld [tilespmem:s19+$0x110]  }
0x181: {  	v8 =	vld [tilespmem:s19+$0x130]  }
0x182: {  	v4 =	vmul.f32 v4, v3  }
0x183: {  	v5 =	vmul.f32 v5, v3  }
0x184: {  	v6 =	vmul.f32 v6, v3;
	[tilespmem:s19+$0xF0] =	vst v4  }
0x185: {  	v4 =	vmul.f32 v7, v3;
	[tilespmem:s19+$0x100] =	vst v5  }
0x186: {  	v3 =	vmul.f32 v8, v3;
	[tilespmem:s19+$0x120] =	vst v6  }
0x187: {  	[tilespmem:s19+$0x110] =	vst v4  }
0x188: {  	p0 =	seq.s32 s30, $0x2B;
	[tilespmem:s19+$0x130] =	vst v3  }
0x189: {  	[spmem:s3] =	stream.indirect.scatter.add.f32 [tilespmem:s16], [sflag:$0x3], $0x50, s2, s22, $0xb8;
	[tilespmem:$0x1C090] =	vst v63  }
0x18a: {  	s0 =	sshll.u32 @!p0 s30, $0x8;
	_ =	swait.ge [sflag:s17], $0x2800  }
0x18b: {  	s1 =	simm.s32 @!p0 $0x80;
	s0 =	sand.u32 @!p0 $0x3FFFFF00, s0;
	[sflag:s17] =	ssyncset.done $0x0  }
0x18c: {  	s0 =	sadd.s32 @!p0 $0x5110, s0;
	s2 =	simm.s32 @!p0 $0xA890;
	[sflag:s17] =	ssyncadd.s32 $0xFFFFD800  }
0x18d: {  	[tilespmem:s2], [sflag:$0x1] =	stream.indirect.gather @!p0 [hbm4b:s5+s1], $0x50, s0, s1, $0xb8;
	[tilespmem:$0x1C090] =	vst v63  }
0x18e: {  	v3 =	vld [tilespmem:s31+$0x5010]  }
0x18f: {  	v4 =	vld [tilespmem:s31+$0x7C10];
	_ =	sdelay $0x6  }
0x190: {  	v3 =	vld.idx.msk [tilespmem:v3+s4+$0x0], $0xffff  }
0x191: {  	v4 =	vld.idx.msk [tilespmem:v4+s18+$0x0], $0xffff;
	_ =	sdelay $0x4  }
0x192: {  	v3 =	vadd.f32 v4, v3;
	_ =	sdelay $0x1  }
0x193: {  	v4 =	vmul.f32 $2.000000030e-01, v3  }
0x194: {  	vm0 =	vge.f32 v3, $0.0e+00  }
0x195: {  	v3 =	vsel vm0, v3, v4  }
0x196: {  	v3 =	vsub.f32 v3, v2;
	_ =	sdelay $0x1  }
0x197: {  	v3 =	vmul.f32 $1.442695020e+00, v3;
	_ =	sdelay $0x1  }
0x198: {  	(erf) = vpow2.f32 v3;
	_ =	sdelay $0x8  }
0x199: {  	v3 =	vpop (erf)  }
0x19a: {  	[tilespmem:$0xA810] =	vst v3  }
0x19b: {  	v3 =	vld [tilespmem:s31+$0x5020]  }
0x19c: {  	v4 =	vld [tilespmem:s31+$0x7C20];
	_ =	sdelay $0x6  }
0x19d: {  	v3 =	vld.idx.msk [tilespmem:v3+s4+$0x0], $0xffff  }
0x19e: {  	v4 =	vld.idx.msk [tilespmem:v4+s18+$0x0], $0xffff;
	_ =	sdelay $0x4  }
0x19f: {  	v3 =	vadd.f32 v4, v3;
	_ =	sdelay $0x1  }
0x1a0: {  	v4 =	vmul.f32 $2.000000030e-01, v3  }
0x1a1: {  	vm9 =	vge.f32 v3, $0.0e+00  }
0x1a2: {  	v3 =	vsel vm9, v3, v4  }
0x1a3: {  	v3 =	vsub.f32 v3, v2;
	_ =	sdelay $0x1  }
0x1a4: {  	v3 =	vmul.f32 $1.442695020e+00, v3;
	_ =	sdelay $0x1  }
0x1a5: {  	(erf) = vpow2.f32 v3;
	_ =	sdelay $0x8  }
0x1a6: {  	v3 =	vpop (erf)  }
0x1a7: {  	[tilespmem:$0xA820] =	vst v3  }
0x1a8: {  	v3 =	vld [tilespmem:s31+$0x5030]  }
0x1a9: {  	v4 =	vld [tilespmem:s31+$0x7C30];
	_ =	sdelay $0x6  }
0x1aa: {  	v3 =	vld.idx.msk [tilespmem:v3+s4+$0x0], $0xffff  }
0x1ab: {  	v4 =	vld.idx.msk [tilespmem:v4+s18+$0x0], $0xffff;
	_ =	sdelay $0x4  }
0x1ac: {  	v3 =	vadd.f32 v4, v3;
	_ =	sdelay $0x1  }
0x1ad: {  	v4 =	vmul.f32 $2.000000030e-01, v3  }
0x1ae: {  	vm10 =	vge.f32 v3, $0.0e+00  }
0x1af: {  	v3 =	vsel vm10, v3, v4  }
0x1b0: {  	v3 =	vsub.f32 v3, v2;
	_ =	sdelay $0x1  }
0x1b1: {  	v3 =	vmul.f32 $1.442695020e+00, v3;
	_ =	sdelay $0x1  }
0x1b2: {  	(erf) = vpow2.f32 v3;
	_ =	sdelay $0x8  }
0x1b3: {  	v3 =	vpop (erf)  }
0x1b4: {  	[tilespmem:$0xA830] =	vst v3  }
0x1b5: {  	v3 =	vld [tilespmem:s31+$0x5040]  }
0x1b6: {  	v4 =	vld [tilespmem:s31+$0x7C40];
	_ =	sdelay $0x6  }
0x1b7: {  	v3 =	vld.idx.msk [tilespmem:v3+s4+$0x0], $0xffff  }
0x1b8: {  	v4 =	vld.idx.msk [tilespmem:v4+s18+$0x0], $0xffff;
	_ =	sdelay $0x4  }
0x1b9: {  	v3 =	vadd.f32 v4, v3;
	_ =	sdelay $0x1  }
0x1ba: {  	v4 =	vmul.f32 $2.000000030e-01, v3  }
0x1bb: {  	vm11 =	vge.f32 v3, $0.0e+00  }
0x1bc: {  	v3 =	vsel vm11, v3, v4  }
0x1bd: {  	v3 =	vsub.f32 v3, v2;
	_ =	sdelay $0x1  }
0x1be: {  	v3 =	vmul.f32 $1.442695020e+00, v3;
	_ =	sdelay $0x1  }
0x1bf: {  	(erf) = vpow2.f32 v3;
	_ =	sdelay $0x8  }
0x1c0: {  	v3 =	vpop (erf)  }
0x1c1: {  	[tilespmem:$0xA840] =	vst v3  }
0x1c2: {  	v3 =	vld [tilespmem:s31+$0x5050]  }
0x1c3: {  	v4 =	vld [tilespmem:s31+$0x7C50];
	_ =	sdelay $0x6  }
0x1c4: {  	v3 =	vld.idx.msk [tilespmem:v3+s4+$0x0], $0xffff  }
0x1c5: {  	v4 =	vld.idx.msk [tilespmem:v4+s18+$0x0], $0xffff;
	_ =	sdelay $0x4  }
0x1c6: {  	v3 =	vadd.f32 v4, v3;
	_ =	sdelay $0x1  }
0x1c7: {  	v4 =	vmul.f32 $2.000000030e-01, v3  }
0x1c8: {  	vm12 =	vge.f32 v3, $0.0e+00  }
0x1c9: {  	v3 =	vsel vm12, v3, v4  }
0x1ca: {  	v3 =	vsub.f32 v3, v2;
	_ =	sdelay $0x1  }
0x1cb: {  	v3 =	vmul.f32 $1.442695020e+00, v3;
	_ =	sdelay $0x1  }
0x1cc: {  	(erf) = vpow2.f32 v3;
	_ =	sdelay $0x8  }
0x1cd: {  	v3 =	vpop (erf)  }
0x1ce: {  	[tilespmem:$0xA850] =	vst v3  }
0x1cf: {  	v3 =	vld [tilespmem:s31+$0x5060]  }
0x1d0: {  	v4 =	vld [tilespmem:s31+$0x7C60];
	_ =	sdelay $0x6  }
0x1d1: {  	v3 =	vld.idx.msk [tilespmem:v3+s4+$0x0], $0xffff  }
0x1d2: {  	v4 =	vld.idx.msk [tilespmem:v4+s18+$0x0], $0xffff;
	_ =	sdelay $0x4  }
0x1d3: {  	v3 =	vadd.f32 v4, v3;
	_ =	sdelay $0x1  }
0x1d4: {  	v4 =	vmul.f32 $2.000000030e-01, v3  }
0x1d5: {  	vm13 =	vge.f32 v3, $0.0e+00  }
0x1d6: {  	v3 =	vsel vm13, v3, v4  }
0x1d7: {  	v3 =	vsub.f32 v3, v2;
	_ =	sdelay $0x1  }
0x1d8: {  	v3 =	vmul.f32 $1.442695020e+00, v3;
	_ =	sdelay $0x1  }
0x1d9: {  	(erf) = vpow2.f32 v3;
	_ =	sdelay $0x8  }
0x1da: {  	v3 =	vpop (erf)  }
0x1db: {  	[tilespmem:$0xA860] =	vst v3  }
0x1dc: {  	v3 =	vld [tilespmem:s31+$0x5070]  }
0x1dd: {  	v4 =	vld [tilespmem:s31+$0x7C70];
	_ =	sdelay $0x6  }
0x1de: {  	v3 =	vld.idx.msk [tilespmem:v3+s4+$0x0], $0xffff  }
0x1df: {  	v4 =	vld.idx.msk [tilespmem:v4+s18+$0x0], $0xffff;
	_ =	sdelay $0x4  }
0x1e0: {  	v3 =	vadd.f32 v4, v3;
	_ =	sdelay $0x1  }
0x1e1: {  	v4 =	vmul.f32 $2.000000030e-01, v3  }
0x1e2: {  	vm14 =	vge.f32 v3, $0.0e+00  }
0x1e3: {  	v3 =	vsel vm14, v3, v4  }
0x1e4: {  	v3 =	vsub.f32 v3, v2;
	_ =	sdelay $0x1  }
0x1e5: {  	v3 =	vmul.f32 $1.442695020e+00, v3;
	_ =	sdelay $0x1  }
0x1e6: {  	(erf) = vpow2.f32 v3;
	_ =	sdelay $0x8  }
0x1e7: {  	v3 =	vpop (erf)  }
0x1e8: {  	[tilespmem:$0xA870] =	vst v3  }
0x1e9: {  	v3 =	vld [tilespmem:s31+$0x5080]  }
0x1ea: {  	v4 =	vld [tilespmem:s31+$0x7C80];
	_ =	sdelay $0x6  }
0x1eb: {  	v3 =	vld.idx.msk [tilespmem:v3+s4+$0x0], $0xffff  }
0x1ec: {  	v4 =	vld.idx.msk [tilespmem:v4+s18+$0x0], $0xffff;
	_ =	sdelay $0x4  }
0x1ed: {  	v3 =	vadd.f32 v4, v3;
	_ =	sdelay $0x1  }
0x1ee: {  	v4 =	vmul.f32 $2.000000030e-01, v3  }
0x1ef: {  	vm15 =	vge.f32 v3, $0.0e+00  }
0x1f0: {  	v3 =	vsel vm15, v3, v4  }
0x1f1: {  	v3 =	vsub.f32 v3, v2;
	_ =	sdelay $0x1  }
0x1f2: {  	v3 =	vmul.f32 $1.442695020e+00, v3;
	_ =	sdelay $0x1  }
0x1f3: {  	(erf) = vpow2.f32 v3;
	_ =	sdelay $0x4  }
0x1f4: {  	s1 =	simm.s32 $0x0  }
0x1f5: {  	v3 =	vmov s1  }
0x1f6: {  	v3 =	vshrl.u32 v3, $0x3  }
0x1f7: {  	v3 =	vshll.u32 v3, v1  }
0x1f8: {  	v3 =	vbroadcast v3, $0x0;
	v4 =	vpop (erf)  }
0x1f9: {  	[tilespmem:$0xA880] =	vst v4  }
0x1fa: {  	_ =	swait.ge [sflag:s28], $0x2800  }
0x1fb: {  	[sflag:s28] =	ssyncset.done $0x0  }
0x1fc: {  	s0 =	simm.s32 $0xD1D0;
	[sflag:s28] =	ssyncadd.s32 $0xFFFFD800  }
0x1fd: {  	v4 =	vld [tilespmem:s0+$0xFFFFFEF0]  }
0x1fe: {  	v3 =	vld.idx.msk [tilespmem:v3+s26+$0x0], $0xffff  }
0x1ff: {  	s2 =	simm.s32 $0x1;
	v5 =	vld [tilespmem:s0+$0xFFFFFEC0]  }
0x200: {  	v7 =	vmov s2;
	v6 =	vld [tilespmem:s0+$0xFFFFFED0]  }
0x201: {  	v7 =	vshrl.u32 v7, $0x3;
	v8 =	vld [tilespmem:s0+$0xFFFFFEE0]  }
0x202: {  	v7 =	vshll.u32 v7, v1;
	v9 =	vld [tilespmem:s0+$0xFFFFFF00]  }
0x203: {  	v7 =	vadd.s32 $0x1, v7;
	v4 =	vmul.f32 v4, v3  }
0x204: {  	v7 =	vbroadcast v7, $0x0;
	v5 =	vmul.f32 v5, v3  }
0x205: {  	v6 =	vmul.f32 v6, v3;
	[tilespmem:s0+$0xFFFFFEF0] =	vst v4  }
0x206: {  	[tilespmem:s0+$0xFFFFFEC0] =	vst v5;
	v4 =	vmul.f32 v8, v3  }
0x207: {  	v3 =	vmul.f32 v9, v3;
	[tilespmem:s0+$0xFFFFFED0] =	vst v6  }
0x208: {  	[tilespmem:s0+$0xFFFFFEE0] =	vst v4  }
0x209: {  	[tilespmem:s0+$0xFFFFFF00] =	vst v3;
	v4 =	vld [tilespmem:s0+$0xFFFFFF10]  }
0x20a: {  	v3 =	vld.idx.msk [tilespmem:v7+s26+$0x0], $0xffff  }
0x20b: {  	s6 =	simm.s32 $0x2;
	v5 =	vld [tilespmem:s0+$0xFFFFFF40]  }
0x20c: {  	v6 =	vld [tilespmem:s0+$0xFFFFFF20];
	v7 =	vmov s6  }
0x20d: {  	v8 =	vld [tilespmem:s0+$0xFFFFFF50];
	v7 =	vshrl.u32 v7, $0x3  }
0x20e: {  	v9 =	vld [tilespmem:s0+$0xFFFFFF30];
	v7 =	vshll.u32 v7, v1  }
0x20f: {  	v7 =	vadd.s32 $0x2, v7;
	v4 =	vmul.f32 v4, v3  }
0x210: {  	v7 =	vbroadcast v7, $0x0;
	v5 =	vmul.f32 v5, v3  }
0x211: {  	[tilespmem:s0+$0xFFFFFF10] =	vst v4;
	v4 =	vmul.f32 v6, v3  }
0x212: {  	v6 =	vmul.f32 v8, v3;
	[tilespmem:s0+$0xFFFFFF40] =	vst v5  }
0x213: {  	v3 =	vmul.f32 v9, v3;
	[tilespmem:s0+$0xFFFFFF20] =	vst v4  }
0x214: {  	[tilespmem:s0+$0xFFFFFF50] =	vst v6  }
0x215: {  	[tilespmem:s0+$0xFFFFFF30] =	vst v3;
	v4 =	vld [tilespmem:s0+$0xFFFFFF60]  }
0x216: {  	v3 =	vld.idx.msk [tilespmem:v7+s26+$0x0], $0xffff  }
0x217: {  	s7 =	simm.s32 $0x3;
	v5 =	vld [tilespmem:s0+$0xFFFFFF80]  }
0x218: {  	v6 =	vld [tilespmem:s0+$0xFFFFFF70];
	v7 =	vmov s7  }
0x219: {  	v8 =	vld [tilespmem:s0+$0xFFFFFFA0];
	v7 =	vshrl.u32 v7, $0x3  }
0x21a: {  	v9 =	vld [tilespmem:s0+$0xFFFFFF90];
	v7 =	vshll.u32 v7, v1  }
0x21b: {  	v7 =	vadd.s32 $0x3, v7;
	v4 =	vmul.f32 v4, v3  }
0x21c: {  	v7 =	vbroadcast v7, $0x0;
	v5 =	vmul.f32 v5, v3  }
0x21d: {  	v6 =	vmul.f32 v6, v3;
	[tilespmem:s0+$0xFFFFFF60] =	vst v4  }
0x21e: {  	v4 =	vmul.f32 v8, v3;
	[tilespmem:s0+$0xFFFFFF80] =	vst v5  }
0x21f: {  	v3 =	vmul.f32 v9, v3;
	[tilespmem:s0+$0xFFFFFF70] =	vst v6  }
0x220: {  	[tilespmem:s0+$0xFFFFFFA0] =	vst v4  }
0x221: {  	[tilespmem:s0+$0xFFFFFF90] =	vst v3;
	v4 =	vld [tilespmem:s0+$0xFFFFFFB0]  }
0x222: {  	v3 =	vld.idx.msk [tilespmem:v7+s26+$0x0], $0xffff  }
0x223: {  	s19 =	simm.s32 $0x4;
	v5 =	vld [tilespmem:s0+$0xFFFFFFE0]  }
0x224: {  	v6 =	vld [tilespmem:s0+$0xFFFFFFC0];
	v7 =	vmov s19  }
0x225: {  	v8 =	vld [tilespmem:s0+$0xFFFFFFF0];
	v7 =	vshrl.u32 v7, $0x3  }
0x226: {  	v9 =	vld [tilespmem:s0+$0xFFFFFFD0];
	v7 =	vshll.u32 v7, v1  }
0x227: {  	v7 =	vadd.s32 $0x4, v7;
	v4 =	vmul.f32 v4, v3  }
0x228: {  	v7 =	vbroadcast v7, $0x0;
	v5 =	vmul.f32 v5, v3  }
0x229: {  	[tilespmem:s0+$0xFFFFFFB0] =	vst v4;
	v4 =	vmul.f32 v6, v3  }
0x22a: {  	v6 =	vmul.f32 v8, v3;
	[tilespmem:s0+$0xFFFFFFE0] =	vst v5  }
0x22b: {  	v3 =	vmul.f32 v9, v3;
	[tilespmem:s0+$0xFFFFFFC0] =	vst v4  }
0x22c: {  	[tilespmem:s0+$0xFFFFFFF0] =	vst v6  }
0x22d: {  	[tilespmem:s0+$0xFFFFFFD0] =	vst v3;
	v4 =	vld [tilespmem:s0+$0x0]  }
0x22e: {  	v3 =	vld.idx.msk [tilespmem:v7+s26+$0x0], $0xffff  }
0x22f: {  	s21 =	simm.s32 $0x5;
	v5 =	vld [tilespmem:s0+$0x20]  }
0x230: {  	v6 =	vld [tilespmem:s0+$0x40];
	v7 =	vmov s21  }
0x231: {  	v8 =	vld [tilespmem:s0+$0x10];
	v7 =	vshrl.u32 v7, $0x3  }
0x232: {  	v9 =	vld [tilespmem:s0+$0x30];
	v7 =	vshll.u32 v7, v1  }
0x233: {  	v7 =	vadd.s32 $0x5, v7;
	v4 =	vmul.f32 v4, v3  }
0x234: {  	v7 =	vbroadcast v7, $0x0;
	v5 =	vmul.f32 v5, v3  }
0x235: {  	[tilespmem:s0+$0x0] =	vst v4;
	v4 =	vmul.f32 v6, v3  }
0x236: {  	v6 =	vmul.f32 v8, v3;
	[tilespmem:s0+$0x20] =	vst v5;
	v5 =	vld [tilespmem:s0+$0x50]  }
0x237: {  	v3 =	vmul.f32 v9, v3;
	v8 =	vld [tilespmem:s0+$0x60];
	[tilespmem:s0+$0x40] =	vst v4  }
0x238: {  	[tilespmem:s0+$0x10] =	vst v6;
	v4 =	vld [tilespmem:s0+$0x80]  }
0x239: {  	[tilespmem:s0+$0x30] =	vst v3;
	v6 =	vld [tilespmem:s0+$0x70]  }
0x23a: {  	s2 =	sadd.s32 $0x7C10, s31;
	v3 =	vld.idx.msk [tilespmem:v7+s26+$0x0], $0xffff  }
0x23b: {  	s1 =	simm.s32 $0xF;
	s19 =	simm.s32 $0xD1D0;
	s21 =	simm.s32 $0x7;
	v7 =	vld [tilespmem:s0+$0x90]  }
.LBB2_7:
0x23c: {  	p0 =	sne.s32 s1, $0x7F  }
0x23d: {  	s0 =	sadd.s32 $0x280, s0;
	s6 =	smov.u32 s1;
	s1 =	sadd.s32 $0x8, s1  }
0x23e: {  	s7 =	sadd.s32 $0xFFFFFFFF, s21  }
0x23f: {  	v5 =	vmul.f32 v5, v3;
	v9 =	vmov s7;
	v8 =	vmul.f32 v8, v3  }
0x240: {  	v4 =	vmul.f32 v4, v3;
	v9 =	vshrl.u32 v9, $0x3;
	v6 =	vmul.f32 v6, v3  }
0x241: {  	[tilespmem:s19+$0x50] =	vst v5;
	v3 =	vmul.f32 v7, v3;
	v5 =	vshll.u32 v9, v1  }
0x242: {  	[tilespmem:s19+$0x60] =	vst v8;
	v5 =	vadd.s32 $0x6, v5  }
0x243: {  	[tilespmem:s19+$0x90] =	vst v3;
	v3 =	vbroadcast v5, $0x0  }
0x244: {  	[tilespmem:s19+$0x80] =	vst v4;
	_ =	sdelay $0x2  }
0x245: {  	v4 =	vld [tilespmem:s19+$0xA0]  }
0x246: {  	[tilespmem:s19+$0x70] =	vst v6;
	v5 =	vld [tilespmem:s19+$0xC0]  }
0x247: {  	v3 =	vld.idx.msk [tilespmem:v3+s26+$0x0], $0xffff  }
0x248: {  	v6 =	vld [tilespmem:s19+$0xB0]  }
0x249: {  	v7 =	vld [tilespmem:s19+$0xE0]  }
0x24a: {  	v9 =	vmov s21;
	s21 =	smov.u32 s6;
	v8 =	vld [tilespmem:s19+$0xD0]  }
0x24b: {  	v9 =	vshrl.u32 v9, $0x3  }
0x24c: {  	v9 =	vshll.u32 v9, v1  }
0x24d: {  	v9 =	vadd.s32 $0x7, v9;
	v4 =	vmul.f32 v4, v3;
	v6 =	vmul.f32 v6, v3  }
0x24e: {  	v9 =	vbroadcast v9, $0x0;
	v5 =	vmul.f32 v5, v3  }
0x24f: {  	[tilespmem:s19+$0xA0] =	vst v4;
	v4 =	vmul.f32 v8, v3;
	v3 =	vmul.f32 v7, v3  }
0x250: {  	[tilespmem:s19+$0xC0] =	vst v5  }
0x251: {  	[tilespmem:s19+$0xD0] =	vst v4  }
0x252: {  	[tilespmem:s19+$0xB0] =	vst v6;
	v4 =	vld [tilespmem:s19+$0xF0]  }
0x253: {  	[tilespmem:s19+$0xE0] =	vst v3;
	v3 =	vld [tilespmem:s19+$0x120]  }
0x254: {  	v5 =	vld.idx.msk [tilespmem:v9+s26+$0x0], $0xffff  }
0x255: {  	s6 =	sadd.s32 $0xFFFFFFF9, s21;
	v6 =	vld [tilespmem:s19+$0x100]  }
0x256: {  	v7 =	vmov s6;
	v8 =	vld [tilespmem:s19+$0x110]  }
0x257: {  	v7 =	vshrl.u32 v7, $0x3;
	v9 =	vld [tilespmem:s19+$0x130]  }
0x258: {  	v7 =	vshll.u32 v7, v1  }
0x259: {  	v7 =	vbroadcast v7, $0x0  }
0x25a: {  	v4 =	vmul.f32 v4, v5;
	v6 =	vmul.f32 v6, v5  }
0x25b: {  	v3 =	vmul.f32 v3, v5;
	v8 =	vmul.f32 v8, v5  }
0x25c: {  	[tilespmem:s19+$0xF0] =	vst v4;
	v4 =	vmul.f32 v9, v5  }
0x25d: {  	[tilespmem:s19+$0x100] =	vst v6  }
0x25e: {  	v5 =	vld [tilespmem:s0+$0xFFFFFEF0];
	[tilespmem:s19+$0x120] =	vst v3  }
0x25f: {  	v3 =	vld [tilespmem:s0+$0xFFFFFF00];
	[tilespmem:s19+$0x110] =	vst v8  }
0x260: {  	[tilespmem:s19+$0x130] =	vst v4;
	s19 =	smov.u32 s0  }
0x261: {  	v4 =	vld.idx.msk [tilespmem:v7+s26+$0x0], $0xffff  }
0x262: {  	s6 =	sadd.s32 $0xFFFFFFFA, s21;
	v6 =	vld [tilespmem:s0+$0xFFFFFED0]  }
0x263: {  	v8 =	vmov s6;
	v7 =	vld [tilespmem:s0+$0xFFFFFEC0]  }
0x264: {  	v8 =	vshrl.u32 v8, $0x3  }
0x265: {  	v8 =	vshll.u32 v8, v1;
	v9 =	vld [tilespmem:s0+$0xFFFFFEE0]  }
0x266: {  	v8 =	vadd.s32 $0x1, v8  }
0x267: {  	v5 =	vmul.f32 v5, v4;
	v6 =	vmul.f32 v6, v4  }
0x268: {  	v8 =	vbroadcast v8, $0x0;
	v7 =	vmul.f32 v7, v4  }
0x269: {  	v3 =	vmul.f32 v3, v4;
	[tilespmem:s0+$0xFFFFFEF0] =	vst v5  }
0x26a: {  	[tilespmem:s0+$0xFFFFFEC0] =	vst v7;
	v4 =	vmul.f32 v9, v4  }
0x26b: {  	[tilespmem:s0+$0xFFFFFED0] =	vst v6  }
0x26c: {  	[tilespmem:s0+$0xFFFFFEE0] =	vst v4;
	v4 =	vld [tilespmem:s0+$0xFFFFFF40]  }
0x26d: {  	[tilespmem:s0+$0xFFFFFF00] =	vst v3;
	v3 =	vld [tilespmem:s0+$0xFFFFFF50]  }
0x26e: {  	v5 =	vld.idx.msk [tilespmem:v8+s26+$0x0], $0xffff  }
0x26f: {  	v6 =	vld [tilespmem:s0+$0xFFFFFF10]  }
0x270: {  	s6 =	sadd.s32 $0xFFFFFFFB, s21;
	v7 =	vld [tilespmem:s0+$0xFFFFFF30]  }
0x271: {  	v9 =	vmov s6;
	v8 =	vld [tilespmem:s0+$0xFFFFFF20]  }
0x272: {  	v9 =	vshrl.u32 v9, $0x3  }
0x273: {  	v9 =	vshll.u32 v9, v1  }
0x274: {  	v9 =	vadd.s32 $0x2, v9;
	v4 =	vmul.f32 v4, v5;
	v6 =	vmul.f32 v6, v5  }
0x275: {  	v9 =	vbroadcast v9, $0x0;
	v7 =	vmul.f32 v7, v5  }
0x276: {  	v3 =	vmul.f32 v3, v5;
	[tilespmem:s0+$0xFFFFFF10] =	vst v6;
	v6 =	vmul.f32 v8, v5  }
0x277: {  	[tilespmem:s0+$0xFFFFFF40] =	vst v4  }
0x278: {  	[tilespmem:s0+$0xFFFFFF20] =	vst v6  }
0x279: {  	[tilespmem:s0+$0xFFFFFF50] =	vst v3;
	v3 =	vld [tilespmem:s0+$0xFFFFFF90]  }
0x27a: {  	[tilespmem:s0+$0xFFFFFF30] =	vst v7;
	v4 =	vld [tilespmem:s0+$0xFFFFFF70]  }
0x27b: {  	v5 =	vld.idx.msk [tilespmem:v9+s26+$0x0], $0xffff  }
0x27c: {  	v6 =	vld [tilespmem:s0+$0xFFFFFF60]  }
0x27d: {  	s6 =	sadd.s32 $0xFFFFFFFC, s21;
	v7 =	vld [tilespmem:s0+$0xFFFFFF80]  }
0x27e: {  	v9 =	vmov s6;
	v8 =	vld [tilespmem:s0+$0xFFFFFFA0]  }
0x27f: {  	v9 =	vshrl.u32 v9, $0x3  }
0x280: {  	v9 =	vshll.u32 v9, v1  }
0x281: {  	v9 =	vadd.s32 $0x3, v9;
	v4 =	vmul.f32 v4, v5;
	v6 =	vmul.f32 v6, v5  }
0x282: {  	v9 =	vbroadcast v9, $0x0;
	v7 =	vmul.f32 v7, v5  }
0x283: {  	v3 =	vmul.f32 v3, v5;
	[tilespmem:s0+$0xFFFFFF60] =	vst v6;
	v5 =	vmul.f32 v8, v5  }
0x284: {  	[tilespmem:s0+$0xFFFFFF80] =	vst v7  }
0x285: {  	[tilespmem:s0+$0xFFFFFF70] =	vst v4  }
0x286: {  	[tilespmem:s0+$0xFFFFFFA0] =	vst v5;
	v4 =	vld [tilespmem:s0+$0xFFFFFFE0]  }
0x287: {  	[tilespmem:s0+$0xFFFFFF90] =	vst v3;
	v3 =	vld [tilespmem:s0+$0xFFFFFFF0]  }
0x288: {  	v5 =	vld.idx.msk [tilespmem:v9+s26+$0x0], $0xffff  }
0x289: {  	v6 =	vld [tilespmem:s0+$0xFFFFFFB0]  }
0x28a: {  	s6 =	sadd.s32 $0xFFFFFFFD, s21;
	v7 =	vld [tilespmem:s0+$0xFFFFFFD0]  }
0x28b: {  	v9 =	vmov s6;
	v8 =	vld [tilespmem:s0+$0xFFFFFFC0]  }
0x28c: {  	v9 =	vshrl.u32 v9, $0x3  }
0x28d: {  	v9 =	vshll.u32 v9, v1  }
0x28e: {  	v9 =	vadd.s32 $0x4, v9;
	v4 =	vmul.f32 v4, v5;
	v6 =	vmul.f32 v6, v5  }
0x28f: {  	v9 =	vbroadcast v9, $0x0;
	v7 =	vmul.f32 v7, v5  }
0x290: {  	v3 =	vmul.f32 v3, v5;
	[tilespmem:s0+$0xFFFFFFB0] =	vst v6;
	v6 =	vmul.f32 v8, v5  }
0x291: {  	[tilespmem:s0+$0xFFFFFFE0] =	vst v4  }
0x292: {  	[tilespmem:s0+$0xFFFFFFC0] =	vst v6  }
0x293: {  	[tilespmem:s0+$0xFFFFFFF0] =	vst v3;
	v3 =	vld [tilespmem:s0+$0x30]  }
0x294: {  	[tilespmem:s0+$0xFFFFFFD0] =	vst v7;
	v4 =	vld [tilespmem:s0+$0x10]  }
0x295: {  	v5 =	vld.idx.msk [tilespmem:v9+s26+$0x0], $0xffff  }
0x296: {  	v6 =	vld [tilespmem:s0+$0x0]  }
0x297: {  	s6 =	sadd.s32 $0xFFFFFFFE, s21;
	v7 =	vld [tilespmem:s0+$0x20]  }
0x298: {  	v9 =	vmov s6;
	v8 =	vld [tilespmem:s0+$0x40]  }
0x299: {  	v9 =	vshrl.u32 v9, $0x3  }
0x29a: {  	v9 =	vshll.u32 v9, v1  }
0x29b: {  	v9 =	vadd.s32 $0x5, v9;
	v4 =	vmul.f32 v4, v5;
	v6 =	vmul.f32 v6, v5  }
0x29c: {  	v9 =	vbroadcast v9, $0x0;
	v7 =	vmul.f32 v7, v5  }
0x29d: {  	v3 =	vmul.f32 v3, v5;
	[tilespmem:s0+$0x0] =	vst v6;
	v5 =	vmul.f32 v8, v5  }
0x29e: {  	[tilespmem:s0+$0x20] =	vst v7  }
0x29f: {  	[tilespmem:s0+$0x40] =	vst v5  }
0x2a0: {  	[tilespmem:s0+$0x10] =	vst v4;
	v5 =	vld [tilespmem:s0+$0x50]  }
.Ltmp2:
0x2a1: {  	[tilespmem:s0+$0x30] =	vst v3;
	v4 =	vld [tilespmem:s0+$0x80];
	(pc) =	sbr.rel @p0 .LBB2_7-.Ltmp2, $4  }
0x2a2: {  	v3 =	vld.idx.msk [tilespmem:v9+s26+$0x0], $0xffff  }
0x2a3: {  	v8 =	vld [tilespmem:s0+$0x60]  }
0x2a4: {  	v6 =	vld [tilespmem:s0+$0x70]  }
0x2a5: {  	v7 =	vld [tilespmem:s0+$0x90]  }
0x2a6: {  	s0 =	sadd.s32 $0xFFFFFFFF, s21  }
0x2a7: {  	v9 =	vmov s0  }
0x2a8: {  	v9 =	vshrl.u32 v9, $0x3  }
0x2a9: {  	v9 =	vshll.u32 v9, v1  }
0x2aa: {  	v5 =	vmul.f32 v5, v3;
	v9 =	vadd.s32 $0x6, v9  }
0x2ab: {  	v4 =	vmul.f32 v4, v3;
	v49 =	vbroadcast v9, $0x0  }
0x2ac: {  	v8 =	vmul.f32 v8, v3;
	[tilespmem:s19+$0x50] =	vst v5  }
0x2ad: {  	[tilespmem:s19+$0x80] =	vst v4;
	v48 =	vmul.f32 v7, v3  }
0x2ae: {  	[tilespmem:s19+$0x60] =	vst v8;
	v3 =	vmul.f32 v6, v3  }
0x2af: {  	[tilespmem:s19+$0x90] =	vst v48  }
0x2b0: {  	v50 =	vld [tilespmem:s19+$0xA0];
	[tilespmem:s19+$0x70] =	vst v3  }
0x2b1: {  	v3 =	vld.idx.msk [tilespmem:v49+s26+$0x0], $0xffff  }
0x2b2: {  	v51 =	vld [tilespmem:s19+$0xC0]  }
0x2b3: {  	v52 =	vld [tilespmem:s19+$0xD0];
	v53 =	vmov s21  }
0x2b4: {  	v54 =	vld [tilespmem:s19+$0xB0];
	v7 =	vshrl.u32 v53, $0x3  }
0x2b5: {  	v55 =	vld [tilespmem:s19+$0xE0];
	v7 =	vshll.u32 v7, v1  }
0x2b6: {  	v7 =	vadd.s32 $0x7, v7;
	v4 =	vmul.f32 v50, v3  }
0x2b7: {  	v7 =	vbroadcast v7, $0x0;
	v5 =	vmul.f32 v51, v3  }
0x2b8: {  	v56 =	vmul.f32 v52, v3;
	[tilespmem:s19+$0xA0] =	vst v4  }
0x2b9: {  	v57 =	vmul.f32 v54, v3;
	[tilespmem:s19+$0xC0] =	vst v5  }
0x2ba: {  	v3 =	vmul.f32 v55, v3;
	[tilespmem:s19+$0xD0] =	vst v56  }
0x2bb: {  	[tilespmem:s19+$0xB0] =	vst v57  }
0x2bc: {  	v58 =	vld [tilespmem:s19+$0xF0];
	[tilespmem:s19+$0xE0] =	vst v3  }
0x2bd: {  	v3 =	vld.idx.msk [tilespmem:v7+s26+$0x0], $0xffff  }
0x2be: {  	v59 =	vld [tilespmem:s19+$0x100]  }
0x2bf: {  	v60 =	vld [tilespmem:s19+$0x120]  }
0x2c0: {  	v61 =	vld [tilespmem:s19+$0x110]  }
0x2c1: {  	v62 =	vld [tilespmem:s19+$0x130]  }
0x2c2: {  	v4 =	vmul.f32 v58, v3  }
0x2c3: {  	v5 =	vmul.f32 v59, v3  }
0x2c4: {  	v6 =	vmul.f32 v60, v3;
	[tilespmem:s19+$0xF0] =	vst v4  }
0x2c5: {  	v63 =	vmul.f32 v61, v3;
	[tilespmem:s19+$0x100] =	vst v5  }
0x2c6: {  	s30 =	sadd.s32 $0x1, s30;
	v3 =	vmul.f32 v62, v3;
	[tilespmem:s19+$0x120] =	vst v6  }
0x2c7: {  	p0 =	sne.s32 s30, $0x2C;
	[tilespmem:s19+$0x110] =	vst v63  }
.Ltmp3:
0x2c8: {  	[tilespmem:s19+$0x130] =	vst v3;
	(pc) =	sbr.rel @p0 .LBB2_4-.Ltmp3, $4  }
0x2c9: {  	[spmem:s3] =	stream.indirect.scatter.add.f32 [tilespmem:s23], [sflag:$0x3], $0x50, s2, s22, $0xb8;
	[tilespmem:$0x1C090] =	vst v63  }
0x2ca: {  	_ =	swait.ge [sflag:s17], $0x2800  }
0x2cb: {  	[sflag:s17] =	ssyncset.done $0x0  }
0x2cc: {  	[sflag:s17] =	ssyncadd.s32 $0xFFFFD800  }
0x2cd: {  	s0 =	stileid.u32;
	s29 =	sadd.s32 $0x1, s29  }
0x2ce: {  	[bflag:$0x0] =	sbarrier.arrive $0xFFFF;
	s0 =	sshll.u32 s0, $0x6;
	p0 =	sne.s32 s29, s15  }
.Ltmp4:
0x2cf: {  	s1 =	sshrl.u32 s8, $0x3;
	s0 =	sor.u32 $0x1C03, s0;
	(pc) =	sbr.rel @p0 .LBB2_1-.Ltmp4, $4  }
0x2d0: {  	[hbm:s24], [sflag:s0] =	dma.local [spmem:s1], $0x1900  }
0x2d1: {  	_ =	swait.ge [sflag:s17], $0x1900  }
0x2d2: {  	[sflag:s17] =	ssyncset.done $0x0  }
0x2d3: {  	[sflag:s17] =	ssyncadd.s32 $0xFFFFE700  }
0x2d4: {  	_ =	sfence.sel $0x180000  }
0x2d5: {  	[bflag:$0x0] =	sbarrier.arrive $0xFFFF  }
0x2d6: {  	_ =	strace $0x90000047  }
0x2d7: {  	s0 =	stileid.u32;
	[bflag:$0x2] =	sbarrier.arrive $0xFFFF  }
0x2d8: {  	p0 =	sne.s32 s0, $0x0;
	s0 =	rddreg [dreg:$0x3]  }
0x2d9: {  	s0 =	sadd.s32 @!p0 $0x100000, s0  }
0x2da: {  	[sflag:s0] =	ssyncadd.tile.s32 @!p0 $0x1;
	_ =	shalt  }
.Lfunc_end2:
_tile_overlayer_lowered:
.L_overlay_start_2:
0x2db: {  	(tag) =	ssettag $0x2  }
0x2dc: {  	s0 =	rddreg [dreg:$0x0];
	s2 =	stileid.u32  }
0x2dd: {  	s1 =	rddreg [dreg:$0x1];
	p0 =	sne.s32 s2, $0x0  }
0x2de: {  	s3 =	rddreg [dreg:$0x2];
	[bflag:$0x3] =	sbarrier.arrive $0xFFFF;
	s2 =	simm.s32 @!p0 $0x1C03  }
0x2df: {  	[timem:s3], [sflag:s2] =	dma.local @!p0 [hbm:s0], s1  }
0x2e0: {  	s0 =	simm.s32 @!p0 $0x3  }
0x2e1: {  	_ =	swait.ge @!p0 [sflag:s0], s1  }
0x2e2: {  	s1 =	ssub.s32 @!p0 $0x0, s1;
	[sflag:s0] =	ssyncset.done @!p0 $0x0  }
0x2e3: {  	[sflag:s0] =	ssyncadd.s32 @!p0 s1  }
0x2e4: {  	[bflag:$0x3] =	sbarrier.arrive $0xFFFF  }
0x2e5: {  	_ =	shalt  }

</sc_bundles>
